<compile_context>
chip_gen: v7x
topology: tpu7x:2x2x1
jax: 0.10.2.dev20260603
libtpu: 0.0.44.dev20260713+nightly
codegen_flags: <defaults>
</compile_context>

<pallas_src>
import functools

import jax
import jax.numpy as jnp
from jax import lax
from jax.experimental import pallas as pl
from jax.experimental.pallas import tpu as pltpu
from jax.experimental.pallas import tpu_sc as plsc

N, E, D, H, C, L, B = 10000, 320000, 128, 128, 10, 3, 16

NC, NS = 2, 16
NW = NC * NS
EW = E // NW
K = 80
CH = EW // K
NP = 10240
ROWS = NP // NS

G = 5
SLABS, CHS = 5, 25

BL = 1000

_mesh = plsc.VectorSubcoreMesh(
    core_axis_name="c", subcore_axis_name="s", num_cores=NC, num_subcores=NS)


def _sc_deg_body(dstr, z128, ones_hbm,
                 deg_out,
                 dst_v, ones_v, deg_s, ssem):
    c = lax.axis_index("c")
    s = lax.axis_index("s")
    wid = s * NC + c
    pltpu.sync_copy(z128.at[pl.ds(s * ROWS, ROWS)], deg_s.at[pl.ds(s * ROWS, ROWS)])
    pltpu.sync_copy(dstr.at[wid], dst_v)
    pltpu.sync_copy(ones_hbm, ones_v)
    plsc.subcore_barrier()

    def dgroup(base, drain):
        for k in range(G):
            if drain:
                pltpu.make_async_copy(ones_v, deg_s.at[dst_v.at[base + k - G]],
                                      ssem).wait()
            pltpu.async_copy(ones_v, deg_s.at[dst_v.at[base + k]], ssem,
                             add=True)

    dgroup(0, False)

    def body(jj, carry):
        dgroup(jj * G, True)
        return carry

    lax.fori_loop(1, CH // G, body, 0)
    for k in range(G):
        pltpu.make_async_copy(ones_v, deg_s.at[dst_v.at[CH - G + k]],
                              ssem).wait()
    plsc.subcore_barrier()
    base = c * NP + s * ROWS
    pltpu.sync_copy(deg_s.at[pl.ds(s * ROWS, ROWS)], deg_out.at[pl.ds(base, ROWS)])


_sc_deg = functools.partial(
    pl.kernel,
    out_type=jax.ShapeDtypeStruct((NC * NP, D), jnp.float32),
    mesh=_mesh,
    scratch_types=[
        pltpu.VMEM((CH, K), jnp.int32),
        pltpu.VMEM((K, D), jnp.float32),
        pltpu.VMEM_SHARED((NP, D), jnp.float32),
        pltpu.SemaphoreType.DMA,
    ],
)(_sc_deg_body)


def _sc_agg_body(h_hbm, srcr, dstr, z128,
                 agg_out,
                 src_v, dst_v, r0, r1, r2, r3, agg_s,
                 g0, g1, g2, g3, s0_, s1_, s2_, s3_):
    rows = (r0, r1, r2, r3)
    gsems = (g0, g1, g2, g3)
    c = lax.axis_index("c")
    s = lax.axis_index("s")
    wid = s * NC + c
    pltpu.sync_copy(z128.at[pl.ds(s * ROWS, ROWS)], agg_s.at[pl.ds(s * ROWS, ROWS)])
    plsc.subcore_barrier()

    ssems = (s0_, s1_, s2_, s3_)

    def group(base, drain):
        cps = []
        for k in range(4):
            if drain:
                pltpu.make_async_copy(rows[k],
                                      agg_s.at[dst_v.at[base + k - 4]],
                                      ssems[k]).wait()
            cps.append(pltpu.async_copy(h_hbm.at[src_v.at[base + k]], rows[k],
                                        gsems[k]))
        for k in range(4):
            cps[k].wait()
            pltpu.async_copy(rows[k], agg_s.at[dst_v.at[base + k]],
                             ssems[k], add=True)

    def slab(sl, carry):
        pltpu.sync_copy(srcr.at[wid, sl], src_v)
        pltpu.sync_copy(dstr.at[wid, sl], dst_v)
        group(0, False)

        def body(jj, carry2):
            group(jj * 4, True)
            return carry2

        lax.fori_loop(1, CHS // 4, body, 0)
        pltpu.make_async_copy(r0, agg_s.at[dst_v.at[CHS - 5]], s0_).wait()
        pltpu.async_copy(h_hbm.at[src_v.at[CHS - 1]], r0, g0).wait()
        pltpu.async_copy(r0, agg_s.at[dst_v.at[CHS - 1]], s0_, add=True)
        pltpu.make_async_copy(r0, agg_s.at[dst_v.at[CHS - 1]], s0_).wait()
        pltpu.make_async_copy(r1, agg_s.at[dst_v.at[CHS - 4]], s1_).wait()
        pltpu.make_async_copy(r2, agg_s.at[dst_v.at[CHS - 3]], s2_).wait()
        pltpu.make_async_copy(r3, agg_s.at[dst_v.at[CHS - 2]], s3_).wait()
        return carry

    lax.fori_loop(0, SLABS, slab, 0)
    plsc.subcore_barrier()
    base = c * NP + s * ROWS
    pltpu.sync_copy(agg_s.at[pl.ds(s * ROWS, ROWS)], agg_out.at[pl.ds(base, ROWS)])


_sc_agg = functools.partial(
    pl.kernel,
    out_type=jax.ShapeDtypeStruct((NC * NP, D), jnp.float32),
    mesh=_mesh,
    scratch_types=[
        pltpu.VMEM((CHS, K), jnp.int32),
        pltpu.VMEM((CHS, K), jnp.int32),
        pltpu.VMEM((K, D), jnp.float32),
        pltpu.VMEM((K, D), jnp.float32),
        pltpu.VMEM((K, D), jnp.float32),
        pltpu.VMEM((K, D), jnp.float32),
        pltpu.VMEM_SHARED((NP, D), jnp.float32),
        pltpu.SemaphoreType.DMA,
        pltpu.SemaphoreType.DMA,
        pltpu.SemaphoreType.DMA,
        pltpu.SemaphoreType.DMA,
        pltpu.SemaphoreType.DMA,
        pltpu.SemaphoreType.DMA,
        pltpu.SemaphoreType.DMA,
        pltpu.SemaphoreType.DMA,
    ],
)(_sc_agg_body)


def _leaky(x):
    return jnp.where(x > 0, x, 0.01 * x)


def _row_specs(n):
    return [pl.BlockSpec((BL, D), lambda i: (i, 0)) for _ in range(n)]


_W_SPEC = pl.BlockSpec((D, H), lambda i: (0, 0))
_B_SPEC = pl.BlockSpec((1, H), lambda i: (0, 0))
_A_SPECS = [pl.BlockSpec((1, BL, D), lambda i: (0, i, 0)),
            pl.BlockSpec((1, BL, D), lambda i: (1, i, 0))]
_INV_SPEC = pl.BlockSpec((BL, 8), lambda i: (i, 0))


def _tc_lin_kernel(h_ref, wr_ref, b_ref, hw_ref):
    hw_ref[...] = (jnp.dot(h_ref[...], wr_ref[...],
                           preferred_element_type=jnp.float32) + b_ref[...])


def _tc_lin(h, wr, b2d):
    return pl.pallas_call(
        _tc_lin_kernel,
        grid=(N // BL,),
        in_specs=_row_specs(1) + [_W_SPEC, _B_SPEC],
        out_specs=pl.BlockSpec((BL, H), lambda i: (i, 0)),
        out_shape=jax.ShapeDtypeStruct((N, H), jnp.float32),
    )(h, wr, b2d)


def _tc_inv_kernel(d0_ref, d1_ref, inv_ref):
    deg = d0_ref[0, :, 0:1] + d1_ref[0, :, 0:1]
    inv = 1.0 / jnp.maximum(deg, 1.0)
    inv_ref[...] = jnp.broadcast_to(inv, (BL, 8))


def _tc_inv(degf3):
    return pl.pallas_call(
        _tc_inv_kernel,
        grid=(N // BL,),
        in_specs=_A_SPECS,
        out_specs=_INV_SPEC,
        out_shape=jax.ShapeDtypeStruct((NP, 8), jnp.float32),
    )(degf3, degf3)


def _tc_comb_kernel(hw_ref, a0_ref, a1_ref, inv_ref, wn_ref, h_ref):
    mean = (a0_ref[0] + a1_ref[0]) * inv_ref[:, 0:1]
    h_ref[...] = _leaky(hw_ref[...] + jnp.dot(mean, wn_ref[...],
                                              preferred_element_type=jnp.float32))


def _tc_comb(hw, aggf3, invd, wn):
    return pl.pallas_call(
        _tc_comb_kernel,
        grid=(N // BL,),
        in_specs=_row_specs(1) + _A_SPECS + [_INV_SPEC, _W_SPEC],
        out_specs=pl.BlockSpec((BL, H), lambda i: (i, 0)),
        out_shape=jax.ShapeDtypeStruct((N, H), jnp.float32),
    )(hw, aggf3, aggf3, invd, wn)


def _tc_final_kernel(hw_ref, a0_ref, a1_ref, inv_ref, wn_ref, batch_ref,
                     w1_ref, b1_ref, w2_ref, b2_ref, wc_ref, bc_ref,
                     out_ref, g_acc):
    i = pl.program_id(0)

    @pl.when(i == 0)
    def _():
        g_acc[...] = jnp.zeros_like(g_acc)

    mean = (a0_ref[0] + a1_ref[0]) * inv_ref[:, 0:1]
    h3 = hw_ref[...] + jnp.dot(mean, wn_ref[...],
                               preferred_element_type=jnp.float32)
    seg = jnp.minimum(batch_ref[0, 0, :], B - 1)
    oh = (seg[:, None] ==
          lax.broadcasted_iota(jnp.int32, (1, B), 1)).astype(jnp.float32)
    g_acc[...] += lax.dot_general(oh, h3, (((0,), (0,)), ((), ())),
                                  preferred_element_type=jnp.float32)

    @pl.when(i == pl.num_programs(0) - 1)
    def _():
        g = g_acc[...]
        g = _leaky(jnp.dot(g, w1_ref[...], preferred_element_type=jnp.float32)
                   + b1_ref[...])
        g = _leaky(jnp.dot(g, w2_ref[...], preferred_element_type=jnp.float32)
                   + b2_ref[...])
        out_ref[...] = (jnp.dot(g, wc_ref[...], preferred_element_type=jnp.float32)
                        + bc_ref[...])


def _tc_final(hw, aggf3, invd, wn, batch_r, w1, b1, w2, b2, wc, bc):
    return pl.pallas_call(
        _tc_final_kernel,
        grid=(N // BL,),
        in_specs=_row_specs(1) + _A_SPECS + [
            _INV_SPEC,
            _W_SPEC,
            pl.BlockSpec((1, 1, BL), lambda i: (i, 0, 0)),
            pl.BlockSpec((H, 2 * H), lambda i: (0, 0)),
            pl.BlockSpec((1, 2 * H), lambda i: (0, 0)),
            pl.BlockSpec((2 * H, H), lambda i: (0, 0)),
            _B_SPEC,
            pl.BlockSpec((H, H), lambda i: (0, 0)),
            _B_SPEC,
        ],
        out_specs=pl.BlockSpec((B, H), lambda i: (0, 0)),
        out_shape=jax.ShapeDtypeStruct((B, H), jnp.float32),
        scratch_shapes=[pltpu.VMEM((B, H), jnp.float32)],
    )(hw, aggf3, aggf3, invd, wn, batch_r, w1, b1, w2, b2, wc, bc)


def kernel(x, edge_index, batch, batch_size, Wr, Wn, b,
           lin1_w, lin1_b, lin2_w, lin2_b, linc_w, linc_b):
    src4 = edge_index[0].reshape(NW, SLABS, CHS, K)
    dst4 = edge_index[1].reshape(NW, SLABS, CHS, K)
    dst = edge_index[1].reshape(NW, CH, K)
    z128 = jnp.zeros((NP, D), jnp.float32)
    ones128 = jnp.ones((K, D), jnp.float32)
    batch_r = batch.reshape(N // BL, 1, BL)

    degf3 = _sc_deg(dst, z128, ones128).reshape(2, NP, D)
    hw1 = _tc_lin(x, Wr[0], b[0].reshape(1, H))
    agg13 = _sc_agg(x, src4, dst4, z128).reshape(2, NP, D)
    invd = _tc_inv(degf3)
    h1 = _tc_comb(hw1, agg13, invd, Wn[0])
    hw2 = _tc_lin(h1, Wr[1], b[1].reshape(1, H))
    agg23 = _sc_agg(h1, src4, dst4, z128).reshape(2, NP, D)
    h2 = _tc_comb(hw2, agg23, invd, Wn[1])
    hw3 = _tc_lin(h2, Wr[2], b[2].reshape(1, H))
    agg33 = _sc_agg(h2, src4, dst4, z128).reshape(2, NP, D)
    wc_p = jnp.pad(linc_w, ((0, 0), (0, H - C)))
    bc_p = jnp.pad(linc_b, (0, H - C)).reshape(1, H)
    out_p = _tc_final(hw3, agg33, invd, Wn[2], batch_r,
                      lin1_w, lin1_b.reshape(1, 2 * H),
                      lin2_w, lin2_b.reshape(1, H), wc_p, bc_p)
    return out_p[:, :C]

# --- scband reference (transcript-rebuilt; emitter-appended) ---
"""Pipeline reference for scband-basic-classification-gnn-70875550319356 (READ-ONLY COPY).

The authoritative reference and input builder live on the scoring server;
editing this copy changes nothing except your own understanding.
"""

import jax, jax.numpy as jnp
import numpy as np

N, E, D, H, C, L, B = 10000, 320000, 128, 128, 10, 3, 16


def setup_inputs(seed: int = 0) -> dict:
    key = jax.random.key(seed)
    ks = jax.random.split(key, 16)
    x = jax.random.normal(ks[0], (N, D), dtype=jnp.float32)
    edge_index = jax.random.randint(ks[1], (2, E), 0, N, dtype=jnp.int32)
    batch = jnp.sort(jax.random.randint(ks[2], (N,), 0, B, dtype=jnp.int32))
    s = 1.0 / np.sqrt(D)
    Wr = jax.random.normal(ks[3], (L, D, H), dtype=jnp.float32) * s
    Wn = jax.random.normal(ks[4], (L, D, H), dtype=jnp.float32) * s
    b = jnp.zeros((L, H), dtype=jnp.float32)
    lin1_w = jax.random.normal(ks[5], (H, 2 * H), dtype=jnp.float32) * (1.0 / np.sqrt(H))
    lin1_b = jnp.zeros((2 * H,), dtype=jnp.float32)
    lin2_w = jax.random.normal(ks[6], (2 * H, H), dtype=jnp.float32) * (1.0 / np.sqrt(2 * H))
    lin2_b = jnp.zeros((H,), dtype=jnp.float32)
    linc_w = jax.random.normal(ks[7], (H, C), dtype=jnp.float32) * (1.0 / np.sqrt(H))
    linc_b = jnp.zeros((C,), dtype=jnp.float32)
    return {"x": x, "edge_index": edge_index, "batch": batch, "batch_size": B,
            "Wr": Wr, "Wn": Wn, "b": b,
            "lin1_w": lin1_w, "lin1_b": lin1_b,
            "lin2_w": lin2_w, "lin2_b": lin2_b,
            "linc_w": linc_w, "linc_b": linc_b}


def _sage_conv(h, edge_index, Wri, Wni, bi):
    src = edge_index[0]
    dst = edge_index[1]
    msg = jnp.take(h, src, axis=0)
    agg = jax.ops.segment_sum(msg, dst, num_segments=h.shape[0])
    deg = jax.ops.segment_sum(jnp.ones((dst.shape[0],), dtype=h.dtype), dst, num_segments=h.shape[0])
    mean = agg / jnp.clip(deg, 1.0)[:, None]
    return h @ Wri + mean @ Wni + bi


def reference(x, edge_index, batch, batch_size, Wr, Wn, b,
              lin1_w, lin1_b, lin2_w, lin2_b, linc_w, linc_b):
    h = x
    for i in range(L):
        h = _sage_conv(h, edge_index, Wr[i], Wn[i], b[i])
        if i == L - 1:
            break  # jk_mode is None -> no act after last conv
        h = jax.nn.leaky_relu(h, 0.01)
        # dropout p=0.0 -> identity
    # global_add_pool
    seg = jnp.minimum(batch, jnp.asarray(batch_size, dtype=batch.dtype) - 1)
    g = jax.ops.segment_sum(h, seg, num_segments=B)
    g = jax.nn.leaky_relu(g @ lin1_w + lin1_b, 0.01)
    g = jax.nn.leaky_relu(g @ lin2_w + lin2_b, 0.01)
    out = g @ linc_w + linc_b
    return out

if __name__ == "__main__":
    import jax
    _d = setup_inputs()
    print(jax.jit(kernel)(*tuple(_d.values())))

</pallas_src>

<mosaic_0001>
#map = affine_map<(d0, d1) -> (0, 0, 0)>
#map1 = affine_map<(d0, d1) -> (0, 0)>
module attributes {stable_mosaic.version = 14 : i64} {
  func.func @_sc_deg_body(%arg0: i32, %arg1: i32, %arg2: memref<32x125x80xi32, #tpu.memory_space<hbm>>, %arg3: memref<10240x128xf32, #tpu.memory_space<hbm>>, %arg4: memref<80x128xf32, #tpu.memory_space<hbm>>, %arg5: memref<20480x128xf32, #tpu.memory_space<hbm>>, %arg6: memref<125x80xi32, #tpu.memory_space<vmem>>, %arg7: memref<80x128xf32, #tpu.memory_space<vmem>>, %arg8: memref<10240x128xf32, #tpu.memory_space<vmem_shared>>, %arg9: memref<!tpu.dma_semaphore, #tpu.memory_space<semaphore_mem>>) attributes {dimension_semantics = [#tpu.dimension_semantics<core_parallel>, #tpu.dimension_semantics<subcore_parallel>], iteration_bounds = array<i64: 2, 16>, scalar_prefetch = 0 : i64, scratch_operands = 4 : i64, tpu.core_type = #tpu.core_type<sc_vector_subcore>, window_params = [{transform_indices = #map}, {transform_indices = #map1}, {transform_indices = #map1}, {transform_indices = #map1}]} {
    %mul3A = arith.constant 2 : i32
    %mul3A_0 = arith.muli %arg1, %mul3A : i32
    %add3A = arith.addi %mul3A_0, %arg0 : i32
    %mul3A_1 = arith.constant 640 : i32
    %mul3A_2 = arith.muli %arg1, %mul3A_1 : i32
    %mul3A_3 = arith.constant 640 : i32
    %mul3A_4 = arith.muli %arg1, %mul3A_3 : i32
    "tpu.region"() ({
      %run_scoped3A = tpu.sem_alloc : memref<!tpu.dma_semaphore, #tpu.memory_space<semaphore_mem>>
      %dma_start3A_86 = arith.constant 0 : i32
      %dma_start3A_87 = tpu.memref_slice %arg8[%mul3A_4, %dma_start3A_86] : memref<10240x128xf32, #tpu.memory_space<vmem_shared>> -> memref<640x128xf32, #tpu.memory_space<vmem_shared>>
      %dma_start3A_88 = arith.constant 0 : i32
      %dma_start3A_89 = tpu.memref_slice %arg3[%mul3A_2, %dma_start3A_88] : memref<10240x128xf32, #tpu.memory_space<hbm>> -> memref<640x128xf32, #tpu.memory_space<hbm>>
      tpu.enqueue_dma source(%dma_start3A_89 : memref<640x128xf32, #tpu.memory_space<hbm>>) target(%dma_start3A_87 : memref<640x128xf32, #tpu.memory_space<vmem_shared>>) target_semaphore(%run_scoped3A : memref<!tpu.dma_semaphore, #tpu.memory_space<semaphore_mem>>)
      %dma_wait3A_90 = arith.constant 0 : i32
      %dma_wait3A_91 = tpu.memref_slice %arg8[%mul3A_4, %dma_wait3A_90] : memref<10240x128xf32, #tpu.memory_space<vmem_shared>> -> memref<640x128xf32, #tpu.memory_space<vmem_shared>>
      %dma_wait3A_92 = arith.constant 0 : i32
      %dma_wait3A_93 = tpu.memref_slice %arg3[%mul3A_2, %dma_wait3A_92] : memref<10240x128xf32, #tpu.memory_space<hbm>> -> memref<640x128xf32, #tpu.memory_space<hbm>>
      tpu.wait_dma2 semaphore(%run_scoped3A : memref<!tpu.dma_semaphore, #tpu.memory_space<semaphore_mem>>) src(%dma_wait3A_93 : memref<640x128xf32, #tpu.memory_space<hbm>>) dst(%dma_wait3A_91 : memref<640x128xf32, #tpu.memory_space<vmem_shared>>)
      tpu.yield
    }) : () -> ()
    "tpu.region"() ({
      %run_scoped3A = tpu.sem_alloc : memref<!tpu.dma_semaphore, #tpu.memory_space<semaphore_mem>>
      %dma_start3A_86 = arith.constant 0 : i32
      %dma_start3A_87 = arith.constant 0 : i32
      %dma_start3A_88 = tpu.memref_slice %arg2[%add3A, %dma_start3A_86, %dma_start3A_87] : memref<32x125x80xi32, #tpu.memory_space<hbm>> -> memref<1x125x80xi32, #tpu.memory_space<hbm>>
      %dma_start3A_89 = tpu.memref_squeeze %dma_start3A_88 : memref<1x125x80xi32, #tpu.memory_space<hbm>> -> memref<125x80xi32, #tpu.memory_space<hbm>>
      %dma_start3A_90 = arith.constant 0 : i32
      %dma_start3A_91 = arith.constant 0 : i32
      %dma_start3A_92 = tpu.memref_slice %arg2[%add3A, %dma_start3A_90, %dma_start3A_91] : memref<32x125x80xi32, #tpu.memory_space<hbm>> -> memref<1x125x80xi32, #tpu.memory_space<hbm>>
      %dma_start3A_93 = tpu.memref_squeeze %dma_start3A_92 : memref<1x125x80xi32, #tpu.memory_space<hbm>> -> memref<125x80xi32, #tpu.memory_space<hbm>>
      tpu.enqueue_dma source(%dma_start3A_93 : memref<125x80xi32, #tpu.memory_space<hbm>>) target(%arg6 : memref<125x80xi32, #tpu.memory_space<vmem>>) target_semaphore(%run_scoped3A : memref<!tpu.dma_semaphore, #tpu.memory_space<semaphore_mem>>)
      %dma_wait3A_94 = arith.constant 0 : i32
      %dma_wait3A_95 = arith.constant 0 : i32
      %dma_wait3A_96 = tpu.memref_slice %arg2[%add3A, %dma_wait3A_94, %dma_wait3A_95] : memref<32x125x80xi32, #tpu.memory_space<hbm>> -> memref<1x125x80xi32, #tpu.memory_space<hbm>>
      %dma_wait3A_97 = tpu.memref_squeeze %dma_wait3A_96 : memref<1x125x80xi32, #tpu.memory_space<hbm>> -> memref<125x80xi32, #tpu.memory_space<hbm>>
      %dma_wait3A_98 = arith.constant 0 : i32
      %dma_wait3A_99 = arith.constant 0 : i32
      %dma_wait3A_100 = tpu.memref_slice %arg2[%add3A, %dma_wait3A_98, %dma_wait3A_99] : memref<32x125x80xi32, #tpu.memory_space<hbm>> -> memref<1x125x80xi32, #tpu.memory_space<hbm>>
      %dma_wait3A_101 = tpu.memref_squeeze %dma_wait3A_100 : memref<1x125x80xi32, #tpu.memory_space<hbm>> -> memref<125x80xi32, #tpu.memory_space<hbm>>
      tpu.wait_dma2 semaphore(%run_scoped3A : memref<!tpu.dma_semaphore, #tpu.memory_space<semaphore_mem>>) src(%dma_wait3A_101 : memref<125x80xi32, #tpu.memory_space<hbm>>) dst(%arg6 : memref<125x80xi32, #tpu.memory_space<vmem>>)
      tpu.yield
    }) : () -> ()
    "tpu.region"() ({
      %run_scoped3A = tpu.sem_alloc : memref<!tpu.dma_semaphore, #tpu.memory_space<semaphore_mem>>
      tpu.enqueue_dma source(%arg4 : memref<80x128xf32, #tpu.memory_space<hbm>>) target(%arg7 : memref<80x128xf32, #tpu.memory_space<vmem>>) target_semaphore(%run_scoped3A : memref<!tpu.dma_semaphore, #tpu.memory_space<semaphore_mem>>)
      tpu.wait_dma2 semaphore(%run_scoped3A : memref<!tpu.dma_semaphore, #tpu.memory_space<semaphore_mem>>) src(%arg4 : memref<80x128xf32, #tpu.memory_space<hbm>>) dst(%arg7 : memref<80x128xf32, #tpu.memory_space<vmem>>)
      tpu.yield
    }) : () -> ()
    %barrier3A = arith.constant 0 : index
    tpu.barrier barrier_id(%barrier3A)
    %dma_start3A = arith.constant 0 : i32
    %dma_start3A_5 = arith.constant 0 : i32
    %dma_start3A_6 = tpu.memref_slice %arg6[%dma_start3A, %dma_start3A_5] : memref<125x80xi32, #tpu.memory_space<vmem>> -> memref<1x80xi32, #tpu.memory_space<vmem>>
    %dma_start3A_7 = tpu.memref_squeeze %dma_start3A_6 : memref<1x80xi32, #tpu.memory_space<vmem>> -> memref<80xi32, #tpu.memory_space<vmem>>
    %dma_start3A_8 = arith.constant 0 : i32
    %dma_start3A_9 = arith.constant 0 : i32
    %dma_start3A_10 = tpu.memref_slice %arg8[%dma_start3A_8, %dma_start3A_9] : memref<10240x128xf32, #tpu.memory_space<vmem_shared>> -> memref<10240x128xf32, #tpu.memory_space<vmem_shared>>
    tpu.enqueue_indirect_dma source(%arg7 : memref<80x128xf32, #tpu.memory_space<vmem>>) target(%dma_start3A_10 : memref<10240x128xf32, #tpu.memory_space<vmem_shared>>) offsets(%dma_start3A_7 : memref<80xi32, #tpu.memory_space<vmem>>) semaphore(%arg9 : memref<!tpu.dma_semaphore, #tpu.memory_space<semaphore_mem>>) {add = true}
    %dma_start3A_11 = arith.constant 1 : i32
    %dma_start3A_12 = arith.constant 0 : i32
    %dma_start3A_13 = tpu.memref_slice %arg6[%dma_start3A_11, %dma_start3A_12] : memref<125x80xi32, #tpu.memory_space<vmem>> -> memref<1x80xi32, #tpu.memory_space<vmem>>
    %dma_start3A_14 = tpu.memref_squeeze %dma_start3A_13 : memref<1x80xi32, #tpu.memory_space<vmem>> -> memref<80xi32, #tpu.memory_space<vmem>>
    %dma_start3A_15 = arith.constant 0 : i32
    %dma_start3A_16 = arith.constant 0 : i32
    %dma_start3A_17 = tpu.memref_slice %arg8[%dma_start3A_15, %dma_start3A_16] : memref<10240x128xf32, #tpu.memory_space<vmem_shared>> -> memref<10240x128xf32, #tpu.memory_space<vmem_shared>>
    tpu.enqueue_indirect_dma source(%arg7 : memref<80x128xf32, #tpu.memory_space<vmem>>) target(%dma_start3A_17 : memref<10240x128xf32, #tpu.memory_space<vmem_shared>>) offsets(%dma_start3A_14 : memref<80xi32, #tpu.memory_space<vmem>>) semaphore(%arg9 : memref<!tpu.dma_semaphore, #tpu.memory_space<semaphore_mem>>) {add = true}
    %dma_start3A_18 = arith.constant 2 : i32
    %dma_start3A_19 = arith.constant 0 : i32
    %dma_start3A_20 = tpu.memref_slice %arg6[%dma_start3A_18, %dma_start3A_19] : memref<125x80xi32, #tpu.memory_space<vmem>> -> memref<1x80xi32, #tpu.memory_space<vmem>>
    %dma_start3A_21 = tpu.memref_squeeze %dma_start3A_20 : memref<1x80xi32, #tpu.memory_space<vmem>> -> memref<80xi32, #tpu.memory_space<vmem>>
    %dma_start3A_22 = arith.constant 0 : i32
    %dma_start3A_23 = arith.constant 0 : i32
    %dma_start3A_24 = tpu.memref_slice %arg8[%dma_start3A_22, %dma_start3A_23] : memref<10240x128xf32, #tpu.memory_space<vmem_shared>> -> memref<10240x128xf32, #tpu.memory_space<vmem_shared>>
    tpu.enqueue_indirect_dma source(%arg7 : memref<80x128xf32, #tpu.memory_space<vmem>>) target(%dma_start3A_24 : memref<10240x128xf32, #tpu.memory_space<vmem_shared>>) offsets(%dma_start3A_21 : memref<80xi32, #tpu.memory_space<vmem>>) semaphore(%arg9 : memref<!tpu.dma_semaphore, #tpu.memory_space<semaphore_mem>>) {add = true}
    %dma_start3A_25 = arith.constant 3 : i32
    %dma_start3A_26 = arith.constant 0 : i32
    %dma_start3A_27 = tpu.memref_slice %arg6[%dma_start3A_25, %dma_start3A_26] : memref<125x80xi32, #tpu.memory_space<vmem>> -> memref<1x80xi32, #tpu.memory_space<vmem>>
    %dma_start3A_28 = tpu.memref_squeeze %dma_start3A_27 : memref<1x80xi32, #tpu.memory_space<vmem>> -> memref<80xi32, #tpu.memory_space<vmem>>
    %dma_start3A_29 = arith.constant 0 : i32
    %dma_start3A_30 = arith.constant 0 : i32
    %dma_start3A_31 = tpu.memref_slice %arg8[%dma_start3A_29, %dma_start3A_30] : memref<10240x128xf32, #tpu.memory_space<vmem_shared>> -> memref<10240x128xf32, #tpu.memory_space<vmem_shared>>
    tpu.enqueue_indirect_dma source(%arg7 : memref<80x128xf32, #tpu.memory_space<vmem>>) target(%dma_start3A_31 : memref<10240x128xf32, #tpu.memory_space<vmem_shared>>) offsets(%dma_start3A_28 : memref<80xi32, #tpu.memory_space<vmem>>) semaphore(%arg9 : memref<!tpu.dma_semaphore, #tpu.memory_space<semaphore_mem>>) {add = true}
    %dma_start3A_32 = arith.constant 4 : i32
    %dma_start3A_33 = arith.constant 0 : i32
    %dma_start3A_34 = tpu.memref_slice %arg6[%dma_start3A_32, %dma_start3A_33] : memref<125x80xi32, #tpu.memory_space<vmem>> -> memref<1x80xi32, #tpu.memory_space<vmem>>
    %dma_start3A_35 = tpu.memref_squeeze %dma_start3A_34 : memref<1x80xi32, #tpu.memory_space<vmem>> -> memref<80xi32, #tpu.memory_space<vmem>>
    %dma_start3A_36 = arith.constant 0 : i32
    %dma_start3A_37 = arith.constant 0 : i32
    %dma_start3A_38 = tpu.memref_slice %arg8[%dma_start3A_36, %dma_start3A_37] : memref<10240x128xf32, #tpu.memory_space<vmem_shared>> -> memref<10240x128xf32, #tpu.memory_space<vmem_shared>>
    tpu.enqueue_indirect_dma source(%arg7 : memref<80x128xf32, #tpu.memory_space<vmem>>) target(%dma_start3A_38 : memref<10240x128xf32, #tpu.memory_space<vmem_shared>>) offsets(%dma_start3A_35 : memref<80xi32, #tpu.memory_space<vmem>>) semaphore(%arg9 : memref<!tpu.dma_semaphore, #tpu.memory_space<semaphore_mem>>) {add = true}
    %scan3A = arith.constant 0 : i32
    %scan3A_39 = arith.constant 1 : i32
    %scan3A_40 = arith.constant 24 : i32
    %scan3A_41 = arith.addi %scan3A_39, %scan3A_40 : i32
    %scan3A_42 = arith.constant 1 : i32
    scf.for %scan3A_86 = %scan3A_39 to %scan3A_41 step %scan3A_42  : i32 {
      %mul3A_87 = arith.constant 5 : i32
      %mul3A_88 = arith.muli %scan3A_86, %mul3A_87 : i32
      %add3A_89 = arith.constant 0 : i32
      %add3A_90 = arith.addi %mul3A_88, %add3A_89 : i32
      %sub3A = arith.constant 5 : i32
      %sub3A_91 = arith.subi %add3A_90, %sub3A : i32
      %dma_wait3A_92 = arith.constant 0 : i32
      %dma_wait3A_93 = tpu.memref_slice %arg6[%sub3A_91, %dma_wait3A_92] : memref<125x80xi32, #tpu.memory_space<vmem>> -> memref<1x80xi32, #tpu.memory_space<vmem>>
      %dma_wait3A_94 = tpu.memref_squeeze %dma_wait3A_93 : memref<1x80xi32, #tpu.memory_space<vmem>> -> memref<80xi32, #tpu.memory_space<vmem>>
      %dma_wait3A_95 = arith.constant 0 : i32
      %dma_wait3A_96 = arith.constant 0 : i32
      %dma_wait3A_97 = tpu.memref_slice %arg8[%dma_wait3A_95, %dma_wait3A_96] : memref<10240x128xf32, #tpu.memory_space<vmem_shared>> -> memref<10240x128xf32, #tpu.memory_space<vmem_shared>>
      tpu.wait_indirect_dma semaphore(%arg9 : memref<!tpu.dma_semaphore, #tpu.memory_space<semaphore_mem>>) src(%arg7 : memref<80x128xf32, #tpu.memory_space<vmem>>) dst(%dma_wait3A_97 : memref<10240x128xf32, #tpu.memory_space<vmem_shared>>)
      %add3A_98 = arith.constant 0 : i32
      %add3A_99 = arith.addi %mul3A_88, %add3A_98 : i32
      %dma_start3A_100 = arith.constant 0 : i32
      %dma_start3A_101 = tpu.memref_slice %arg6[%add3A_99, %dma_start3A_100] : memref<125x80xi32, #tpu.memory_space<vmem>> -> memref<1x80xi32, #tpu.memory_space<vmem>>
      %dma_start3A_102 = tpu.memref_squeeze %dma_start3A_101 : memref<1x80xi32, #tpu.memory_space<vmem>> -> memref<80xi32, #tpu.memory_space<vmem>>
      %dma_start3A_103 = arith.constant 0 : i32
      %dma_start3A_104 = arith.constant 0 : i32
      %dma_start3A_105 = tpu.memref_slice %arg8[%dma_start3A_103, %dma_start3A_104] : memref<10240x128xf32, #tpu.memory_space<vmem_shared>> -> memref<10240x128xf32, #tpu.memory_space<vmem_shared>>
      tpu.enqueue_indirect_dma source(%arg7 : memref<80x128xf32, #tpu.memory_space<vmem>>) target(%dma_start3A_105 : memref<10240x128xf32, #tpu.memory_space<vmem_shared>>) offsets(%dma_start3A_102 : memref<80xi32, #tpu.memory_space<vmem>>) semaphore(%arg9 : memref<!tpu.dma_semaphore, #tpu.memory_space<semaphore_mem>>) {add = true}
      %add3A_106 = arith.constant 1 : i32
      %add3A_107 = arith.addi %mul3A_88, %add3A_106 : i32
      %sub3A_108 = arith.constant 5 : i32
      %sub3A_109 = arith.subi %add3A_107, %sub3A_108 : i32
      %dma_wait3A_110 = arith.constant 0 : i32
      %dma_wait3A_111 = tpu.memref_slice %arg6[%sub3A_109, %dma_wait3A_110] : memref<125x80xi32, #tpu.memory_space<vmem>> -> memref<1x80xi32, #tpu.memory_space<vmem>>
      %dma_wait3A_112 = tpu.memref_squeeze %dma_wait3A_111 : memref<1x80xi32, #tpu.memory_space<vmem>> -> memref<80xi32, #tpu.memory_space<vmem>>
      %dma_wait3A_113 = arith.constant 0 : i32
      %dma_wait3A_114 = arith.constant 0 : i32
      %dma_wait3A_115 = tpu.memref_slice %arg8[%dma_wait3A_113, %dma_wait3A_114] : memref<10240x128xf32, #tpu.memory_space<vmem_shared>> -> memref<10240x128xf32, #tpu.memory_space<vmem_shared>>
      tpu.wait_indirect_dma semaphore(%arg9 : memref<!tpu.dma_semaphore, #tpu.memory_space<semaphore_mem>>) src(%arg7 : memref<80x128xf32, #tpu.memory_space<vmem>>) dst(%dma_wait3A_115 : memref<10240x128xf32, #tpu.memory_space<vmem_shared>>)
      %add3A_116 = arith.constant 1 : i32
      %add3A_117 = arith.addi %mul3A_88, %add3A_116 : i32
      %dma_start3A_118 = arith.constant 0 : i32
      %dma_start3A_119 = tpu.memref_slice %arg6[%add3A_117, %dma_start3A_118] : memref<125x80xi32, #tpu.memory_space<vmem>> -> memref<1x80xi32, #tpu.memory_space<vmem>>
      %dma_start3A_120 = tpu.memref_squeeze %dma_start3A_119 : memref<1x80xi32, #tpu.memory_space<vmem>> -> memref<80xi32, #tpu.memory_space<vmem>>
      %dma_start3A_121 = arith.constant 0 : i32
      %dma_start3A_122 = arith.constant 0 : i32
      %dma_start3A_123 = tpu.memref_slice %arg8[%dma_start3A_121, %dma_start3A_122] : memref<10240x128xf32, #tpu.memory_space<vmem_shared>> -> memref<10240x128xf32, #tpu.memory_space<vmem_shared>>
      tpu.enqueue_indirect_dma source(%arg7 : memref<80x128xf32, #tpu.memory_space<vmem>>) target(%dma_start3A_123 : memref<10240x128xf32, #tpu.memory_space<vmem_shared>>) offsets(%dma_start3A_120 : memref<80xi32, #tpu.memory_space<vmem>>) semaphore(%arg9 : memref<!tpu.dma_semaphore, #tpu.memory_space<semaphore_mem>>) {add = true}
      %add3A_124 = arith.constant 2 : i32
      %add3A_125 = arith.addi %mul3A_88, %add3A_124 : i32
      %sub3A_126 = arith.constant 5 : i32
      %sub3A_127 = arith.subi %add3A_125, %sub3A_126 : i32
      %dma_wait3A_128 = arith.constant 0 : i32
      %dma_wait3A_129 = tpu.memref_slice %arg6[%sub3A_127, %dma_wait3A_128] : memref<125x80xi32, #tpu.memory_space<vmem>> -> memref<1x80xi32, #tpu.memory_space<vmem>>
      %dma_wait3A_130 = tpu.memref_squeeze %dma_wait3A_129 : memref<1x80xi32, #tpu.memory_space<vmem>> -> memref<80xi32, #tpu.memory_space<vmem>>
      %dma_wait3A_131 = arith.constant 0 : i32
      %dma_wait3A_132 = arith.constant 0 : i32
      %dma_wait3A_133 = tpu.memref_slice %arg8[%dma_wait3A_131, %dma_wait3A_132] : memref<10240x128xf32, #tpu.memory_space<vmem_shared>> -> memref<10240x128xf32, #tpu.memory_space<vmem_shared>>
      tpu.wait_indirect_dma semaphore(%arg9 : memref<!tpu.dma_semaphore, #tpu.memory_space<semaphore_mem>>) src(%arg7 : memref<80x128xf32, #tpu.memory_space<vmem>>) dst(%dma_wait3A_133 : memref<10240x128xf32, #tpu.memory_space<vmem_shared>>)
      %add3A_134 = arith.constant 2 : i32
      %add3A_135 = arith.addi %mul3A_88, %add3A_134 : i32
      %dma_start3A_136 = arith.constant 0 : i32
      %dma_start3A_137 = tpu.memref_slice %arg6[%add3A_135, %dma_start3A_136] : memref<125x80xi32, #tpu.memory_space<vmem>> -> memref<1x80xi32, #tpu.memory_space<vmem>>
      %dma_start3A_138 = tpu.memref_squeeze %dma_start3A_137 : memref<1x80xi32, #tpu.memory_space<vmem>> -> memref<80xi32, #tpu.memory_space<vmem>>
      %dma_start3A_139 = arith.constant 0 : i32
      %dma_start3A_140 = arith.constant 0 : i32
      %dma_start3A_141 = tpu.memref_slice %arg8[%dma_start3A_139, %dma_start3A_140] : memref<10240x128xf32, #tpu.memory_space<vmem_shared>> -> memref<10240x128xf32, #tpu.memory_space<vmem_shared>>
      tpu.enqueue_indirect_dma source(%arg7 : memref<80x128xf32, #tpu.memory_space<vmem>>) target(%dma_start3A_141 : memref<10240x128xf32, #tpu.memory_space<vmem_shared>>) offsets(%dma_start3A_138 : memref<80xi32, #tpu.memory_space<vmem>>) semaphore(%arg9 : memref<!tpu.dma_semaphore, #tpu.memory_space<semaphore_mem>>) {add = true}
      %add3A_142 = arith.constant 3 : i32
      %add3A_143 = arith.addi %mul3A_88, %add3A_142 : i32
      %sub3A_144 = arith.constant 5 : i32
      %sub3A_145 = arith.subi %add3A_143, %sub3A_144 : i32
      %dma_wait3A_146 = arith.constant 0 : i32
      %dma_wait3A_147 = tpu.memref_slice %arg6[%sub3A_145, %dma_wait3A_146] : memref<125x80xi32, #tpu.memory_space<vmem>> -> memref<1x80xi32, #tpu.memory_space<vmem>>
      %dma_wait3A_148 = tpu.memref_squeeze %dma_wait3A_147 : memref<1x80xi32, #tpu.memory_space<vmem>> -> memref<80xi32, #tpu.memory_space<vmem>>
      %dma_wait3A_149 = arith.constant 0 : i32
      %dma_wait3A_150 = arith.constant 0 : i32
      %dma_wait3A_151 = tpu.memref_slice %arg8[%dma_wait3A_149, %dma_wait3A_150] : memref<10240x128xf32, #tpu.memory_space<vmem_shared>> -> memref<10240x128xf32, #tpu.memory_space<vmem_shared>>
      tpu.wait_indirect_dma semaphore(%arg9 : memref<!tpu.dma_semaphore, #tpu.memory_space<semaphore_mem>>) src(%arg7 : memref<80x128xf32, #tpu.memory_space<vmem>>) dst(%dma_wait3A_151 : memref<10240x128xf32, #tpu.memory_space<vmem_shared>>)
      %add3A_152 = arith.constant 3 : i32
      %add3A_153 = arith.addi %mul3A_88, %add3A_152 : i32
      %dma_start3A_154 = arith.constant 0 : i32
      %dma_start3A_155 = tpu.memref_slice %arg6[%add3A_153, %dma_start3A_154] : memref<125x80xi32, #tpu.memory_space<vmem>> -> memref<1x80xi32, #tpu.memory_space<vmem>>
      %dma_start3A_156 = tpu.memref_squeeze %dma_start3A_155 : memref<1x80xi32, #tpu.memory_space<vmem>> -> memref<80xi32, #tpu.memory_space<vmem>>
      %dma_start3A_157 = arith.constant 0 : i32
      %dma_start3A_158 = arith.constant 0 : i32
      %dma_start3A_159 = tpu.memref_slice %arg8[%dma_start3A_157, %dma_start3A_158] : memref<10240x128xf32, #tpu.memory_space<vmem_shared>> -> memref<10240x128xf32, #tpu.memory_space<vmem_shared>>
      tpu.enqueue_indirect_dma source(%arg7 : memref<80x128xf32, #tpu.memory_space<vmem>>) target(%dma_start3A_159 : memref<10240x128xf32, #tpu.memory_space<vmem_shared>>) offsets(%dma_start3A_156 : memref<80xi32, #tpu.memory_space<vmem>>) semaphore(%arg9 : memref<!tpu.dma_semaphore, #tpu.memory_space<semaphore_mem>>) {add = true}
      %add3A_160 = arith.constant 4 : i32
      %add3A_161 = arith.addi %mul3A_88, %add3A_160 : i32
      %sub3A_162 = arith.constant 5 : i32
      %sub3A_163 = arith.subi %add3A_161, %sub3A_162 : i32
      %dma_wait3A_164 = arith.constant 0 : i32
      %dma_wait3A_165 = tpu.memref_slice %arg6[%sub3A_163, %dma_wait3A_164] : memref<125x80xi32, #tpu.memory_space<vmem>> -> memref<1x80xi32, #tpu.memory_space<vmem>>
      %dma_wait3A_166 = tpu.memref_squeeze %dma_wait3A_165 : memref<1x80xi32, #tpu.memory_space<vmem>> -> memref<80xi32, #tpu.memory_space<vmem>>
      %dma_wait3A_167 = arith.constant 0 : i32
      %dma_wait3A_168 = arith.constant 0 : i32
      %dma_wait3A_169 = tpu.memref_slice %arg8[%dma_wait3A_167, %dma_wait3A_168] : memref<10240x128xf32, #tpu.memory_space<vmem_shared>> -> memref<10240x128xf32, #tpu.memory_space<vmem_shared>>
      tpu.wait_indirect_dma semaphore(%arg9 : memref<!tpu.dma_semaphore, #tpu.memory_space<semaphore_mem>>) src(%arg7 : memref<80x128xf32, #tpu.memory_space<vmem>>) dst(%dma_wait3A_169 : memref<10240x128xf32, #tpu.memory_space<vmem_shared>>)
      %add3A_170 = arith.constant 4 : i32
      %add3A_171 = arith.addi %mul3A_88, %add3A_170 : i32
      %dma_start3A_172 = arith.constant 0 : i32
      %dma_start3A_173 = tpu.memref_slice %arg6[%add3A_171, %dma_start3A_172] : memref<125x80xi32, #tpu.memory_space<vmem>> -> memref<1x80xi32, #tpu.memory_space<vmem>>
      %dma_start3A_174 = tpu.memref_squeeze %dma_start3A_173 : memref<1x80xi32, #tpu.memory_space<vmem>> -> memref<80xi32, #tpu.memory_space<vmem>>
      %dma_start3A_175 = arith.constant 0 : i32
      %dma_start3A_176 = arith.constant 0 : i32
      %dma_start3A_177 = tpu.memref_slice %arg8[%dma_start3A_175, %dma_start3A_176] : memref<10240x128xf32, #tpu.memory_space<vmem_shared>> -> memref<10240x128xf32, #tpu.memory_space<vmem_shared>>
      tpu.enqueue_indirect_dma source(%arg7 : memref<80x128xf32, #tpu.memory_space<vmem>>) target(%dma_start3A_177 : memref<10240x128xf32, #tpu.memory_space<vmem_shared>>) offsets(%dma_start3A_174 : memref<80xi32, #tpu.memory_space<vmem>>) semaphore(%arg9 : memref<!tpu.dma_semaphore, #tpu.memory_space<semaphore_mem>>) {add = true}
    }
    %scan3A_43 = arith.constant 24 : i32
    %dma_wait3A = arith.constant 120 : i32
    %dma_wait3A_44 = arith.constant 0 : i32
    %dma_wait3A_45 = tpu.memref_slice %arg6[%dma_wait3A, %dma_wait3A_44] : memref<125x80xi32, #tpu.memory_space<vmem>> -> memref<1x80xi32, #tpu.memory_space<vmem>>
    %dma_wait3A_46 = tpu.memref_squeeze %dma_wait3A_45 : memref<1x80xi32, #tpu.memory_space<vmem>> -> memref<80xi32, #tpu.memory_space<vmem>>
    %dma_wait3A_47 = arith.constant 0 : i32
    %dma_wait3A_48 = arith.constant 0 : i32
    %dma_wait3A_49 = tpu.memref_slice %arg8[%dma_wait3A_47, %dma_wait3A_48] : memref<10240x128xf32, #tpu.memory_space<vmem_shared>> -> memref<10240x128xf32, #tpu.memory_space<vmem_shared>>
    tpu.wait_indirect_dma semaphore(%arg9 : memref<!tpu.dma_semaphore, #tpu.memory_space<semaphore_mem>>) src(%arg7 : memref<80x128xf32, #tpu.memory_space<vmem>>) dst(%dma_wait3A_49 : memref<10240x128xf32, #tpu.memory_space<vmem_shared>>)
    %dma_wait3A_50 = arith.constant 121 : i32
    %dma_wait3A_51 = arith.constant 0 : i32
    %dma_wait3A_52 = tpu.memref_slice %arg6[%dma_wait3A_50, %dma_wait3A_51] : memref<125x80xi32, #tpu.memory_space<vmem>> -> memref<1x80xi32, #tpu.memory_space<vmem>>
    %dma_wait3A_53 = tpu.memref_squeeze %dma_wait3A_52 : memref<1x80xi32, #tpu.memory_space<vmem>> -> memref<80xi32, #tpu.memory_space<vmem>>
    %dma_wait3A_54 = arith.constant 0 : i32
    %dma_wait3A_55 = arith.constant 0 : i32
    %dma_wait3A_56 = tpu.memref_slice %arg8[%dma_wait3A_54, %dma_wait3A_55] : memref<10240x128xf32, #tpu.memory_space<vmem_shared>> -> memref<10240x128xf32, #tpu.memory_space<vmem_shared>>
    tpu.wait_indirect_dma semaphore(%arg9 : memref<!tpu.dma_semaphore, #tpu.memory_space<semaphore_mem>>) src(%arg7 : memref<80x128xf32, #tpu.memory_space<vmem>>) dst(%dma_wait3A_56 : memref<10240x128xf32, #tpu.memory_space<vmem_shared>>)
    %dma_wait3A_57 = arith.constant 122 : i32
    %dma_wait3A_58 = arith.constant 0 : i32
    %dma_wait3A_59 = tpu.memref_slice %arg6[%dma_wait3A_57, %dma_wait3A_58] : memref<125x80xi32, #tpu.memory_space<vmem>> -> memref<1x80xi32, #tpu.memory_space<vmem>>
    %dma_wait3A_60 = tpu.memref_squeeze %dma_wait3A_59 : memref<1x80xi32, #tpu.memory_space<vmem>> -> memref<80xi32, #tpu.memory_space<vmem>>
    %dma_wait3A_61 = arith.constant 0 : i32
    %dma_wait3A_62 = arith.constant 0 : i32
    %dma_wait3A_63 = tpu.memref_slice %arg8[%dma_wait3A_61, %dma_wait3A_62] : memref<10240x128xf32, #tpu.memory_space<vmem_shared>> -> memref<10240x128xf32, #tpu.memory_space<vmem_shared>>
    tpu.wait_indirect_dma semaphore(%arg9 : memref<!tpu.dma_semaphore, #tpu.memory_space<semaphore_mem>>) src(%arg7 : memref<80x128xf32, #tpu.memory_space<vmem>>) dst(%dma_wait3A_63 : memref<10240x128xf32, #tpu.memory_space<vmem_shared>>)
    %dma_wait3A_64 = arith.constant 123 : i32
    %dma_wait3A_65 = arith.constant 0 : i32
    %dma_wait3A_66 = tpu.memref_slice %arg6[%dma_wait3A_64, %dma_wait3A_65] : memref<125x80xi32, #tpu.memory_space<vmem>> -> memref<1x80xi32, #tpu.memory_space<vmem>>
    %dma_wait3A_67 = tpu.memref_squeeze %dma_wait3A_66 : memref<1x80xi32, #tpu.memory_space<vmem>> -> memref<80xi32, #tpu.memory_space<vmem>>
    %dma_wait3A_68 = arith.constant 0 : i32
    %dma_wait3A_69 = arith.constant 0 : i32
    %dma_wait3A_70 = tpu.memref_slice %arg8[%dma_wait3A_68, %dma_wait3A_69] : memref<10240x128xf32, #tpu.memory_space<vmem_shared>> -> memref<10240x128xf32, #tpu.memory_space<vmem_shared>>
    tpu.wait_indirect_dma semaphore(%arg9 : memref<!tpu.dma_semaphore, #tpu.memory_space<semaphore_mem>>) src(%arg7 : memref<80x128xf32, #tpu.memory_space<vmem>>) dst(%dma_wait3A_70 : memref<10240x128xf32, #tpu.memory_space<vmem_shared>>)
    %dma_wait3A_71 = arith.constant 124 : i32
    %dma_wait3A_72 = arith.constant 0 : i32
    %dma_wait3A_73 = tpu.memref_slice %arg6[%dma_wait3A_71, %dma_wait3A_72] : memref<125x80xi32, #tpu.memory_space<vmem>> -> memref<1x80xi32, #tpu.memory_space<vmem>>
    %dma_wait3A_74 = tpu.memref_squeeze %dma_wait3A_73 : memref<1x80xi32, #tpu.memory_space<vmem>> -> memref<80xi32, #tpu.memory_space<vmem>>
    %dma_wait3A_75 = arith.constant 0 : i32
    %dma_wait3A_76 = arith.constant 0 : i32
    %dma_wait3A_77 = tpu.memref_slice %arg8[%dma_wait3A_75, %dma_wait3A_76] : memref<10240x128xf32, #tpu.memory_space<vmem_shared>> -> memref<10240x128xf32, #tpu.memory_space<vmem_shared>>
    tpu.wait_indirect_dma semaphore(%arg9 : memref<!tpu.dma_semaphore, #tpu.memory_space<semaphore_mem>>) src(%arg7 : memref<80x128xf32, #tpu.memory_space<vmem>>) dst(%dma_wait3A_77 : memref<10240x128xf32, #tpu.memory_space<vmem_shared>>)
    %barrier3A_78 = arith.constant 0 : index
    tpu.barrier barrier_id(%barrier3A_78)
    %mul3A_79 = arith.constant 10240 : i32
    %mul3A_80 = arith.muli %arg0, %mul3A_79 : i32
    %mul3A_81 = arith.constant 640 : i32
    %mul3A_82 = arith.muli %arg1, %mul3A_81 : i32
    %add3A_83 = arith.addi %mul3A_80, %mul3A_82 : i32
    %mul3A_84 = arith.constant 640 : i32
    %mul3A_85 = arith.muli %arg1, %mul3A_84 : i32
    "tpu.region"() ({
      %run_scoped3A = tpu.sem_alloc : memref<!tpu.dma_semaphore, #tpu.memory_space<semaphore_mem>>
      %dma_start3A_86 = arith.constant 0 : i32
      %dma_start3A_87 = tpu.memref_slice %arg5[%add3A_83, %dma_start3A_86] : memref<20480x128xf32, #tpu.memory_space<hbm>> -> memref<640x128xf32, #tpu.memory_space<hbm>>
      %dma_start3A_88 = arith.constant 0 : i32
      %dma_start3A_89 = tpu.memref_slice %arg8[%mul3A_85, %dma_start3A_88] : memref<10240x128xf32, #tpu.memory_space<vmem_shared>> -> memref<640x128xf32, #tpu.memory_space<vmem_shared>>
      tpu.enqueue_dma source(%dma_start3A_89 : memref<640x128xf32, #tpu.memory_space<vmem_shared>>) target(%dma_start3A_87 : memref<640x128xf32, #tpu.memory_space<hbm>>) target_semaphore(%run_scoped3A : memref<!tpu.dma_semaphore, #tpu.memory_space<semaphore_mem>>)
      %dma_wait3A_90 = arith.constant 0 : i32
      %dma_wait3A_91 = tpu.memref_slice %arg5[%add3A_83, %dma_wait3A_90] : memref<20480x128xf32, #tpu.memory_space<hbm>> -> memref<640x128xf32, #tpu.memory_space<hbm>>
      %dma_wait3A_92 = arith.constant 0 : i32
      %dma_wait3A_93 = tpu.memref_slice %arg8[%mul3A_85, %dma_wait3A_92] : memref<10240x128xf32, #tpu.memory_space<vmem_shared>> -> memref<640x128xf32, #tpu.memory_space<vmem_shared>>
      tpu.wait_dma2 semaphore(%run_scoped3A : memref<!tpu.dma_semaphore, #tpu.memory_space<semaphore_mem>>) src(%dma_wait3A_93 : memref<640x128xf32, #tpu.memory_space<vmem_shared>>) dst(%dma_wait3A_91 : memref<640x128xf32, #tpu.memory_space<hbm>>)
      tpu.yield
    }) : () -> ()
    return
  }
}

#map = affine_map<(d0, d1) -> (0, 0)>
#map1 = affine_map<(d0, d1) -> (0, 0, 0, 0)>
module attributes {stable_mosaic.version = 14 : i64} {
  func.func @_sc_agg_body(%arg0: i32, %arg1: i32, %arg2: memref<10000x128xf32, #tpu.memory_space<hbm>>, %arg3: memref<32x5x25x80xi32, #tpu.memory_space<hbm>>, %arg4: memref<32x5x25x80xi32, #tpu.memory_space<hbm>>, %arg5: memref<10240x128xf32, #tpu.memory_space<hbm>>, %arg6: memref<20480x128xf32, #tpu.memory_space<hbm>>, %arg7: memref<25x80xi32, #tpu.memory_space<vmem>>, %arg8: memref<25x80xi32, #tpu.memory_space<vmem>>, %arg9: memref<80x128xf32, #tpu.memory_space<vmem>>, %arg10: memref<80x128xf32, #tpu.memory_space<vmem>>, %arg11: memref<80x128xf32, #tpu.memory_space<vmem>>, %arg12: memref<80x128xf32, #tpu.memory_space<vmem>>, %arg13: memref<10240x128xf32, #tpu.memory_space<vmem_shared>>, %arg14: memref<!tpu.dma_semaphore, #tpu.memory_space<semaphore_mem>>, %arg15: memref<!tpu.dma_semaphore, #tpu.memory_space<semaphore_mem>>, %arg16: memref<!tpu.dma_semaphore, #tpu.memory_space<semaphore_mem>>, %arg17: memref<!tpu.dma_semaphore, #tpu.memory_space<semaphore_mem>>, %arg18: memref<!tpu.dma_semaphore, #tpu.memory_space<semaphore_mem>>, %arg19: memref<!tpu.dma_semaphore, #tpu.memory_space<semaphore_mem>>, %arg20: memref<!tpu.dma_semaphore, #tpu.memory_space<semaphore_mem>>, %arg21: memref<!tpu.dma_semaphore, #tpu.memory_space<semaphore_mem>>) attributes {dimension_semantics = [#tpu.dimension_semantics<core_parallel>, #tpu.dimension_semantics<subcore_parallel>], iteration_bounds = array<i64: 2, 16>, scalar_prefetch = 0 : i64, scratch_operands = 15 : i64, tpu.core_type = #tpu.core_type<sc_vector_subcore>, window_params = [{transform_indices = #map}, {transform_indices = #map1}, {transform_indices = #map1}, {transform_indices = #map}, {transform_indices = #map}]} {
    %mul3A = arith.constant 2 : i32
    %mul3A_0 = arith.muli %arg1, %mul3A : i32
    %add3A = arith.addi %mul3A_0, %arg0 : i32
    %mul3A_1 = arith.constant 640 : i32
    %mul3A_2 = arith.muli %arg1, %mul3A_1 : i32
    %mul3A_3 = arith.constant 640 : i32
    %mul3A_4 = arith.muli %arg1, %mul3A_3 : i32
    "tpu.region"() ({
      %run_scoped3A = tpu.sem_alloc : memref<!tpu.dma_semaphore, #tpu.memory_space<semaphore_mem>>
      %dma_start3A = arith.constant 0 : i32
      %dma_start3A_18 = tpu.memref_slice %arg13[%mul3A_4, %dma_start3A] : memref<10240x128xf32, #tpu.memory_space<vmem_shared>> -> memref<640x128xf32, #tpu.memory_space<vmem_shared>>
      %dma_start3A_19 = arith.constant 0 : i32
      %dma_start3A_20 = tpu.memref_slice %arg5[%mul3A_2, %dma_start3A_19] : memref<10240x128xf32, #tpu.memory_space<hbm>> -> memref<640x128xf32, #tpu.memory_space<hbm>>
      tpu.enqueue_dma source(%dma_start3A_20 : memref<640x128xf32, #tpu.memory_space<hbm>>) target(%dma_start3A_18 : memref<640x128xf32, #tpu.memory_space<vmem_shared>>) target_semaphore(%run_scoped3A : memref<!tpu.dma_semaphore, #tpu.memory_space<semaphore_mem>>)
      %dma_wait3A = arith.constant 0 : i32
      %dma_wait3A_21 = tpu.memref_slice %arg13[%mul3A_4, %dma_wait3A] : memref<10240x128xf32, #tpu.memory_space<vmem_shared>> -> memref<640x128xf32, #tpu.memory_space<vmem_shared>>
      %dma_wait3A_22 = arith.constant 0 : i32
      %dma_wait3A_23 = tpu.memref_slice %arg5[%mul3A_2, %dma_wait3A_22] : memref<10240x128xf32, #tpu.memory_space<hbm>> -> memref<640x128xf32, #tpu.memory_space<hbm>>
      tpu.wait_dma2 semaphore(%run_scoped3A : memref<!tpu.dma_semaphore, #tpu.memory_space<semaphore_mem>>) src(%dma_wait3A_23 : memref<640x128xf32, #tpu.memory_space<hbm>>) dst(%dma_wait3A_21 : memref<640x128xf32, #tpu.memory_space<vmem_shared>>)
      tpu.yield
    }) : () -> ()
    %barrier3A = arith.constant 0 : index
    tpu.barrier barrier_id(%barrier3A)
    %scan3A = arith.constant 0 : i32
    %scan3A_5 = arith.constant 0 : i32
    %scan3A_6 = arith.constant 5 : i32
    %scan3A_7 = arith.addi %scan3A_5, %scan3A_6 : i32
    %scan3A_8 = arith.constant 1 : i32
    scf.for %scan3A_18 = %scan3A_5 to %scan3A_7 step %scan3A_8  : i32 {
      "tpu.region"() ({
        %run_scoped3A = tpu.sem_alloc : memref<!tpu.dma_semaphore, #tpu.memory_space<semaphore_mem>>
        %dma_start3A_163 = arith.constant 0 : i32
        %dma_start3A_164 = arith.constant 0 : i32
        %dma_start3A_165 = tpu.memref_slice %arg3[%add3A, %scan3A_18, %dma_start3A_163, %dma_start3A_164] : memref<32x5x25x80xi32, #tpu.memory_space<hbm>> -> memref<1x1x25x80xi32, #tpu.memory_space<hbm>>
        %dma_start3A_166 = tpu.memref_squeeze %dma_start3A_165 : memref<1x1x25x80xi32, #tpu.memory_space<hbm>> -> memref<25x80xi32, #tpu.memory_space<hbm>>
        %dma_start3A_167 = arith.constant 0 : i32
        %dma_start3A_168 = arith.constant 0 : i32
        %dma_start3A_169 = tpu.memref_slice %arg3[%add3A, %scan3A_18, %dma_start3A_167, %dma_start3A_168] : memref<32x5x25x80xi32, #tpu.memory_space<hbm>> -> memref<1x1x25x80xi32, #tpu.memory_space<hbm>>
        %dma_start3A_170 = tpu.memref_squeeze %dma_start3A_169 : memref<1x1x25x80xi32, #tpu.memory_space<hbm>> -> memref<25x80xi32, #tpu.memory_space<hbm>>
        tpu.enqueue_dma source(%dma_start3A_170 : memref<25x80xi32, #tpu.memory_space<hbm>>) target(%arg7 : memref<25x80xi32, #tpu.memory_space<vmem>>) target_semaphore(%run_scoped3A : memref<!tpu.dma_semaphore, #tpu.memory_space<semaphore_mem>>)
        %dma_wait3A_171 = arith.constant 0 : i32
        %dma_wait3A_172 = arith.constant 0 : i32
        %dma_wait3A_173 = tpu.memref_slice %arg3[%add3A, %scan3A_18, %dma_wait3A_171, %dma_wait3A_172] : memref<32x5x25x80xi32, #tpu.memory_space<hbm>> -> memref<1x1x25x80xi32, #tpu.memory_space<hbm>>
        %dma_wait3A_174 = tpu.memref_squeeze %dma_wait3A_173 : memref<1x1x25x80xi32, #tpu.memory_space<hbm>> -> memref<25x80xi32, #tpu.memory_space<hbm>>
        %dma_wait3A_175 = arith.constant 0 : i32
        %dma_wait3A_176 = arith.constant 0 : i32
        %dma_wait3A_177 = tpu.memref_slice %arg3[%add3A, %scan3A_18, %dma_wait3A_175, %dma_wait3A_176] : memref<32x5x25x80xi32, #tpu.memory_space<hbm>> -> memref<1x1x25x80xi32, #tpu.memory_space<hbm>>
        %dma_wait3A_178 = tpu.memref_squeeze %dma_wait3A_177 : memref<1x1x25x80xi32, #tpu.memory_space<hbm>> -> memref<25x80xi32, #tpu.memory_space<hbm>>
        tpu.wait_dma2 semaphore(%run_scoped3A : memref<!tpu.dma_semaphore, #tpu.memory_space<semaphore_mem>>) src(%dma_wait3A_178 : memref<25x80xi32, #tpu.memory_space<hbm>>) dst(%arg7 : memref<25x80xi32, #tpu.memory_space<vmem>>)
        tpu.yield
      }) : () -> ()
      "tpu.region"() ({
        %run_scoped3A = tpu.sem_alloc : memref<!tpu.dma_semaphore, #tpu.memory_space<semaphore_mem>>
        %dma_start3A_163 = arith.constant 0 : i32
        %dma_start3A_164 = arith.constant 0 : i32
        %dma_start3A_165 = tpu.memref_slice %arg4[%add3A, %scan3A_18, %dma_start3A_163, %dma_start3A_164] : memref<32x5x25x80xi32, #tpu.memory_space<hbm>> -> memref<1x1x25x80xi32, #tpu.memory_space<hbm>>
        %dma_start3A_166 = tpu.memref_squeeze %dma_start3A_165 : memref<1x1x25x80xi32, #tpu.memory_space<hbm>> -> memref<25x80xi32, #tpu.memory_space<hbm>>
        %dma_start3A_167 = arith.constant 0 : i32
        %dma_start3A_168 = arith.constant 0 : i32
        %dma_start3A_169 = tpu.memref_slice %arg4[%add3A, %scan3A_18, %dma_start3A_167, %dma_start3A_168] : memref<32x5x25x80xi32, #tpu.memory_space<hbm>> -> memref<1x1x25x80xi32, #tpu.memory_space<hbm>>
        %dma_start3A_170 = tpu.memref_squeeze %dma_start3A_169 : memref<1x1x25x80xi32, #tpu.memory_space<hbm>> -> memref<25x80xi32, #tpu.memory_space<hbm>>
        tpu.enqueue_dma source(%dma_start3A_170 : memref<25x80xi32, #tpu.memory_space<hbm>>) target(%arg8 : memref<25x80xi32, #tpu.memory_space<vmem>>) target_semaphore(%run_scoped3A : memref<!tpu.dma_semaphore, #tpu.memory_space<semaphore_mem>>)
        %dma_wait3A_171 = arith.constant 0 : i32
        %dma_wait3A_172 = arith.constant 0 : i32
        %dma_wait3A_173 = tpu.memref_slice %arg4[%add3A, %scan3A_18, %dma_wait3A_171, %dma_wait3A_172] : memref<32x5x25x80xi32, #tpu.memory_space<hbm>> -> memref<1x1x25x80xi32, #tpu.memory_space<hbm>>
        %dma_wait3A_174 = tpu.memref_squeeze %dma_wait3A_173 : memref<1x1x25x80xi32, #tpu.memory_space<hbm>> -> memref<25x80xi32, #tpu.memory_space<hbm>>
        %dma_wait3A_175 = arith.constant 0 : i32
        %dma_wait3A_176 = arith.constant 0 : i32
        %dma_wait3A_177 = tpu.memref_slice %arg4[%add3A, %scan3A_18, %dma_wait3A_175, %dma_wait3A_176] : memref<32x5x25x80xi32, #tpu.memory_space<hbm>> -> memref<1x1x25x80xi32, #tpu.memory_space<hbm>>
        %dma_wait3A_178 = tpu.memref_squeeze %dma_wait3A_177 : memref<1x1x25x80xi32, #tpu.memory_space<hbm>> -> memref<25x80xi32, #tpu.memory_space<hbm>>
        tpu.wait_dma2 semaphore(%run_scoped3A : memref<!tpu.dma_semaphore, #tpu.memory_space<semaphore_mem>>) src(%dma_wait3A_178 : memref<25x80xi32, #tpu.memory_space<hbm>>) dst(%arg8 : memref<25x80xi32, #tpu.memory_space<vmem>>)
        tpu.yield
      }) : () -> ()
      %dma_start3A = arith.constant 0 : i32
      %dma_start3A_19 = arith.constant 0 : i32
      %dma_start3A_20 = tpu.memref_slice %arg7[%dma_start3A, %dma_start3A_19] : memref<25x80xi32, #tpu.memory_space<vmem>> -> memref<1x80xi32, #tpu.memory_space<vmem>>
      %dma_start3A_21 = tpu.memref_squeeze %dma_start3A_20 : memref<1x80xi32, #tpu.memory_space<vmem>> -> memref<80xi32, #tpu.memory_space<vmem>>
      %dma_start3A_22 = arith.constant 0 : i32
      %dma_start3A_23 = arith.constant 0 : i32
      %dma_start3A_24 = tpu.memref_slice %arg2[%dma_start3A_22, %dma_start3A_23] : memref<10000x128xf32, #tpu.memory_space<hbm>> -> memref<10000x128xf32, #tpu.memory_space<hbm>>
      tpu.enqueue_indirect_dma source(%dma_start3A_24 : memref<10000x128xf32, #tpu.memory_space<hbm>>) target(%arg9 : memref<80x128xf32, #tpu.memory_space<vmem>>) offsets(%dma_start3A_21 : memref<80xi32, #tpu.memory_space<vmem>>) semaphore(%arg14 : memref<!tpu.dma_semaphore, #tpu.memory_space<semaphore_mem>>)
      %dma_start3A_25 = arith.constant 1 : i32
      %dma_start3A_26 = arith.constant 0 : i32
      %dma_start3A_27 = tpu.memref_slice %arg7[%dma_start3A_25, %dma_start3A_26] : memref<25x80xi32, #tpu.memory_space<vmem>> -> memref<1x80xi32, #tpu.memory_space<vmem>>
      %dma_start3A_28 = tpu.memref_squeeze %dma_start3A_27 : memref<1x80xi32, #tpu.memory_space<vmem>> -> memref<80xi32, #tpu.memory_space<vmem>>
      %dma_start3A_29 = arith.constant 0 : i32
      %dma_start3A_30 = arith.constant 0 : i32
      %dma_start3A_31 = tpu.memref_slice %arg2[%dma_start3A_29, %dma_start3A_30] : memref<10000x128xf32, #tpu.memory_space<hbm>> -> memref<10000x128xf32, #tpu.memory_space<hbm>>
      tpu.enqueue_indirect_dma source(%dma_start3A_31 : memref<10000x128xf32, #tpu.memory_space<hbm>>) target(%arg10 : memref<80x128xf32, #tpu.memory_space<vmem>>) offsets(%dma_start3A_28 : memref<80xi32, #tpu.memory_space<vmem>>) semaphore(%arg15 : memref<!tpu.dma_semaphore, #tpu.memory_space<semaphore_mem>>)
      %dma_start3A_32 = arith.constant 2 : i32
      %dma_start3A_33 = arith.constant 0 : i32
      %dma_start3A_34 = tpu.memref_slice %arg7[%dma_start3A_32, %dma_start3A_33] : memref<25x80xi32, #tpu.memory_space<vmem>> -> memref<1x80xi32, #tpu.memory_space<vmem>>
      %dma_start3A_35 = tpu.memref_squeeze %dma_start3A_34 : memref<1x80xi32, #tpu.memory_space<vmem>> -> memref<80xi32, #tpu.memory_space<vmem>>
      %dma_start3A_36 = arith.constant 0 : i32
      %dma_start3A_37 = arith.constant 0 : i32
      %dma_start3A_38 = tpu.memref_slice %arg2[%dma_start3A_36, %dma_start3A_37] : memref<10000x128xf32, #tpu.memory_space<hbm>> -> memref<10000x128xf32, #tpu.memory_space<hbm>>
      tpu.enqueue_indirect_dma source(%dma_start3A_38 : memref<10000x128xf32, #tpu.memory_space<hbm>>) target(%arg11 : memref<80x128xf32, #tpu.memory_space<vmem>>) offsets(%dma_start3A_35 : memref<80xi32, #tpu.memory_space<vmem>>) semaphore(%arg16 : memref<!tpu.dma_semaphore, #tpu.memory_space<semaphore_mem>>)
      %dma_start3A_39 = arith.constant 3 : i32
      %dma_start3A_40 = arith.constant 0 : i32
      %dma_start3A_41 = tpu.memref_slice %arg7[%dma_start3A_39, %dma_start3A_40] : memref<25x80xi32, #tpu.memory_space<vmem>> -> memref<1x80xi32, #tpu.memory_space<vmem>>
      %dma_start3A_42 = tpu.memref_squeeze %dma_start3A_41 : memref<1x80xi32, #tpu.memory_space<vmem>> -> memref<80xi32, #tpu.memory_space<vmem>>
      %dma_start3A_43 = arith.constant 0 : i32
      %dma_start3A_44 = arith.constant 0 : i32
      %dma_start3A_45 = tpu.memref_slice %arg2[%dma_start3A_43, %dma_start3A_44] : memref<10000x128xf32, #tpu.memory_space<hbm>> -> memref<10000x128xf32, #tpu.memory_space<hbm>>
      tpu.enqueue_indirect_dma source(%dma_start3A_45 : memref<10000x128xf32, #tpu.memory_space<hbm>>) target(%arg12 : memref<80x128xf32, #tpu.memory_space<vmem>>) offsets(%dma_start3A_42 : memref<80xi32, #tpu.memory_space<vmem>>) semaphore(%arg17 : memref<!tpu.dma_semaphore, #tpu.memory_space<semaphore_mem>>)
      %dma_wait3A = arith.constant 0 : i32
      %dma_wait3A_46 = arith.constant 0 : i32
      %dma_wait3A_47 = tpu.memref_slice %arg7[%dma_wait3A, %dma_wait3A_46] : memref<25x80xi32, #tpu.memory_space<vmem>> -> memref<1x80xi32, #tpu.memory_space<vmem>>
      %dma_wait3A_48 = tpu.memref_squeeze %dma_wait3A_47 : memref<1x80xi32, #tpu.memory_space<vmem>> -> memref<80xi32, #tpu.memory_space<vmem>>
      %dma_wait3A_49 = arith.constant 0 : i32
      %dma_wait3A_50 = arith.constant 0 : i32
      %dma_wait3A_51 = tpu.memref_slice %arg2[%dma_wait3A_49, %dma_wait3A_50] : memref<10000x128xf32, #tpu.memory_space<hbm>> -> memref<10000x128xf32, #tpu.memory_space<hbm>>
      tpu.wait_indirect_dma semaphore(%arg14 : memref<!tpu.dma_semaphore, #tpu.memory_space<semaphore_mem>>) src(%dma_wait3A_51 : memref<10000x128xf32, #tpu.memory_space<hbm>>) dst(%arg9 : memref<80x128xf32, #tpu.memory_space<vmem>>)
      %dma_start3A_52 = arith.constant 0 : i32
      %dma_start3A_53 = arith.constant 0 : i32
      %dma_start3A_54 = tpu.memref_slice %arg8[%dma_start3A_52, %dma_start3A_53] : memref<25x80xi32, #tpu.memory_space<vmem>> -> memref<1x80xi32, #tpu.memory_space<vmem>>
      %dma_start3A_55 = tpu.memref_squeeze %dma_start3A_54 : memref<1x80xi32, #tpu.memory_space<vmem>> -> memref<80xi32, #tpu.memory_space<vmem>>
      %dma_start3A_56 = arith.constant 0 : i32
      %dma_start3A_57 = arith.constant 0 : i32
      %dma_start3A_58 = tpu.memref_slice %arg13[%dma_start3A_56, %dma_start3A_57] : memref<10240x128xf32, #tpu.memory_space<vmem_shared>> -> memref<10240x128xf32, #tpu.memory_space<vmem_shared>>
      tpu.enqueue_indirect_dma source(%arg9 : memref<80x128xf32, #tpu.memory_space<vmem>>) target(%dma_start3A_58 : memref<10240x128xf32, #tpu.memory_space<vmem_shared>>) offsets(%dma_start3A_55 : memref<80xi32, #tpu.memory_space<vmem>>) semaphore(%arg18 : memref<!tpu.dma_semaphore, #tpu.memory_space<semaphore_mem>>) {add = true}
      %dma_wait3A_59 = arith.constant 1 : i32
      %dma_wait3A_60 = arith.constant 0 : i32
      %dma_wait3A_61 = tpu.memref_slice %arg7[%dma_wait3A_59, %dma_wait3A_60] : memref<25x80xi32, #tpu.memory_space<vmem>> -> memref<1x80xi32, #tpu.memory_space<vmem>>
      %dma_wait3A_62 = tpu.memref_squeeze %dma_wait3A_61 : memref<1x80xi32, #tpu.memory_space<vmem>> -> memref<80xi32, #tpu.memory_space<vmem>>
      %dma_wait3A_63 = arith.constant 0 : i32
      %dma_wait3A_64 = arith.constant 0 : i32
      %dma_wait3A_65 = tpu.memref_slice %arg2[%dma_wait3A_63, %dma_wait3A_64] : memref<10000x128xf32, #tpu.memory_space<hbm>> -> memref<10000x128xf32, #tpu.memory_space<hbm>>
      tpu.wait_indirect_dma semaphore(%arg15 : memref<!tpu.dma_semaphore, #tpu.memory_space<semaphore_mem>>) src(%dma_wait3A_65 : memref<10000x128xf32, #tpu.memory_space<hbm>>) dst(%arg10 : memref<80x128xf32, #tpu.memory_space<vmem>>)
      %dma_start3A_66 = arith.constant 1 : i32
      %dma_start3A_67 = arith.constant 0 : i32
      %dma_start3A_68 = tpu.memref_slice %arg8[%dma_start3A_66, %dma_start3A_67] : memref<25x80xi32, #tpu.memory_space<vmem>> -> memref<1x80xi32, #tpu.memory_space<vmem>>
      %dma_start3A_69 = tpu.memref_squeeze %dma_start3A_68 : memref<1x80xi32, #tpu.memory_space<vmem>> -> memref<80xi32, #tpu.memory_space<vmem>>
      %dma_start3A_70 = arith.constant 0 : i32
      %dma_start3A_71 = arith.constant 0 : i32
      %dma_start3A_72 = tpu.memref_slice %arg13[%dma_start3A_70, %dma_start3A_71] : memref<10240x128xf32, #tpu.memory_space<vmem_shared>> -> memref<10240x128xf32, #tpu.memory_space<vmem_shared>>
      tpu.enqueue_indirect_dma source(%arg10 : memref<80x128xf32, #tpu.memory_space<vmem>>) target(%dma_start3A_72 : memref<10240x128xf32, #tpu.memory_space<vmem_shared>>) offsets(%dma_start3A_69 : memref<80xi32, #tpu.memory_space<vmem>>) semaphore(%arg19 : memref<!tpu.dma_semaphore, #tpu.memory_space<semaphore_mem>>) {add = true}
      %dma_wait3A_73 = arith.constant 2 : i32
      %dma_wait3A_74 = arith.constant 0 : i32
      %dma_wait3A_75 = tpu.memref_slice %arg7[%dma_wait3A_73, %dma_wait3A_74] : memref<25x80xi32, #tpu.memory_space<vmem>> -> memref<1x80xi32, #tpu.memory_space<vmem>>
      %dma_wait3A_76 = tpu.memref_squeeze %dma_wait3A_75 : memref<1x80xi32, #tpu.memory_space<vmem>> -> memref<80xi32, #tpu.memory_space<vmem>>
      %dma_wait3A_77 = arith.constant 0 : i32
      %dma_wait3A_78 = arith.constant 0 : i32
      %dma_wait3A_79 = tpu.memref_slice %arg2[%dma_wait3A_77, %dma_wait3A_78] : memref<10000x128xf32, #tpu.memory_space<hbm>> -> memref<10000x128xf32, #tpu.memory_space<hbm>>
      tpu.wait_indirect_dma semaphore(%arg16 : memref<!tpu.dma_semaphore, #tpu.memory_space<semaphore_mem>>) src(%dma_wait3A_79 : memref<10000x128xf32, #tpu.memory_space<hbm>>) dst(%arg11 : memref<80x128xf32, #tpu.memory_space<vmem>>)
      %dma_start3A_80 = arith.constant 2 : i32
      %dma_start3A_81 = arith.constant 0 : i32
      %dma_start3A_82 = tpu.memref_slice %arg8[%dma_start3A_80, %dma_start3A_81] : memref<25x80xi32, #tpu.memory_space<vmem>> -> memref<1x80xi32, #tpu.memory_space<vmem>>
      %dma_start3A_83 = tpu.memref_squeeze %dma_start3A_82 : memref<1x80xi32, #tpu.memory_space<vmem>> -> memref<80xi32, #tpu.memory_space<vmem>>
      %dma_start3A_84 = arith.constant 0 : i32
      %dma_start3A_85 = arith.constant 0 : i32
      %dma_start3A_86 = tpu.memref_slice %arg13[%dma_start3A_84, %dma_start3A_85] : memref<10240x128xf32, #tpu.memory_space<vmem_shared>> -> memref<10240x128xf32, #tpu.memory_space<vmem_shared>>
      tpu.enqueue_indirect_dma source(%arg11 : memref<80x128xf32, #tpu.memory_space<vmem>>) target(%dma_start3A_86 : memref<10240x128xf32, #tpu.memory_space<vmem_shared>>) offsets(%dma_start3A_83 : memref<80xi32, #tpu.memory_space<vmem>>) semaphore(%arg20 : memref<!tpu.dma_semaphore, #tpu.memory_space<semaphore_mem>>) {add = true}
      %dma_wait3A_87 = arith.constant 3 : i32
      %dma_wait3A_88 = arith.constant 0 : i32
      %dma_wait3A_89 = tpu.memref_slice %arg7[%dma_wait3A_87, %dma_wait3A_88] : memref<25x80xi32, #tpu.memory_space<vmem>> -> memref<1x80xi32, #tpu.memory_space<vmem>>
      %dma_wait3A_90 = tpu.memref_squeeze %dma_wait3A_89 : memref<1x80xi32, #tpu.memory_space<vmem>> -> memref<80xi32, #tpu.memory_space<vmem>>
      %dma_wait3A_91 = arith.constant 0 : i32
      %dma_wait3A_92 = arith.constant 0 : i32
      %dma_wait3A_93 = tpu.memref_slice %arg2[%dma_wait3A_91, %dma_wait3A_92] : memref<10000x128xf32, #tpu.memory_space<hbm>> -> memref<10000x128xf32, #tpu.memory_space<hbm>>
      tpu.wait_indirect_dma semaphore(%arg17 : memref<!tpu.dma_semaphore, #tpu.memory_space<semaphore_mem>>) src(%dma_wait3A_93 : memref<10000x128xf32, #tpu.memory_space<hbm>>) dst(%arg12 : memref<80x128xf32, #tpu.memory_space<vmem>>)
      %dma_start3A_94 = arith.constant 3 : i32
      %dma_start3A_95 = arith.constant 0 : i32
      %dma_start3A_96 = tpu.memref_slice %arg8[%dma_start3A_94, %dma_start3A_95] : memref<25x80xi32, #tpu.memory_space<vmem>> -> memref<1x80xi32, #tpu.memory_space<vmem>>
      %dma_start3A_97 = tpu.memref_squeeze %dma_start3A_96 : memref<1x80xi32, #tpu.memory_space<vmem>> -> memref<80xi32, #tpu.memory_space<vmem>>
      %dma_start3A_98 = arith.constant 0 : i32
      %dma_start3A_99 = arith.constant 0 : i32
      %dma_start3A_100 = tpu.memref_slice %arg13[%dma_start3A_98, %dma_start3A_99] : memref<10240x128xf32, #tpu.memory_space<vmem_shared>> -> memref<10240x128xf32, #tpu.memory_space<vmem_shared>>
      tpu.enqueue_indirect_dma source(%arg12 : memref<80x128xf32, #tpu.memory_space<vmem>>) target(%dma_start3A_100 : memref<10240x128xf32, #tpu.memory_space<vmem_shared>>) offsets(%dma_start3A_97 : memref<80xi32, #tpu.memory_space<vmem>>) semaphore(%arg21 : memref<!tpu.dma_semaphore, #tpu.memory_space<semaphore_mem>>) {add = true}
      %scan3A_101 = arith.constant 0 : i32
      %scan3A_102 = arith.constant 1 : i32
      %scan3A_103 = arith.constant 5 : i32
      %scan3A_104 = arith.addi %scan3A_102, %scan3A_103 : i32
      %scan3A_105 = arith.constant 1 : i32
      scf.for %scan3A_163 = %scan3A_102 to %scan3A_104 step %scan3A_105  : i32 {
        %mul3A_164 = arith.constant 4 : i32
        %mul3A_165 = arith.muli %scan3A_163, %mul3A_164 : i32
        %add3A_166 = arith.constant 0 : i32
        %add3A_167 = arith.addi %mul3A_165, %add3A_166 : i32
        %sub3A = arith.constant 4 : i32
        %sub3A_168 = arith.subi %add3A_167, %sub3A : i32
        %dma_wait3A_169 = arith.constant 0 : i32
        %dma_wait3A_170 = tpu.memref_slice %arg8[%sub3A_168, %dma_wait3A_169] : memref<25x80xi32, #tpu.memory_space<vmem>> -> memref<1x80xi32, #tpu.memory_space<vmem>>
        %dma_wait3A_171 = tpu.memref_squeeze %dma_wait3A_170 : memref<1x80xi32, #tpu.memory_space<vmem>> -> memref<80xi32, #tpu.memory_space<vmem>>
        %dma_wait3A_172 = arith.constant 0 : i32
        %dma_wait3A_173 = arith.constant 0 : i32
        %dma_wait3A_174 = tpu.memref_slice %arg13[%dma_wait3A_172, %dma_wait3A_173] : memref<10240x128xf32, #tpu.memory_space<vmem_shared>> -> memref<10240x128xf32, #tpu.memory_space<vmem_shared>>
        tpu.wait_indirect_dma semaphore(%arg18 : memref<!tpu.dma_semaphore, #tpu.memory_space<semaphore_mem>>) src(%arg9 : memref<80x128xf32, #tpu.memory_space<vmem>>) dst(%dma_wait3A_174 : memref<10240x128xf32, #tpu.memory_space<vmem_shared>>)
        %add3A_175 = arith.constant 0 : i32
        %add3A_176 = arith.addi %mul3A_165, %add3A_175 : i32
        %dma_start3A_177 = arith.constant 0 : i32
        %dma_start3A_178 = tpu.memref_slice %arg7[%add3A_176, %dma_start3A_177] : memref<25x80xi32, #tpu.memory_space<vmem>> -> memref<1x80xi32, #tpu.memory_space<vmem>>
        %dma_start3A_179 = tpu.memref_squeeze %dma_start3A_178 : memref<1x80xi32, #tpu.memory_space<vmem>> -> memref<80xi32, #tpu.memory_space<vmem>>
        %dma_start3A_180 = arith.constant 0 : i32
        %dma_start3A_181 = arith.constant 0 : i32
        %dma_start3A_182 = tpu.memref_slice %arg2[%dma_start3A_180, %dma_start3A_181] : memref<10000x128xf32, #tpu.memory_space<hbm>> -> memref<10000x128xf32, #tpu.memory_space<hbm>>
        tpu.enqueue_indirect_dma source(%dma_start3A_182 : memref<10000x128xf32, #tpu.memory_space<hbm>>) target(%arg9 : memref<80x128xf32, #tpu.memory_space<vmem>>) offsets(%dma_start3A_179 : memref<80xi32, #tpu.memory_space<vmem>>) semaphore(%arg14 : memref<!tpu.dma_semaphore, #tpu.memory_space<semaphore_mem>>)
        %add3A_183 = arith.constant 1 : i32
        %add3A_184 = arith.addi %mul3A_165, %add3A_183 : i32
        %sub3A_185 = arith.constant 4 : i32
        %sub3A_186 = arith.subi %add3A_184, %sub3A_185 : i32
        %dma_wait3A_187 = arith.constant 0 : i32
        %dma_wait3A_188 = tpu.memref_slice %arg8[%sub3A_186, %dma_wait3A_187] : memref<25x80xi32, #tpu.memory_space<vmem>> -> memref<1x80xi32, #tpu.memory_space<vmem>>
        %dma_wait3A_189 = tpu.memref_squeeze %dma_wait3A_188 : memref<1x80xi32, #tpu.memory_space<vmem>> -> memref<80xi32, #tpu.memory_space<vmem>>
        %dma_wait3A_190 = arith.constant 0 : i32
        %dma_wait3A_191 = arith.constant 0 : i32
        %dma_wait3A_192 = tpu.memref_slice %arg13[%dma_wait3A_190, %dma_wait3A_191] : memref<10240x128xf32, #tpu.memory_space<vmem_shared>> -> memref<10240x128xf32, #tpu.memory_space<vmem_shared>>
        tpu.wait_indirect_dma semaphore(%arg19 : memref<!tpu.dma_semaphore, #tpu.memory_space<semaphore_mem>>) src(%arg10 : memref<80x128xf32, #tpu.memory_space<vmem>>) dst(%dma_wait3A_192 : memref<10240x128xf32, #tpu.memory_space<vmem_shared>>)
        %add3A_193 = arith.constant 1 : i32
        %add3A_194 = arith.addi %mul3A_165, %add3A_193 : i32
        %dma_start3A_195 = arith.constant 0 : i32
        %dma_start3A_196 = tpu.memref_slice %arg7[%add3A_194, %dma_start3A_195] : memref<25x80xi32, #tpu.memory_space<vmem>> -> memref<1x80xi32, #tpu.memory_space<vmem>>
        %dma_start3A_197 = tpu.memref_squeeze %dma_start3A_196 : memref<1x80xi32, #tpu.memory_space<vmem>> -> memref<80xi32, #tpu.memory_space<vmem>>
        %dma_start3A_198 = arith.constant 0 : i32
        %dma_start3A_199 = arith.constant 0 : i32
        %dma_start3A_200 = tpu.memref_slice %arg2[%dma_start3A_198, %dma_start3A_199] : memref<10000x128xf32, #tpu.memory_space<hbm>> -> memref<10000x128xf32, #tpu.memory_space<hbm>>
        tpu.enqueue_indirect_dma source(%dma_start3A_200 : memref<10000x128xf32, #tpu.memory_space<hbm>>) target(%arg10 : memref<80x128xf32, #tpu.memory_space<vmem>>) offsets(%dma_start3A_197 : memref<80xi32, #tpu.memory_space<vmem>>) semaphore(%arg15 : memref<!tpu.dma_semaphore, #tpu.memory_space<semaphore_mem>>)
        %add3A_201 = arith.constant 2 : i32
        %add3A_202 = arith.addi %mul3A_165, %add3A_201 : i32
        %sub3A_203 = arith.constant 4 : i32
        %sub3A_204 = arith.subi %add3A_202, %sub3A_203 : i32
        %dma_wait3A_205 = arith.constant 0 : i32
        %dma_wait3A_206 = tpu.memref_slice %arg8[%sub3A_204, %dma_wait3A_205] : memref<25x80xi32, #tpu.memory_space<vmem>> -> memref<1x80xi32, #tpu.memory_space<vmem>>
        %dma_wait3A_207 = tpu.memref_squeeze %dma_wait3A_206 : memref<1x80xi32, #tpu.memory_space<vmem>> -> memref<80xi32, #tpu.memory_space<vmem>>
        %dma_wait3A_208 = arith.constant 0 : i32
        %dma_wait3A_209 = arith.constant 0 : i32
        %dma_wait3A_210 = tpu.memref_slice %arg13[%dma_wait3A_208, %dma_wait3A_209] : memref<10240x128xf32, #tpu.memory_space<vmem_shared>> -> memref<10240x128xf32, #tpu.memory_space<vmem_shared>>
        tpu.wait_indirect_dma semaphore(%arg20 : memref<!tpu.dma_semaphore, #tpu.memory_space<semaphore_mem>>) src(%arg11 : memref<80x128xf32, #tpu.memory_space<vmem>>) dst(%dma_wait3A_210 : memref<10240x128xf32, #tpu.memory_space<vmem_shared>>)
        %add3A_211 = arith.constant 2 : i32
        %add3A_212 = arith.addi %mul3A_165, %add3A_211 : i32
        %dma_start3A_213 = arith.constant 0 : i32
        %dma_start3A_214 = tpu.memref_slice %arg7[%add3A_212, %dma_start3A_213] : memref<25x80xi32, #tpu.memory_space<vmem>> -> memref<1x80xi32, #tpu.memory_space<vmem>>
        %dma_start3A_215 = tpu.memref_squeeze %dma_start3A_214 : memref<1x80xi32, #tpu.memory_space<vmem>> -> memref<80xi32, #tpu.memory_space<vmem>>
        %dma_start3A_216 = arith.constant 0 : i32
        %dma_start3A_217 = arith.constant 0 : i32
        %dma_start3A_218 = tpu.memref_slice %arg2[%dma_start3A_216, %dma_start3A_217] : memref<10000x128xf32, #tpu.memory_space<hbm>> -> memref<10000x128xf32, #tpu.memory_space<hbm>>
        tpu.enqueue_indirect_dma source(%dma_start3A_218 : memref<10000x128xf32, #tpu.memory_space<hbm>>) target(%arg11 : memref<80x128xf32, #tpu.memory_space<vmem>>) offsets(%dma_start3A_215 : memref<80xi32, #tpu.memory_space<vmem>>) semaphore(%arg16 : memref<!tpu.dma_semaphore, #tpu.memory_space<semaphore_mem>>)
        %add3A_219 = arith.constant 3 : i32
        %add3A_220 = arith.addi %mul3A_165, %add3A_219 : i32
        %sub3A_221 = arith.constant 4 : i32
        %sub3A_222 = arith.subi %add3A_220, %sub3A_221 : i32
        %dma_wait3A_223 = arith.constant 0 : i32
        %dma_wait3A_224 = tpu.memref_slice %arg8[%sub3A_222, %dma_wait3A_223] : memref<25x80xi32, #tpu.memory_space<vmem>> -> memref<1x80xi32, #tpu.memory_space<vmem>>
        %dma_wait3A_225 = tpu.memref_squeeze %dma_wait3A_224 : memref<1x80xi32, #tpu.memory_space<vmem>> -> memref<80xi32, #tpu.memory_space<vmem>>
        %dma_wait3A_226 = arith.constant 0 : i32
        %dma_wait3A_227 = arith.constant 0 : i32
        %dma_wait3A_228 = tpu.memref_slice %arg13[%dma_wait3A_226, %dma_wait3A_227] : memref<10240x128xf32, #tpu.memory_space<vmem_shared>> -> memref<10240x128xf32, #tpu.memory_space<vmem_shared>>
        tpu.wait_indirect_dma semaphore(%arg21 : memref<!tpu.dma_semaphore, #tpu.memory_space<semaphore_mem>>) src(%arg12 : memref<80x128xf32, #tpu.memory_space<vmem>>) dst(%dma_wait3A_228 : memref<10240x128xf32, #tpu.memory_space<vmem_shared>>)
        %add3A_229 = arith.constant 3 : i32
        %add3A_230 = arith.addi %mul3A_165, %add3A_229 : i32
        %dma_start3A_231 = arith.constant 0 : i32
        %dma_start3A_232 = tpu.memref_slice %arg7[%add3A_230, %dma_start3A_231] : memref<25x80xi32, #tpu.memory_space<vmem>> -> memref<1x80xi32, #tpu.memory_space<vmem>>
        %dma_start3A_233 = tpu.memref_squeeze %dma_start3A_232 : memref<1x80xi32, #tpu.memory_space<vmem>> -> memref<80xi32, #tpu.memory_space<vmem>>
        %dma_start3A_234 = arith.constant 0 : i32
        %dma_start3A_235 = arith.constant 0 : i32
        %dma_start3A_236 = tpu.memref_slice %arg2[%dma_start3A_234, %dma_start3A_235] : memref<10000x128xf32, #tpu.memory_space<hbm>> -> memref<10000x128xf32, #tpu.memory_space<hbm>>
        tpu.enqueue_indirect_dma source(%dma_start3A_236 : memref<10000x128xf32, #tpu.memory_space<hbm>>) target(%arg12 : memref<80x128xf32, #tpu.memory_space<vmem>>) offsets(%dma_start3A_233 : memref<80xi32, #tpu.memory_space<vmem>>) semaphore(%arg17 : memref<!tpu.dma_semaphore, #tpu.memory_space<semaphore_mem>>)
        %dma_wait3A_237 = arith.constant 0 : i32
        %dma_wait3A_238 = tpu.memref_slice %arg7[%add3A_176, %dma_wait3A_237] : memref<25x80xi32, #tpu.memory_space<vmem>> -> memref<1x80xi32, #tpu.memory_space<vmem>>
        %dma_wait3A_239 = tpu.memref_squeeze %dma_wait3A_238 : memref<1x80xi32, #tpu.memory_space<vmem>> -> memref<80xi32, #tpu.memory_space<vmem>>
        %dma_wait3A_240 = arith.constant 0 : i32
        %dma_wait3A_241 = arith.constant 0 : i32
        %dma_wait3A_242 = tpu.memref_slice %arg2[%dma_wait3A_240, %dma_wait3A_241] : memref<10000x128xf32, #tpu.memory_space<hbm>> -> memref<10000x128xf32, #tpu.memory_space<hbm>>
        tpu.wait_indirect_dma semaphore(%arg14 : memref<!tpu.dma_semaphore, #tpu.memory_space<semaphore_mem>>) src(%dma_wait3A_242 : memref<10000x128xf32, #tpu.memory_space<hbm>>) dst(%arg9 : memref<80x128xf32, #tpu.memory_space<vmem>>)
        %add3A_243 = arith.constant 0 : i32
        %add3A_244 = arith.addi %mul3A_165, %add3A_243 : i32
        %dma_start3A_245 = arith.constant 0 : i32
        %dma_start3A_246 = tpu.memref_slice %arg8[%add3A_244, %dma_start3A_245] : memref<25x80xi32, #tpu.memory_space<vmem>> -> memref<1x80xi32, #tpu.memory_space<vmem>>
        %dma_start3A_247 = tpu.memref_squeeze %dma_start3A_246 : memref<1x80xi32, #tpu.memory_space<vmem>> -> memref<80xi32, #tpu.memory_space<vmem>>
        %dma_start3A_248 = arith.constant 0 : i32
        %dma_start3A_249 = arith.constant 0 : i32
        %dma_start3A_250 = tpu.memref_slice %arg13[%dma_start3A_248, %dma_start3A_249] : memref<10240x128xf32, #tpu.memory_space<vmem_shared>> -> memref<10240x128xf32, #tpu.memory_space<vmem_shared>>
        tpu.enqueue_indirect_dma source(%arg9 : memref<80x128xf32, #tpu.memory_space<vmem>>) target(%dma_start3A_250 : memref<10240x128xf32, #tpu.memory_space<vmem_shared>>) offsets(%dma_start3A_247 : memref<80xi32, #tpu.memory_space<vmem>>) semaphore(%arg18 : memref<!tpu.dma_semaphore, #tpu.memory_space<semaphore_mem>>) {add = true}
        %dma_wait3A_251 = arith.constant 0 : i32
        %dma_wait3A_252 = tpu.memref_slice %arg7[%add3A_194, %dma_wait3A_251] : memref<25x80xi32, #tpu.memory_space<vmem>> -> memref<1x80xi32, #tpu.memory_space<vmem>>
        %dma_wait3A_253 = tpu.memref_squeeze %dma_wait3A_252 : memref<1x80xi32, #tpu.memory_space<vmem>> -> memref<80xi32, #tpu.memory_space<vmem>>
        %dma_wait3A_254 = arith.constant 0 : i32
        %dma_wait3A_255 = arith.constant 0 : i32
        %dma_wait3A_256 = tpu.memref_slice %arg2[%dma_wait3A_254, %dma_wait3A_255] : memref<10000x128xf32, #tpu.memory_space<hbm>> -> memref<10000x128xf32, #tpu.memory_space<hbm>>
        tpu.wait_indirect_dma semaphore(%arg15 : memref<!tpu.dma_semaphore, #tpu.memory_space<semaphore_mem>>) src(%dma_wait3A_256 : memref<10000x128xf32, #tpu.memory_space<hbm>>) dst(%arg10 : memref<80x128xf32, #tpu.memory_space<vmem>>)
        %add3A_257 = arith.constant 1 : i32
        %add3A_258 = arith.addi %mul3A_165, %add3A_257 : i32
        %dma_start3A_259 = arith.constant 0 : i32
        %dma_start3A_260 = tpu.memref_slice %arg8[%add3A_258, %dma_start3A_259] : memref<25x80xi32, #tpu.memory_space<vmem>> -> memref<1x80xi32, #tpu.memory_space<vmem>>
        %dma_start3A_261 = tpu.memref_squeeze %dma_start3A_260 : memref<1x80xi32, #tpu.memory_space<vmem>> -> memref<80xi32, #tpu.memory_space<vmem>>
        %dma_start3A_262 = arith.constant 0 : i32
        %dma_start3A_263 = arith.constant 0 : i32
        %dma_start3A_264 = tpu.memref_slice %arg13[%dma_start3A_262, %dma_start3A_263] : memref<10240x128xf32, #tpu.memory_space<vmem_shared>> -> memref<10240x128xf32, #tpu.memory_space<vmem_shared>>
        tpu.enqueue_indirect_dma source(%arg10 : memref<80x128xf32, #tpu.memory_space<vmem>>) target(%dma_start3A_264 : memref<10240x128xf32, #tpu.memory_space<vmem_shared>>) offsets(%dma_start3A_261 : memref<80xi32, #tpu.memory_space<vmem>>) semaphore(%arg19 : memref<!tpu.dma_semaphore, #tpu.memory_space<semaphore_mem>>) {add = true}
        %dma_wait3A_265 = arith.constant 0 : i32
        %dma_wait3A_266 = tpu.memref_slice %arg7[%add3A_212, %dma_wait3A_265] : memref<25x80xi32, #tpu.memory_space<vmem>> -> memref<1x80xi32, #tpu.memory_space<vmem>>
        %dma_wait3A_267 = tpu.memref_squeeze %dma_wait3A_266 : memref<1x80xi32, #tpu.memory_space<vmem>> -> memref<80xi32, #tpu.memory_space<vmem>>
        %dma_wait3A_268 = arith.constant 0 : i32
        %dma_wait3A_269 = arith.constant 0 : i32
        %dma_wait3A_270 = tpu.memref_slice %arg2[%dma_wait3A_268, %dma_wait3A_269] : memref<10000x128xf32, #tpu.memory_space<hbm>> -> memref<10000x128xf32, #tpu.memory_space<hbm>>
        tpu.wait_indirect_dma semaphore(%arg16 : memref<!tpu.dma_semaphore, #tpu.memory_space<semaphore_mem>>) src(%dma_wait3A_270 : memref<10000x128xf32, #tpu.memory_space<hbm>>) dst(%arg11 : memref<80x128xf32, #tpu.memory_space<vmem>>)
        %add3A_271 = arith.constant 2 : i32
        %add3A_272 = arith.addi %mul3A_165, %add3A_271 : i32
        %dma_start3A_273 = arith.constant 0 : i32
        %dma_start3A_274 = tpu.memref_slice %arg8[%add3A_272, %dma_start3A_273] : memref<25x80xi32, #tpu.memory_space<vmem>> -> memref<1x80xi32, #tpu.memory_space<vmem>>
        %dma_start3A_275 = tpu.memref_squeeze %dma_start3A_274 : memref<1x80xi32, #tpu.memory_space<vmem>> -> memref<80xi32, #tpu.memory_space<vmem>>
        %dma_start3A_276 = arith.constant 0 : i32
        %dma_start3A_277 = arith.constant 0 : i32
        %dma_start3A_278 = tpu.memref_slice %arg13[%dma_start3A_276, %dma_start3A_277] : memref<10240x128xf32, #tpu.memory_space<vmem_shared>> -> memref<10240x128xf32, #tpu.memory_space<vmem_shared>>
        tpu.enqueue_indirect_dma source(%arg11 : memref<80x128xf32, #tpu.memory_space<vmem>>) target(%dma_start3A_278 : memref<10240x128xf32, #tpu.memory_space<vmem_shared>>) offsets(%dma_start3A_275 : memref<80xi32, #tpu.memory_space<vmem>>) semaphore(%arg20 : memref<!tpu.dma_semaphore, #tpu.memory_space<semaphore_mem>>) {add = true}
        %dma_wait3A_279 = arith.constant 0 : i32
        %dma_wait3A_280 = tpu.memref_slice %arg7[%add3A_230, %dma_wait3A_279] : memref<25x80xi32, #tpu.memory_space<vmem>> -> memref<1x80xi32, #tpu.memory_space<vmem>>
        %dma_wait3A_281 = tpu.memref_squeeze %dma_wait3A_280 : memref<1x80xi32, #tpu.memory_space<vmem>> -> memref<80xi32, #tpu.memory_space<vmem>>
        %dma_wait3A_282 = arith.constant 0 : i32
        %dma_wait3A_283 = arith.constant 0 : i32
        %dma_wait3A_284 = tpu.memref_slice %arg2[%dma_wait3A_282, %dma_wait3A_283] : memref<10000x128xf32, #tpu.memory_space<hbm>> -> memref<10000x128xf32, #tpu.memory_space<hbm>>
        tpu.wait_indirect_dma semaphore(%arg17 : memref<!tpu.dma_semaphore, #tpu.memory_space<semaphore_mem>>) src(%dma_wait3A_284 : memref<10000x128xf32, #tpu.memory_space<hbm>>) dst(%arg12 : memref<80x128xf32, #tpu.memory_space<vmem>>)
        %add3A_285 = arith.constant 3 : i32
        %add3A_286 = arith.addi %mul3A_165, %add3A_285 : i32
        %dma_start3A_287 = arith.constant 0 : i32
        %dma_start3A_288 = tpu.memref_slice %arg8[%add3A_286, %dma_start3A_287] : memref<25x80xi32, #tpu.memory_space<vmem>> -> memref<1x80xi32, #tpu.memory_space<vmem>>
        %dma_start3A_289 = tpu.memref_squeeze %dma_start3A_288 : memref<1x80xi32, #tpu.memory_space<vmem>> -> memref<80xi32, #tpu.memory_space<vmem>>
        %dma_start3A_290 = arith.constant 0 : i32
        %dma_start3A_291 = arith.constant 0 : i32
        %dma_start3A_292 = tpu.memref_slice %arg13[%dma_start3A_290, %dma_start3A_291] : memref<10240x128xf32, #tpu.memory_space<vmem_shared>> -> memref<10240x128xf32, #tpu.memory_space<vmem_shared>>
        tpu.enqueue_indirect_dma source(%arg12 : memref<80x128xf32, #tpu.memory_space<vmem>>) target(%dma_start3A_292 : memref<10240x128xf32, #tpu.memory_space<vmem_shared>>) offsets(%dma_start3A_289 : memref<80xi32, #tpu.memory_space<vmem>>) semaphore(%arg21 : memref<!tpu.dma_semaphore, #tpu.memory_space<semaphore_mem>>) {add = true}
      }
      %scan3A_106 = arith.constant 5 : i32
      %dma_wait3A_107 = arith.constant 20 : i32
      %dma_wait3A_108 = arith.constant 0 : i32
      %dma_wait3A_109 = tpu.memref_slice %arg8[%dma_wait3A_107, %dma_wait3A_108] : memref<25x80xi32, #tpu.memory_space<vmem>> -> memref<1x80xi32, #tpu.memory_space<vmem>>
      %dma_wait3A_110 = tpu.memref_squeeze %dma_wait3A_109 : memref<1x80xi32, #tpu.memory_space<vmem>> -> memref<80xi32, #tpu.memory_space<vmem>>
      %dma_wait3A_111 = arith.constant 0 : i32
      %dma_wait3A_112 = arith.constant 0 : i32
      %dma_wait3A_113 = tpu.memref_slice %arg13[%dma_wait3A_111, %dma_wait3A_112] : memref<10240x128xf32, #tpu.memory_space<vmem_shared>> -> memref<10240x128xf32, #tpu.memory_space<vmem_shared>>
      tpu.wait_indirect_dma semaphore(%arg18 : memref<!tpu.dma_semaphore, #tpu.memory_space<semaphore_mem>>) src(%arg9 : memref<80x128xf32, #tpu.memory_space<vmem>>) dst(%dma_wait3A_113 : memref<10240x128xf32, #tpu.memory_space<vmem_shared>>)
      %dma_start3A_114 = arith.constant 24 : i32
      %dma_start3A_115 = arith.constant 0 : i32
      %dma_start3A_116 = tpu.memref_slice %arg7[%dma_start3A_114, %dma_start3A_115] : memref<25x80xi32, #tpu.memory_space<vmem>> -> memref<1x80xi32, #tpu.memory_space<vmem>>
      %dma_start3A_117 = tpu.memref_squeeze %dma_start3A_116 : memref<1x80xi32, #tpu.memory_space<vmem>> -> memref<80xi32, #tpu.memory_space<vmem>>
      %dma_start3A_118 = arith.constant 0 : i32
      %dma_start3A_119 = arith.constant 0 : i32
      %dma_start3A_120 = tpu.memref_slice %arg2[%dma_start3A_118, %dma_start3A_119] : memref<10000x128xf32, #tpu.memory_space<hbm>> -> memref<10000x128xf32, #tpu.memory_space<hbm>>
      tpu.enqueue_indirect_dma source(%dma_start3A_120 : memref<10000x128xf32, #tpu.memory_space<hbm>>) target(%arg9 : memref<80x128xf32, #tpu.memory_space<vmem>>) offsets(%dma_start3A_117 : memref<80xi32, #tpu.memory_space<vmem>>) semaphore(%arg14 : memref<!tpu.dma_semaphore, #tpu.memory_space<semaphore_mem>>)
      %dma_wait3A_121 = arith.constant 24 : i32
      %dma_wait3A_122 = arith.constant 0 : i32
      %dma_wait3A_123 = tpu.memref_slice %arg7[%dma_wait3A_121, %dma_wait3A_122] : memref<25x80xi32, #tpu.memory_space<vmem>> -> memref<1x80xi32, #tpu.memory_space<vmem>>
      %dma_wait3A_124 = tpu.memref_squeeze %dma_wait3A_123 : memref<1x80xi32, #tpu.memory_space<vmem>> -> memref<80xi32, #tpu.memory_space<vmem>>
      %dma_wait3A_125 = arith.constant 0 : i32
      %dma_wait3A_126 = arith.constant 0 : i32
      %dma_wait3A_127 = tpu.memref_slice %arg2[%dma_wait3A_125, %dma_wait3A_126] : memref<10000x128xf32, #tpu.memory_space<hbm>> -> memref<10000x128xf32, #tpu.memory_space<hbm>>
      tpu.wait_indirect_dma semaphore(%arg14 : memref<!tpu.dma_semaphore, #tpu.memory_space<semaphore_mem>>) src(%dma_wait3A_127 : memref<10000x128xf32, #tpu.memory_space<hbm>>) dst(%arg9 : memref<80x128xf32, #tpu.memory_space<vmem>>)
      %dma_start3A_128 = arith.constant 24 : i32
      %dma_start3A_129 = arith.constant 0 : i32
      %dma_start3A_130 = tpu.memref_slice %arg8[%dma_start3A_128, %dma_start3A_129] : memref<25x80xi32, #tpu.memory_space<vmem>> -> memref<1x80xi32, #tpu.memory_space<vmem>>
      %dma_start3A_131 = tpu.memref_squeeze %dma_start3A_130 : memref<1x80xi32, #tpu.memory_space<vmem>> -> memref<80xi32, #tpu.memory_space<vmem>>
      %dma_start3A_132 = arith.constant 0 : i32
      %dma_start3A_133 = arith.constant 0 : i32
      %dma_start3A_134 = tpu.memref_slice %arg13[%dma_start3A_132, %dma_start3A_133] : memref<10240x128xf32, #tpu.memory_space<vmem_shared>> -> memref<10240x128xf32, #tpu.memory_space<vmem_shared>>
      tpu.enqueue_indirect_dma source(%arg9 : memref<80x128xf32, #tpu.memory_space<vmem>>) target(%dma_start3A_134 : memref<10240x128xf32, #tpu.memory_space<vmem_shared>>) offsets(%dma_start3A_131 : memref<80xi32, #tpu.memory_space<vmem>>) semaphore(%arg18 : memref<!tpu.dma_semaphore, #tpu.memory_space<semaphore_mem>>) {add = true}
      %dma_wait3A_135 = arith.constant 24 : i32
      %dma_wait3A_136 = arith.constant 0 : i32
      %dma_wait3A_137 = tpu.memref_slice %arg8[%dma_wait3A_135, %dma_wait3A_136] : memref<25x80xi32, #tpu.memory_space<vmem>> -> memref<1x80xi32, #tpu.memory_space<vmem>>
      %dma_wait3A_138 = tpu.memref_squeeze %dma_wait3A_137 : memref<1x80xi32, #tpu.memory_space<vmem>> -> memref<80xi32, #tpu.memory_space<vmem>>
      %dma_wait3A_139 = arith.constant 0 : i32
      %dma_wait3A_140 = arith.constant 0 : i32
      %dma_wait3A_141 = tpu.memref_slice %arg13[%dma_wait3A_139, %dma_wait3A_140] : memref<10240x128xf32, #tpu.memory_space<vmem_shared>> -> memref<10240x128xf32, #tpu.memory_space<vmem_shared>>
      tpu.wait_indirect_dma semaphore(%arg18 : memref<!tpu.dma_semaphore, #tpu.memory_space<semaphore_mem>>) src(%arg9 : memref<80x128xf32, #tpu.memory_space<vmem>>) dst(%dma_wait3A_141 : memref<10240x128xf32, #tpu.memory_space<vmem_shared>>)
      %dma_wait3A_142 = arith.constant 21 : i32
      %dma_wait3A_143 = arith.constant 0 : i32
      %dma_wait3A_144 = tpu.memref_slice %arg8[%dma_wait3A_142, %dma_wait3A_143] : memref<25x80xi32, #tpu.memory_space<vmem>> -> memref<1x80xi32, #tpu.memory_space<vmem>>
      %dma_wait3A_145 = tpu.memref_squeeze %dma_wait3A_144 : memref<1x80xi32, #tpu.memory_space<vmem>> -> memref<80xi32, #tpu.memory_space<vmem>>
      %dma_wait3A_146 = arith.constant 0 : i32
      %dma_wait3A_147 = arith.constant 0 : i32
      %dma_wait3A_148 = tpu.memref_slice %arg13[%dma_wait3A_146, %dma_wait3A_147] : memref<10240x128xf32, #tpu.memory_space<vmem_shared>> -> memref<10240x128xf32, #tpu.memory_space<vmem_shared>>
      tpu.wait_indirect_dma semaphore(%arg19 : memref<!tpu.dma_semaphore, #tpu.memory_space<semaphore_mem>>) src(%arg10 : memref<80x128xf32, #tpu.memory_space<vmem>>) dst(%dma_wait3A_148 : memref<10240x128xf32, #tpu.memory_space<vmem_shared>>)
      %dma_wait3A_149 = arith.constant 22 : i32
      %dma_wait3A_150 = arith.constant 0 : i32
      %dma_wait3A_151 = tpu.memref_slice %arg8[%dma_wait3A_149, %dma_wait3A_150] : memref<25x80xi32, #tpu.memory_space<vmem>> -> memref<1x80xi32, #tpu.memory_space<vmem>>
      %dma_wait3A_152 = tpu.memref_squeeze %dma_wait3A_151 : memref<1x80xi32, #tpu.memory_space<vmem>> -> memref<80xi32, #tpu.memory_space<vmem>>
      %dma_wait3A_153 = arith.constant 0 : i32
      %dma_wait3A_154 = arith.constant 0 : i32
      %dma_wait3A_155 = tpu.memref_slice %arg13[%dma_wait3A_153, %dma_wait3A_154] : memref<10240x128xf32, #tpu.memory_space<vmem_shared>> -> memref<10240x128xf32, #tpu.memory_space<vmem_shared>>
      tpu.wait_indirect_dma semaphore(%arg20 : memref<!tpu.dma_semaphore, #tpu.memory_space<semaphore_mem>>) src(%arg11 : memref<80x128xf32, #tpu.memory_space<vmem>>) dst(%dma_wait3A_155 : memref<10240x128xf32, #tpu.memory_space<vmem_shared>>)
      %dma_wait3A_156 = arith.constant 23 : i32
      %dma_wait3A_157 = arith.constant 0 : i32
      %dma_wait3A_158 = tpu.memref_slice %arg8[%dma_wait3A_156, %dma_wait3A_157] : memref<25x80xi32, #tpu.memory_space<vmem>> -> memref<1x80xi32, #tpu.memory_space<vmem>>
      %dma_wait3A_159 = tpu.memref_squeeze %dma_wait3A_158 : memref<1x80xi32, #tpu.memory_space<vmem>> -> memref<80xi32, #tpu.memory_space<vmem>>
      %dma_wait3A_160 = arith.constant 0 : i32
      %dma_wait3A_161 = arith.constant 0 : i32
      %dma_wait3A_162 = tpu.memref_slice %arg13[%dma_wait3A_160, %dma_wait3A_161] : memref<10240x128xf32, #tpu.memory_space<vmem_shared>> -> memref<10240x128xf32, #tpu.memory_space<vmem_shared>>
      tpu.wait_indirect_dma semaphore(%arg21 : memref<!tpu.dma_semaphore, #tpu.memory_space<semaphore_mem>>) src(%arg12 : memref<80x128xf32, #tpu.memory_space<vmem>>) dst(%dma_wait3A_162 : memref<10240x128xf32, #tpu.memory_space<vmem_shared>>)
    }
    %scan3A_9 = arith.constant 5 : i32
    %barrier3A_10 = arith.constant 0 : index
    tpu.barrier barrier_id(%barrier3A_10)
    %mul3A_11 = arith.constant 10240 : i32
    %mul3A_12 = arith.muli %arg0, %mul3A_11 : i32
    %mul3A_13 = arith.constant 640 : i32
    %mul3A_14 = arith.muli %arg1, %mul3A_13 : i32
    %add3A_15 = arith.addi %mul3A_12, %mul3A_14 : i32
    %mul3A_16 = arith.constant 640 : i32
    %mul3A_17 = arith.muli %arg1, %mul3A_16 : i32
    "tpu.region"() ({
      %run_scoped3A = tpu.sem_alloc : memref<!tpu.dma_semaphore, #tpu.memory_space<semaphore_mem>>
      %dma_start3A = arith.constant 0 : i32
      %dma_start3A_18 = tpu.memref_slice %arg6[%add3A_15, %dma_start3A] : memref<20480x128xf32, #tpu.memory_space<hbm>> -> memref<640x128xf32, #tpu.memory_space<hbm>>
      %dma_start3A_19 = arith.constant 0 : i32
      %dma_start3A_20 = tpu.memref_slice %arg13[%mul3A_17, %dma_start3A_19] : memref<10240x128xf32, #tpu.memory_space<vmem_shared>> -> memref<640x128xf32, #tpu.memory_space<vmem_shared>>
      tpu.enqueue_dma source(%dma_start3A_20 : memref<640x128xf32, #tpu.memory_space<vmem_shared>>) target(%dma_start3A_18 : memref<640x128xf32, #tpu.memory_space<hbm>>) target_semaphore(%run_scoped3A : memref<!tpu.dma_semaphore, #tpu.memory_space<semaphore_mem>>)
      %dma_wait3A = arith.constant 0 : i32
      %dma_wait3A_21 = tpu.memref_slice %arg6[%add3A_15, %dma_wait3A] : memref<20480x128xf32, #tpu.memory_space<hbm>> -> memref<640x128xf32, #tpu.memory_space<hbm>>
      %dma_wait3A_22 = arith.constant 0 : i32
      %dma_wait3A_23 = tpu.memref_slice %arg13[%mul3A_17, %dma_wait3A_22] : memref<10240x128xf32, #tpu.memory_space<vmem_shared>> -> memref<640x128xf32, #tpu.memory_space<vmem_shared>>
      tpu.wait_dma2 semaphore(%run_scoped3A : memref<!tpu.dma_semaphore, #tpu.memory_space<semaphore_mem>>) src(%dma_wait3A_23 : memref<640x128xf32, #tpu.memory_space<vmem_shared>>) dst(%dma_wait3A_21 : memref<640x128xf32, #tpu.memory_space<hbm>>)
      tpu.yield
    }) : () -> ()
    return
  }
}

#map = affine_map<(d0, d1) -> (0, 0)>
#map1 = affine_map<(d0, d1) -> (0, 0, 0, 0)>
module attributes {stable_mosaic.version = 14 : i64} {
  func.func @_sc_agg_body(%arg0: i32, %arg1: i32, %arg2: memref<10000x128xf32, #tpu.memory_space<hbm>>, %arg3: memref<32x5x25x80xi32, #tpu.memory_space<hbm>>, %arg4: memref<32x5x25x80xi32, #tpu.memory_space<hbm>>, %arg5: memref<10240x128xf32, #tpu.memory_space<hbm>>, %arg6: memref<20480x128xf32, #tpu.memory_space<hbm>>, %arg7: memref<25x80xi32, #tpu.memory_space<vmem>>, %arg8: memref<25x80xi32, #tpu.memory_space<vmem>>, %arg9: memref<80x128xf32, #tpu.memory_space<vmem>>, %arg10: memref<80x128xf32, #tpu.memory_space<vmem>>, %arg11: memref<80x128xf32, #tpu.memory_space<vmem>>, %arg12: memref<80x128xf32, #tpu.memory_space<vmem>>, %arg13: memref<10240x128xf32, #tpu.memory_space<vmem_shared>>, %arg14: memref<!tpu.dma_semaphore, #tpu.memory_space<semaphore_mem>>, %arg15: memref<!tpu.dma_semaphore, #tpu.memory_space<semaphore_mem>>, %arg16: memref<!tpu.dma_semaphore, #tpu.memory_space<semaphore_mem>>, %arg17: memref<!tpu.dma_semaphore, #tpu.memory_space<semaphore_mem>>, %arg18: memref<!tpu.dma_semaphore, #tpu.memory_space<semaphore_mem>>, %arg19: memref<!tpu.dma_semaphore, #tpu.memory_space<semaphore_mem>>, %arg20: memref<!tpu.dma_semaphore, #tpu.memory_space<semaphore_mem>>, %arg21: memref<!tpu.dma_semaphore, #tpu.memory_space<semaphore_mem>>) attributes {dimension_semantics = [#tpu.dimension_semantics<core_parallel>, #tpu.dimension_semantics<subcore_parallel>], iteration_bounds = array<i64: 2, 16>, scalar_prefetch = 0 : i64, scratch_operands = 15 : i64, tpu.core_type = #tpu.core_type<sc_vector_subcore>, window_params = [{transform_indices = #map}, {transform_indices = #map1}, {transform_indices = #map1}, {transform_indices = #map}, {transform_indices = #map}]} {
    %mul3A = arith.constant 2 : i32
    %mul3A_0 = arith.muli %arg1, %mul3A : i32
    %add3A = arith.addi %mul3A_0, %arg0 : i32
    %mul3A_1 = arith.constant 640 : i32
    %mul3A_2 = arith.muli %arg1, %mul3A_1 : i32
    %mul3A_3 = arith.constant 640 : i32
    %mul3A_4 = arith.muli %arg1, %mul3A_3 : i32
    "tpu.region"() ({
      %run_scoped3A = tpu.sem_alloc : memref<!tpu.dma_semaphore, #tpu.memory_space<semaphore_mem>>
      %dma_start3A = arith.constant 0 : i32
      %dma_start3A_18 = tpu.memref_slice %arg13[%mul3A_4, %dma_start3A] : memref<10240x128xf32, #tpu.memory_space<vmem_shared>> -> memref<640x128xf32, #tpu.memory_space<vmem_shared>>
      %dma_start3A_19 = arith.constant 0 : i32
      %dma_start3A_20 = tpu.memref_slice %arg5[%mul3A_2, %dma_start3A_19] : memref<10240x128xf32, #tpu.memory_space<hbm>> -> memref<640x128xf32, #tpu.memory_space<hbm>>
      tpu.enqueue_dma source(%dma_start3A_20 : memref<640x128xf32, #tpu.memory_space<hbm>>) target(%dma_start3A_18 : memref<640x128xf32, #tpu.memory_space<vmem_shared>>) target_semaphore(%run_scoped3A : memref<!tpu.dma_semaphore, #tpu.memory_space<semaphore_mem>>)
      %dma_wait3A = arith.constant 0 : i32
      %dma_wait3A_21 = tpu.memref_slice %arg13[%mul3A_4, %dma_wait3A] : memref<10240x128xf32, #tpu.memory_space<vmem_shared>> -> memref<640x128xf32, #tpu.memory_space<vmem_shared>>
      %dma_wait3A_22 = arith.constant 0 : i32
      %dma_wait3A_23 = tpu.memref_slice %arg5[%mul3A_2, %dma_wait3A_22] : memref<10240x128xf32, #tpu.memory_space<hbm>> -> memref<640x128xf32, #tpu.memory_space<hbm>>
      tpu.wait_dma2 semaphore(%run_scoped3A : memref<!tpu.dma_semaphore, #tpu.memory_space<semaphore_mem>>) src(%dma_wait3A_23 : memref<640x128xf32, #tpu.memory_space<hbm>>) dst(%dma_wait3A_21 : memref<640x128xf32, #tpu.memory_space<vmem_shared>>)
      tpu.yield
    }) : () -> ()
    %barrier3A = arith.constant 0 : index
    tpu.barrier barrier_id(%barrier3A)
    %scan3A = arith.constant 0 : i32
    %scan3A_5 = arith.constant 0 : i32
    %scan3A_6 = arith.constant 5 : i32
    %scan3A_7 = arith.addi %scan3A_5, %scan3A_6 : i32
    %scan3A_8 = arith.constant 1 : i32
    scf.for %scan3A_18 = %scan3A_5 to %scan3A_7 step %scan3A_8  : i32 {
      "tpu.region"() ({
        %run_scoped3A = tpu.sem_alloc : memref<!tpu.dma_semaphore, #tpu.memory_space<semaphore_mem>>
        %dma_start3A_163 = arith.constant 0 : i32
        %dma_start3A_164 = arith.constant 0 : i32
        %dma_start3A_165 = tpu.memref_slice %arg3[%add3A, %scan3A_18, %dma_start3A_163, %dma_start3A_164] : memref<32x5x25x80xi32, #tpu.memory_space<hbm>> -> memref<1x1x25x80xi32, #tpu.memory_space<hbm>>
        %dma_start3A_166 = tpu.memref_squeeze %dma_start3A_165 : memref<1x1x25x80xi32, #tpu.memory_space<hbm>> -> memref<25x80xi32, #tpu.memory_space<hbm>>
        %dma_start3A_167 = arith.constant 0 : i32
        %dma_start3A_168 = arith.constant 0 : i32
        %dma_start3A_169 = tpu.memref_slice %arg3[%add3A, %scan3A_18, %dma_start3A_167, %dma_start3A_168] : memref<32x5x25x80xi32, #tpu.memory_space<hbm>> -> memref<1x1x25x80xi32, #tpu.memory_space<hbm>>
        %dma_start3A_170 = tpu.memref_squeeze %dma_start3A_169 : memref<1x1x25x80xi32, #tpu.memory_space<hbm>> -> memref<25x80xi32, #tpu.memory_space<hbm>>
        tpu.enqueue_dma source(%dma_start3A_170 : memref<25x80xi32, #tpu.memory_space<hbm>>) target(%arg7 : memref<25x80xi32, #tpu.memory_space<vmem>>) target_semaphore(%run_scoped3A : memref<!tpu.dma_semaphore, #tpu.memory_space<semaphore_mem>>)
        %dma_wait3A_171 = arith.constant 0 : i32
        %dma_wait3A_172 = arith.constant 0 : i32
        %dma_wait3A_173 = tpu.memref_slice %arg3[%add3A, %scan3A_18, %dma_wait3A_171, %dma_wait3A_172] : memref<32x5x25x80xi32, #tpu.memory_space<hbm>> -> memref<1x1x25x80xi32, #tpu.memory_space<hbm>>
        %dma_wait3A_174 = tpu.memref_squeeze %dma_wait3A_173 : memref<1x1x25x80xi32, #tpu.memory_space<hbm>> -> memref<25x80xi32, #tpu.memory_space<hbm>>
        %dma_wait3A_175 = arith.constant 0 : i32
        %dma_wait3A_176 = arith.constant 0 : i32
        %dma_wait3A_177 = tpu.memref_slice %arg3[%add3A, %scan3A_18, %dma_wait3A_175, %dma_wait3A_176] : memref<32x5x25x80xi32, #tpu.memory_space<hbm>> -> memref<1x1x25x80xi32, #tpu.memory_space<hbm>>
        %dma_wait3A_178 = tpu.memref_squeeze %dma_wait3A_177 : memref<1x1x25x80xi32, #tpu.memory_space<hbm>> -> memref<25x80xi32, #tpu.memory_space<hbm>>
        tpu.wait_dma2 semaphore(%run_scoped3A : memref<!tpu.dma_semaphore, #tpu.memory_space<semaphore_mem>>) src(%dma_wait3A_178 : memref<25x80xi32, #tpu.memory_space<hbm>>) dst(%arg7 : memref<25x80xi32, #tpu.memory_space<vmem>>)
        tpu.yield
      }) : () -> ()
      "tpu.region"() ({
        %run_scoped3A = tpu.sem_alloc : memref<!tpu.dma_semaphore, #tpu.memory_space<semaphore_mem>>
        %dma_start3A_163 = arith.constant 0 : i32
        %dma_start3A_164 = arith.constant 0 : i32
        %dma_start3A_165 = tpu.memref_slice %arg4[%add3A, %scan3A_18, %dma_start3A_163, %dma_start3A_164] : memref<32x5x25x80xi32, #tpu.memory_space<hbm>> -> memref<1x1x25x80xi32, #tpu.memory_space<hbm>>
        %dma_start3A_166 = tpu.memref_squeeze %dma_start3A_165 : memref<1x1x25x80xi32, #tpu.memory_space<hbm>> -> memref<25x80xi32, #tpu.memory_space<hbm>>
        %dma_start3A_167 = arith.constant 0 : i32
        %dma_start3A_168 = arith.constant 0 : i32
        %dma_start3A_169 = tpu.memref_slice %arg4[%add3A, %scan3A_18, %dma_start3A_167, %dma_start3A_168] : memref<32x5x25x80xi32, #tpu.memory_space<hbm>> -> memref<1x1x25x80xi32, #tpu.memory_space<hbm>>
        %dma_start3A_170 = tpu.memref_squeeze %dma_start3A_169 : memref<1x1x25x80xi32, #tpu.memory_space<hbm>> -> memref<25x80xi32, #tpu.memory_space<hbm>>
        tpu.enqueue_dma source(%dma_start3A_170 : memref<25x80xi32, #tpu.memory_space<hbm>>) target(%arg8 : memref<25x80xi32, #tpu.memory_space<vmem>>) target_semaphore(%run_scoped3A : memref<!tpu.dma_semaphore, #tpu.memory_space<semaphore_mem>>)
        %dma_wait3A_171 = arith.constant 0 : i32
        %dma_wait3A_172 = arith.constant 0 : i32
        %dma_wait3A_173 = tpu.memref_slice %arg4[%add3A, %scan3A_18, %dma_wait3A_171, %dma_wait3A_172] : memref<32x5x25x80xi32, #tpu.memory_space<hbm>> -> memref<1x1x25x80xi32, #tpu.memory_space<hbm>>
        %dma_wait3A_174 = tpu.memref_squeeze %dma_wait3A_173 : memref<1x1x25x80xi32, #tpu.memory_space<hbm>> -> memref<25x80xi32, #tpu.memory_space<hbm>>
        %dma_wait3A_175 = arith.constant 0 : i32
        %dma_wait3A_176 = arith.constant 0 : i32
        %dma_wait3A_177 = tpu.memref_slice %arg4[%add3A, %scan3A_18, %dma_wait3A_175, %dma_wait3A_176] : memref<32x5x25x80xi32, #tpu.memory_space<hbm>> -> memref<1x1x25x80xi32, #tpu.memory_space<hbm>>
        %dma_wait3A_178 = tpu.memref_squeeze %dma_wait3A_177 : memref<1x1x25x80xi32, #tpu.memory_space<hbm>> -> memref<25x80xi32, #tpu.memory_space<hbm>>
        tpu.wait_dma2 semaphore(%run_scoped3A : memref<!tpu.dma_semaphore, #tpu.memory_space<semaphore_mem>>) src(%dma_wait3A_178 : memref<25x80xi32, #tpu.memory_space<hbm>>) dst(%arg8 : memref<25x80xi32, #tpu.memory_space<vmem>>)
        tpu.yield
      }) : () -> ()
      %dma_start3A = arith.constant 0 : i32
      %dma_start3A_19 = arith.constant 0 : i32
      %dma_start3A_20 = tpu.memref_slice %arg7[%dma_start3A, %dma_start3A_19] : memref<25x80xi32, #tpu.memory_space<vmem>> -> memref<1x80xi32, #tpu.memory_space<vmem>>
      %dma_start3A_21 = tpu.memref_squeeze %dma_start3A_20 : memref<1x80xi32, #tpu.memory_space<vmem>> -> memref<80xi32, #tpu.memory_space<vmem>>
      %dma_start3A_22 = arith.constant 0 : i32
      %dma_start3A_23 = arith.constant 0 : i32
      %dma_start3A_24 = tpu.memref_slice %arg2[%dma_start3A_22, %dma_start3A_23] : memref<10000x128xf32, #tpu.memory_space<hbm>> -> memref<10000x128xf32, #tpu.memory_space<hbm>>
      tpu.enqueue_indirect_dma source(%dma_start3A_24 : memref<10000x128xf32, #tpu.memory_space<hbm>>) target(%arg9 : memref<80x128xf32, #tpu.memory_space<vmem>>) offsets(%dma_start3A_21 : memref<80xi32, #tpu.memory_space<vmem>>) semaphore(%arg14 : memref<!tpu.dma_semaphore, #tpu.memory_space<semaphore_mem>>)
      %dma_start3A_25 = arith.constant 1 : i32
      %dma_start3A_26 = arith.constant 0 : i32
      %dma_start3A_27 = tpu.memref_slice %arg7[%dma_start3A_25, %dma_start3A_26] : memref<25x80xi32, #tpu.memory_space<vmem>> -> memref<1x80xi32, #tpu.memory_space<vmem>>
      %dma_start3A_28 = tpu.memref_squeeze %dma_start3A_27 : memref<1x80xi32, #tpu.memory_space<vmem>> -> memref<80xi32, #tpu.memory_space<vmem>>
      %dma_start3A_29 = arith.constant 0 : i32
      %dma_start3A_30 = arith.constant 0 : i32
      %dma_start3A_31 = tpu.memref_slice %arg2[%dma_start3A_29, %dma_start3A_30] : memref<10000x128xf32, #tpu.memory_space<hbm>> -> memref<10000x128xf32, #tpu.memory_space<hbm>>
      tpu.enqueue_indirect_dma source(%dma_start3A_31 : memref<10000x128xf32, #tpu.memory_space<hbm>>) target(%arg10 : memref<80x128xf32, #tpu.memory_space<vmem>>) offsets(%dma_start3A_28 : memref<80xi32, #tpu.memory_space<vmem>>) semaphore(%arg15 : memref<!tpu.dma_semaphore, #tpu.memory_space<semaphore_mem>>)
      %dma_start3A_32 = arith.constant 2 : i32
      %dma_start3A_33 = arith.constant 0 : i32
      %dma_start3A_34 = tpu.memref_slice %arg7[%dma_start3A_32, %dma_start3A_33] : memref<25x80xi32, #tpu.memory_space<vmem>> -> memref<1x80xi32, #tpu.memory_space<vmem>>
      %dma_start3A_35 = tpu.memref_squeeze %dma_start3A_34 : memref<1x80xi32, #tpu.memory_space<vmem>> -> memref<80xi32, #tpu.memory_space<vmem>>
      %dma_start3A_36 = arith.constant 0 : i32
      %dma_start3A_37 = arith.constant 0 : i32
      %dma_start3A_38 = tpu.memref_slice %arg2[%dma_start3A_36, %dma_start3A_37] : memref<10000x128xf32, #tpu.memory_space<hbm>> -> memref<10000x128xf32, #tpu.memory_space<hbm>>
      tpu.enqueue_indirect_dma source(%dma_start3A_38 : memref<10000x128xf32, #tpu.memory_space<hbm>>) target(%arg11 : memref<80x128xf32, #tpu.memory_space<vmem>>) offsets(%dma_start3A_35 : memref<80xi32, #tpu.memory_space<vmem>>) semaphore(%arg16 : memref<!tpu.dma_semaphore, #tpu.memory_space<semaphore_mem>>)
      %dma_start3A_39 = arith.constant 3 : i32
      %dma_start3A_40 = arith.constant 0 : i32
      %dma_start3A_41 = tpu.memref_slice %arg7[%dma_start3A_39, %dma_start3A_40] : memref<25x80xi32, #tpu.memory_space<vmem>> -> memref<1x80xi32, #tpu.memory_space<vmem>>
      %dma_start3A_42 = tpu.memref_squeeze %dma_start3A_41 : memref<1x80xi32, #tpu.memory_space<vmem>> -> memref<80xi32, #tpu.memory_space<vmem>>
      %dma_start3A_43 = arith.constant 0 : i32
      %dma_start3A_44 = arith.constant 0 : i32
      %dma_start3A_45 = tpu.memref_slice %arg2[%dma_start3A_43, %dma_start3A_44] : memref<10000x128xf32, #tpu.memory_space<hbm>> -> memref<10000x128xf32, #tpu.memory_space<hbm>>
      tpu.enqueue_indirect_dma source(%dma_start3A_45 : memref<10000x128xf32, #tpu.memory_space<hbm>>) target(%arg12 : memref<80x128xf32, #tpu.memory_space<vmem>>) offsets(%dma_start3A_42 : memref<80xi32, #tpu.memory_space<vmem>>) semaphore(%arg17 : memref<!tpu.dma_semaphore, #tpu.memory_space<semaphore_mem>>)
      %dma_wait3A = arith.constant 0 : i32
      %dma_wait3A_46 = arith.constant 0 : i32
      %dma_wait3A_47 = tpu.memref_slice %arg7[%dma_wait3A, %dma_wait3A_46] : memref<25x80xi32, #tpu.memory_space<vmem>> -> memref<1x80xi32, #tpu.memory_space<vmem>>
      %dma_wait3A_48 = tpu.memref_squeeze %dma_wait3A_47 : memref<1x80xi32, #tpu.memory_space<vmem>> -> memref<80xi32, #tpu.memory_space<vmem>>
      %dma_wait3A_49 = arith.constant 0 : i32
      %dma_wait3A_50 = arith.constant 0 : i32
      %dma_wait3A_51 = tpu.memref_slice %arg2[%dma_wait3A_49, %dma_wait3A_50] : memref<10000x128xf32, #tpu.memory_space<hbm>> -> memref<10000x128xf32, #tpu.memory_space<hbm>>
      tpu.wait_indirect_dma semaphore(%arg14 : memref<!tpu.dma_semaphore, #tpu.memory_space<semaphore_mem>>) src(%dma_wait3A_51 : memref<10000x128xf32, #tpu.memory_space<hbm>>) dst(%arg9 : memref<80x128xf32, #tpu.memory_space<vmem>>)
      %dma_start3A_52 = arith.constant 0 : i32
      %dma_start3A_53 = arith.constant 0 : i32
      %dma_start3A_54 = tpu.memref_slice %arg8[%dma_start3A_52, %dma_start3A_53] : memref<25x80xi32, #tpu.memory_space<vmem>> -> memref<1x80xi32, #tpu.memory_space<vmem>>
      %dma_start3A_55 = tpu.memref_squeeze %dma_start3A_54 : memref<1x80xi32, #tpu.memory_space<vmem>> -> memref<80xi32, #tpu.memory_space<vmem>>
      %dma_start3A_56 = arith.constant 0 : i32
      %dma_start3A_57 = arith.constant 0 : i32
      %dma_start3A_58 = tpu.memref_slice %arg13[%dma_start3A_56, %dma_start3A_57] : memref<10240x128xf32, #tpu.memory_space<vmem_shared>> -> memref<10240x128xf32, #tpu.memory_space<vmem_shared>>
      tpu.enqueue_indirect_dma source(%arg9 : memref<80x128xf32, #tpu.memory_space<vmem>>) target(%dma_start3A_58 : memref<10240x128xf32, #tpu.memory_space<vmem_shared>>) offsets(%dma_start3A_55 : memref<80xi32, #tpu.memory_space<vmem>>) semaphore(%arg18 : memref<!tpu.dma_semaphore, #tpu.memory_space<semaphore_mem>>) {add = true}
      %dma_wait3A_59 = arith.constant 1 : i32
      %dma_wait3A_60 = arith.constant 0 : i32
      %dma_wait3A_61 = tpu.memref_slice %arg7[%dma_wait3A_59, %dma_wait3A_60] : memref<25x80xi32, #tpu.memory_space<vmem>> -> memref<1x80xi32, #tpu.memory_space<vmem>>
      %dma_wait3A_62 = tpu.memref_squeeze %dma_wait3A_61 : memref<1x80xi32, #tpu.memory_space<vmem>> -> memref<80xi32, #tpu.memory_space<vmem>>
      %dma_wait3A_63 = arith.constant 0 : i32
      %dma_wait3A_64 = arith.constant 0 : i32
      %dma_wait3A_65 = tpu.memref_slice %arg2[%dma_wait3A_63, %dma_wait3A_64] : memref<10000x128xf32, #tpu.memory_space<hbm>> -> memref<10000x128xf32, #tpu.memory_space<hbm>>
      tpu.wait_indirect_dma semaphore(%arg15 : memref<!tpu.dma_semaphore, #tpu.memory_space<semaphore_mem>>) src(%dma_wait3A_65 : memref<10000x128xf32, #tpu.memory_space<hbm>>) dst(%arg10 : memref<80x128xf32, #tpu.memory_space<vmem>>)
      %dma_start3A_66 = arith.constant 1 : i32
      %dma_start3A_67 = arith.constant 0 : i32
      %dma_start3A_68 = tpu.memref_slice %arg8[%dma_start3A_66, %dma_start3A_67] : memref<25x80xi32, #tpu.memory_space<vmem>> -> memref<1x80xi32, #tpu.memory_space<vmem>>
      %dma_start3A_69 = tpu.memref_squeeze %dma_start3A_68 : memref<1x80xi32, #tpu.memory_space<vmem>> -> memref<80xi32, #tpu.memory_space<vmem>>
      %dma_start3A_70 = arith.constant 0 : i32
      %dma_start3A_71 = arith.constant 0 : i32
      %dma_start3A_72 = tpu.memref_slice %arg13[%dma_start3A_70, %dma_start3A_71] : memref<10240x128xf32, #tpu.memory_space<vmem_shared>> -> memref<10240x128xf32, #tpu.memory_space<vmem_shared>>
      tpu.enqueue_indirect_dma source(%arg10 : memref<80x128xf32, #tpu.memory_space<vmem>>) target(%dma_start3A_72 : memref<10240x128xf32, #tpu.memory_space<vmem_shared>>) offsets(%dma_start3A_69 : memref<80xi32, #tpu.memory_space<vmem>>) semaphore(%arg19 : memref<!tpu.dma_semaphore, #tpu.memory_space<semaphore_mem>>) {add = true}
      %dma_wait3A_73 = arith.constant 2 : i32
      %dma_wait3A_74 = arith.constant 0 : i32
      %dma_wait3A_75 = tpu.memref_slice %arg7[%dma_wait3A_73, %dma_wait3A_74] : memref<25x80xi32, #tpu.memory_space<vmem>> -> memref<1x80xi32, #tpu.memory_space<vmem>>
      %dma_wait3A_76 = tpu.memref_squeeze %dma_wait3A_75 : memref<1x80xi32, #tpu.memory_space<vmem>> -> memref<80xi32, #tpu.memory_space<vmem>>
      %dma_wait3A_77 = arith.constant 0 : i32
      %dma_wait3A_78 = arith.constant 0 : i32
      %dma_wait3A_79 = tpu.memref_slice %arg2[%dma_wait3A_77, %dma_wait3A_78] : memref<10000x128xf32, #tpu.memory_space<hbm>> -> memref<10000x128xf32, #tpu.memory_space<hbm>>
      tpu.wait_indirect_dma semaphore(%arg16 : memref<!tpu.dma_semaphore, #tpu.memory_space<semaphore_mem>>) src(%dma_wait3A_79 : memref<10000x128xf32, #tpu.memory_space<hbm>>) dst(%arg11 : memref<80x128xf32, #tpu.memory_space<vmem>>)
      %dma_start3A_80 = arith.constant 2 : i32
      %dma_start3A_81 = arith.constant 0 : i32
      %dma_start3A_82 = tpu.memref_slice %arg8[%dma_start3A_80, %dma_start3A_81] : memref<25x80xi32, #tpu.memory_space<vmem>> -> memref<1x80xi32, #tpu.memory_space<vmem>>
      %dma_start3A_83 = tpu.memref_squeeze %dma_start3A_82 : memref<1x80xi32, #tpu.memory_space<vmem>> -> memref<80xi32, #tpu.memory_space<vmem>>
      %dma_start3A_84 = arith.constant 0 : i32
      %dma_start3A_85 = arith.constant 0 : i32
      %dma_start3A_86 = tpu.memref_slice %arg13[%dma_start3A_84, %dma_start3A_85] : memref<10240x128xf32, #tpu.memory_space<vmem_shared>> -> memref<10240x128xf32, #tpu.memory_space<vmem_shared>>
      tpu.enqueue_indirect_dma source(%arg11 : memref<80x128xf32, #tpu.memory_space<vmem>>) target(%dma_start3A_86 : memref<10240x128xf32, #tpu.memory_space<vmem_shared>>) offsets(%dma_start3A_83 : memref<80xi32, #tpu.memory_space<vmem>>) semaphore(%arg20 : memref<!tpu.dma_semaphore, #tpu.memory_space<semaphore_mem>>) {add = true}
      %dma_wait3A_87 = arith.constant 3 : i32
      %dma_wait3A_88 = arith.constant 0 : i32
      %dma_wait3A_89 = tpu.memref_slice %arg7[%dma_wait3A_87, %dma_wait3A_88] : memref<25x80xi32, #tpu.memory_space<vmem>> -> memref<1x80xi32, #tpu.memory_space<vmem>>
      %dma_wait3A_90 = tpu.memref_squeeze %dma_wait3A_89 : memref<1x80xi32, #tpu.memory_space<vmem>> -> memref<80xi32, #tpu.memory_space<vmem>>
      %dma_wait3A_91 = arith.constant 0 : i32
      %dma_wait3A_92 = arith.constant 0 : i32
      %dma_wait3A_93 = tpu.memref_slice %arg2[%dma_wait3A_91, %dma_wait3A_92] : memref<10000x128xf32, #tpu.memory_space<hbm>> -> memref<10000x128xf32, #tpu.memory_space<hbm>>
      tpu.wait_indirect_dma semaphore(%arg17 : memref<!tpu.dma_semaphore, #tpu.memory_space<semaphore_mem>>) src(%dma_wait3A_93 : memref<10000x128xf32, #tpu.memory_space<hbm>>) dst(%arg12 : memref<80x128xf32, #tpu.memory_space<vmem>>)
      %dma_start3A_94 = arith.constant 3 : i32
      %dma_start3A_95 = arith.constant 0 : i32
      %dma_start3A_96 = tpu.memref_slice %arg8[%dma_start3A_94, %dma_start3A_95] : memref<25x80xi32, #tpu.memory_space<vmem>> -> memref<1x80xi32, #tpu.memory_space<vmem>>
      %dma_start3A_97 = tpu.memref_squeeze %dma_start3A_96 : memref<1x80xi32, #tpu.memory_space<vmem>> -> memref<80xi32, #tpu.memory_space<vmem>>
      %dma_start3A_98 = arith.constant 0 : i32
      %dma_start3A_99 = arith.constant 0 : i32
      %dma_start3A_100 = tpu.memref_slice %arg13[%dma_start3A_98, %dma_start3A_99] : memref<10240x128xf32, #tpu.memory_space<vmem_shared>> -> memref<10240x128xf32, #tpu.memory_space<vmem_shared>>
      tpu.enqueue_indirect_dma source(%arg12 : memref<80x128xf32, #tpu.memory_space<vmem>>) target(%dma_start3A_100 : memref<10240x128xf32, #tpu.memory_space<vmem_shared>>) offsets(%dma_start3A_97 : memref<80xi32, #tpu.memory_space<vmem>>) semaphore(%arg21 : memref<!tpu.dma_semaphore, #tpu.memory_space<semaphore_mem>>) {add = true}
      %scan3A_101 = arith.constant 0 : i32
      %scan3A_102 = arith.constant 1 : i32
      %scan3A_103 = arith.constant 5 : i32
      %scan3A_104 = arith.addi %scan3A_102, %scan3A_103 : i32
      %scan3A_105 = arith.constant 1 : i32
      scf.for %scan3A_163 = %scan3A_102 to %scan3A_104 step %scan3A_105  : i32 {
        %mul3A_164 = arith.constant 4 : i32
        %mul3A_165 = arith.muli %scan3A_163, %mul3A_164 : i32
        %add3A_166 = arith.constant 0 : i32
        %add3A_167 = arith.addi %mul3A_165, %add3A_166 : i32
        %sub3A = arith.constant 4 : i32
        %sub3A_168 = arith.subi %add3A_167, %sub3A : i32
        %dma_wait3A_169 = arith.constant 0 : i32
        %dma_wait3A_170 = tpu.memref_slice %arg8[%sub3A_168, %dma_wait3A_169] : memref<25x80xi32, #tpu.memory_space<vmem>> -> memref<1x80xi32, #tpu.memory_space<vmem>>
        %dma_wait3A_171 = tpu.memref_squeeze %dma_wait3A_170 : memref<1x80xi32, #tpu.memory_space<vmem>> -> memref<80xi32, #tpu.memory_space<vmem>>
        %dma_wait3A_172 = arith.constant 0 : i32
        %dma_wait3A_173 = arith.constant 0 : i32
        %dma_wait3A_174 = tpu.memref_slice %arg13[%dma_wait3A_172, %dma_wait3A_173] : memref<10240x128xf32, #tpu.memory_space<vmem_shared>> -> memref<10240x128xf32, #tpu.memory_space<vmem_shared>>
        tpu.wait_indirect_dma semaphore(%arg18 : memref<!tpu.dma_semaphore, #tpu.memory_space<semaphore_mem>>) src(%arg9 : memref<80x128xf32, #tpu.memory_space<vmem>>) dst(%dma_wait3A_174 : memref<10240x128xf32, #tpu.memory_space<vmem_shared>>)
        %add3A_175 = arith.constant 0 : i32
        %add3A_176 = arith.addi %mul3A_165, %add3A_175 : i32
        %dma_start3A_177 = arith.constant 0 : i32
        %dma_start3A_178 = tpu.memref_slice %arg7[%add3A_176, %dma_start3A_177] : memref<25x80xi32, #tpu.memory_space<vmem>> -> memref<1x80xi32, #tpu.memory_space<vmem>>
        %dma_start3A_179 = tpu.memref_squeeze %dma_start3A_178 : memref<1x80xi32, #tpu.memory_space<vmem>> -> memref<80xi32, #tpu.memory_space<vmem>>
        %dma_start3A_180 = arith.constant 0 : i32
        %dma_start3A_181 = arith.constant 0 : i32
        %dma_start3A_182 = tpu.memref_slice %arg2[%dma_start3A_180, %dma_start3A_181] : memref<10000x128xf32, #tpu.memory_space<hbm>> -> memref<10000x128xf32, #tpu.memory_space<hbm>>
        tpu.enqueue_indirect_dma source(%dma_start3A_182 : memref<10000x128xf32, #tpu.memory_space<hbm>>) target(%arg9 : memref<80x128xf32, #tpu.memory_space<vmem>>) offsets(%dma_start3A_179 : memref<80xi32, #tpu.memory_space<vmem>>) semaphore(%arg14 : memref<!tpu.dma_semaphore, #tpu.memory_space<semaphore_mem>>)
        %add3A_183 = arith.constant 1 : i32
        %add3A_184 = arith.addi %mul3A_165, %add3A_183 : i32
        %sub3A_185 = arith.constant 4 : i32
        %sub3A_186 = arith.subi %add3A_184, %sub3A_185 : i32
        %dma_wait3A_187 = arith.constant 0 : i32
        %dma_wait3A_188 = tpu.memref_slice %arg8[%sub3A_186, %dma_wait3A_187] : memref<25x80xi32, #tpu.memory_space<vmem>> -> memref<1x80xi32, #tpu.memory_space<vmem>>
        %dma_wait3A_189 = tpu.memref_squeeze %dma_wait3A_188 : memref<1x80xi32, #tpu.memory_space<vmem>> -> memref<80xi32, #tpu.memory_space<vmem>>
        %dma_wait3A_190 = arith.constant 0 : i32
        %dma_wait3A_191 = arith.constant 0 : i32
        %dma_wait3A_192 = tpu.memref_slice %arg13[%dma_wait3A_190, %dma_wait3A_191] : memref<10240x128xf32, #tpu.memory_space<vmem_shared>> -> memref<10240x128xf32, #tpu.memory_space<vmem_shared>>
        tpu.wait_indirect_dma semaphore(%arg19 : memref<!tpu.dma_semaphore, #tpu.memory_space<semaphore_mem>>) src(%arg10 : memref<80x128xf32, #tpu.memory_space<vmem>>) dst(%dma_wait3A_192 : memref<10240x128xf32, #tpu.memory_space<vmem_shared>>)
        %add3A_193 = arith.constant 1 : i32
        %add3A_194 = arith.addi %mul3A_165, %add3A_193 : i32
        %dma_start3A_195 = arith.constant 0 : i32
        %dma_start3A_196 = tpu.memref_slice %arg7[%add3A_194, %dma_start3A_195] : memref<25x80xi32, #tpu.memory_space<vmem>> -> memref<1x80xi32, #tpu.memory_space<vmem>>
        %dma_start3A_197 = tpu.memref_squeeze %dma_start3A_196 : memref<1x80xi32, #tpu.memory_space<vmem>> -> memref<80xi32, #tpu.memory_space<vmem>>
        %dma_start3A_198 = arith.constant 0 : i32
        %dma_start3A_199 = arith.constant 0 : i32
        %dma_start3A_200 = tpu.memref_slice %arg2[%dma_start3A_198, %dma_start3A_199] : memref<10000x128xf32, #tpu.memory_space<hbm>> -> memref<10000x128xf32, #tpu.memory_space<hbm>>
        tpu.enqueue_indirect_dma source(%dma_start3A_200 : memref<10000x128xf32, #tpu.memory_space<hbm>>) target(%arg10 : memref<80x128xf32, #tpu.memory_space<vmem>>) offsets(%dma_start3A_197 : memref<80xi32, #tpu.memory_space<vmem>>) semaphore(%arg15 : memref<!tpu.dma_semaphore, #tpu.memory_space<semaphore_mem>>)
        %add3A_201 = arith.constant 2 : i32
        %add3A_202 = arith.addi %mul3A_165, %add3A_201 : i32
        %sub3A_203 = arith.constant 4 : i32
        %sub3A_204 = arith.subi %add3A_202, %sub3A_203 : i32
        %dma_wait3A_205 = arith.constant 0 : i32
        %dma_wait3A_206 = tpu.memref_slice %arg8[%sub3A_204, %dma_wait3A_205] : memref<25x80xi32, #tpu.memory_space<vmem>> -> memref<1x80xi32, #tpu.memory_space<vmem>>
        %dma_wait3A_207 = tpu.memref_squeeze %dma_wait3A_206 : memref<1x80xi32, #tpu.memory_space<vmem>> -> memref<80xi32, #tpu.memory_space<vmem>>
        %dma_wait3A_208 = arith.constant 0 : i32
        %dma_wait3A_209 = arith.constant 0 : i32
        %dma_wait3A_210 = tpu.memref_slice %arg13[%dma_wait3A_208, %dma_wait3A_209] : memref<10240x128xf32, #tpu.memory_space<vmem_shared>> -> memref<10240x128xf32, #tpu.memory_space<vmem_shared>>
        tpu.wait_indirect_dma semaphore(%arg20 : memref<!tpu.dma_semaphore, #tpu.memory_space<semaphore_mem>>) src(%arg11 : memref<80x128xf32, #tpu.memory_space<vmem>>) dst(%dma_wait3A_210 : memref<10240x128xf32, #tpu.memory_space<vmem_shared>>)
        %add3A_211 = arith.constant 2 : i32
        %add3A_212 = arith.addi %mul3A_165, %add3A_211 : i32
        %dma_start3A_213 = arith.constant 0 : i32
        %dma_start3A_214 = tpu.memref_slice %arg7[%add3A_212, %dma_start3A_213] : memref<25x80xi32, #tpu.memory_space<vmem>> -> memref<1x80xi32, #tpu.memory_space<vmem>>
        %dma_start3A_215 = tpu.memref_squeeze %dma_start3A_214 : memref<1x80xi32, #tpu.memory_space<vmem>> -> memref<80xi32, #tpu.memory_space<vmem>>
        %dma_start3A_216 = arith.constant 0 : i32
        %dma_start3A_217 = arith.constant 0 : i32
        %dma_start3A_218 = tpu.memref_slice %arg2[%dma_start3A_216, %dma_start3A_217] : memref<10000x128xf32, #tpu.memory_space<hbm>> -> memref<10000x128xf32, #tpu.memory_space<hbm>>
        tpu.enqueue_indirect_dma source(%dma_start3A_218 : memref<10000x128xf32, #tpu.memory_space<hbm>>) target(%arg11 : memref<80x128xf32, #tpu.memory_space<vmem>>) offsets(%dma_start3A_215 : memref<80xi32, #tpu.memory_space<vmem>>) semaphore(%arg16 : memref<!tpu.dma_semaphore, #tpu.memory_space<semaphore_mem>>)
        %add3A_219 = arith.constant 3 : i32
        %add3A_220 = arith.addi %mul3A_165, %add3A_219 : i32
        %sub3A_221 = arith.constant 4 : i32
        %sub3A_222 = arith.subi %add3A_220, %sub3A_221 : i32
        %dma_wait3A_223 = arith.constant 0 : i32
        %dma_wait3A_224 = tpu.memref_slice %arg8[%sub3A_222, %dma_wait3A_223] : memref<25x80xi32, #tpu.memory_space<vmem>> -> memref<1x80xi32, #tpu.memory_space<vmem>>
        %dma_wait3A_225 = tpu.memref_squeeze %dma_wait3A_224 : memref<1x80xi32, #tpu.memory_space<vmem>> -> memref<80xi32, #tpu.memory_space<vmem>>
        %dma_wait3A_226 = arith.constant 0 : i32
        %dma_wait3A_227 = arith.constant 0 : i32
        %dma_wait3A_228 = tpu.memref_slice %arg13[%dma_wait3A_226, %dma_wait3A_227] : memref<10240x128xf32, #tpu.memory_space<vmem_shared>> -> memref<10240x128xf32, #tpu.memory_space<vmem_shared>>
        tpu.wait_indirect_dma semaphore(%arg21 : memref<!tpu.dma_semaphore, #tpu.memory_space<semaphore_mem>>) src(%arg12 : memref<80x128xf32, #tpu.memory_space<vmem>>) dst(%dma_wait3A_228 : memref<10240x128xf32, #tpu.memory_space<vmem_shared>>)
        %add3A_229 = arith.constant 3 : i32
        %add3A_230 = arith.addi %mul3A_165, %add3A_229 : i32
        %dma_start3A_231 = arith.constant 0 : i32
        %dma_start3A_232 = tpu.memref_slice %arg7[%add3A_230, %dma_start3A_231] : memref<25x80xi32, #tpu.memory_space<vmem>> -> memref<1x80xi32, #tpu.memory_space<vmem>>
        %dma_start3A_233 = tpu.memref_squeeze %dma_start3A_232 : memref<1x80xi32, #tpu.memory_space<vmem>> -> memref<80xi32, #tpu.memory_space<vmem>>
        %dma_start3A_234 = arith.constant 0 : i32
        %dma_start3A_235 = arith.constant 0 : i32
        %dma_start3A_236 = tpu.memref_slice %arg2[%dma_start3A_234, %dma_start3A_235] : memref<10000x128xf32, #tpu.memory_space<hbm>> -> memref<10000x128xf32, #tpu.memory_space<hbm>>
        tpu.enqueue_indirect_dma source(%dma_start3A_236 : memref<10000x128xf32, #tpu.memory_space<hbm>>) target(%arg12 : memref<80x128xf32, #tpu.memory_space<vmem>>) offsets(%dma_start3A_233 : memref<80xi32, #tpu.memory_space<vmem>>) semaphore(%arg17 : memref<!tpu.dma_semaphore, #tpu.memory_space<semaphore_mem>>)
        %dma_wait3A_237 = arith.constant 0 : i32
        %dma_wait3A_238 = tpu.memref_slice %arg7[%add3A_176, %dma_wait3A_237] : memref<25x80xi32, #tpu.memory_space<vmem>> -> memref<1x80xi32, #tpu.memory_space<vmem>>
        %dma_wait3A_239 = tpu.memref_squeeze %dma_wait3A_238 : memref<1x80xi32, #tpu.memory_space<vmem>> -> memref<80xi32, #tpu.memory_space<vmem>>
        %dma_wait3A_240 = arith.constant 0 : i32
        %dma_wait3A_241 = arith.constant 0 : i32
        %dma_wait3A_242 = tpu.memref_slice %arg2[%dma_wait3A_240, %dma_wait3A_241] : memref<10000x128xf32, #tpu.memory_space<hbm>> -> memref<10000x128xf32, #tpu.memory_space<hbm>>
        tpu.wait_indirect_dma semaphore(%arg14 : memref<!tpu.dma_semaphore, #tpu.memory_space<semaphore_mem>>) src(%dma_wait3A_242 : memref<10000x128xf32, #tpu.memory_space<hbm>>) dst(%arg9 : memref<80x128xf32, #tpu.memory_space<vmem>>)
        %add3A_243 = arith.constant 0 : i32
        %add3A_244 = arith.addi %mul3A_165, %add3A_243 : i32
        %dma_start3A_245 = arith.constant 0 : i32
        %dma_start3A_246 = tpu.memref_slice %arg8[%add3A_244, %dma_start3A_245] : memref<25x80xi32, #tpu.memory_space<vmem>> -> memref<1x80xi32, #tpu.memory_space<vmem>>
        %dma_start3A_247 = tpu.memref_squeeze %dma_start3A_246 : memref<1x80xi32, #tpu.memory_space<vmem>> -> memref<80xi32, #tpu.memory_space<vmem>>
        %dma_start3A_248 = arith.constant 0 : i32
        %dma_start3A_249 = arith.constant 0 : i32
        %dma_start3A_250 = tpu.memref_slice %arg13[%dma_start3A_248, %dma_start3A_249] : memref<10240x128xf32, #tpu.memory_space<vmem_shared>> -> memref<10240x128xf32, #tpu.memory_space<vmem_shared>>
        tpu.enqueue_indirect_dma source(%arg9 : memref<80x128xf32, #tpu.memory_space<vmem>>) target(%dma_start3A_250 : memref<10240x128xf32, #tpu.memory_space<vmem_shared>>) offsets(%dma_start3A_247 : memref<80xi32, #tpu.memory_space<vmem>>) semaphore(%arg18 : memref<!tpu.dma_semaphore, #tpu.memory_space<semaphore_mem>>) {add = true}
        %dma_wait3A_251 = arith.constant 0 : i32
        %dma_wait3A_252 = tpu.memref_slice %arg7[%add3A_194, %dma_wait3A_251] : memref<25x80xi32, #tpu.memory_space<vmem>> -> memref<1x80xi32, #tpu.memory_space<vmem>>
        %dma_wait3A_253 = tpu.memref_squeeze %dma_wait3A_252 : memref<1x80xi32, #tpu.memory_space<vmem>> -> memref<80xi32, #tpu.memory_space<vmem>>
        %dma_wait3A_254 = arith.constant 0 : i32
        %dma_wait3A_255 = arith.constant 0 : i32
        %dma_wait3A_256 = tpu.memref_slice %arg2[%dma_wait3A_254, %dma_wait3A_255] : memref<10000x128xf32, #tpu.memory_space<hbm>> -> memref<10000x128xf32, #tpu.memory_space<hbm>>
        tpu.wait_indirect_dma semaphore(%arg15 : memref<!tpu.dma_semaphore, #tpu.memory_space<semaphore_mem>>) src(%dma_wait3A_256 : memref<10000x128xf32, #tpu.memory_space<hbm>>) dst(%arg10 : memref<80x128xf32, #tpu.memory_space<vmem>>)
        %add3A_257 = arith.constant 1 : i32
        %add3A_258 = arith.addi %mul3A_165, %add3A_257 : i32
        %dma_start3A_259 = arith.constant 0 : i32
        %dma_start3A_260 = tpu.memref_slice %arg8[%add3A_258, %dma_start3A_259] : memref<25x80xi32, #tpu.memory_space<vmem>> -> memref<1x80xi32, #tpu.memory_space<vmem>>
        %dma_start3A_261 = tpu.memref_squeeze %dma_start3A_260 : memref<1x80xi32, #tpu.memory_space<vmem>> -> memref<80xi32, #tpu.memory_space<vmem>>
        %dma_start3A_262 = arith.constant 0 : i32
        %dma_start3A_263 = arith.constant 0 : i32
        %dma_start3A_264 = tpu.memref_slice %arg13[%dma_start3A_262, %dma_start3A_263] : memref<10240x128xf32, #tpu.memory_space<vmem_shared>> -> memref<10240x128xf32, #tpu.memory_space<vmem_shared>>
        tpu.enqueue_indirect_dma source(%arg10 : memref<80x128xf32, #tpu.memory_space<vmem>>) target(%dma_start3A_264 : memref<10240x128xf32, #tpu.memory_space<vmem_shared>>) offsets(%dma_start3A_261 : memref<80xi32, #tpu.memory_space<vmem>>) semaphore(%arg19 : memref<!tpu.dma_semaphore, #tpu.memory_space<semaphore_mem>>) {add = true}
        %dma_wait3A_265 = arith.constant 0 : i32
        %dma_wait3A_266 = tpu.memref_slice %arg7[%add3A_212, %dma_wait3A_265] : memref<25x80xi32, #tpu.memory_space<vmem>> -> memref<1x80xi32, #tpu.memory_space<vmem>>
        %dma_wait3A_267 = tpu.memref_squeeze %dma_wait3A_266 : memref<1x80xi32, #tpu.memory_space<vmem>> -> memref<80xi32, #tpu.memory_space<vmem>>
        %dma_wait3A_268 = arith.constant 0 : i32
        %dma_wait3A_269 = arith.constant 0 : i32
        %dma_wait3A_270 = tpu.memref_slice %arg2[%dma_wait3A_268, %dma_wait3A_269] : memref<10000x128xf32, #tpu.memory_space<hbm>> -> memref<10000x128xf32, #tpu.memory_space<hbm>>
        tpu.wait_indirect_dma semaphore(%arg16 : memref<!tpu.dma_semaphore, #tpu.memory_space<semaphore_mem>>) src(%dma_wait3A_270 : memref<10000x128xf32, #tpu.memory_space<hbm>>) dst(%arg11 : memref<80x128xf32, #tpu.memory_space<vmem>>)
        %add3A_271 = arith.constant 2 : i32
        %add3A_272 = arith.addi %mul3A_165, %add3A_271 : i32
        %dma_start3A_273 = arith.constant 0 : i32
        %dma_start3A_274 = tpu.memref_slice %arg8[%add3A_272, %dma_start3A_273] : memref<25x80xi32, #tpu.memory_space<vmem>> -> memref<1x80xi32, #tpu.memory_space<vmem>>
        %dma_start3A_275 = tpu.memref_squeeze %dma_start3A_274 : memref<1x80xi32, #tpu.memory_space<vmem>> -> memref<80xi32, #tpu.memory_space<vmem>>
        %dma_start3A_276 = arith.constant 0 : i32
        %dma_start3A_277 = arith.constant 0 : i32
        %dma_start3A_278 = tpu.memref_slice %arg13[%dma_start3A_276, %dma_start3A_277] : memref<10240x128xf32, #tpu.memory_space<vmem_shared>> -> memref<10240x128xf32, #tpu.memory_space<vmem_shared>>
        tpu.enqueue_indirect_dma source(%arg11 : memref<80x128xf32, #tpu.memory_space<vmem>>) target(%dma_start3A_278 : memref<10240x128xf32, #tpu.memory_space<vmem_shared>>) offsets(%dma_start3A_275 : memref<80xi32, #tpu.memory_space<vmem>>) semaphore(%arg20 : memref<!tpu.dma_semaphore, #tpu.memory_space<semaphore_mem>>) {add = true}
        %dma_wait3A_279 = arith.constant 0 : i32
        %dma_wait3A_280 = tpu.memref_slice %arg7[%add3A_230, %dma_wait3A_279] : memref<25x80xi32, #tpu.memory_space<vmem>> -> memref<1x80xi32, #tpu.memory_space<vmem>>
        %dma_wait3A_281 = tpu.memref_squeeze %dma_wait3A_280 : memref<1x80xi32, #tpu.memory_space<vmem>> -> memref<80xi32, #tpu.memory_space<vmem>>
        %dma_wait3A_282 = arith.constant 0 : i32
        %dma_wait3A_283 = arith.constant 0 : i32
        %dma_wait3A_284 = tpu.memref_slice %arg2[%dma_wait3A_282, %dma_wait3A_283] : memref<10000x128xf32, #tpu.memory_space<hbm>> -> memref<10000x128xf32, #tpu.memory_space<hbm>>
        tpu.wait_indirect_dma semaphore(%arg17 : memref<!tpu.dma_semaphore, #tpu.memory_space<semaphore_mem>>) src(%dma_wait3A_284 : memref<10000x128xf32, #tpu.memory_space<hbm>>) dst(%arg12 : memref<80x128xf32, #tpu.memory_space<vmem>>)
        %add3A_285 = arith.constant 3 : i32
        %add3A_286 = arith.addi %mul3A_165, %add3A_285 : i32
        %dma_start3A_287 = arith.constant 0 : i32
        %dma_start3A_288 = tpu.memref_slice %arg8[%add3A_286, %dma_start3A_287] : memref<25x80xi32, #tpu.memory_space<vmem>> -> memref<1x80xi32, #tpu.memory_space<vmem>>
        %dma_start3A_289 = tpu.memref_squeeze %dma_start3A_288 : memref<1x80xi32, #tpu.memory_space<vmem>> -> memref<80xi32, #tpu.memory_space<vmem>>
        %dma_start3A_290 = arith.constant 0 : i32
        %dma_start3A_291 = arith.constant 0 : i32
        %dma_start3A_292 = tpu.memref_slice %arg13[%dma_start3A_290, %dma_start3A_291] : memref<10240x128xf32, #tpu.memory_space<vmem_shared>> -> memref<10240x128xf32, #tpu.memory_space<vmem_shared>>
        tpu.enqueue_indirect_dma source(%arg12 : memref<80x128xf32, #tpu.memory_space<vmem>>) target(%dma_start3A_292 : memref<10240x128xf32, #tpu.memory_space<vmem_shared>>) offsets(%dma_start3A_289 : memref<80xi32, #tpu.memory_space<vmem>>) semaphore(%arg21 : memref<!tpu.dma_semaphore, #tpu.memory_space<semaphore_mem>>) {add = true}
      }
      %scan3A_106 = arith.constant 5 : i32
      %dma_wait3A_107 = arith.constant 20 : i32
      %dma_wait3A_108 = arith.constant 0 : i32
      %dma_wait3A_109 = tpu.memref_slice %arg8[%dma_wait3A_107, %dma_wait3A_108] : memref<25x80xi32, #tpu.memory_space<vmem>> -> memref<1x80xi32, #tpu.memory_space<vmem>>
      %dma_wait3A_110 = tpu.memref_squeeze %dma_wait3A_109 : memref<1x80xi32, #tpu.memory_space<vmem>> -> memref<80xi32, #tpu.memory_space<vmem>>
      %dma_wait3A_111 = arith.constant 0 : i32
      %dma_wait3A_112 = arith.constant 0 : i32
      %dma_wait3A_113 = tpu.memref_slice %arg13[%dma_wait3A_111, %dma_wait3A_112] : memref<10240x128xf32, #tpu.memory_space<vmem_shared>> -> memref<10240x128xf32, #tpu.memory_space<vmem_shared>>
      tpu.wait_indirect_dma semaphore(%arg18 : memref<!tpu.dma_semaphore, #tpu.memory_space<semaphore_mem>>) src(%arg9 : memref<80x128xf32, #tpu.memory_space<vmem>>) dst(%dma_wait3A_113 : memref<10240x128xf32, #tpu.memory_space<vmem_shared>>)
      %dma_start3A_114 = arith.constant 24 : i32
      %dma_start3A_115 = arith.constant 0 : i32
      %dma_start3A_116 = tpu.memref_slice %arg7[%dma_start3A_114, %dma_start3A_115] : memref<25x80xi32, #tpu.memory_space<vmem>> -> memref<1x80xi32, #tpu.memory_space<vmem>>
      %dma_start3A_117 = tpu.memref_squeeze %dma_start3A_116 : memref<1x80xi32, #tpu.memory_space<vmem>> -> memref<80xi32, #tpu.memory_space<vmem>>
      %dma_start3A_118 = arith.constant 0 : i32
      %dma_start3A_119 = arith.constant 0 : i32
      %dma_start3A_120 = tpu.memref_slice %arg2[%dma_start3A_118, %dma_start3A_119] : memref<10000x128xf32, #tpu.memory_space<hbm>> -> memref<10000x128xf32, #tpu.memory_space<hbm>>
      tpu.enqueue_indirect_dma source(%dma_start3A_120 : memref<10000x128xf32, #tpu.memory_space<hbm>>) target(%arg9 : memref<80x128xf32, #tpu.memory_space<vmem>>) offsets(%dma_start3A_117 : memref<80xi32, #tpu.memory_space<vmem>>) semaphore(%arg14 : memref<!tpu.dma_semaphore, #tpu.memory_space<semaphore_mem>>)
      %dma_wait3A_121 = arith.constant 24 : i32
      %dma_wait3A_122 = arith.constant 0 : i32
      %dma_wait3A_123 = tpu.memref_slice %arg7[%dma_wait3A_121, %dma_wait3A_122] : memref<25x80xi32, #tpu.memory_space<vmem>> -> memref<1x80xi32, #tpu.memory_space<vmem>>
      %dma_wait3A_124 = tpu.memref_squeeze %dma_wait3A_123 : memref<1x80xi32, #tpu.memory_space<vmem>> -> memref<80xi32, #tpu.memory_space<vmem>>
      %dma_wait3A_125 = arith.constant 0 : i32
      %dma_wait3A_126 = arith.constant 0 : i32
      %dma_wait3A_127 = tpu.memref_slice %arg2[%dma_wait3A_125, %dma_wait3A_126] : memref<10000x128xf32, #tpu.memory_space<hbm>> -> memref<10000x128xf32, #tpu.memory_space<hbm>>
      tpu.wait_indirect_dma semaphore(%arg14 : memref<!tpu.dma_semaphore, #tpu.memory_space<semaphore_mem>>) src(%dma_wait3A_127 : memref<10000x128xf32, #tpu.memory_space<hbm>>) dst(%arg9 : memref<80x128xf32, #tpu.memory_space<vmem>>)
      %dma_start3A_128 = arith.constant 24 : i32
      %dma_start3A_129 = arith.constant 0 : i32
      %dma_start3A_130 = tpu.memref_slice %arg8[%dma_start3A_128, %dma_start3A_129] : memref<25x80xi32, #tpu.memory_space<vmem>> -> memref<1x80xi32, #tpu.memory_space<vmem>>
      %dma_start3A_131 = tpu.memref_squeeze %dma_start3A_130 : memref<1x80xi32, #tpu.memory_space<vmem>> -> memref<80xi32, #tpu.memory_space<vmem>>
      %dma_start3A_132 = arith.constant 0 : i32
      %dma_start3A_133 = arith.constant 0 : i32
      %dma_start3A_134 = tpu.memref_slice %arg13[%dma_start3A_132, %dma_start3A_133] : memref<10240x128xf32, #tpu.memory_space<vmem_shared>> -> memref<10240x128xf32, #tpu.memory_space<vmem_shared>>
      tpu.enqueue_indirect_dma source(%arg9 : memref<80x128xf32, #tpu.memory_space<vmem>>) target(%dma_start3A_134 : memref<10240x128xf32, #tpu.memory_space<vmem_shared>>) offsets(%dma_start3A_131 : memref<80xi32, #tpu.memory_space<vmem>>) semaphore(%arg18 : memref<!tpu.dma_semaphore, #tpu.memory_space<semaphore_mem>>) {add = true}
      %dma_wait3A_135 = arith.constant 24 : i32
      %dma_wait3A_136 = arith.constant 0 : i32
      %dma_wait3A_137 = tpu.memref_slice %arg8[%dma_wait3A_135, %dma_wait3A_136] : memref<25x80xi32, #tpu.memory_space<vmem>> -> memref<1x80xi32, #tpu.memory_space<vmem>>
      %dma_wait3A_138 = tpu.memref_squeeze %dma_wait3A_137 : memref<1x80xi32, #tpu.memory_space<vmem>> -> memref<80xi32, #tpu.memory_space<vmem>>
      %dma_wait3A_139 = arith.constant 0 : i32
      %dma_wait3A_140 = arith.constant 0 : i32
      %dma_wait3A_141 = tpu.memref_slice %arg13[%dma_wait3A_139, %dma_wait3A_140] : memref<10240x128xf32, #tpu.memory_space<vmem_shared>> -> memref<10240x128xf32, #tpu.memory_space<vmem_shared>>
      tpu.wait_indirect_dma semaphore(%arg18 : memref<!tpu.dma_semaphore, #tpu.memory_space<semaphore_mem>>) src(%arg9 : memref<80x128xf32, #tpu.memory_space<vmem>>) dst(%dma_wait3A_141 : memref<10240x128xf32, #tpu.memory_space<vmem_shared>>)
      %dma_wait3A_142 = arith.constant 21 : i32
      %dma_wait3A_143 = arith.constant 0 : i32
      %dma_wait3A_144 = tpu.memref_slice %arg8[%dma_wait3A_142, %dma_wait3A_143] : memref<25x80xi32, #tpu.memory_space<vmem>> -> memref<1x80xi32, #tpu.memory_space<vmem>>
      %dma_wait3A_145 = tpu.memref_squeeze %dma_wait3A_144 : memref<1x80xi32, #tpu.memory_space<vmem>> -> memref<80xi32, #tpu.memory_space<vmem>>
      %dma_wait3A_146 = arith.constant 0 : i32
      %dma_wait3A_147 = arith.constant 0 : i32
      %dma_wait3A_148 = tpu.memref_slice %arg13[%dma_wait3A_146, %dma_wait3A_147] : memref<10240x128xf32, #tpu.memory_space<vmem_shared>> -> memref<10240x128xf32, #tpu.memory_space<vmem_shared>>
      tpu.wait_indirect_dma semaphore(%arg19 : memref<!tpu.dma_semaphore, #tpu.memory_space<semaphore_mem>>) src(%arg10 : memref<80x128xf32, #tpu.memory_space<vmem>>) dst(%dma_wait3A_148 : memref<10240x128xf32, #tpu.memory_space<vmem_shared>>)
      %dma_wait3A_149 = arith.constant 22 : i32
      %dma_wait3A_150 = arith.constant 0 : i32
      %dma_wait3A_151 = tpu.memref_slice %arg8[%dma_wait3A_149, %dma_wait3A_150] : memref<25x80xi32, #tpu.memory_space<vmem>> -> memref<1x80xi32, #tpu.memory_space<vmem>>
      %dma_wait3A_152 = tpu.memref_squeeze %dma_wait3A_151 : memref<1x80xi32, #tpu.memory_space<vmem>> -> memref<80xi32, #tpu.memory_space<vmem>>
      %dma_wait3A_153 = arith.constant 0 : i32
      %dma_wait3A_154 = arith.constant 0 : i32
      %dma_wait3A_155 = tpu.memref_slice %arg13[%dma_wait3A_153, %dma_wait3A_154] : memref<10240x128xf32, #tpu.memory_space<vmem_shared>> -> memref<10240x128xf32, #tpu.memory_space<vmem_shared>>
      tpu.wait_indirect_dma semaphore(%arg20 : memref<!tpu.dma_semaphore, #tpu.memory_space<semaphore_mem>>) src(%arg11 : memref<80x128xf32, #tpu.memory_space<vmem>>) dst(%dma_wait3A_155 : memref<10240x128xf32, #tpu.memory_space<vmem_shared>>)
      %dma_wait3A_156 = arith.constant 23 : i32
      %dma_wait3A_157 = arith.constant 0 : i32
      %dma_wait3A_158 = tpu.memref_slice %arg8[%dma_wait3A_156, %dma_wait3A_157] : memref<25x80xi32, #tpu.memory_space<vmem>> -> memref<1x80xi32, #tpu.memory_space<vmem>>
      %dma_wait3A_159 = tpu.memref_squeeze %dma_wait3A_158 : memref<1x80xi32, #tpu.memory_space<vmem>> -> memref<80xi32, #tpu.memory_space<vmem>>
      %dma_wait3A_160 = arith.constant 0 : i32
      %dma_wait3A_161 = arith.constant 0 : i32
      %dma_wait3A_162 = tpu.memref_slice %arg13[%dma_wait3A_160, %dma_wait3A_161] : memref<10240x128xf32, #tpu.memory_space<vmem_shared>> -> memref<10240x128xf32, #tpu.memory_space<vmem_shared>>
      tpu.wait_indirect_dma semaphore(%arg21 : memref<!tpu.dma_semaphore, #tpu.memory_space<semaphore_mem>>) src(%arg12 : memref<80x128xf32, #tpu.memory_space<vmem>>) dst(%dma_wait3A_162 : memref<10240x128xf32, #tpu.memory_space<vmem_shared>>)
    }
    %scan3A_9 = arith.constant 5 : i32
    %barrier3A_10 = arith.constant 0 : index
    tpu.barrier barrier_id(%barrier3A_10)
    %mul3A_11 = arith.constant 10240 : i32
    %mul3A_12 = arith.muli %arg0, %mul3A_11 : i32
    %mul3A_13 = arith.constant 640 : i32
    %mul3A_14 = arith.muli %arg1, %mul3A_13 : i32
    %add3A_15 = arith.addi %mul3A_12, %mul3A_14 : i32
    %mul3A_16 = arith.constant 640 : i32
    %mul3A_17 = arith.muli %arg1, %mul3A_16 : i32
    "tpu.region"() ({
      %run_scoped3A = tpu.sem_alloc : memref<!tpu.dma_semaphore, #tpu.memory_space<semaphore_mem>>
      %dma_start3A = arith.constant 0 : i32
      %dma_start3A_18 = tpu.memref_slice %arg6[%add3A_15, %dma_start3A] : memref<20480x128xf32, #tpu.memory_space<hbm>> -> memref<640x128xf32, #tpu.memory_space<hbm>>
      %dma_start3A_19 = arith.constant 0 : i32
      %dma_start3A_20 = tpu.memref_slice %arg13[%mul3A_17, %dma_start3A_19] : memref<10240x128xf32, #tpu.memory_space<vmem_shared>> -> memref<640x128xf32, #tpu.memory_space<vmem_shared>>
      tpu.enqueue_dma source(%dma_start3A_20 : memref<640x128xf32, #tpu.memory_space<vmem_shared>>) target(%dma_start3A_18 : memref<640x128xf32, #tpu.memory_space<hbm>>) target_semaphore(%run_scoped3A : memref<!tpu.dma_semaphore, #tpu.memory_space<semaphore_mem>>)
      %dma_wait3A = arith.constant 0 : i32
      %dma_wait3A_21 = tpu.memref_slice %arg6[%add3A_15, %dma_wait3A] : memref<20480x128xf32, #tpu.memory_space<hbm>> -> memref<640x128xf32, #tpu.memory_space<hbm>>
      %dma_wait3A_22 = arith.constant 0 : i32
      %dma_wait3A_23 = tpu.memref_slice %arg13[%mul3A_17, %dma_wait3A_22] : memref<10240x128xf32, #tpu.memory_space<vmem_shared>> -> memref<640x128xf32, #tpu.memory_space<vmem_shared>>
      tpu.wait_dma2 semaphore(%run_scoped3A : memref<!tpu.dma_semaphore, #tpu.memory_space<semaphore_mem>>) src(%dma_wait3A_23 : memref<640x128xf32, #tpu.memory_space<vmem_shared>>) dst(%dma_wait3A_21 : memref<640x128xf32, #tpu.memory_space<hbm>>)
      tpu.yield
    }) : () -> ()
    return
  }
}

#map = affine_map<(d0, d1) -> (0, 0)>
#map1 = affine_map<(d0, d1) -> (0, 0, 0, 0)>
module attributes {stable_mosaic.version = 14 : i64} {
  func.func @_sc_agg_body(%arg0: i32, %arg1: i32, %arg2: memref<10000x128xf32, #tpu.memory_space<hbm>>, %arg3: memref<32x5x25x80xi32, #tpu.memory_space<hbm>>, %arg4: memref<32x5x25x80xi32, #tpu.memory_space<hbm>>, %arg5: memref<10240x128xf32, #tpu.memory_space<hbm>>, %arg6: memref<20480x128xf32, #tpu.memory_space<hbm>>, %arg7: memref<25x80xi32, #tpu.memory_space<vmem>>, %arg8: memref<25x80xi32, #tpu.memory_space<vmem>>, %arg9: memref<80x128xf32, #tpu.memory_space<vmem>>, %arg10: memref<80x128xf32, #tpu.memory_space<vmem>>, %arg11: memref<80x128xf32, #tpu.memory_space<vmem>>, %arg12: memref<80x128xf32, #tpu.memory_space<vmem>>, %arg13: memref<10240x128xf32, #tpu.memory_space<vmem_shared>>, %arg14: memref<!tpu.dma_semaphore, #tpu.memory_space<semaphore_mem>>, %arg15: memref<!tpu.dma_semaphore, #tpu.memory_space<semaphore_mem>>, %arg16: memref<!tpu.dma_semaphore, #tpu.memory_space<semaphore_mem>>, %arg17: memref<!tpu.dma_semaphore, #tpu.memory_space<semaphore_mem>>, %arg18: memref<!tpu.dma_semaphore, #tpu.memory_space<semaphore_mem>>, %arg19: memref<!tpu.dma_semaphore, #tpu.memory_space<semaphore_mem>>, %arg20: memref<!tpu.dma_semaphore, #tpu.memory_space<semaphore_mem>>, %arg21: memref<!tpu.dma_semaphore, #tpu.memory_space<semaphore_mem>>) attributes {dimension_semantics = [#tpu.dimension_semantics<core_parallel>, #tpu.dimension_semantics<subcore_parallel>], iteration_bounds = array<i64: 2, 16>, scalar_prefetch = 0 : i64, scratch_operands = 15 : i64, tpu.core_type = #tpu.core_type<sc_vector_subcore>, window_params = [{transform_indices = #map}, {transform_indices = #map1}, {transform_indices = #map1}, {transform_indices = #map}, {transform_indices = #map}]} {
    %mul3A = arith.constant 2 : i32
    %mul3A_0 = arith.muli %arg1, %mul3A : i32
    %add3A = arith.addi %mul3A_0, %arg0 : i32
    %mul3A_1 = arith.constant 640 : i32
    %mul3A_2 = arith.muli %arg1, %mul3A_1 : i32
    %mul3A_3 = arith.constant 640 : i32
    %mul3A_4 = arith.muli %arg1, %mul3A_3 : i32
    "tpu.region"() ({
      %run_scoped3A = tpu.sem_alloc : memref<!tpu.dma_semaphore, #tpu.memory_space<semaphore_mem>>
      %dma_start3A = arith.constant 0 : i32
      %dma_start3A_18 = tpu.memref_slice %arg13[%mul3A_4, %dma_start3A] : memref<10240x128xf32, #tpu.memory_space<vmem_shared>> -> memref<640x128xf32, #tpu.memory_space<vmem_shared>>
      %dma_start3A_19 = arith.constant 0 : i32
      %dma_start3A_20 = tpu.memref_slice %arg5[%mul3A_2, %dma_start3A_19] : memref<10240x128xf32, #tpu.memory_space<hbm>> -> memref<640x128xf32, #tpu.memory_space<hbm>>
      tpu.enqueue_dma source(%dma_start3A_20 : memref<640x128xf32, #tpu.memory_space<hbm>>) target(%dma_start3A_18 : memref<640x128xf32, #tpu.memory_space<vmem_shared>>) target_semaphore(%run_scoped3A : memref<!tpu.dma_semaphore, #tpu.memory_space<semaphore_mem>>)
      %dma_wait3A = arith.constant 0 : i32
      %dma_wait3A_21 = tpu.memref_slice %arg13[%mul3A_4, %dma_wait3A] : memref<10240x128xf32, #tpu.memory_space<vmem_shared>> -> memref<640x128xf32, #tpu.memory_space<vmem_shared>>
      %dma_wait3A_22 = arith.constant 0 : i32
      %dma_wait3A_23 = tpu.memref_slice %arg5[%mul3A_2, %dma_wait3A_22] : memref<10240x128xf32, #tpu.memory_space<hbm>> -> memref<640x128xf32, #tpu.memory_space<hbm>>
      tpu.wait_dma2 semaphore(%run_scoped3A : memref<!tpu.dma_semaphore, #tpu.memory_space<semaphore_mem>>) src(%dma_wait3A_23 : memref<640x128xf32, #tpu.memory_space<hbm>>) dst(%dma_wait3A_21 : memref<640x128xf32, #tpu.memory_space<vmem_shared>>)
      tpu.yield
    }) : () -> ()
    %barrier3A = arith.constant 0 : index
    tpu.barrier barrier_id(%barrier3A)
    %scan3A = arith.constant 0 : i32
    %scan3A_5 = arith.constant 0 : i32
    %scan3A_6 = arith.constant 5 : i32
    %scan3A_7 = arith.addi %scan3A_5, %scan3A_6 : i32
    %scan3A_8 = arith.constant 1 : i32
    scf.for %scan3A_18 = %scan3A_5 to %scan3A_7 step %scan3A_8  : i32 {
      "tpu.region"() ({
        %run_scoped3A = tpu.sem_alloc : memref<!tpu.dma_semaphore, #tpu.memory_space<semaphore_mem>>
        %dma_start3A_163 = arith.constant 0 : i32
        %dma_start3A_164 = arith.constant 0 : i32
        %dma_start3A_165 = tpu.memref_slice %arg3[%add3A, %scan3A_18, %dma_start3A_163, %dma_start3A_164] : memref<32x5x25x80xi32, #tpu.memory_space<hbm>> -> memref<1x1x25x80xi32, #tpu.memory_space<hbm>>
        %dma_start3A_166 = tpu.memref_squeeze %dma_start3A_165 : memref<1x1x25x80xi32, #tpu.memory_space<hbm>> -> memref<25x80xi32, #tpu.memory_space<hbm>>
        %dma_start3A_167 = arith.constant 0 : i32
        %dma_start3A_168 = arith.constant 0 : i32
        %dma_start3A_169 = tpu.memref_slice %arg3[%add3A, %scan3A_18, %dma_start3A_167, %dma_start3A_168] : memref<32x5x25x80xi32, #tpu.memory_space<hbm>> -> memref<1x1x25x80xi32, #tpu.memory_space<hbm>>
        %dma_start3A_170 = tpu.memref_squeeze %dma_start3A_169 : memref<1x1x25x80xi32, #tpu.memory_space<hbm>> -> memref<25x80xi32, #tpu.memory_space<hbm>>
        tpu.enqueue_dma source(%dma_start3A_170 : memref<25x80xi32, #tpu.memory_space<hbm>>) target(%arg7 : memref<25x80xi32, #tpu.memory_space<vmem>>) target_semaphore(%run_scoped3A : memref<!tpu.dma_semaphore, #tpu.memory_space<semaphore_mem>>)
        %dma_wait3A_171 = arith.constant 0 : i32
        %dma_wait3A_172 = arith.constant 0 : i32
        %dma_wait3A_173 = tpu.memref_slice %arg3[%add3A, %scan3A_18, %dma_wait3A_171, %dma_wait3A_172] : memref<32x5x25x80xi32, #tpu.memory_space<hbm>> -> memref<1x1x25x80xi32, #tpu.memory_space<hbm>>
        %dma_wait3A_174 = tpu.memref_squeeze %dma_wait3A_173 : memref<1x1x25x80xi32, #tpu.memory_space<hbm>> -> memref<25x80xi32, #tpu.memory_space<hbm>>
        %dma_wait3A_175 = arith.constant 0 : i32
        %dma_wait3A_176 = arith.constant 0 : i32
        %dma_wait3A_177 = tpu.memref_slice %arg3[%add3A, %scan3A_18, %dma_wait3A_175, %dma_wait3A_176] : memref<32x5x25x80xi32, #tpu.memory_space<hbm>> -> memref<1x1x25x80xi32, #tpu.memory_space<hbm>>
        %dma_wait3A_178 = tpu.memref_squeeze %dma_wait3A_177 : memref<1x1x25x80xi32, #tpu.memory_space<hbm>> -> memref<25x80xi32, #tpu.memory_space<hbm>>
        tpu.wait_dma2 semaphore(%run_scoped3A : memref<!tpu.dma_semaphore, #tpu.memory_space<semaphore_mem>>) src(%dma_wait3A_178 : memref<25x80xi32, #tpu.memory_space<hbm>>) dst(%arg7 : memref<25x80xi32, #tpu.memory_space<vmem>>)
        tpu.yield
      }) : () -> ()
      "tpu.region"() ({
        %run_scoped3A = tpu.sem_alloc : memref<!tpu.dma_semaphore, #tpu.memory_space<semaphore_mem>>
        %dma_start3A_163 = arith.constant 0 : i32
        %dma_start3A_164 = arith.constant 0 : i32
        %dma_start3A_165 = tpu.memref_slice %arg4[%add3A, %scan3A_18, %dma_start3A_163, %dma_start3A_164] : memref<32x5x25x80xi32, #tpu.memory_space<hbm>> -> memref<1x1x25x80xi32, #tpu.memory_space<hbm>>
        %dma_start3A_166 = tpu.memref_squeeze %dma_start3A_165 : memref<1x1x25x80xi32, #tpu.memory_space<hbm>> -> memref<25x80xi32, #tpu.memory_space<hbm>>
        %dma_start3A_167 = arith.constant 0 : i32
        %dma_start3A_168 = arith.constant 0 : i32
        %dma_start3A_169 = tpu.memref_slice %arg4[%add3A, %scan3A_18, %dma_start3A_167, %dma_start3A_168] : memref<32x5x25x80xi32, #tpu.memory_space<hbm>> -> memref<1x1x25x80xi32, #tpu.memory_space<hbm>>
        %dma_start3A_170 = tpu.memref_squeeze %dma_start3A_169 : memref<1x1x25x80xi32, #tpu.memory_space<hbm>> -> memref<25x80xi32, #tpu.memory_space<hbm>>
        tpu.enqueue_dma source(%dma_start3A_170 : memref<25x80xi32, #tpu.memory_space<hbm>>) target(%arg8 : memref<25x80xi32, #tpu.memory_space<vmem>>) target_semaphore(%run_scoped3A : memref<!tpu.dma_semaphore, #tpu.memory_space<semaphore_mem>>)
        %dma_wait3A_171 = arith.constant 0 : i32
        %dma_wait3A_172 = arith.constant 0 : i32
        %dma_wait3A_173 = tpu.memref_slice %arg4[%add3A, %scan3A_18, %dma_wait3A_171, %dma_wait3A_172] : memref<32x5x25x80xi32, #tpu.memory_space<hbm>> -> memref<1x1x25x80xi32, #tpu.memory_space<hbm>>
        %dma_wait3A_174 = tpu.memref_squeeze %dma_wait3A_173 : memref<1x1x25x80xi32, #tpu.memory_space<hbm>> -> memref<25x80xi32, #tpu.memory_space<hbm>>
        %dma_wait3A_175 = arith.constant 0 : i32
        %dma_wait3A_176 = arith.constant 0 : i32
        %dma_wait3A_177 = tpu.memref_slice %arg4[%add3A, %scan3A_18, %dma_wait3A_175, %dma_wait3A_176] : memref<32x5x25x80xi32, #tpu.memory_space<hbm>> -> memref<1x1x25x80xi32, #tpu.memory_space<hbm>>
        %dma_wait3A_178 = tpu.memref_squeeze %dma_wait3A_177 : memref<1x1x25x80xi32, #tpu.memory_space<hbm>> -> memref<25x80xi32, #tpu.memory_space<hbm>>
        tpu.wait_dma2 semaphore(%run_scoped3A : memref<!tpu.dma_semaphore, #tpu.memory_space<semaphore_mem>>) src(%dma_wait3A_178 : memref<25x80xi32, #tpu.memory_space<hbm>>) dst(%arg8 : memref<25x80xi32, #tpu.memory_space<vmem>>)
        tpu.yield
      }) : () -> ()
      %dma_start3A = arith.constant 0 : i32
      %dma_start3A_19 = arith.constant 0 : i32
      %dma_start3A_20 = tpu.memref_slice %arg7[%dma_start3A, %dma_start3A_19] : memref<25x80xi32, #tpu.memory_space<vmem>> -> memref<1x80xi32, #tpu.memory_space<vmem>>
      %dma_start3A_21 = tpu.memref_squeeze %dma_start3A_20 : memref<1x80xi32, #tpu.memory_space<vmem>> -> memref<80xi32, #tpu.memory_space<vmem>>
      %dma_start3A_22 = arith.constant 0 : i32
      %dma_start3A_23 = arith.constant 0 : i32
      %dma_start3A_24 = tpu.memref_slice %arg2[%dma_start3A_22, %dma_start3A_23] : memref<10000x128xf32, #tpu.memory_space<hbm>> -> memref<10000x128xf32, #tpu.memory_space<hbm>>
      tpu.enqueue_indirect_dma source(%dma_start3A_24 : memref<10000x128xf32, #tpu.memory_space<hbm>>) target(%arg9 : memref<80x128xf32, #tpu.memory_space<vmem>>) offsets(%dma_start3A_21 : memref<80xi32, #tpu.memory_space<vmem>>) semaphore(%arg14 : memref<!tpu.dma_semaphore, #tpu.memory_space<semaphore_mem>>)
      %dma_start3A_25 = arith.constant 1 : i32
      %dma_start3A_26 = arith.constant 0 : i32
      %dma_start3A_27 = tpu.memref_slice %arg7[%dma_start3A_25, %dma_start3A_26] : memref<25x80xi32, #tpu.memory_space<vmem>> -> memref<1x80xi32, #tpu.memory_space<vmem>>
      %dma_start3A_28 = tpu.memref_squeeze %dma_start3A_27 : memref<1x80xi32, #tpu.memory_space<vmem>> -> memref<80xi32, #tpu.memory_space<vmem>>
      %dma_start3A_29 = arith.constant 0 : i32
      %dma_start3A_30 = arith.constant 0 : i32
      %dma_start3A_31 = tpu.memref_slice %arg2[%dma_start3A_29, %dma_start3A_30] : memref<10000x128xf32, #tpu.memory_space<hbm>> -> memref<10000x128xf32, #tpu.memory_space<hbm>>
      tpu.enqueue_indirect_dma source(%dma_start3A_31 : memref<10000x128xf32, #tpu.memory_space<hbm>>) target(%arg10 : memref<80x128xf32, #tpu.memory_space<vmem>>) offsets(%dma_start3A_28 : memref<80xi32, #tpu.memory_space<vmem>>) semaphore(%arg15 : memref<!tpu.dma_semaphore, #tpu.memory_space<semaphore_mem>>)
      %dma_start3A_32 = arith.constant 2 : i32
      %dma_start3A_33 = arith.constant 0 : i32
      %dma_start3A_34 = tpu.memref_slice %arg7[%dma_start3A_32, %dma_start3A_33] : memref<25x80xi32, #tpu.memory_space<vmem>> -> memref<1x80xi32, #tpu.memory_space<vmem>>
      %dma_start3A_35 = tpu.memref_squeeze %dma_start3A_34 : memref<1x80xi32, #tpu.memory_space<vmem>> -> memref<80xi32, #tpu.memory_space<vmem>>
      %dma_start3A_36 = arith.constant 0 : i32
      %dma_start3A_37 = arith.constant 0 : i32
      %dma_start3A_38 = tpu.memref_slice %arg2[%dma_start3A_36, %dma_start3A_37] : memref<10000x128xf32, #tpu.memory_space<hbm>> -> memref<10000x128xf32, #tpu.memory_space<hbm>>
      tpu.enqueue_indirect_dma source(%dma_start3A_38 : memref<10000x128xf32, #tpu.memory_space<hbm>>) target(%arg11 : memref<80x128xf32, #tpu.memory_space<vmem>>) offsets(%dma_start3A_35 : memref<80xi32, #tpu.memory_space<vmem>>) semaphore(%arg16 : memref<!tpu.dma_semaphore, #tpu.memory_space<semaphore_mem>>)
      %dma_start3A_39 = arith.constant 3 : i32
      %dma_start3A_40 = arith.constant 0 : i32
      %dma_start3A_41 = tpu.memref_slice %arg7[%dma_start3A_39, %dma_start3A_40] : memref<25x80xi32, #tpu.memory_space<vmem>> -> memref<1x80xi32, #tpu.memory_space<vmem>>
      %dma_start3A_42 = tpu.memref_squeeze %dma_start3A_41 : memref<1x80xi32, #tpu.memory_space<vmem>> -> memref<80xi32, #tpu.memory_space<vmem>>
      %dma_start3A_43 = arith.constant 0 : i32
      %dma_start3A_44 = arith.constant 0 : i32
      %dma_start3A_45 = tpu.memref_slice %arg2[%dma_start3A_43, %dma_start3A_44] : memref<10000x128xf32, #tpu.memory_space<hbm>> -> memref<10000x128xf32, #tpu.memory_space<hbm>>
      tpu.enqueue_indirect_dma source(%dma_start3A_45 : memref<10000x128xf32, #tpu.memory_space<hbm>>) target(%arg12 : memref<80x128xf32, #tpu.memory_space<vmem>>) offsets(%dma_start3A_42 : memref<80xi32, #tpu.memory_space<vmem>>) semaphore(%arg17 : memref<!tpu.dma_semaphore, #tpu.memory_space<semaphore_mem>>)
      %dma_wait3A = arith.constant 0 : i32
      %dma_wait3A_46 = arith.constant 0 : i32
      %dma_wait3A_47 = tpu.memref_slice %arg7[%dma_wait3A, %dma_wait3A_46] : memref<25x80xi32, #tpu.memory_space<vmem>> -> memref<1x80xi32, #tpu.memory_space<vmem>>
      %dma_wait3A_48 = tpu.memref_squeeze %dma_wait3A_47 : memref<1x80xi32, #tpu.memory_space<vmem>> -> memref<80xi32, #tpu.memory_space<vmem>>
      %dma_wait3A_49 = arith.constant 0 : i32
      %dma_wait3A_50 = arith.constant 0 : i32
      %dma_wait3A_51 = tpu.memref_slice %arg2[%dma_wait3A_49, %dma_wait3A_50] : memref<10000x128xf32, #tpu.memory_space<hbm>> -> memref<10000x128xf32, #tpu.memory_space<hbm>>
      tpu.wait_indirect_dma semaphore(%arg14 : memref<!tpu.dma_semaphore, #tpu.memory_space<semaphore_mem>>) src(%dma_wait3A_51 : memref<10000x128xf32, #tpu.memory_space<hbm>>) dst(%arg9 : memref<80x128xf32, #tpu.memory_space<vmem>>)
      %dma_start3A_52 = arith.constant 0 : i32
      %dma_start3A_53 = arith.constant 0 : i32
      %dma_start3A_54 = tpu.memref_slice %arg8[%dma_start3A_52, %dma_start3A_53] : memref<25x80xi32, #tpu.memory_space<vmem>> -> memref<1x80xi32, #tpu.memory_space<vmem>>
      %dma_start3A_55 = tpu.memref_squeeze %dma_start3A_54 : memref<1x80xi32, #tpu.memory_space<vmem>> -> memref<80xi32, #tpu.memory_space<vmem>>
      %dma_start3A_56 = arith.constant 0 : i32
      %dma_start3A_57 = arith.constant 0 : i32
      %dma_start3A_58 = tpu.memref_slice %arg13[%dma_start3A_56, %dma_start3A_57] : memref<10240x128xf32, #tpu.memory_space<vmem_shared>> -> memref<10240x128xf32, #tpu.memory_space<vmem_shared>>
      tpu.enqueue_indirect_dma source(%arg9 : memref<80x128xf32, #tpu.memory_space<vmem>>) target(%dma_start3A_58 : memref<10240x128xf32, #tpu.memory_space<vmem_shared>>) offsets(%dma_start3A_55 : memref<80xi32, #tpu.memory_space<vmem>>) semaphore(%arg18 : memref<!tpu.dma_semaphore, #tpu.memory_space<semaphore_mem>>) {add = true}
      %dma_wait3A_59 = arith.constant 1 : i32
      %dma_wait3A_60 = arith.constant 0 : i32
      %dma_wait3A_61 = tpu.memref_slice %arg7[%dma_wait3A_59, %dma_wait3A_60] : memref<25x80xi32, #tpu.memory_space<vmem>> -> memref<1x80xi32, #tpu.memory_space<vmem>>
      %dma_wait3A_62 = tpu.memref_squeeze %dma_wait3A_61 : memref<1x80xi32, #tpu.memory_space<vmem>> -> memref<80xi32, #tpu.memory_space<vmem>>
      %dma_wait3A_63 = arith.constant 0 : i32
      %dma_wait3A_64 = arith.constant 0 : i32
      %dma_wait3A_65 = tpu.memref_slice %arg2[%dma_wait3A_63, %dma_wait3A_64] : memref<10000x128xf32, #tpu.memory_space<hbm>> -> memref<10000x128xf32, #tpu.memory_space<hbm>>
      tpu.wait_indirect_dma semaphore(%arg15 : memref<!tpu.dma_semaphore, #tpu.memory_space<semaphore_mem>>) src(%dma_wait3A_65 : memref<10000x128xf32, #tpu.memory_space<hbm>>) dst(%arg10 : memref<80x128xf32, #tpu.memory_space<vmem>>)
      %dma_start3A_66 = arith.constant 1 : i32
      %dma_start3A_67 = arith.constant 0 : i32
      %dma_start3A_68 = tpu.memref_slice %arg8[%dma_start3A_66, %dma_start3A_67] : memref<25x80xi32, #tpu.memory_space<vmem>> -> memref<1x80xi32, #tpu.memory_space<vmem>>
      %dma_start3A_69 = tpu.memref_squeeze %dma_start3A_68 : memref<1x80xi32, #tpu.memory_space<vmem>> -> memref<80xi32, #tpu.memory_space<vmem>>
      %dma_start3A_70 = arith.constant 0 : i32
      %dma_start3A_71 = arith.constant 0 : i32
      %dma_start3A_72 = tpu.memref_slice %arg13[%dma_start3A_70, %dma_start3A_71] : memref<10240x128xf32, #tpu.memory_space<vmem_shared>> -> memref<10240x128xf32, #tpu.memory_space<vmem_shared>>
      tpu.enqueue_indirect_dma source(%arg10 : memref<80x128xf32, #tpu.memory_space<vmem>>) target(%dma_start3A_72 : memref<10240x128xf32, #tpu.memory_space<vmem_shared>>) offsets(%dma_start3A_69 : memref<80xi32, #tpu.memory_space<vmem>>) semaphore(%arg19 : memref<!tpu.dma_semaphore, #tpu.memory_space<semaphore_mem>>) {add = true}
      %dma_wait3A_73 = arith.constant 2 : i32
      %dma_wait3A_74 = arith.constant 0 : i32
      %dma_wait3A_75 = tpu.memref_slice %arg7[%dma_wait3A_73, %dma_wait3A_74] : memref<25x80xi32, #tpu.memory_space<vmem>> -> memref<1x80xi32, #tpu.memory_space<vmem>>
      %dma_wait3A_76 = tpu.memref_squeeze %dma_wait3A_75 : memref<1x80xi32, #tpu.memory_space<vmem>> -> memref<80xi32, #tpu.memory_space<vmem>>
      %dma_wait3A_77 = arith.constant 0 : i32
      %dma_wait3A_78 = arith.constant 0 : i32
      %dma_wait3A_79 = tpu.memref_slice %arg2[%dma_wait3A_77, %dma_wait3A_78] : memref<10000x128xf32, #tpu.memory_space<hbm>> -> memref<10000x128xf32, #tpu.memory_space<hbm>>
      tpu.wait_indirect_dma semaphore(%arg16 : memref<!tpu.dma_semaphore, #tpu.memory_space<semaphore_mem>>) src(%dma_wait3A_79 : memref<10000x128xf32, #tpu.memory_space<hbm>>) dst(%arg11 : memref<80x128xf32, #tpu.memory_space<vmem>>)
      %dma_start3A_80 = arith.constant 2 : i32
      %dma_start3A_81 = arith.constant 0 : i32
      %dma_start3A_82 = tpu.memref_slice %arg8[%dma_start3A_80, %dma_start3A_81] : memref<25x80xi32, #tpu.memory_space<vmem>> -> memref<1x80xi32, #tpu.memory_space<vmem>>
      %dma_start3A_83 = tpu.memref_squeeze %dma_start3A_82 : memref<1x80xi32, #tpu.memory_space<vmem>> -> memref<80xi32, #tpu.memory_space<vmem>>
      %dma_start3A_84 = arith.constant 0 : i32
      %dma_start3A_85 = arith.constant 0 : i32
      %dma_start3A_86 = tpu.memref_slice %arg13[%dma_start3A_84, %dma_start3A_85] : memref<10240x128xf32, #tpu.memory_space<vmem_shared>> -> memref<10240x128xf32, #tpu.memory_space<vmem_shared>>
      tpu.enqueue_indirect_dma source(%arg11 : memref<80x128xf32, #tpu.memory_space<vmem>>) target(%dma_start3A_86 : memref<10240x128xf32, #tpu.memory_space<vmem_shared>>) offsets(%dma_start3A_83 : memref<80xi32, #tpu.memory_space<vmem>>) semaphore(%arg20 : memref<!tpu.dma_semaphore, #tpu.memory_space<semaphore_mem>>) {add = true}
      %dma_wait3A_87 = arith.constant 3 : i32
      %dma_wait3A_88 = arith.constant 0 : i32
      %dma_wait3A_89 = tpu.memref_slice %arg7[%dma_wait3A_87, %dma_wait3A_88] : memref<25x80xi32, #tpu.memory_space<vmem>> -> memref<1x80xi32, #tpu.memory_space<vmem>>
      %dma_wait3A_90 = tpu.memref_squeeze %dma_wait3A_89 : memref<1x80xi32, #tpu.memory_space<vmem>> -> memref<80xi32, #tpu.memory_space<vmem>>
      %dma_wait3A_91 = arith.constant 0 : i32
      %dma_wait3A_92 = arith.constant 0 : i32
      %dma_wait3A_93 = tpu.memref_slice %arg2[%dma_wait3A_91, %dma_wait3A_92] : memref<10000x128xf32, #tpu.memory_space<hbm>> -> memref<10000x128xf32, #tpu.memory_space<hbm>>
      tpu.wait_indirect_dma semaphore(%arg17 : memref<!tpu.dma_semaphore, #tpu.memory_space<semaphore_mem>>) src(%dma_wait3A_93 : memref<10000x128xf32, #tpu.memory_space<hbm>>) dst(%arg12 : memref<80x128xf32, #tpu.memory_space<vmem>>)
      %dma_start3A_94 = arith.constant 3 : i32
      %dma_start3A_95 = arith.constant 0 : i32
      %dma_start3A_96 = tpu.memref_slice %arg8[%dma_start3A_94, %dma_start3A_95] : memref<25x80xi32, #tpu.memory_space<vmem>> -> memref<1x80xi32, #tpu.memory_space<vmem>>
      %dma_start3A_97 = tpu.memref_squeeze %dma_start3A_96 : memref<1x80xi32, #tpu.memory_space<vmem>> -> memref<80xi32, #tpu.memory_space<vmem>>
      %dma_start3A_98 = arith.constant 0 : i32
      %dma_start3A_99 = arith.constant 0 : i32
      %dma_start3A_100 = tpu.memref_slice %arg13[%dma_start3A_98, %dma_start3A_99] : memref<10240x128xf32, #tpu.memory_space<vmem_shared>> -> memref<10240x128xf32, #tpu.memory_space<vmem_shared>>
      tpu.enqueue_indirect_dma source(%arg12 : memref<80x128xf32, #tpu.memory_space<vmem>>) target(%dma_start3A_100 : memref<10240x128xf32, #tpu.memory_space<vmem_shared>>) offsets(%dma_start3A_97 : memref<80xi32, #tpu.memory_space<vmem>>) semaphore(%arg21 : memref<!tpu.dma_semaphore, #tpu.memory_space<semaphore_mem>>) {add = true}
      %scan3A_101 = arith.constant 0 : i32
      %scan3A_102 = arith.constant 1 : i32
      %scan3A_103 = arith.constant 5 : i32
      %scan3A_104 = arith.addi %scan3A_102, %scan3A_103 : i32
      %scan3A_105 = arith.constant 1 : i32
      scf.for %scan3A_163 = %scan3A_102 to %scan3A_104 step %scan3A_105  : i32 {
        %mul3A_164 = arith.constant 4 : i32
        %mul3A_165 = arith.muli %scan3A_163, %mul3A_164 : i32
        %add3A_166 = arith.constant 0 : i32
        %add3A_167 = arith.addi %mul3A_165, %add3A_166 : i32
        %sub3A = arith.constant 4 : i32
        %sub3A_168 = arith.subi %add3A_167, %sub3A : i32
        %dma_wait3A_169 = arith.constant 0 : i32
        %dma_wait3A_170 = tpu.memref_slice %arg8[%sub3A_168, %dma_wait3A_169] : memref<25x80xi32, #tpu.memory_space<vmem>> -> memref<1x80xi32, #tpu.memory_space<vmem>>
        %dma_wait3A_171 = tpu.memref_squeeze %dma_wait3A_170 : memref<1x80xi32, #tpu.memory_space<vmem>> -> memref<80xi32, #tpu.memory_space<vmem>>
        %dma_wait3A_172 = arith.constant 0 : i32
        %dma_wait3A_173 = arith.constant 0 : i32
        %dma_wait3A_174 = tpu.memref_slice %arg13[%dma_wait3A_172, %dma_wait3A_173] : memref<10240x128xf32, #tpu.memory_space<vmem_shared>> -> memref<10240x128xf32, #tpu.memory_space<vmem_shared>>
        tpu.wait_indirect_dma semaphore(%arg18 : memref<!tpu.dma_semaphore, #tpu.memory_space<semaphore_mem>>) src(%arg9 : memref<80x128xf32, #tpu.memory_space<vmem>>) dst(%dma_wait3A_174 : memref<10240x128xf32, #tpu.memory_space<vmem_shared>>)
        %add3A_175 = arith.constant 0 : i32
        %add3A_176 = arith.addi %mul3A_165, %add3A_175 : i32
        %dma_start3A_177 = arith.constant 0 : i32
        %dma_start3A_178 = tpu.memref_slice %arg7[%add3A_176, %dma_start3A_177] : memref<25x80xi32, #tpu.memory_space<vmem>> -> memref<1x80xi32, #tpu.memory_space<vmem>>
        %dma_start3A_179 = tpu.memref_squeeze %dma_start3A_178 : memref<1x80xi32, #tpu.memory_space<vmem>> -> memref<80xi32, #tpu.memory_space<vmem>>
        %dma_start3A_180 = arith.constant 0 : i32
        %dma_start3A_181 = arith.constant 0 : i32
        %dma_start3A_182 = tpu.memref_slice %arg2[%dma_start3A_180, %dma_start3A_181] : memref<10000x128xf32, #tpu.memory_space<hbm>> -> memref<10000x128xf32, #tpu.memory_space<hbm>>
        tpu.enqueue_indirect_dma source(%dma_start3A_182 : memref<10000x128xf32, #tpu.memory_space<hbm>>) target(%arg9 : memref<80x128xf32, #tpu.memory_space<vmem>>) offsets(%dma_start3A_179 : memref<80xi32, #tpu.memory_space<vmem>>) semaphore(%arg14 : memref<!tpu.dma_semaphore, #tpu.memory_space<semaphore_mem>>)
        %add3A_183 = arith.constant 1 : i32
        %add3A_184 = arith.addi %mul3A_165, %add3A_183 : i32
        %sub3A_185 = arith.constant 4 : i32
        %sub3A_186 = arith.subi %add3A_184, %sub3A_185 : i32
        %dma_wait3A_187 = arith.constant 0 : i32
        %dma_wait3A_188 = tpu.memref_slice %arg8[%sub3A_186, %dma_wait3A_187] : memref<25x80xi32, #tpu.memory_space<vmem>> -> memref<1x80xi32, #tpu.memory_space<vmem>>
        %dma_wait3A_189 = tpu.memref_squeeze %dma_wait3A_188 : memref<1x80xi32, #tpu.memory_space<vmem>> -> memref<80xi32, #tpu.memory_space<vmem>>
        %dma_wait3A_190 = arith.constant 0 : i32
        %dma_wait3A_191 = arith.constant 0 : i32
        %dma_wait3A_192 = tpu.memref_slice %arg13[%dma_wait3A_190, %dma_wait3A_191] : memref<10240x128xf32, #tpu.memory_space<vmem_shared>> -> memref<10240x128xf32, #tpu.memory_space<vmem_shared>>
        tpu.wait_indirect_dma semaphore(%arg19 : memref<!tpu.dma_semaphore, #tpu.memory_space<semaphore_mem>>) src(%arg10 : memref<80x128xf32, #tpu.memory_space<vmem>>) dst(%dma_wait3A_192 : memref<10240x128xf32, #tpu.memory_space<vmem_shared>>)
        %add3A_193 = arith.constant 1 : i32
        %add3A_194 = arith.addi %mul3A_165, %add3A_193 : i32
        %dma_start3A_195 = arith.constant 0 : i32
        %dma_start3A_196 = tpu.memref_slice %arg7[%add3A_194, %dma_start3A_195] : memref<25x80xi32, #tpu.memory_space<vmem>> -> memref<1x80xi32, #tpu.memory_space<vmem>>
        %dma_start3A_197 = tpu.memref_squeeze %dma_start3A_196 : memref<1x80xi32, #tpu.memory_space<vmem>> -> memref<80xi32, #tpu.memory_space<vmem>>
        %dma_start3A_198 = arith.constant 0 : i32
        %dma_start3A_199 = arith.constant 0 : i32
        %dma_start3A_200 = tpu.memref_slice %arg2[%dma_start3A_198, %dma_start3A_199] : memref<10000x128xf32, #tpu.memory_space<hbm>> -> memref<10000x128xf32, #tpu.memory_space<hbm>>
        tpu.enqueue_indirect_dma source(%dma_start3A_200 : memref<10000x128xf32, #tpu.memory_space<hbm>>) target(%arg10 : memref<80x128xf32, #tpu.memory_space<vmem>>) offsets(%dma_start3A_197 : memref<80xi32, #tpu.memory_space<vmem>>) semaphore(%arg15 : memref<!tpu.dma_semaphore, #tpu.memory_space<semaphore_mem>>)
        %add3A_201 = arith.constant 2 : i32
        %add3A_202 = arith.addi %mul3A_165, %add3A_201 : i32
        %sub3A_203 = arith.constant 4 : i32
        %sub3A_204 = arith.subi %add3A_202, %sub3A_203 : i32
        %dma_wait3A_205 = arith.constant 0 : i32
        %dma_wait3A_206 = tpu.memref_slice %arg8[%sub3A_204, %dma_wait3A_205] : memref<25x80xi32, #tpu.memory_space<vmem>> -> memref<1x80xi32, #tpu.memory_space<vmem>>
        %dma_wait3A_207 = tpu.memref_squeeze %dma_wait3A_206 : memref<1x80xi32, #tpu.memory_space<vmem>> -> memref<80xi32, #tpu.memory_space<vmem>>
        %dma_wait3A_208 = arith.constant 0 : i32
        %dma_wait3A_209 = arith.constant 0 : i32
        %dma_wait3A_210 = tpu.memref_slice %arg13[%dma_wait3A_208, %dma_wait3A_209] : memref<10240x128xf32, #tpu.memory_space<vmem_shared>> -> memref<10240x128xf32, #tpu.memory_space<vmem_shared>>
        tpu.wait_indirect_dma semaphore(%arg20 : memref<!tpu.dma_semaphore, #tpu.memory_space<semaphore_mem>>) src(%arg11 : memref<80x128xf32, #tpu.memory_space<vmem>>) dst(%dma_wait3A_210 : memref<10240x128xf32, #tpu.memory_space<vmem_shared>>)
        %add3A_211 = arith.constant 2 : i32
        %add3A_212 = arith.addi %mul3A_165, %add3A_211 : i32
        %dma_start3A_213 = arith.constant 0 : i32
        %dma_start3A_214 = tpu.memref_slice %arg7[%add3A_212, %dma_start3A_213] : memref<25x80xi32, #tpu.memory_space<vmem>> -> memref<1x80xi32, #tpu.memory_space<vmem>>
        %dma_start3A_215 = tpu.memref_squeeze %dma_start3A_214 : memref<1x80xi32, #tpu.memory_space<vmem>> -> memref<80xi32, #tpu.memory_space<vmem>>
        %dma_start3A_216 = arith.constant 0 : i32
        %dma_start3A_217 = arith.constant 0 : i32
        %dma_start3A_218 = tpu.memref_slice %arg2[%dma_start3A_216, %dma_start3A_217] : memref<10000x128xf32, #tpu.memory_space<hbm>> -> memref<10000x128xf32, #tpu.memory_space<hbm>>
        tpu.enqueue_indirect_dma source(%dma_start3A_218 : memref<10000x128xf32, #tpu.memory_space<hbm>>) target(%arg11 : memref<80x128xf32, #tpu.memory_space<vmem>>) offsets(%dma_start3A_215 : memref<80xi32, #tpu.memory_space<vmem>>) semaphore(%arg16 : memref<!tpu.dma_semaphore, #tpu.memory_space<semaphore_mem>>)
        %add3A_219 = arith.constant 3 : i32
        %add3A_220 = arith.addi %mul3A_165, %add3A_219 : i32
        %sub3A_221 = arith.constant 4 : i32
        %sub3A_222 = arith.subi %add3A_220, %sub3A_221 : i32
        %dma_wait3A_223 = arith.constant 0 : i32
        %dma_wait3A_224 = tpu.memref_slice %arg8[%sub3A_222, %dma_wait3A_223] : memref<25x80xi32, #tpu.memory_space<vmem>> -> memref<1x80xi32, #tpu.memory_space<vmem>>
        %dma_wait3A_225 = tpu.memref_squeeze %dma_wait3A_224 : memref<1x80xi32, #tpu.memory_space<vmem>> -> memref<80xi32, #tpu.memory_space<vmem>>
        %dma_wait3A_226 = arith.constant 0 : i32
        %dma_wait3A_227 = arith.constant 0 : i32
        %dma_wait3A_228 = tpu.memref_slice %arg13[%dma_wait3A_226, %dma_wait3A_227] : memref<10240x128xf32, #tpu.memory_space<vmem_shared>> -> memref<10240x128xf32, #tpu.memory_space<vmem_shared>>
        tpu.wait_indirect_dma semaphore(%arg21 : memref<!tpu.dma_semaphore, #tpu.memory_space<semaphore_mem>>) src(%arg12 : memref<80x128xf32, #tpu.memory_space<vmem>>) dst(%dma_wait3A_228 : memref<10240x128xf32, #tpu.memory_space<vmem_shared>>)
        %add3A_229 = arith.constant 3 : i32
        %add3A_230 = arith.addi %mul3A_165, %add3A_229 : i32
        %dma_start3A_231 = arith.constant 0 : i32
        %dma_start3A_232 = tpu.memref_slice %arg7[%add3A_230, %dma_start3A_231] : memref<25x80xi32, #tpu.memory_space<vmem>> -> memref<1x80xi32, #tpu.memory_space<vmem>>
        %dma_start3A_233 = tpu.memref_squeeze %dma_start3A_232 : memref<1x80xi32, #tpu.memory_space<vmem>> -> memref<80xi32, #tpu.memory_space<vmem>>
        %dma_start3A_234 = arith.constant 0 : i32
        %dma_start3A_235 = arith.constant 0 : i32
        %dma_start3A_236 = tpu.memref_slice %arg2[%dma_start3A_234, %dma_start3A_235] : memref<10000x128xf32, #tpu.memory_space<hbm>> -> memref<10000x128xf32, #tpu.memory_space<hbm>>
        tpu.enqueue_indirect_dma source(%dma_start3A_236 : memref<10000x128xf32, #tpu.memory_space<hbm>>) target(%arg12 : memref<80x128xf32, #tpu.memory_space<vmem>>) offsets(%dma_start3A_233 : memref<80xi32, #tpu.memory_space<vmem>>) semaphore(%arg17 : memref<!tpu.dma_semaphore, #tpu.memory_space<semaphore_mem>>)
        %dma_wait3A_237 = arith.constant 0 : i32
        %dma_wait3A_238 = tpu.memref_slice %arg7[%add3A_176, %dma_wait3A_237] : memref<25x80xi32, #tpu.memory_space<vmem>> -> memref<1x80xi32, #tpu.memory_space<vmem>>
        %dma_wait3A_239 = tpu.memref_squeeze %dma_wait3A_238 : memref<1x80xi32, #tpu.memory_space<vmem>> -> memref<80xi32, #tpu.memory_space<vmem>>
        %dma_wait3A_240 = arith.constant 0 : i32
        %dma_wait3A_241 = arith.constant 0 : i32
        %dma_wait3A_242 = tpu.memref_slice %arg2[%dma_wait3A_240, %dma_wait3A_241] : memref<10000x128xf32, #tpu.memory_space<hbm>> -> memref<10000x128xf32, #tpu.memory_space<hbm>>
        tpu.wait_indirect_dma semaphore(%arg14 : memref<!tpu.dma_semaphore, #tpu.memory_space<semaphore_mem>>) src(%dma_wait3A_242 : memref<10000x128xf32, #tpu.memory_space<hbm>>) dst(%arg9 : memref<80x128xf32, #tpu.memory_space<vmem>>)
        %add3A_243 = arith.constant 0 : i32
        %add3A_244 = arith.addi %mul3A_165, %add3A_243 : i32
        %dma_start3A_245 = arith.constant 0 : i32
        %dma_start3A_246 = tpu.memref_slice %arg8[%add3A_244, %dma_start3A_245] : memref<25x80xi32, #tpu.memory_space<vmem>> -> memref<1x80xi32, #tpu.memory_space<vmem>>
        %dma_start3A_247 = tpu.memref_squeeze %dma_start3A_246 : memref<1x80xi32, #tpu.memory_space<vmem>> -> memref<80xi32, #tpu.memory_space<vmem>>
        %dma_start3A_248 = arith.constant 0 : i32
        %dma_start3A_249 = arith.constant 0 : i32
        %dma_start3A_250 = tpu.memref_slice %arg13[%dma_start3A_248, %dma_start3A_249] : memref<10240x128xf32, #tpu.memory_space<vmem_shared>> -> memref<10240x128xf32, #tpu.memory_space<vmem_shared>>
        tpu.enqueue_indirect_dma source(%arg9 : memref<80x128xf32, #tpu.memory_space<vmem>>) target(%dma_start3A_250 : memref<10240x128xf32, #tpu.memory_space<vmem_shared>>) offsets(%dma_start3A_247 : memref<80xi32, #tpu.memory_space<vmem>>) semaphore(%arg18 : memref<!tpu.dma_semaphore, #tpu.memory_space<semaphore_mem>>) {add = true}
        %dma_wait3A_251 = arith.constant 0 : i32
        %dma_wait3A_252 = tpu.memref_slice %arg7[%add3A_194, %dma_wait3A_251] : memref<25x80xi32, #tpu.memory_space<vmem>> -> memref<1x80xi32, #tpu.memory_space<vmem>>
        %dma_wait3A_253 = tpu.memref_squeeze %dma_wait3A_252 : memref<1x80xi32, #tpu.memory_space<vmem>> -> memref<80xi32, #tpu.memory_space<vmem>>
        %dma_wait3A_254 = arith.constant 0 : i32
        %dma_wait3A_255 = arith.constant 0 : i32
        %dma_wait3A_256 = tpu.memref_slice %arg2[%dma_wait3A_254, %dma_wait3A_255] : memref<10000x128xf32, #tpu.memory_space<hbm>> -> memref<10000x128xf32, #tpu.memory_space<hbm>>
        tpu.wait_indirect_dma semaphore(%arg15 : memref<!tpu.dma_semaphore, #tpu.memory_space<semaphore_mem>>) src(%dma_wait3A_256 : memref<10000x128xf32, #tpu.memory_space<hbm>>) dst(%arg10 : memref<80x128xf32, #tpu.memory_space<vmem>>)
        %add3A_257 = arith.constant 1 : i32
        %add3A_258 = arith.addi %mul3A_165, %add3A_257 : i32
        %dma_start3A_259 = arith.constant 0 : i32
        %dma_start3A_260 = tpu.memref_slice %arg8[%add3A_258, %dma_start3A_259] : memref<25x80xi32, #tpu.memory_space<vmem>> -> memref<1x80xi32, #tpu.memory_space<vmem>>
        %dma_start3A_261 = tpu.memref_squeeze %dma_start3A_260 : memref<1x80xi32, #tpu.memory_space<vmem>> -> memref<80xi32, #tpu.memory_space<vmem>>
        %dma_start3A_262 = arith.constant 0 : i32
        %dma_start3A_263 = arith.constant 0 : i32
        %dma_start3A_264 = tpu.memref_slice %arg13[%dma_start3A_262, %dma_start3A_263] : memref<10240x128xf32, #tpu.memory_space<vmem_shared>> -> memref<10240x128xf32, #tpu.memory_space<vmem_shared>>
        tpu.enqueue_indirect_dma source(%arg10 : memref<80x128xf32, #tpu.memory_space<vmem>>) target(%dma_start3A_264 : memref<10240x128xf32, #tpu.memory_space<vmem_shared>>) offsets(%dma_start3A_261 : memref<80xi32, #tpu.memory_space<vmem>>) semaphore(%arg19 : memref<!tpu.dma_semaphore, #tpu.memory_space<semaphore_mem>>) {add = true}
        %dma_wait3A_265 = arith.constant 0 : i32
        %dma_wait3A_266 = tpu.memref_slice %arg7[%add3A_212, %dma_wait3A_265] : memref<25x80xi32, #tpu.memory_space<vmem>> -> memref<1x80xi32, #tpu.memory_space<vmem>>
        %dma_wait3A_267 = tpu.memref_squeeze %dma_wait3A_266 : memref<1x80xi32, #tpu.memory_space<vmem>> -> memref<80xi32, #tpu.memory_space<vmem>>
        %dma_wait3A_268 = arith.constant 0 : i32
        %dma_wait3A_269 = arith.constant 0 : i32
        %dma_wait3A_270 = tpu.memref_slice %arg2[%dma_wait3A_268, %dma_wait3A_269] : memref<10000x128xf32, #tpu.memory_space<hbm>> -> memref<10000x128xf32, #tpu.memory_space<hbm>>
        tpu.wait_indirect_dma semaphore(%arg16 : memref<!tpu.dma_semaphore, #tpu.memory_space<semaphore_mem>>) src(%dma_wait3A_270 : memref<10000x128xf32, #tpu.memory_space<hbm>>) dst(%arg11 : memref<80x128xf32, #tpu.memory_space<vmem>>)
        %add3A_271 = arith.constant 2 : i32
        %add3A_272 = arith.addi %mul3A_165, %add3A_271 : i32
        %dma_start3A_273 = arith.constant 0 : i32
        %dma_start3A_274 = tpu.memref_slice %arg8[%add3A_272, %dma_start3A_273] : memref<25x80xi32, #tpu.memory_space<vmem>> -> memref<1x80xi32, #tpu.memory_space<vmem>>
        %dma_start3A_275 = tpu.memref_squeeze %dma_start3A_274 : memref<1x80xi32, #tpu.memory_space<vmem>> -> memref<80xi32, #tpu.memory_space<vmem>>
        %dma_start3A_276 = arith.constant 0 : i32
        %dma_start3A_277 = arith.constant 0 : i32
        %dma_start3A_278 = tpu.memref_slice %arg13[%dma_start3A_276, %dma_start3A_277] : memref<10240x128xf32, #tpu.memory_space<vmem_shared>> -> memref<10240x128xf32, #tpu.memory_space<vmem_shared>>
        tpu.enqueue_indirect_dma source(%arg11 : memref<80x128xf32, #tpu.memory_space<vmem>>) target(%dma_start3A_278 : memref<10240x128xf32, #tpu.memory_space<vmem_shared>>) offsets(%dma_start3A_275 : memref<80xi32, #tpu.memory_space<vmem>>) semaphore(%arg20 : memref<!tpu.dma_semaphore, #tpu.memory_space<semaphore_mem>>) {add = true}
        %dma_wait3A_279 = arith.constant 0 : i32
        %dma_wait3A_280 = tpu.memref_slice %arg7[%add3A_230, %dma_wait3A_279] : memref<25x80xi32, #tpu.memory_space<vmem>> -> memref<1x80xi32, #tpu.memory_space<vmem>>
        %dma_wait3A_281 = tpu.memref_squeeze %dma_wait3A_280 : memref<1x80xi32, #tpu.memory_space<vmem>> -> memref<80xi32, #tpu.memory_space<vmem>>
        %dma_wait3A_282 = arith.constant 0 : i32
        %dma_wait3A_283 = arith.constant 0 : i32
        %dma_wait3A_284 = tpu.memref_slice %arg2[%dma_wait3A_282, %dma_wait3A_283] : memref<10000x128xf32, #tpu.memory_space<hbm>> -> memref<10000x128xf32, #tpu.memory_space<hbm>>
        tpu.wait_indirect_dma semaphore(%arg17 : memref<!tpu.dma_semaphore, #tpu.memory_space<semaphore_mem>>) src(%dma_wait3A_284 : memref<10000x128xf32, #tpu.memory_space<hbm>>) dst(%arg12 : memref<80x128xf32, #tpu.memory_space<vmem>>)
        %add3A_285 = arith.constant 3 : i32
        %add3A_286 = arith.addi %mul3A_165, %add3A_285 : i32
        %dma_start3A_287 = arith.constant 0 : i32
        %dma_start3A_288 = tpu.memref_slice %arg8[%add3A_286, %dma_start3A_287] : memref<25x80xi32, #tpu.memory_space<vmem>> -> memref<1x80xi32, #tpu.memory_space<vmem>>
        %dma_start3A_289 = tpu.memref_squeeze %dma_start3A_288 : memref<1x80xi32, #tpu.memory_space<vmem>> -> memref<80xi32, #tpu.memory_space<vmem>>
        %dma_start3A_290 = arith.constant 0 : i32
        %dma_start3A_291 = arith.constant 0 : i32
        %dma_start3A_292 = tpu.memref_slice %arg13[%dma_start3A_290, %dma_start3A_291] : memref<10240x128xf32, #tpu.memory_space<vmem_shared>> -> memref<10240x128xf32, #tpu.memory_space<vmem_shared>>
        tpu.enqueue_indirect_dma source(%arg12 : memref<80x128xf32, #tpu.memory_space<vmem>>) target(%dma_start3A_292 : memref<10240x128xf32, #tpu.memory_space<vmem_shared>>) offsets(%dma_start3A_289 : memref<80xi32, #tpu.memory_space<vmem>>) semaphore(%arg21 : memref<!tpu.dma_semaphore, #tpu.memory_space<semaphore_mem>>) {add = true}
      }
      %scan3A_106 = arith.constant 5 : i32
      %dma_wait3A_107 = arith.constant 20 : i32
      %dma_wait3A_108 = arith.constant 0 : i32
      %dma_wait3A_109 = tpu.memref_slice %arg8[%dma_wait3A_107, %dma_wait3A_108] : memref<25x80xi32, #tpu.memory_space<vmem>> -> memref<1x80xi32, #tpu.memory_space<vmem>>
      %dma_wait3A_110 = tpu.memref_squeeze %dma_wait3A_109 : memref<1x80xi32, #tpu.memory_space<vmem>> -> memref<80xi32, #tpu.memory_space<vmem>>
      %dma_wait3A_111 = arith.constant 0 : i32
      %dma_wait3A_112 = arith.constant 0 : i32
      %dma_wait3A_113 = tpu.memref_slice %arg13[%dma_wait3A_111, %dma_wait3A_112] : memref<10240x128xf32, #tpu.memory_space<vmem_shared>> -> memref<10240x128xf32, #tpu.memory_space<vmem_shared>>
      tpu.wait_indirect_dma semaphore(%arg18 : memref<!tpu.dma_semaphore, #tpu.memory_space<semaphore_mem>>) src(%arg9 : memref<80x128xf32, #tpu.memory_space<vmem>>) dst(%dma_wait3A_113 : memref<10240x128xf32, #tpu.memory_space<vmem_shared>>)
      %dma_start3A_114 = arith.constant 24 : i32
      %dma_start3A_115 = arith.constant 0 : i32
      %dma_start3A_116 = tpu.memref_slice %arg7[%dma_start3A_114, %dma_start3A_115] : memref<25x80xi32, #tpu.memory_space<vmem>> -> memref<1x80xi32, #tpu.memory_space<vmem>>
      %dma_start3A_117 = tpu.memref_squeeze %dma_start3A_116 : memref<1x80xi32, #tpu.memory_space<vmem>> -> memref<80xi32, #tpu.memory_space<vmem>>
      %dma_start3A_118 = arith.constant 0 : i32
      %dma_start3A_119 = arith.constant 0 : i32
      %dma_start3A_120 = tpu.memref_slice %arg2[%dma_start3A_118, %dma_start3A_119] : memref<10000x128xf32, #tpu.memory_space<hbm>> -> memref<10000x128xf32, #tpu.memory_space<hbm>>
      tpu.enqueue_indirect_dma source(%dma_start3A_120 : memref<10000x128xf32, #tpu.memory_space<hbm>>) target(%arg9 : memref<80x128xf32, #tpu.memory_space<vmem>>) offsets(%dma_start3A_117 : memref<80xi32, #tpu.memory_space<vmem>>) semaphore(%arg14 : memref<!tpu.dma_semaphore, #tpu.memory_space<semaphore_mem>>)
      %dma_wait3A_121 = arith.constant 24 : i32
      %dma_wait3A_122 = arith.constant 0 : i32
      %dma_wait3A_123 = tpu.memref_slice %arg7[%dma_wait3A_121, %dma_wait3A_122] : memref<25x80xi32, #tpu.memory_space<vmem>> -> memref<1x80xi32, #tpu.memory_space<vmem>>
      %dma_wait3A_124 = tpu.memref_squeeze %dma_wait3A_123 : memref<1x80xi32, #tpu.memory_space<vmem>> -> memref<80xi32, #tpu.memory_space<vmem>>
      %dma_wait3A_125 = arith.constant 0 : i32
      %dma_wait3A_126 = arith.constant 0 : i32
      %dma_wait3A_127 = tpu.memref_slice %arg2[%dma_wait3A_125, %dma_wait3A_126] : memref<10000x128xf32, #tpu.memory_space<hbm>> -> memref<10000x128xf32, #tpu.memory_space<hbm>>
      tpu.wait_indirect_dma semaphore(%arg14 : memref<!tpu.dma_semaphore, #tpu.memory_space<semaphore_mem>>) src(%dma_wait3A_127 : memref<10000x128xf32, #tpu.memory_space<hbm>>) dst(%arg9 : memref<80x128xf32, #tpu.memory_space<vmem>>)
      %dma_start3A_128 = arith.constant 24 : i32
      %dma_start3A_129 = arith.constant 0 : i32
      %dma_start3A_130 = tpu.memref_slice %arg8[%dma_start3A_128, %dma_start3A_129] : memref<25x80xi32, #tpu.memory_space<vmem>> -> memref<1x80xi32, #tpu.memory_space<vmem>>
      %dma_start3A_131 = tpu.memref_squeeze %dma_start3A_130 : memref<1x80xi32, #tpu.memory_space<vmem>> -> memref<80xi32, #tpu.memory_space<vmem>>
      %dma_start3A_132 = arith.constant 0 : i32
      %dma_start3A_133 = arith.constant 0 : i32
      %dma_start3A_134 = tpu.memref_slice %arg13[%dma_start3A_132, %dma_start3A_133] : memref<10240x128xf32, #tpu.memory_space<vmem_shared>> -> memref<10240x128xf32, #tpu.memory_space<vmem_shared>>
      tpu.enqueue_indirect_dma source(%arg9 : memref<80x128xf32, #tpu.memory_space<vmem>>) target(%dma_start3A_134 : memref<10240x128xf32, #tpu.memory_space<vmem_shared>>) offsets(%dma_start3A_131 : memref<80xi32, #tpu.memory_space<vmem>>) semaphore(%arg18 : memref<!tpu.dma_semaphore, #tpu.memory_space<semaphore_mem>>) {add = true}
      %dma_wait3A_135 = arith.constant 24 : i32
      %dma_wait3A_136 = arith.constant 0 : i32
      %dma_wait3A_137 = tpu.memref_slice %arg8[%dma_wait3A_135, %dma_wait3A_136] : memref<25x80xi32, #tpu.memory_space<vmem>> -> memref<1x80xi32, #tpu.memory_space<vmem>>
      %dma_wait3A_138 = tpu.memref_squeeze %dma_wait3A_137 : memref<1x80xi32, #tpu.memory_space<vmem>> -> memref<80xi32, #tpu.memory_space<vmem>>
      %dma_wait3A_139 = arith.constant 0 : i32
      %dma_wait3A_140 = arith.constant 0 : i32
      %dma_wait3A_141 = tpu.memref_slice %arg13[%dma_wait3A_139, %dma_wait3A_140] : memref<10240x128xf32, #tpu.memory_space<vmem_shared>> -> memref<10240x128xf32, #tpu.memory_space<vmem_shared>>
      tpu.wait_indirect_dma semaphore(%arg18 : memref<!tpu.dma_semaphore, #tpu.memory_space<semaphore_mem>>) src(%arg9 : memref<80x128xf32, #tpu.memory_space<vmem>>) dst(%dma_wait3A_141 : memref<10240x128xf32, #tpu.memory_space<vmem_shared>>)
      %dma_wait3A_142 = arith.constant 21 : i32
      %dma_wait3A_143 = arith.constant 0 : i32
      %dma_wait3A_144 = tpu.memref_slice %arg8[%dma_wait3A_142, %dma_wait3A_143] : memref<25x80xi32, #tpu.memory_space<vmem>> -> memref<1x80xi32, #tpu.memory_space<vmem>>
      %dma_wait3A_145 = tpu.memref_squeeze %dma_wait3A_144 : memref<1x80xi32, #tpu.memory_space<vmem>> -> memref<80xi32, #tpu.memory_space<vmem>>
      %dma_wait3A_146 = arith.constant 0 : i32
      %dma_wait3A_147 = arith.constant 0 : i32
      %dma_wait3A_148 = tpu.memref_slice %arg13[%dma_wait3A_146, %dma_wait3A_147] : memref<10240x128xf32, #tpu.memory_space<vmem_shared>> -> memref<10240x128xf32, #tpu.memory_space<vmem_shared>>
      tpu.wait_indirect_dma semaphore(%arg19 : memref<!tpu.dma_semaphore, #tpu.memory_space<semaphore_mem>>) src(%arg10 : memref<80x128xf32, #tpu.memory_space<vmem>>) dst(%dma_wait3A_148 : memref<10240x128xf32, #tpu.memory_space<vmem_shared>>)
      %dma_wait3A_149 = arith.constant 22 : i32
      %dma_wait3A_150 = arith.constant 0 : i32
      %dma_wait3A_151 = tpu.memref_slice %arg8[%dma_wait3A_149, %dma_wait3A_150] : memref<25x80xi32, #tpu.memory_space<vmem>> -> memref<1x80xi32, #tpu.memory_space<vmem>>
      %dma_wait3A_152 = tpu.memref_squeeze %dma_wait3A_151 : memref<1x80xi32, #tpu.memory_space<vmem>> -> memref<80xi32, #tpu.memory_space<vmem>>
      %dma_wait3A_153 = arith.constant 0 : i32
      %dma_wait3A_154 = arith.constant 0 : i32
      %dma_wait3A_155 = tpu.memref_slice %arg13[%dma_wait3A_153, %dma_wait3A_154] : memref<10240x128xf32, #tpu.memory_space<vmem_shared>> -> memref<10240x128xf32, #tpu.memory_space<vmem_shared>>
      tpu.wait_indirect_dma semaphore(%arg20 : memref<!tpu.dma_semaphore, #tpu.memory_space<semaphore_mem>>) src(%arg11 : memref<80x128xf32, #tpu.memory_space<vmem>>) dst(%dma_wait3A_155 : memref<10240x128xf32, #tpu.memory_space<vmem_shared>>)
      %dma_wait3A_156 = arith.constant 23 : i32
      %dma_wait3A_157 = arith.constant 0 : i32
      %dma_wait3A_158 = tpu.memref_slice %arg8[%dma_wait3A_156, %dma_wait3A_157] : memref<25x80xi32, #tpu.memory_space<vmem>> -> memref<1x80xi32, #tpu.memory_space<vmem>>
      %dma_wait3A_159 = tpu.memref_squeeze %dma_wait3A_158 : memref<1x80xi32, #tpu.memory_space<vmem>> -> memref<80xi32, #tpu.memory_space<vmem>>
      %dma_wait3A_160 = arith.constant 0 : i32
      %dma_wait3A_161 = arith.constant 0 : i32
      %dma_wait3A_162 = tpu.memref_slice %arg13[%dma_wait3A_160, %dma_wait3A_161] : memref<10240x128xf32, #tpu.memory_space<vmem_shared>> -> memref<10240x128xf32, #tpu.memory_space<vmem_shared>>
      tpu.wait_indirect_dma semaphore(%arg21 : memref<!tpu.dma_semaphore, #tpu.memory_space<semaphore_mem>>) src(%arg12 : memref<80x128xf32, #tpu.memory_space<vmem>>) dst(%dma_wait3A_162 : memref<10240x128xf32, #tpu.memory_space<vmem_shared>>)
    }
    %scan3A_9 = arith.constant 5 : i32
    %barrier3A_10 = arith.constant 0 : index
    tpu.barrier barrier_id(%barrier3A_10)
    %mul3A_11 = arith.constant 10240 : i32
    %mul3A_12 = arith.muli %arg0, %mul3A_11 : i32
    %mul3A_13 = arith.constant 640 : i32
    %mul3A_14 = arith.muli %arg1, %mul3A_13 : i32
    %add3A_15 = arith.addi %mul3A_12, %mul3A_14 : i32
    %mul3A_16 = arith.constant 640 : i32
    %mul3A_17 = arith.muli %arg1, %mul3A_16 : i32
    "tpu.region"() ({
      %run_scoped3A = tpu.sem_alloc : memref<!tpu.dma_semaphore, #tpu.memory_space<semaphore_mem>>
      %dma_start3A = arith.constant 0 : i32
      %dma_start3A_18 = tpu.memref_slice %arg6[%add3A_15, %dma_start3A] : memref<20480x128xf32, #tpu.memory_space<hbm>> -> memref<640x128xf32, #tpu.memory_space<hbm>>
      %dma_start3A_19 = arith.constant 0 : i32
      %dma_start3A_20 = tpu.memref_slice %arg13[%mul3A_17, %dma_start3A_19] : memref<10240x128xf32, #tpu.memory_space<vmem_shared>> -> memref<640x128xf32, #tpu.memory_space<vmem_shared>>
      tpu.enqueue_dma source(%dma_start3A_20 : memref<640x128xf32, #tpu.memory_space<vmem_shared>>) target(%dma_start3A_18 : memref<640x128xf32, #tpu.memory_space<hbm>>) target_semaphore(%run_scoped3A : memref<!tpu.dma_semaphore, #tpu.memory_space<semaphore_mem>>)
      %dma_wait3A = arith.constant 0 : i32
      %dma_wait3A_21 = tpu.memref_slice %arg6[%add3A_15, %dma_wait3A] : memref<20480x128xf32, #tpu.memory_space<hbm>> -> memref<640x128xf32, #tpu.memory_space<hbm>>
      %dma_wait3A_22 = arith.constant 0 : i32
      %dma_wait3A_23 = tpu.memref_slice %arg13[%mul3A_17, %dma_wait3A_22] : memref<10240x128xf32, #tpu.memory_space<vmem_shared>> -> memref<640x128xf32, #tpu.memory_space<vmem_shared>>
      tpu.wait_dma2 semaphore(%run_scoped3A : memref<!tpu.dma_semaphore, #tpu.memory_space<semaphore_mem>>) src(%dma_wait3A_23 : memref<640x128xf32, #tpu.memory_space<vmem_shared>>) dst(%dma_wait3A_21 : memref<640x128xf32, #tpu.memory_space<hbm>>)
      tpu.yield
    }) : () -> ()
    return
  }
}

module attributes {stable_mosaic.version = 14 : i64} {
  func.func @_tc_lin_kernel(%arg0: i32, %arg1: memref<1000x128xf32, #tpu.memory_space<vmem>>, %arg2: memref<128x128xf32, #tpu.memory_space<vmem>>, %arg3: memref<1x128xf32, #tpu.memory_space<vmem>>, %arg4: memref<1000x128xf32, #tpu.memory_space<vmem>>) attributes {dimension_semantics = [#tpu.dimension_semantics<arbitrary>], iteration_bounds = array<i64: 10>, scalar_prefetch = 0 : i64, scratch_operands = 0 : i64, tpu.core_type = #tpu.core_type<tc>, window_params = [{transform_indices = @transform_0, window_bounds = array<i64: 1000, 128>}, {pipeline_mode = #tpu.pipeline_mode<synchronous>, transform_indices = @transform_1, window_bounds = array<i64: 128, 128>}, {pipeline_mode = #tpu.pipeline_mode<synchronous>, transform_indices = @transform_2, window_bounds = array<i64: 1, 128>}, {transform_indices = @transform_3, window_bounds = array<i64: 1000, 128>}]} {
    %get3A = arith.constant 0 : index
    %get3A_0 = arith.constant 0 : index
    %get3A_1 = vector.load %arg1[%get3A, %get3A_0] : memref<1000x128xf32, #tpu.memory_space<vmem>>, vector<1000x128xf32>
    %get3A_2 = arith.constant 0 : index
    %get3A_3 = arith.constant 0 : index
    %get3A_4 = vector.load %arg2[%get3A_2, %get3A_3] : memref<128x128xf32, #tpu.memory_space<vmem>>, vector<128x128xf32>
    %dot_general3A = arith.constant dense<0.000000e+00> : vector<1000x128xf32>
    %dot_general3A_5 = tpu.matmul %get3A_1, %get3A_4, %dot_general3A {dimension_numbers = #tpu.dot_dimension_numbers<[1], [0], [0], [1], [0, 0, 1, 1], [], []>, transpose_lhs_hint = false} : vector<1000x128xf32>, vector<128x128xf32>, vector<1000x128xf32> -> vector<1000x128xf32>
    %get3A_6 = arith.constant 0 : index
    %get3A_7 = arith.constant 0 : index
    %get3A_8 = vector.load %arg3[%get3A_6, %get3A_7] : memref<1x128xf32, #tpu.memory_space<vmem>>, vector<1x128xf32>
    %add3A = vector.broadcast %get3A_8 : vector<1x128xf32> to vector<1000x128xf32>
    %add3A_9 = arith.addf %dot_general3A_5, %add3A : vector<1000x128xf32>
    %swap3A = arith.constant 0 : index
    %swap3A_10 = arith.constant 0 : index
    %swap3A_11 = vector.load %arg4[%swap3A, %swap3A_10] : memref<1000x128xf32, #tpu.memory_space<vmem>>, vector<1000x128xf32>
    tpu.vector_store %arg4[%swap3A, %swap3A_10], %add3A_9 {strides = array<i32>} : memref<1000x128xf32, #tpu.memory_space<vmem>>, vector<1000x128xf32>,
    return
  }
  func.func @transform_0(%arg0: i32) -> (i32, i32) {
    %c0_i32 = arith.constant 0 : i32
    %c0_i32_0 = arith.constant 0 : i32
    return %arg0, %c0_i32 : i32, i32
  }
  func.func @transform_1(%arg0: i32) -> (i32, i32) {
    %c0_i32 = arith.constant 0 : i32
    %c0_i32_0 = arith.constant 0 : i32
    %c0_i32_1 = arith.constant 0 : i32
    return %c0_i32, %c0_i32_0 : i32, i32
  }
  func.func @transform_2(%arg0: i32) -> (i32, i32) {
    %c0_i32 = arith.constant 0 : i32
    %c0_i32_0 = arith.constant 0 : i32
    %c0_i32_1 = arith.constant 0 : i32
    return %c0_i32, %c0_i32_0 : i32, i32
  }
  func.func @transform_3(%arg0: i32) -> (i32, i32) {
    %c0_i32 = arith.constant 0 : i32
    %c0_i32_0 = arith.constant 0 : i32
    return %arg0, %c0_i32 : i32, i32
  }
}

module attributes {stable_mosaic.version = 14 : i64} {
  func.func @_tc_inv_kernel(%arg0: i32, %arg1: memref<1x1000x128xf32, #tpu.memory_space<vmem>>, %arg2: memref<1x1000x128xf32, #tpu.memory_space<vmem>>, %arg3: memref<1000x8xf32, #tpu.memory_space<vmem>>) attributes {dimension_semantics = [#tpu.dimension_semantics<arbitrary>], iteration_bounds = array<i64: 10>, scalar_prefetch = 0 : i64, scratch_operands = 0 : i64, tpu.core_type = #tpu.core_type<tc>, window_params = [{transform_indices = @transform_0, window_bounds = array<i64: 1, 1000, 128>}, {transform_indices = @transform_1, window_bounds = array<i64: 1, 1000, 128>}, {transform_indices = @transform_2, window_bounds = array<i64: 1000, 8>}]} {
    %get3A = arith.constant 0 : index
    %get3A_0 = arith.constant 0 : index
    %get3A_1 = arith.constant 0 : index
    %get3A_2 = vector.load %arg1[%get3A, %get3A_0, %get3A_1] : memref<1x1000x128xf32, #tpu.memory_space<vmem>>, vector<1x1000x1xf32>
    %get3A_3 = vector.shape_cast %get3A_2 : vector<1x1000x1xf32> to vector<1000x1xf32>
    %get3A_4 = arith.constant 0 : index
    %get3A_5 = arith.constant 0 : index
    %get3A_6 = arith.constant 0 : index
    %get3A_7 = vector.load %arg2[%get3A_4, %get3A_5, %get3A_6] : memref<1x1000x128xf32, #tpu.memory_space<vmem>>, vector<1x1000x1xf32>
    %get3A_8 = vector.shape_cast %get3A_7 : vector<1x1000x1xf32> to vector<1000x1xf32>
    %add3A = arith.addf %get3A_3, %get3A_8 : vector<1000x1xf32>
    %max3A = arith.constant 1.000000e+00 : f32
    %max3A_9 = vector.broadcast %max3A : f32 to vector<1000x1xf32>
    %max3A_10 = arith.maximumf %add3A, %max3A_9 : vector<1000x1xf32>
    %div3A = arith.constant 1.000000e+00 : f32
    %div3A_11 = vector.broadcast %div3A : f32 to vector<1000x1xf32>
    %div3A_12 = arith.divf %div3A_11, %max3A_10 : vector<1000x1xf32>
    %broadcast_in_dim3A = vector.shape_cast %div3A_12 : vector<1000x1xf32> to vector<1000x1xf32>
    %broadcast_in_dim3A_13 = vector.broadcast %broadcast_in_dim3A : vector<1000x1xf32> to vector<1000x8xf32>
    %swap3A = arith.constant 0 : index
    %swap3A_14 = arith.constant 0 : index
    %swap3A_15 = vector.load %arg3[%swap3A, %swap3A_14] : memref<1000x8xf32, #tpu.memory_space<vmem>>, vector<1000x8xf32>
    tpu.vector_store %arg3[%swap3A, %swap3A_14], %broadcast_in_dim3A_13 {strides = array<i32>} : memref<1000x8xf32, #tpu.memory_space<vmem>>, vector<1000x8xf32>,
    return
  }
  func.func @transform_0(%arg0: i32) -> (i32, i32, i32) {
    %c0_i32 = arith.constant 0 : i32
    %c0_i32_0 = arith.constant 0 : i32
    %c0_i32_1 = arith.constant 0 : i32
    return %c0_i32, %arg0, %c0_i32_0 : i32, i32, i32
  }
  func.func @transform_1(%arg0: i32) -> (i32, i32, i32) {
    %c1_i32 = arith.constant 1 : i32
    %c0_i32 = arith.constant 0 : i32
    %c0_i32_0 = arith.constant 0 : i32
    return %c1_i32, %arg0, %c0_i32 : i32, i32, i32
  }
  func.func @transform_2(%arg0: i32) -> (i32, i32) {
    %c0_i32 = arith.constant 0 : i32
    %c0_i32_0 = arith.constant 0 : i32
    return %arg0, %c0_i32 : i32, i32
  }
}

module attributes {stable_mosaic.version = 14 : i64} {
  func.func @_tc_comb_kernel(%arg0: i32, %arg1: memref<1000x128xf32, #tpu.memory_space<vmem>>, %arg2: memref<1x1000x128xf32, #tpu.memory_space<vmem>>, %arg3: memref<1x1000x128xf32, #tpu.memory_space<vmem>>, %arg4: memref<1000x8xf32, #tpu.memory_space<vmem>>, %arg5: memref<128x128xf32, #tpu.memory_space<vmem>>, %arg6: memref<1000x128xf32, #tpu.memory_space<vmem>>) attributes {dimension_semantics = [#tpu.dimension_semantics<arbitrary>], iteration_bounds = array<i64: 10>, scalar_prefetch = 0 : i64, scratch_operands = 0 : i64, tpu.core_type = #tpu.core_type<tc>, window_params = [{transform_indices = @transform_0, window_bounds = array<i64: 1000, 128>}, {transform_indices = @transform_1, window_bounds = array<i64: 1, 1000, 128>}, {transform_indices = @transform_2, window_bounds = array<i64: 1, 1000, 128>}, {transform_indices = @transform_3, window_bounds = array<i64: 1000, 8>}, {pipeline_mode = #tpu.pipeline_mode<synchronous>, transform_indices = @transform_4, window_bounds = array<i64: 128, 128>}, {transform_indices = @transform_5, window_bounds = array<i64: 1000, 128>}]} {
    %get3A = arith.constant 0 : index
    %get3A_0 = arith.constant 0 : index
    %get3A_1 = arith.constant 0 : index
    %get3A_2 = vector.load %arg2[%get3A, %get3A_0, %get3A_1] : memref<1x1000x128xf32, #tpu.memory_space<vmem>>, vector<1x1000x128xf32>
    %get3A_3 = vector.shape_cast %get3A_2 : vector<1x1000x128xf32> to vector<1000x128xf32>
    %get3A_4 = arith.constant 0 : index
    %get3A_5 = arith.constant 0 : index
    %get3A_6 = arith.constant 0 : index
    %get3A_7 = vector.load %arg3[%get3A_4, %get3A_5, %get3A_6] : memref<1x1000x128xf32, #tpu.memory_space<vmem>>, vector<1x1000x128xf32>
    %get3A_8 = vector.shape_cast %get3A_7 : vector<1x1000x128xf32> to vector<1000x128xf32>
    %add3A = arith.addf %get3A_3, %get3A_8 : vector<1000x128xf32>
    %get3A_9 = arith.constant 0 : index
    %get3A_10 = arith.constant 0 : index
    %get3A_11 = vector.load %arg4[%get3A_9, %get3A_10] : memref<1000x8xf32, #tpu.memory_space<vmem>>, vector<1000x1xf32>
    %mul3A = vector.broadcast %get3A_11 : vector<1000x1xf32> to vector<1000x128xf32>
    %mul3A_12 = arith.mulf %add3A, %mul3A : vector<1000x128xf32>
    %get3A_13 = arith.constant 0 : index
    %get3A_14 = arith.constant 0 : index
    %get3A_15 = vector.load %arg1[%get3A_13, %get3A_14] : memref<1000x128xf32, #tpu.memory_space<vmem>>, vector<1000x128xf32>
    %get3A_16 = arith.constant 0 : index
    %get3A_17 = arith.constant 0 : index
    %get3A_18 = vector.load %arg5[%get3A_16, %get3A_17] : memref<128x128xf32, #tpu.memory_space<vmem>>, vector<128x128xf32>
    %dot_general3A = arith.constant dense<0.000000e+00> : vector<1000x128xf32>
    %dot_general3A_19 = tpu.matmul %mul3A_12, %get3A_18, %dot_general3A {dimension_numbers = #tpu.dot_dimension_numbers<[1], [0], [0], [1], [0, 0, 1, 1], [], []>, transpose_lhs_hint = false} : vector<1000x128xf32>, vector<128x128xf32>, vector<1000x128xf32> -> vector<1000x128xf32>
    %add3A_20 = arith.addf %get3A_15, %dot_general3A_19 : vector<1000x128xf32>
    %gt3A = arith.constant 0.000000e+00 : f32
    %gt3A_21 = vector.broadcast %gt3A : f32 to vector<1000x128xf32>
    %gt3A_22 = arith.cmpf ogt, %add3A_20, %gt3A_21 : vector<1000x128xf32>
    %mul3A_23 = arith.constant 0.00999999977 : f32
    %mul3A_24 = vector.broadcast %mul3A_23 : f32 to vector<1000x128xf32>
    %mul3A_25 = arith.mulf %mul3A_24, %add3A_20 : vector<1000x128xf32>
    %select_n3A = arith.select %gt3A_22, %add3A_20, %mul3A_25 : vector<1000x128xi1>, vector<1000x128xf32>
    %swap3A = arith.constant 0 : index
    %swap3A_26 = arith.constant 0 : index
    %swap3A_27 = vector.load %arg6[%swap3A, %swap3A_26] : memref<1000x128xf32, #tpu.memory_space<vmem>>, vector<1000x128xf32>
    tpu.vector_store %arg6[%swap3A, %swap3A_26], %select_n3A {strides = array<i32>} : memref<1000x128xf32, #tpu.memory_space<vmem>>, vector<1000x128xf32>,
    return
  }
  func.func @transform_0(%arg0: i32) -> (i32, i32) {
    %c0_i32 = arith.constant 0 : i32
    %c0_i32_0 = arith.constant 0 : i32
    return %arg0, %c0_i32 : i32, i32
  }
  func.func @transform_1(%arg0: i32) -> (i32, i32, i32) {
    %c0_i32 = arith.constant 0 : i32
    %c0_i32_0 = arith.constant 0 : i32
    %c0_i32_1 = arith.constant 0 : i32
    return %c0_i32, %arg0, %c0_i32_0 : i32, i32, i32
  }
  func.func @transform_2(%arg0: i32) -> (i32, i32, i32) {
    %c1_i32 = arith.constant 1 : i32
    %c0_i32 = arith.constant 0 : i32
    %c0_i32_0 = arith.constant 0 : i32
    return %c1_i32, %arg0, %c0_i32 : i32, i32, i32
  }
  func.func @transform_3(%arg0: i32) -> (i32, i32) {
    %c0_i32 = arith.constant 0 : i32
    %c0_i32_0 = arith.constant 0 : i32
    return %arg0, %c0_i32 : i32, i32
  }
  func.func @transform_4(%arg0: i32) -> (i32, i32) {
    %c0_i32 = arith.constant 0 : i32
    %c0_i32_0 = arith.constant 0 : i32
    %c0_i32_1 = arith.constant 0 : i32
    return %c0_i32, %c0_i32_0 : i32, i32
  }
  func.func @transform_5(%arg0: i32) -> (i32, i32) {
    %c0_i32 = arith.constant 0 : i32
    %c0_i32_0 = arith.constant 0 : i32
    return %arg0, %c0_i32 : i32, i32
  }
}

module attributes {stable_mosaic.version = 14 : i64} {
  func.func @_tc_final_kernel(%arg0: i32, %arg1: memref<1000x128xf32, #tpu.memory_space<vmem>>, %arg2: memref<1x1000x128xf32, #tpu.memory_space<vmem>>, %arg3: memref<1x1000x128xf32, #tpu.memory_space<vmem>>, %arg4: memref<1000x8xf32, #tpu.memory_space<vmem>>, %arg5: memref<128x128xf32, #tpu.memory_space<vmem>>, %arg6: memref<1x1x1000xi32, #tpu.memory_space<vmem>>, %arg7: memref<128x256xf32, #tpu.memory_space<vmem>>, %arg8: memref<1x256xf32, #tpu.memory_space<vmem>>, %arg9: memref<256x128xf32, #tpu.memory_space<vmem>>, %arg10: memref<1x128xf32, #tpu.memory_space<vmem>>, %arg11: memref<128x128xf32, #tpu.memory_space<vmem>>, %arg12: memref<1x128xf32, #tpu.memory_space<vmem>>, %arg13: memref<16x128xf32, #tpu.memory_space<vmem>>, %arg14: memref<16x128xf32, #tpu.memory_space<vmem>>) attributes {dimension_semantics = [#tpu.dimension_semantics<arbitrary>], iteration_bounds = array<i64: 10>, scalar_prefetch = 0 : i64, scratch_operands = 1 : i64, tpu.core_type = #tpu.core_type<tc>, window_params = [{transform_indices = @transform_0, window_bounds = array<i64: 1000, 128>}, {transform_indices = @transform_1, window_bounds = array<i64: 1, 1000, 128>}, {transform_indices = @transform_2, window_bounds = array<i64: 1, 1000, 128>}, {transform_indices = @transform_3, window_bounds = array<i64: 1000, 8>}, {pipeline_mode = #tpu.pipeline_mode<synchronous>, transform_indices = @transform_4, window_bounds = array<i64: 128, 128>}, {transform_indices = @transform_5, window_bounds = array<i64: 1, 1, 1000>}, {pipeline_mode = #tpu.pipeline_mode<synchronous>, transform_indices = @transform_6, window_bounds = array<i64: 128, 256>}, {pipeline_mode = #tpu.pipeline_mode<synchronous>, transform_indices = @transform_7, window_bounds = array<i64: 1, 256>}, {pipeline_mode = #tpu.pipeline_mode<synchronous>, transform_indices = @transform_8, window_bounds = array<i64: 256, 128>}, {pipeline_mode = #tpu.pipeline_mode<synchronous>, transform_indices = @transform_9, window_bounds = array<i64: 1, 128>}, {pipeline_mode = #tpu.pipeline_mode<synchronous>, transform_indices = @transform_10, window_bounds = array<i64: 128, 128>}, {pipeline_mode = #tpu.pipeline_mode<synchronous>, transform_indices = @transform_11, window_bounds = array<i64: 1, 128>}, {pipeline_mode = #tpu.pipeline_mode<synchronous>, transform_indices = @transform_12, window_bounds = array<i64: 16, 128>}]} {
    %eq3A = arith.constant 0 : i32
    %eq3A_0 = arith.cmpi eq, %arg0, %eq3A : i32
    %convert_element_type3A = arith.extui %eq3A_0 : i1 to i32
    %cond3A = arith.constant 0 : i32
    %cond3A_1 = arith.cmpi ne, %convert_element_type3A, %cond3A : i32
    scf.if %cond3A_1 {
      %broadcast_in_dim3A_48 = arith.constant 0.000000e+00 : f32
      %broadcast_in_dim3A_49 = vector.broadcast %broadcast_in_dim3A_48 : f32 to vector<16x128xf32>
      %swap3A_50 = arith.constant 0 : index
      %swap3A_51 = arith.constant 0 : index
      %swap3A_52 = vector.load %arg14[%swap3A_50, %swap3A_51] : memref<16x128xf32, #tpu.memory_space<vmem>>, vector<16x128xf32>
      tpu.vector_store %arg14[%swap3A_50, %swap3A_51], %broadcast_in_dim3A_49 {strides = array<i32>} : memref<16x128xf32, #tpu.memory_space<vmem>>, vector<16x128xf32>,
    } else {
    }
    %get3A = arith.constant 0 : index
    %get3A_2 = arith.constant 0 : index
    %get3A_3 = arith.constant 0 : index
    %get3A_4 = vector.load %arg2[%get3A, %get3A_2, %get3A_3] : memref<1x1000x128xf32, #tpu.memory_space<vmem>>, vector<1x1000x128xf32>
    %get3A_5 = vector.shape_cast %get3A_4 : vector<1x1000x128xf32> to vector<1000x128xf32>
    %get3A_6 = arith.constant 0 : index
    %get3A_7 = arith.constant 0 : index
    %get3A_8 = arith.constant 0 : index
    %get3A_9 = vector.load %arg3[%get3A_6, %get3A_7, %get3A_8] : memref<1x1000x128xf32, #tpu.memory_space<vmem>>, vector<1x1000x128xf32>
    %get3A_10 = vector.shape_cast %get3A_9 : vector<1x1000x128xf32> to vector<1000x128xf32>
    %add3A = arith.addf %get3A_5, %get3A_10 : vector<1000x128xf32>
    %get3A_11 = arith.constant 0 : index
    %get3A_12 = arith.constant 0 : index
    %get3A_13 = vector.load %arg4[%get3A_11, %get3A_12] : memref<1000x8xf32, #tpu.memory_space<vmem>>, vector<1000x1xf32>
    %mul3A = vector.broadcast %get3A_13 : vector<1000x1xf32> to vector<1000x128xf32>
    %mul3A_14 = arith.mulf %add3A, %mul3A : vector<1000x128xf32>
    %get3A_15 = arith.constant 0 : index
    %get3A_16 = arith.constant 0 : index
    %get3A_17 = vector.load %arg1[%get3A_15, %get3A_16] : memref<1000x128xf32, #tpu.memory_space<vmem>>, vector<1000x128xf32>
    %get3A_18 = arith.constant 0 : index
    %get3A_19 = arith.constant 0 : index
    %get3A_20 = vector.load %arg5[%get3A_18, %get3A_19] : memref<128x128xf32, #tpu.memory_space<vmem>>, vector<128x128xf32>
    %dot_general3A = arith.constant dense<0.000000e+00> : vector<1000x128xf32>
    %dot_general3A_21 = tpu.matmul %mul3A_14, %get3A_20, %dot_general3A {dimension_numbers = #tpu.dot_dimension_numbers<[1], [0], [0], [1], [0, 0, 1, 1], [], []>, transpose_lhs_hint = false} : vector<1000x128xf32>, vector<128x128xf32>, vector<1000x128xf32> -> vector<1000x128xf32>
    %add3A_22 = arith.addf %get3A_17, %dot_general3A_21 : vector<1000x128xf32>
    %get3A_23 = arith.constant 0 : index
    %get3A_24 = arith.constant 0 : index
    %get3A_25 = arith.constant 0 : index
    %get3A_26 = vector.load %arg6[%get3A_23, %get3A_24, %get3A_25] : memref<1x1x1000xi32, #tpu.memory_space<vmem>>, vector<1x1x1000xi32>
    %get3A_27 = vector.shape_cast %get3A_26 : vector<1x1x1000xi32> to vector<1000xi32>
    %min3A = arith.constant 15 : i32
    %min3A_28 = vector.broadcast %min3A : i32 to vector<1000xi32>
    %min3A_29 = arith.minsi %get3A_27, %min3A_28 : vector<1000xi32>
    %broadcast_in_dim3A = vector.shape_cast %min3A_29 : vector<1000xi32> to vector<1000x1xi32>
    %iota3A = tpu.iota {dimensions = array<i32: 1>} : vector<1x16xi32>
    %eq3A_30 = vector.broadcast %broadcast_in_dim3A : vector<1000x1xi32> to vector<1000x16xi32>
    %eq3A_31 = vector.broadcast %iota3A : vector<1x16xi32> to vector<1000x16xi32>
    %eq3A_32 = arith.cmpi eq, %eq3A_30, %eq3A_31 : vector<1000x16xi32>
    %convert_element_type3A_33 = arith.extui %eq3A_32 : vector<1000x16xi1> to vector<1000x16xi32>
    %convert_element_type3A_34 = arith.sitofp %convert_element_type3A_33 : vector<1000x16xi32> to vector<1000x16xf32>
    %get3A_35 = arith.constant 0 : index
    %get3A_36 = arith.constant 0 : index
    %get3A_37 = vector.load %arg14[%get3A_35, %get3A_36] : memref<16x128xf32, #tpu.memory_space<vmem>>, vector<16x128xf32>
    %dot_general3A_38 = arith.constant dense<0.000000e+00> : vector<16x128xf32>
    %dot_general3A_39 = tpu.matmul %convert_element_type3A_34, %add3A_22, %dot_general3A_38 {dimension_numbers = #tpu.dot_dimension_numbers<[0], [0], [1], [1], [0, 1, 1, 1], [], []>, transpose_lhs_hint = false} : vector<1000x16xf32>, vector<1000x128xf32>, vector<16x128xf32> -> vector<16x128xf32>
    %add3A_40 = arith.addf %get3A_37, %dot_general3A_39 : vector<16x128xf32>
    %swap3A = arith.constant 0 : index
    %swap3A_41 = arith.constant 0 : index
    %swap3A_42 = vector.load %arg14[%swap3A, %swap3A_41] : memref<16x128xf32, #tpu.memory_space<vmem>>, vector<16x128xf32>
    tpu.vector_store %arg14[%swap3A, %swap3A_41], %add3A_40 {strides = array<i32>} : memref<16x128xf32, #tpu.memory_space<vmem>>, vector<16x128xf32>,
    %eq3A_43 = arith.constant 9 : i32
    %eq3A_44 = arith.cmpi eq, %arg0, %eq3A_43 : i32
    %convert_element_type3A_45 = arith.extui %eq3A_44 : i1 to i32
    %cond3A_46 = arith.constant 0 : i32
    %cond3A_47 = arith.cmpi ne, %convert_element_type3A_45, %cond3A_46 : i32
    scf.if %cond3A_47 {
      %get3A_48 = arith.constant 0 : index
      %get3A_49 = arith.constant 0 : index
      %get3A_50 = vector.load %arg14[%get3A_48, %get3A_49] : memref<16x128xf32, #tpu.memory_space<vmem>>, vector<16x128xf32>
      %get3A_51 = arith.constant 0 : index
      %get3A_52 = arith.constant 0 : index
      %get3A_53 = vector.load %arg7[%get3A_51, %get3A_52] : memref<128x256xf32, #tpu.memory_space<vmem>>, vector<128x256xf32>
      %dot_general3A_54 = arith.constant dense<0.000000e+00> : vector<16x256xf32>
      %dot_general3A_55 = tpu.matmul %get3A_50, %get3A_53, %dot_general3A_54 {dimension_numbers = #tpu.dot_dimension_numbers<[1], [0], [0], [1], [0, 0, 1, 1], [], []>, transpose_lhs_hint = false} : vector<16x128xf32>, vector<128x256xf32>, vector<16x256xf32> -> vector<16x256xf32>
      %get3A_56 = arith.constant 0 : index
      %get3A_57 = arith.constant 0 : index
      %get3A_58 = vector.load %arg8[%get3A_56, %get3A_57] : memref<1x256xf32, #tpu.memory_space<vmem>>, vector<1x256xf32>
      %add3A_59 = vector.broadcast %get3A_58 : vector<1x256xf32> to vector<16x256xf32>
      %add3A_60 = arith.addf %dot_general3A_55, %add3A_59 : vector<16x256xf32>
      %gt3A = arith.constant 0.000000e+00 : f32
      %gt3A_61 = vector.broadcast %gt3A : f32 to vector<16x256xf32>
      %gt3A_62 = arith.cmpf ogt, %add3A_60, %gt3A_61 : vector<16x256xf32>
      %mul3A_63 = arith.constant 0.00999999977 : f32
      %mul3A_64 = vector.broadcast %mul3A_63 : f32 to vector<16x256xf32>
      %mul3A_65 = arith.mulf %mul3A_64, %add3A_60 : vector<16x256xf32>
      %select_n3A = arith.select %gt3A_62, %add3A_60, %mul3A_65 : vector<16x256xi1>, vector<16x256xf32>
      %get3A_66 = arith.constant 0 : index
      %get3A_67 = arith.constant 0 : index
      %get3A_68 = vector.load %arg9[%get3A_66, %get3A_67] : memref<256x128xf32, #tpu.memory_space<vmem>>, vector<256x128xf32>
      %dot_general3A_69 = arith.constant dense<0.000000e+00> : vector<16x128xf32>
      %dot_general3A_70 = tpu.matmul %select_n3A, %get3A_68, %dot_general3A_69 {dimension_numbers = #tpu.dot_dimension_numbers<[1], [0], [0], [1], [0, 0, 1, 1], [], []>, transpose_lhs_hint = false} : vector<16x256xf32>, vector<256x128xf32>, vector<16x128xf32> -> vector<16x128xf32>
      %get3A_71 = arith.constant 0 : index
      %get3A_72 = arith.constant 0 : index
      %get3A_73 = vector.load %arg10[%get3A_71, %get3A_72] : memref<1x128xf32, #tpu.memory_space<vmem>>, vector<1x128xf32>
      %add3A_74 = vector.broadcast %get3A_73 : vector<1x128xf32> to vector<16x128xf32>
      %add3A_75 = arith.addf %dot_general3A_70, %add3A_74 : vector<16x128xf32>
      %gt3A_76 = arith.constant 0.000000e+00 : f32
      %gt3A_77 = vector.broadcast %gt3A_76 : f32 to vector<16x128xf32>
      %gt3A_78 = arith.cmpf ogt, %add3A_75, %gt3A_77 : vector<16x128xf32>
      %mul3A_79 = arith.constant 0.00999999977 : f32
      %mul3A_80 = vector.broadcast %mul3A_79 : f32 to vector<16x128xf32>
      %mul3A_81 = arith.mulf %mul3A_80, %add3A_75 : vector<16x128xf32>
      %select_n3A_82 = arith.select %gt3A_78, %add3A_75, %mul3A_81 : vector<16x128xi1>, vector<16x128xf32>
      %get3A_83 = arith.constant 0 : index
      %get3A_84 = arith.constant 0 : index
      %get3A_85 = vector.load %arg11[%get3A_83, %get3A_84] : memref<128x128xf32, #tpu.memory_space<vmem>>, vector<128x128xf32>
      %dot_general3A_86 = arith.constant dense<0.000000e+00> : vector<16x128xf32>
      %dot_general3A_87 = tpu.matmul %select_n3A_82, %get3A_85, %dot_general3A_86 {dimension_numbers = #tpu.dot_dimension_numbers<[1], [0], [0], [1], [0, 0, 1, 1], [], []>, transpose_lhs_hint = false} : vector<16x128xf32>, vector<128x128xf32>, vector<16x128xf32> -> vector<16x128xf32>
      %get3A_88 = arith.constant 0 : index
      %get3A_89 = arith.constant 0 : index
      %get3A_90 = vector.load %arg12[%get3A_88, %get3A_89] : memref<1x128xf32, #tpu.memory_space<vmem>>, vector<1x128xf32>
      %add3A_91 = vector.broadcast %get3A_90 : vector<1x128xf32> to vector<16x128xf32>
      %add3A_92 = arith.addf %dot_general3A_87, %add3A_91 : vector<16x128xf32>
      %swap3A_93 = arith.constant 0 : index
      %swap3A_94 = arith.constant 0 : index
      %swap3A_95 = vector.load %arg13[%swap3A_93, %swap3A_94] : memref<16x128xf32, #tpu.memory_space<vmem>>, vector<16x128xf32>
      tpu.vector_store %arg13[%swap3A_93, %swap3A_94], %add3A_92 {strides = array<i32>} : memref<16x128xf32, #tpu.memory_space<vmem>>, vector<16x128xf32>,
    } else {
    }
    return
  }
  func.func @transform_0(%arg0: i32) -> (i32, i32) {
    %c0_i32 = arith.constant 0 : i32
    %c0_i32_0 = arith.constant 0 : i32
    return %arg0, %c0_i32 : i32, i32
  }
  func.func @transform_1(%arg0: i32) -> (i32, i32, i32) {
    %c0_i32 = arith.constant 0 : i32
    %c0_i32_0 = arith.constant 0 : i32
    %c0_i32_1 = arith.constant 0 : i32
    return %c0_i32, %arg0, %c0_i32_0 : i32, i32, i32
  }
  func.func @transform_2(%arg0: i32) -> (i32, i32, i32) {
    %c1_i32 = arith.constant 1 : i32
    %c0_i32 = arith.constant 0 : i32
    %c0_i32_0 = arith.constant 0 : i32
    return %c1_i32, %arg0, %c0_i32 : i32, i32, i32
  }
  func.func @transform_3(%arg0: i32) -> (i32, i32) {
    %c0_i32 = arith.constant 0 : i32
    %c0_i32_0 = arith.constant 0 : i32
    return %arg0, %c0_i32 : i32, i32
  }
  func.func @transform_4(%arg0: i32) -> (i32, i32) {
    %c0_i32 = arith.constant 0 : i32
    %c0_i32_0 = arith.constant 0 : i32
    %c0_i32_1 = arith.constant 0 : i32
    return %c0_i32, %c0_i32_0 : i32, i32
  }
  func.func @transform_5(%arg0: i32) -> (i32, i32, i32) {
    %c0_i32 = arith.constant 0 : i32
    %c0_i32_0 = arith.constant 0 : i32
    %c0_i32_1 = arith.constant 0 : i32
    return %arg0, %c0_i32, %c0_i32_0 : i32, i32, i32
  }
  func.func @transform_6(%arg0: i32) -> (i32, i32) {
    %c0_i32 = arith.constant 0 : i32
    %c0_i32_0 = arith.constant 0 : i32
    %c0_i32_1 = arith.constant 0 : i32
    return %c0_i32, %c0_i32_0 : i32, i32
  }
  func.func @transform_7(%arg0: i32) -> (i32, i32) {
    %c0_i32 = arith.constant 0 : i32
    %c0_i32_0 = arith.constant 0 : i32
    %c0_i32_1 = arith.constant 0 : i32
    return %c0_i32, %c0_i32_0 : i32, i32
  }
  func.func @transform_8(%arg0: i32) -> (i32, i32) {
    %c0_i32 = arith.constant 0 : i32
    %c0_i32_0 = arith.constant 0 : i32
    %c0_i32_1 = arith.constant 0 : i32
    return %c0_i32, %c0_i32_0 : i32, i32
  }
  func.func @transform_9(%arg0: i32) -> (i32, i32) {
    %c0_i32 = arith.constant 0 : i32
    %c0_i32_0 = arith.constant 0 : i32
    %c0_i32_1 = arith.constant 0 : i32
    return %c0_i32, %c0_i32_0 : i32, i32
  }
  func.func @transform_10(%arg0: i32) -> (i32, i32) {
    %c0_i32 = arith.constant 0 : i32
    %c0_i32_0 = arith.constant 0 : i32
    %c0_i32_1 = arith.constant 0 : i32
    return %c0_i32, %c0_i32_0 : i32, i32
  }
  func.func @transform_11(%arg0: i32) -> (i32, i32) {
    %c0_i32 = arith.constant 0 : i32
    %c0_i32_0 = arith.constant 0 : i32
    %c0_i32_1 = arith.constant 0 : i32
    return %c0_i32, %c0_i32_0 : i32, i32
  }
  func.func @transform_12(%arg0: i32) -> (i32, i32) {
    %c0_i32 = arith.constant 0 : i32
    %c0_i32_0 = arith.constant 0 : i32
    %c0_i32_1 = arith.constant 0 : i32
    return %c0_i32, %c0_i32_0 : i32, i32
  }
}

</mosaic_0001>

<sc_bundles>
// kernel: kernel.13.cloned.1.call-start
scs
__scs_entry_jumppad:
0x0: {  	(pc) =	sbr.rel $0x88, $3  }
0x1: {  	(tag) =	ssettag $0x0;
	lr =	simm.s32 $0x1  }
0x2: {  	[smem:$0x3F95] =	sst lr;
	_ =	strace $0xD0000000  }
0x3: {  	_ = 	snop  }
0x4: {  	_ = 	snop  }
0x5: {  	_ = 	snop  }
0x6: {  	_ = 	snop  }
0x7: {  	_ = 	snop  }
__scs_overlays_trampoline_lowered:
0x8: {  	[smem:$0x3FA4] =	sst s0  }
0x9: {  	[smem:$0x3FA5] =	sst s1  }
0xa: {  	[smem:$0x3FA6] =	sst s2  }
0xb: {  	[smem:$0x3FA7] =	sst s3  }
0xc: {  	[smem:$0x3FA8] =	sst s4  }
0xd: {  	[smem:$0x3FA9] =	sst s5  }
0xe: {  	[smem:$0x3FAA] =	sst s6  }
0xf: {  	[smem:$0x3FAB] =	sst s7  }
0x10: {  	[smem:$0x3FAC] =	sst s8  }
0x11: {  	[smem:$0x3FAD] =	sst s9;
	s0 =	simm.s32 @!p0 $0x0  }
0x12: {  	s1 =	sld [smem:$0x3F93];
	s0 =	simm.s32 @p0 $0x1  }
0x13: {  	[smem:$0x3FAE] =	sst s0;
	s0 =	simm.s32 @!p1 $0x0  }
0x14: {  	s2 =	sld [smem:$0x3F92];
	s0 =	simm.s32 @p1 $0x1  }
0x15: {  	[smem:$0x3FAF] =	sst s0;
	s0 =	simm.s32 @!p2 $0x0  }
0x16: {  	s3 =	sld [smem:$0x3FDB];
	s0 =	simm.s32 @p2 $0x1  }
0x17: {  	s4 =	simm.s32 $0x1BF5;
	[smem:$0x3FB1] =	sst s0  }
0x18: {  	s0 =	sld [smem:$0x3F94];
	_ =	swait.ge [sflag:s4], $0x0  }
0x19: {  	s7 =	sld [smem:$0x3F95]  }
0x1a: {  	s8 =	sadd.s32 $0xFFFFE003, lr  }
0x1b: {  	s9 =	sadd.s32 $0xFFFFFEF7, lr;
	s5 =	simm.s32 $0xFFFFFFFF;
	p2 =	slt.u32 s8, $0xFFFFF086  }
0x1c: {  	p1 =	slt.u32 s9, $0xF7A;
	s5 =	simm.s32 @!p2 $0x0  }
0x1d: {  	s5 =	simm.s32 @p1 $0x1;
	p0 =	seq.s32 s7, s2  }
0x1e: {  	s7 =	smul.u32 @!p0 $0xF7A, s2;
	p2 =	seq.s32 @!p0 s5, $0x0  }
0x1f: {  	s9 =	smul.u32 $0xF7A, s1;
	s8 =	simm.s32 @!p0 $0x1BF5;
	p2 =	por !p2, p0  }
0x20: {  	[sflag:s8] =	ssyncset.s32 @!p0 $0xFFFFF086;
	s6 =	sadd.s32 @!p0 s3, s7;
	s7 =	simm.s32 @!p0 $0x108  }
0x21: {  	s3 =	sadd.s32 s3, s9;
	s6 =	sadd.s32 @!p0 $0x88, s6;
	s7 =	simm.s32 @p2 $0x1082  }
0x22: {  	[simem:s7], [sflag:s8] =	dma.local @!p0 [hbm:s6], $0xF7A  }
0x23: {  	s9 =	sor.u32 $0xD0000000, s2;
	s6 =	simm.s32 $0x108;
	_ =	swait.ge @!p0 [sflag:s8], $0x0  }
0x24: {  	s3 =	sadd.s32 $0x88, s3;
	s6 =	simm.s32 @!p1 $0x1082;
	[sflag:s4] =	ssyncset.s32 $0xFFFFF086  }
0x25: {  	[simem:s6], [sflag:s4] =	dma.local [hbm:s3], $0xF7A  }
0x26: {  	[smem:$0x3F95] =	sst s1;
	(tag) =	ssettag s2;
	_ =	strace s9  }
0x27: {  	s1 =	sld [smem:$0x3FA5]  }
0x28: {  	s2 =	sld [smem:$0x3FA6]  }
0x29: {  	s4 =	sld [smem:$0x3FA8]  }
0x2a: {  	p0 =	seq.s32 s5, $0x0;
	s5 =	sld [smem:$0x3FA9]  }
0x2b: {  	s6 =	sld [smem:$0x3FAA]  }
0x2c: {  	s7 =	sld [smem:$0x3FAB]  }
0x2d: {  	s3 =	simm.s32 $0x108;
	s8 =	sld [smem:$0x3FAC]  }
0x2e: {  	s3 =	simm.s32 @!p0 $0x1082;
	s9 =	sld [smem:$0x3FAD]  }
0x2f: {  	lr =	sadd.s32 s0, s3;
	s0 =	sld [smem:$0x3FA4]  }
0x30: {  	s3 =	sld [smem:$0x3FA7]  }
0x31: {  	[smem:$0x3FB0] =	sst s10  }
0x32: {  	s10 =	sld [smem:$0x3FAE];
	_ =	sdelay $0x3  }
0x33: {  	p0 =	seq.s32 s10, $0x1;
	s10 =	sld [smem:$0x3FB0];
	_ =	sdelay $0x3  }
0x34: {  	[smem:$0x3FB0] =	sst s10  }
0x35: {  	s10 =	sld [smem:$0x3FAF];
	_ =	sdelay $0x3  }
0x36: {  	p1 =	seq.s32 s10, $0x1;
	s10 =	sld [smem:$0x3FB0];
	_ =	sdelay $0x3  }
0x37: {  	[smem:$0x3FB0] =	sst s10  }
0x38: {  	s10 =	sld [smem:$0x3FB1]  }
0x39: {  	_ = 	snop;
	(pc) =	sbr.ind lr, $3  }
0x3a: {  	_ = 	snop  }
0x3b: {  	_ = 	snop  }
0x3c: {  	p2 =	seq.s32 s10, $0x1;
	s10 =	sld [smem:$0x3FB0]  }
0x3d: {  	_ =	shalt  }
0x3e: {  	_ =	shalt  }
0x3f: {  	_ =	shalt  }
0x40: {  	_ =	shalt  }
0x41: {  	_ =	shalt  }
0x42: {  	_ =	shalt  }
0x43: {  	_ =	shalt  }
0x44: {  	_ =	shalt  }
0x45: {  	_ =	shalt  }
0x46: {  	_ =	shalt  }
0x47: {  	_ =	shalt  }
0x48: {  	_ =	shalt  }
0x49: {  	_ =	shalt  }
0x4a: {  	_ =	shalt  }
0x4b: {  	_ =	shalt  }
0x4c: {  	_ =	shalt  }
0x4d: {  	_ =	shalt  }
0x4e: {  	_ =	shalt  }
0x4f: {  	_ =	shalt  }
0x50: {  	_ =	shalt  }
0x51: {  	_ =	shalt  }
0x52: {  	_ =	shalt  }
0x53: {  	_ =	shalt  }
0x54: {  	_ =	shalt  }
0x55: {  	_ =	shalt  }
0x56: {  	_ =	shalt  }
0x57: {  	_ =	shalt  }
0x58: {  	_ =	shalt  }
0x59: {  	_ =	shalt  }
0x5a: {  	_ =	shalt  }
0x5b: {  	_ =	shalt  }
0x5c: {  	_ =	shalt  }
0x5d: {  	_ =	shalt  }
0x5e: {  	_ =	shalt  }
0x5f: {  	_ =	shalt  }
0x60: {  	_ =	shalt  }
0x61: {  	_ =	shalt  }
0x62: {  	_ =	shalt  }
0x63: {  	_ =	shalt  }
0x64: {  	_ =	shalt  }
0x65: {  	_ =	shalt  }
0x66: {  	_ =	shalt  }
0x67: {  	_ =	shalt  }
0x68: {  	_ =	shalt  }
0x69: {  	_ =	shalt  }
0x6a: {  	_ =	shalt  }
0x6b: {  	_ =	shalt  }
0x6c: {  	_ =	shalt  }
0x6d: {  	_ =	shalt  }
0x6e: {  	_ =	shalt  }
0x6f: {  	_ =	shalt  }
0x70: {  	_ =	shalt  }
0x71: {  	_ =	shalt  }
0x72: {  	_ =	shalt  }
0x73: {  	_ =	shalt  }
0x74: {  	_ =	shalt  }
0x75: {  	_ =	shalt  }
0x76: {  	_ =	shalt  }
0x77: {  	_ =	shalt  }
0x78: {  	_ =	shalt  }
0x79: {  	_ =	shalt  }
0x7a: {  	_ =	shalt  }
0x7b: {  	_ =	shalt  }
0x7c: {  	_ =	shalt  }
0x7d: {  	_ =	shalt  }
0x7e: {  	_ =	shalt  }
0x7f: {  	_ =	shalt  }
0x80: {  	_ =	shalt  }
0x81: {  	_ =	shalt  }
0x82: {  	_ =	shalt  }
0x83: {  	_ =	shalt  }
0x84: {  	_ =	shalt  }
0x85: {  	_ =	shalt  }
0x86: {  	_ =	shalt  }
0x87: {  	_ =	shalt  }
.Lfunc_end0:
.L_simem_size_0:
called_computation_lowered:
.L_overlay_start_0:
0x88: {  	s2 =	sld [smem:$0x3FD9]  }
0x89: {  	s3 =	sld [smem:$0x3FFE];
	_ =	sdelay $0x1  }
0x8a: {  	s1 =	srdreg.scid  }
0x8b: {  	s0 =	sand.u32 $0x1, s1  }
0x8c: {  	s16 =	sshll.u32 s0, $0xA;
	s2 =	sadd.s32 s3, s2  }
0x8d: {  	s2 =	sadd.s32 s2, s16  }
0x8e: {  	[smem:$0x3FBC] =	sst s2  }
0x8f: {  	_ = 	snop  }
0x90: {  	(tm) =	ssettm $0x1  }
0x91: {  	s17 =	sld [smem:$0x3FFB];
	_ =	sdelay $0x3  }
0x92: {  	_ =	strace s17  }
0x93: {  	s2 =	sld [smem:$0x3FFC];
	_ =	sdelay $0x3  }
0x94: {  	_ =	strace s2  }
0x95: {  	s2 =	sld [smem:$0x3FFD];
	_ =	sdelay $0x3  }
0x96: {  	_ =	strace s2  }
0x97: {  	_ =	strace $0x8FFFFFFF  }
0x98: {  	s18 =	sld [smem:$0x3FDB];
	_ =	sdelay $0x1  }
0x99: {  	s19 =	simm.s32 $_scs_section_size  }
0x9a: {  	s4 =	simm.s32 $_size__tile_overlayer_lowered;
	s5 =	simm.s32 $_tile_overlayer_lowered  }
0x9b: {  	s22 =	simm.s32 $0x1BFF;
	s21 =	sshll.u32 s5, $0x1;
	s2 =	sadd.s32 s19, s18  }
0x9c: {  	s6 =	simm.s32 $0x0;
	s20 =	sshll.u32 s4, $0x1;
	s4 =	sadd.s32 s21, s2  }
0x9d: {  	[timem:s6], [sflag:s22] =	dma.local [hbm:s4], s20  }
0x9e: {  	_ =	swait.ge [sflag:s22], s20  }
0x9f: {  	s3 =	ssub.s32 $0x0, s20;
	[sflag:s22] =	ssyncset.done $0x0  }
0xa0: {  	[sflag:s22] =	ssyncadd.s32 s3;
	_ =	sdelay $0x1  }
0xa1: {  	s23 =	simm.s32 $0x1B8B  }
0xa2: {  	_ =	swait.ge [sflag:s23], $0x1  }
0xa3: {  	[sflag:s23] =	ssyncset.done $0x0  }
0xa4: {  	s25 =	simm.s32 $0x1B8E;
	s24 =	sld [smem:$0x3FFE];
	[sflag:s23] =	ssyncadd.s32 $0xFFFFFFFF  }
0xa5: {  	s26 =	simm.s32 $execute0_lowered;
	[smem:$0x3FD2] =	sst s25  }
0xa6: {  	s4 =	sshll.u32 s26, $0x1;
	_ =	strace $0x80000046;
	[dreg:$0x1] =	wrdreg $0xFFFFFFFF  }
0xa7: {  	s28 =	simm.s32 $_size_execute0_lowered;
	s2 =	sadd.s32 s2, s4;
	[dreg:$0x0] =	wrdreg $0x0  }
0xa8: {  	s4 =	sshll.u32 s28, $0x1;
	[dreg:$0x2] =	wrdreg s2  }
0xa9: {  	[dreg:$0x3] =	wrdreg s4  }
0xaa: {  	[dreg:$0x4] =	wrdreg $0xC0  }
0xab: {  	_ =	task [dreg:s6], $0x5FFFF  }
0xac: {  	[dreg:$0x1] =	wrdreg $0xFFFFFFFF  }
0xad: {  	[dreg:$0x0] =	wrdreg $0x60  }
0xae: {  	[dreg:$0x2] =	wrdreg s24  }
0xaf: {  	[dreg:$0x3] =	wrdreg $0x68000  }
0xb0: {  	[dreg:$0x4] =	wrdreg $0x9  }
0xb1: {  	_ =	task.clear_ibuf [dreg:s6], $0x5FFFF;
	_ =	strace $0x90000046  }
0xb2: {  	s29 =	simm.s32 $0x9;
	_ =	strace $0x80000048  }
0xb3: {  	_ =	swait.ge [sflag:s29], $0x1  }
0xb4: {  	[sflag:s29] =	ssyncadd.s32 $0xFFFFFFFF  }
0xb5: {  	_ =	strace $0x90000048  }
0xb6: {  	_ =	sfence  }
0xb7: {  	s30 =	sld [smem:$0x0];
	_ =	sdelay $0x2  }
0xb8: {  	s31 =	sshll.u32 s1, $0xD;
	s1 =	sshrl.u32 s1, $0x2  }
0xb9: {  	s3 =	sand.u32 $0x4000, s31;
	s1 =	sadd.s32 s1, s30  }
0xba: {  	s0 =	sor.u32 s3, s0;
	s1 =	sshll.u32 s1, $0x11  }
0xbb: {  	s0 =	sor.u32 s1, s0  }
0xbc: {  	s0 =	sadd.s32 $0x8F2B, s0  }
0xbd: {  	[sflag:s0] =	ssyncadd.remote.s32 $0x1  }
0xbe: {  	_ =	sfence.sel $0xFFFF  }
0xbf: {  	[dreg:$0x0] =	wrdreg $0xFFFFFFFF;
	(pc) =	sbr.abs _section_cstart, $3  }
0xc0: {  	[dreg:$0x1] =	wrdreg $0xFFFFFFFF  }
0xc1: {  	_ =	task.clear_ibuf [dreg:s6], $0x2FFFF;
	_ =	strace $0x9FFFFFFF  }
0xc2: {  	(tm) =	ssettm $0x7FFFFFFF  }
0xc3: {  	_ =	shalt  }
tec
execute0_lowered:
.L_overlay_start_1:
0x0: {  	(tag) =	ssettag $0x1  }
0x1: {  	s5 =	rddreg [dreg:$0x0]  }
0x2: {  	s2 =	rddreg [dreg:$0x1]  }
0x3: {  	s0 =	rddreg [dreg:$0x2]  }
0x4: {  	s4 =	srdreg.scid;
	s1 =	stileid.u32  }
0x5: {  	s3 =	simm.s32 $0x0;
	s13 =	simm.s32 $0x50;
	s14 =	simm.s32 $0x80  }
0x6: {  	s15 =	simm.s32 $0x100;
	s16 =	simm.s32 $0x180;
	s17 =	simm.s32 $0x200  }
0x7: {  	s18 =	simm.s32 $0x1;
	s19 =	simm.s32 $0x0;
	s6 =	smul.u32 $0x2800, s1  }
0x8: {  	s4 =	sand.u32 $0x1, s4;
	[smem:$0x7FF] =	sst s3;
	s10 =	smul.u32 $0x50000, s1  }
0x9: {  	s30 =	sshll.u32 s1, $0xC;
	s31 =	sshll.u32 s1, $0x6;
	s7 =	sshll.u32 s4, $0xB  }
0xa: {  	s8 =	smul.u32 $0x28000, s4;
	_ =	strace $0x80000047;
	s26 =	ssub.s32 $0x2, s4  }
0xb: {  	s4 =	sadd.s32 $0x3B600, s5;
	s7 =	sadd.s32 s7, s5;
	s9 =	sadd.s32 s6, s5  }
0xc: {  	s28 =	sshrl.u32 s26, $0x1;
	s29 =	sshrl.u32 s10, $0x2;
	s6 =	sadd.s32 s6, s8  }
0xd: {  	s12 =	ssub.s32 s26, s28;
	s10 =	sadd.s32 s29, s2;
	s7 =	sadd.s32 s30, s7  }
0xe: {  	s11 =	sadd.s32 s6, s5;
	s5 =	sadd.s32 $0x13600, s9;
	s6 =	sor.u32 $0x1C02, s31  }
0xf: {  	s7 =	sadd.s32 $0x3600, s7;
	s9 =	smax.u32 s12, $0x1;
	s10 =	sshrl.u32 s10, $0x3  }
0x10: {  	s12 =	simm.s32 $0x4000;
	s8 =	sadd.s32 $0x3BC00, s11;
	s11 =	simm.s32 $0x2  }
.LBB2_1:
0x11: {  	[spmem:s10], [sflag:s6] =	dma.local [hbm:s5], $0x2800  }
0x12: {  	_ =	swait.ge [sflag:s11], $0x2800  }
0x13: {  	[sflag:s11] =	ssyncset.done $0x0  }
0x14: {  	[sflag:s11] =	ssyncadd.s32 $0xFFFFD800  }
0x15: {  	[tilespmem:s3], [sflag:$0x2] =	stream.linear.gather [hbm4b:s7+s3], $0x3E80, $0x38;
	[tilespmem:$0x1A800] =	vst v63  }
0x16: {  	_ =	swait.ge [sflag:s11], $0x3E80  }
0x17: {  	[sflag:s11] =	ssyncset.done $0x0  }
0x18: {  	[sflag:s11] =	ssyncadd.s32 $0xFFFFC180  }
0x19: {  	[tilespmem:s12], [sflag:$0x2] =	stream.linear.gather [hbm4b:s4+s3], $0x2800, $0x38;
	[tilespmem:$0x1A800] =	vst v63  }
0x1a: {  	_ =	swait.ge [sflag:s11], $0x2800  }
0x1b: {  	[sflag:s11] =	ssyncset.done $0x0  }
0x1c: {  	[sflag:s11] =	ssyncadd.s32 $0xFFFFD800  }
0x1d: {  	[bflag:$0x0] =	sbarrier.arrive $0xFFFF  }
0x1e: {  	[spmem:s2] =	stream.indirect.scatter.add.f32 [tilespmem:s12], [sflag:$0x1], $0x80, s3, s13, $0xb8;
	[tilespmem:$0x1A800] =	vst v63  }
0x1f: {  	_ = 	snop  }
0x20: {  	[spmem:s2] =	stream.indirect.scatter.add.f32 [tilespmem:s12], [sflag:$0x1], $0x80, s14, s13, $0xb8;
	[tilespmem:$0x1A800] =	vst v63  }
0x21: {  	_ = 	snop  }
0x22: {  	[spmem:s2] =	stream.indirect.scatter.add.f32 [tilespmem:s12], [sflag:$0x1], $0x80, s15, s13, $0xb8;
	[tilespmem:$0x1A800] =	vst v63  }
0x23: {  	_ = 	snop  }
0x24: {  	[spmem:s2] =	stream.indirect.scatter.add.f32 [tilespmem:s12], [sflag:$0x1], $0x80, s16, s13, $0xb8;
	[tilespmem:$0x1A800] =	vst v63  }
0x25: {  	_ = 	snop  }
0x26: {  	[spmem:s2] =	stream.indirect.scatter.add.f32 [tilespmem:s12], [sflag:$0x1], $0x80, s17, s13, $0xb8;
	[tilespmem:$0x1A800] =	vst v63  }
0x27: {  	_ =	swait.ge [sflag:s18], $0x2800  }
0x28: {  	[sflag:s18] =	ssyncset.done $0x0  }
0x29: {  	s20 =	simm.s32 $0x280;
	[sflag:s18] =	ssyncadd.s32 $0xFFFFD800  }
0x2a: {  	[spmem:s2] =	stream.indirect.scatter.add.f32 [tilespmem:s12], [sflag:$0x1], $0x80, s20, s13, $0xb8;
	[tilespmem:$0x1A800] =	vst v63  }
0x2b: {  	_ =	swait.ge [sflag:s18], $0x2800  }
0x2c: {  	[sflag:s18] =	ssyncset.done $0x0  }
0x2d: {  	s29 =	simm.s32 $0x300;
	[sflag:s18] =	ssyncadd.s32 $0xFFFFD800  }
0x2e: {  	[spmem:s2] =	stream.indirect.scatter.add.f32 [tilespmem:s12], [sflag:$0x1], $0x80, s29, s13, $0xb8;
	[tilespmem:$0x1A800] =	vst v63  }
0x2f: {  	_ =	swait.ge [sflag:s18], $0x2800  }
0x30: {  	[sflag:s18] =	ssyncset.done $0x0  }
0x31: {  	s30 =	simm.s32 $0x380;
	[sflag:s18] =	ssyncadd.s32 $0xFFFFD800  }
0x32: {  	[spmem:s2] =	stream.indirect.scatter.add.f32 [tilespmem:s12], [sflag:$0x1], $0x80, s30, s13, $0xb8;
	[tilespmem:$0x1A800] =	vst v63  }
0x33: {  	_ =	swait.ge [sflag:s18], $0x2800  }
0x34: {  	[sflag:s18] =	ssyncset.done $0x0  }
0x35: {  	s31 =	simm.s32 $0x400;
	[sflag:s18] =	ssyncadd.s32 $0xFFFFD800  }
0x36: {  	[spmem:s2] =	stream.indirect.scatter.add.f32 [tilespmem:s12], [sflag:$0x1], $0x80, s31, s13, $0xb8;
	[tilespmem:$0x1A800] =	vst v63  }
0x37: {  	_ =	swait.ge [sflag:s18], $0x2800  }
0x38: {  	[sflag:s18] =	ssyncset.done $0x0  }
0x39: {  	s21 =	simm.s32 $0x480;
	s20 =	simm.s32 $0xFFFF1A00;
	[sflag:s18] =	ssyncadd.s32 $0xFFFFD800  }
.LBB2_2:
0x3a: {  	[spmem:s2] =	stream.indirect.scatter.add.f32 [tilespmem:s12], [sflag:$0x1], $0x80, s21, s13, $0xb8;
	[tilespmem:$0x1A800] =	vst v63  }
0x3b: {  	s21 =	smov.u32 s20  }
0x3c: {  	p0 =	sne.s32 s20, $0xFFFFF600;
	s20 =	sadd.s32 $0xA00, s20;
	_ =	swait.ge [sflag:s18], $0x2800  }
0x3d: {  	s21 =	sshra.s32 s21, $0x2;
	[sflag:s18] =	ssyncset.done $0x0  }
0x3e: {  	s22 =	sadd.s32 $0x3E80, s21;
	[sflag:s18] =	ssyncadd.s32 $0xFFFFD800  }
0x3f: {  	[spmem:s2] =	stream.indirect.scatter.add.f32 [tilespmem:s12], [sflag:$0x1], $0x80, s22, s13, $0xb8;
	[tilespmem:$0x1A800] =	vst v63  }
0x40: {  	_ =	swait.ge [sflag:s18], $0x2800  }
0x41: {  	[sflag:s18] =	ssyncset.done $0x0  }
0x42: {  	s22 =	sadd.s32 $0x3F00, s21;
	[sflag:s18] =	ssyncadd.s32 $0xFFFFD800  }
0x43: {  	[spmem:s2] =	stream.indirect.scatter.add.f32 [tilespmem:s12], [sflag:$0x1], $0x80, s22, s13, $0xb8;
	[tilespmem:$0x1A800] =	vst v63  }
0x44: {  	_ =	swait.ge [sflag:s18], $0x2800  }
0x45: {  	[sflag:s18] =	ssyncset.done $0x0  }
0x46: {  	s22 =	sadd.s32 $0x3F80, s21;
	[sflag:s18] =	ssyncadd.s32 $0xFFFFD800  }
0x47: {  	[spmem:s2] =	stream.indirect.scatter.add.f32 [tilespmem:s12], [sflag:$0x1], $0x80, s22, s13, $0xb8;
	[tilespmem:$0x1A800] =	vst v63  }
0x48: {  	_ =	swait.ge [sflag:s18], $0x2800  }
0x49: {  	[sflag:s18] =	ssyncset.done $0x0  }
.Ltmp0:
0x4a: {  	s22 =	sadd.s32 $0x4000, s21;
	[sflag:s18] =	ssyncadd.s32 $0xFFFFD800;
	(pc) =	sbr.rel @p0 .LBB2_2-.Ltmp0, $4  }
0x4b: {  	[spmem:s2] =	stream.indirect.scatter.add.f32 [tilespmem:s12], [sflag:$0x1], $0x80, s22, s13, $0xb8;
	[tilespmem:$0x1A800] =	vst v63  }
0x4c: {  	_ =	swait.ge [sflag:s18], $0x2800  }
0x4d: {  	[sflag:s18] =	ssyncset.done $0x0  }
0x4e: {  	s21 =	sadd.s32 $0x4080, s21;
	[sflag:s18] =	ssyncadd.s32 $0xFFFFD800  }
0x4f: {  	[spmem:s2] =	stream.indirect.scatter.add.f32 [tilespmem:s12], [sflag:$0x1], $0x80, s21, s13, $0xb8;
	[tilespmem:$0x1A800] =	vst v63  }
0x50: {  	_ =	swait.ge [sflag:s18], $0x2800  }
0x51: {  	[sflag:s18] =	ssyncset.done $0x0  }
0x52: {  	[sflag:s18] =	ssyncadd.s32 $0xFFFFD800  }
0x53: {  	_ =	swait.ge [sflag:s18], $0x2800  }
0x54: {  	[sflag:s18] =	ssyncset.done $0x0  }
0x55: {  	[sflag:s18] =	ssyncadd.s32 $0xFFFFD800  }
0x56: {  	_ =	swait.ge [sflag:s18], $0x2800  }
0x57: {  	[sflag:s18] =	ssyncset.done $0x0  }
0x58: {  	[sflag:s18] =	ssyncadd.s32 $0xFFFFD800  }
0x59: {  	_ =	swait.ge [sflag:s18], $0x2800  }
0x5a: {  	[sflag:s18] =	ssyncset.done $0x0  }
0x5b: {  	[sflag:s18] =	ssyncadd.s32 $0xFFFFD800  }
0x5c: {  	_ =	swait.ge [sflag:s18], $0x2800  }
0x5d: {  	s19 =	sadd.s32 $0x1, s19;
	[sflag:s18] =	ssyncset.done $0x0  }
0x5e: {  	p0 =	sne.s32 s19, s9;
	[sflag:s18] =	ssyncadd.s32 $0xFFFFD800  }
.Ltmp1:
0x5f: {  	[bflag:$0x0] =	sbarrier.arrive $0xFFFF;
	(pc) =	sbr.rel @p0 .LBB2_1-.Ltmp1, $4  }
0x60: {  	[hbm:s8], [sflag:s6] =	dma.local [spmem:s10], $0x2800  }
0x61: {  	_ =	swait.ge [sflag:s11], $0x2800  }
0x62: {  	[sflag:s11] =	ssyncset.done $0x0  }
0x63: {  	[sflag:s11] =	ssyncadd.s32 $0xFFFFD800  }
0x64: {  	_ =	sfence.sel $0x180000  }
0x65: {  	[bflag:$0x0] =	sbarrier.arrive $0xFFFF  }
0x66: {  	p0 =	sne.s32 s1, $0x0;
	_ =	strace $0x90000047  }
0x67: {  	s0 =	sadd.s32 @!p0 $0x100000, s0;
	[bflag:$0x2] =	sbarrier.arrive $0xFFFF  }
0x68: {  	[sflag:s0] =	ssyncadd.tile.s32 @!p0 $0x1;
	_ =	shalt  }
.Lfunc_end2:
_tile_overlayer_lowered:
.L_overlay_start_2:
0x69: {  	(tag) =	ssettag $0x2  }
0x6a: {  	s0 =	rddreg [dreg:$0x0];
	s2 =	stileid.u32  }
0x6b: {  	s1 =	rddreg [dreg:$0x1];
	p0 =	sne.s32 s2, $0x0  }
0x6c: {  	s3 =	rddreg [dreg:$0x2];
	[bflag:$0x3] =	sbarrier.arrive $0xFFFF;
	s2 =	simm.s32 @!p0 $0x1C02  }
0x6d: {  	[timem:s3], [sflag:s2] =	dma.local @!p0 [hbm:s0], s1  }
0x6e: {  	s0 =	simm.s32 @!p0 $0x2  }
0x6f: {  	_ =	swait.ge @!p0 [sflag:s0], s1  }
0x70: {  	s1 =	ssub.s32 @!p0 $0x0, s1;
	[sflag:s0] =	ssyncset.done @!p0 $0x0  }
0x71: {  	[sflag:s0] =	ssyncadd.s32 @!p0 s1  }
0x72: {  	[bflag:$0x3] =	sbarrier.arrive $0xFFFF  }
0x73: {  	_ =	shalt  }

// kernel: kernel.16.cloned.1.call-start
scs
__scs_entry_jumppad:
0x0: {  	(pc) =	sbr.rel $0x88, $3  }
0x1: {  	(tag) =	ssettag $0x0;
	lr =	simm.s32 $0x1  }
0x2: {  	[smem:$0x3F95] =	sst lr;
	_ =	strace $0xD0000000  }
0x3: {  	_ = 	snop  }
0x4: {  	_ = 	snop  }
0x5: {  	_ = 	snop  }
0x6: {  	_ = 	snop  }
0x7: {  	_ = 	snop  }
__scs_overlays_trampoline_lowered:
0x8: {  	[smem:$0x3FA4] =	sst s0  }
0x9: {  	[smem:$0x3FA5] =	sst s1  }
0xa: {  	[smem:$0x3FA6] =	sst s2  }
0xb: {  	[smem:$0x3FA7] =	sst s3  }
0xc: {  	[smem:$0x3FA8] =	sst s4  }
0xd: {  	[smem:$0x3FA9] =	sst s5  }
0xe: {  	[smem:$0x3FAA] =	sst s6  }
0xf: {  	[smem:$0x3FAB] =	sst s7  }
0x10: {  	[smem:$0x3FAC] =	sst s8  }
0x11: {  	[smem:$0x3FAD] =	sst s9;
	s0 =	simm.s32 @!p0 $0x0  }
0x12: {  	s1 =	sld [smem:$0x3F93];
	s0 =	simm.s32 @p0 $0x1  }
0x13: {  	[smem:$0x3FAE] =	sst s0;
	s0 =	simm.s32 @!p1 $0x0  }
0x14: {  	s2 =	sld [smem:$0x3F92];
	s0 =	simm.s32 @p1 $0x1  }
0x15: {  	[smem:$0x3FAF] =	sst s0;
	s0 =	simm.s32 @!p2 $0x0  }
0x16: {  	s3 =	sld [smem:$0x3FDB];
	s0 =	simm.s32 @p2 $0x1  }
0x17: {  	s4 =	simm.s32 $0x1BF5;
	[smem:$0x3FB1] =	sst s0  }
0x18: {  	s0 =	sld [smem:$0x3F94];
	_ =	swait.ge [sflag:s4], $0x0  }
0x19: {  	s7 =	sld [smem:$0x3F95]  }
0x1a: {  	s8 =	sadd.s32 $0xFFFFE003, lr  }
0x1b: {  	s9 =	sadd.s32 $0xFFFFFEF7, lr;
	s5 =	simm.s32 $0xFFFFFFFF;
	p2 =	slt.u32 s8, $0xFFFFF086  }
0x1c: {  	p1 =	slt.u32 s9, $0xF7A;
	s5 =	simm.s32 @!p2 $0x0  }
0x1d: {  	s5 =	simm.s32 @p1 $0x1;
	p0 =	seq.s32 s7, s2  }
0x1e: {  	s7 =	smul.u32 @!p0 $0xF7A, s2;
	p2 =	seq.s32 @!p0 s5, $0x0  }
0x1f: {  	s9 =	smul.u32 $0xF7A, s1;
	s8 =	simm.s32 @!p0 $0x1BF5;
	p2 =	por !p2, p0  }
0x20: {  	[sflag:s8] =	ssyncset.s32 @!p0 $0xFFFFF086;
	s6 =	sadd.s32 @!p0 s3, s7;
	s7 =	simm.s32 @!p0 $0x108  }
0x21: {  	s3 =	sadd.s32 s3, s9;
	s6 =	sadd.s32 @!p0 $0x88, s6;
	s7 =	simm.s32 @p2 $0x1082  }
0x22: {  	[simem:s7], [sflag:s8] =	dma.local @!p0 [hbm:s6], $0xF7A  }
0x23: {  	s9 =	sor.u32 $0xD0000000, s2;
	s6 =	simm.s32 $0x108;
	_ =	swait.ge @!p0 [sflag:s8], $0x0  }
0x24: {  	s3 =	sadd.s32 $0x88, s3;
	s6 =	simm.s32 @!p1 $0x1082;
	[sflag:s4] =	ssyncset.s32 $0xFFFFF086  }
0x25: {  	[simem:s6], [sflag:s4] =	dma.local [hbm:s3], $0xF7A  }
0x26: {  	[smem:$0x3F95] =	sst s1;
	(tag) =	ssettag s2;
	_ =	strace s9  }
0x27: {  	s1 =	sld [smem:$0x3FA5]  }
0x28: {  	s2 =	sld [smem:$0x3FA6]  }
0x29: {  	s4 =	sld [smem:$0x3FA8]  }
0x2a: {  	p0 =	seq.s32 s5, $0x0;
	s5 =	sld [smem:$0x3FA9]  }
0x2b: {  	s6 =	sld [smem:$0x3FAA]  }
0x2c: {  	s7 =	sld [smem:$0x3FAB]  }
0x2d: {  	s3 =	simm.s32 $0x108;
	s8 =	sld [smem:$0x3FAC]  }
0x2e: {  	s3 =	simm.s32 @!p0 $0x1082;
	s9 =	sld [smem:$0x3FAD]  }
0x2f: {  	lr =	sadd.s32 s0, s3;
	s0 =	sld [smem:$0x3FA4]  }
0x30: {  	s3 =	sld [smem:$0x3FA7]  }
0x31: {  	[smem:$0x3FB0] =	sst s10  }
0x32: {  	s10 =	sld [smem:$0x3FAE];
	_ =	sdelay $0x3  }
0x33: {  	p0 =	seq.s32 s10, $0x1;
	s10 =	sld [smem:$0x3FB0];
	_ =	sdelay $0x3  }
0x34: {  	[smem:$0x3FB0] =	sst s10  }
0x35: {  	s10 =	sld [smem:$0x3FAF];
	_ =	sdelay $0x3  }
0x36: {  	p1 =	seq.s32 s10, $0x1;
	s10 =	sld [smem:$0x3FB0];
	_ =	sdelay $0x3  }
0x37: {  	[smem:$0x3FB0] =	sst s10  }
0x38: {  	s10 =	sld [smem:$0x3FB1]  }
0x39: {  	_ = 	snop;
	(pc) =	sbr.ind lr, $3  }
0x3a: {  	_ = 	snop  }
0x3b: {  	_ = 	snop  }
0x3c: {  	p2 =	seq.s32 s10, $0x1;
	s10 =	sld [smem:$0x3FB0]  }
0x3d: {  	_ =	shalt  }
0x3e: {  	_ =	shalt  }
0x3f: {  	_ =	shalt  }
0x40: {  	_ =	shalt  }
0x41: {  	_ =	shalt  }
0x42: {  	_ =	shalt  }
0x43: {  	_ =	shalt  }
0x44: {  	_ =	shalt  }
0x45: {  	_ =	shalt  }
0x46: {  	_ =	shalt  }
0x47: {  	_ =	shalt  }
0x48: {  	_ =	shalt  }
0x49: {  	_ =	shalt  }
0x4a: {  	_ =	shalt  }
0x4b: {  	_ =	shalt  }
0x4c: {  	_ =	shalt  }
0x4d: {  	_ =	shalt  }
0x4e: {  	_ =	shalt  }
0x4f: {  	_ =	shalt  }
0x50: {  	_ =	shalt  }
0x51: {  	_ =	shalt  }
0x52: {  	_ =	shalt  }
0x53: {  	_ =	shalt  }
0x54: {  	_ =	shalt  }
0x55: {  	_ =	shalt  }
0x56: {  	_ =	shalt  }
0x57: {  	_ =	shalt  }
0x58: {  	_ =	shalt  }
0x59: {  	_ =	shalt  }
0x5a: {  	_ =	shalt  }
0x5b: {  	_ =	shalt  }
0x5c: {  	_ =	shalt  }
0x5d: {  	_ =	shalt  }
0x5e: {  	_ =	shalt  }
0x5f: {  	_ =	shalt  }
0x60: {  	_ =	shalt  }
0x61: {  	_ =	shalt  }
0x62: {  	_ =	shalt  }
0x63: {  	_ =	shalt  }
0x64: {  	_ =	shalt  }
0x65: {  	_ =	shalt  }
0x66: {  	_ =	shalt  }
0x67: {  	_ =	shalt  }
0x68: {  	_ =	shalt  }
0x69: {  	_ =	shalt  }
0x6a: {  	_ =	shalt  }
0x6b: {  	_ =	shalt  }
0x6c: {  	_ =	shalt  }
0x6d: {  	_ =	shalt  }
0x6e: {  	_ =	shalt  }
0x6f: {  	_ =	shalt  }
0x70: {  	_ =	shalt  }
0x71: {  	_ =	shalt  }
0x72: {  	_ =	shalt  }
0x73: {  	_ =	shalt  }
0x74: {  	_ =	shalt  }
0x75: {  	_ =	shalt  }
0x76: {  	_ =	shalt  }
0x77: {  	_ =	shalt  }
0x78: {  	_ =	shalt  }
0x79: {  	_ =	shalt  }
0x7a: {  	_ =	shalt  }
0x7b: {  	_ =	shalt  }
0x7c: {  	_ =	shalt  }
0x7d: {  	_ =	shalt  }
0x7e: {  	_ =	shalt  }
0x7f: {  	_ =	shalt  }
0x80: {  	_ =	shalt  }
0x81: {  	_ =	shalt  }
0x82: {  	_ =	shalt  }
0x83: {  	_ =	shalt  }
0x84: {  	_ =	shalt  }
0x85: {  	_ =	shalt  }
0x86: {  	_ =	shalt  }
0x87: {  	_ =	shalt  }
.Lfunc_end0:
.L_simem_size_0:
called_computation.1_lowered:
.L_overlay_start_0:
0x88: {  	s2 =	sld [smem:$0x3FD9]  }
0x89: {  	s3 =	sld [smem:$0x3FFE];
	_ =	sdelay $0x1  }
0x8a: {  	s1 =	srdreg.scid  }
0x8b: {  	s0 =	sand.u32 $0x1, s1  }
0x8c: {  	s17 =	sshll.u32 s0, $0xA;
	s2 =	sadd.s32 s3, s2  }
0x8d: {  	s2 =	sadd.s32 s2, s17  }
0x8e: {  	[smem:$0x3FBC] =	sst s2  }
0x8f: {  	_ = 	snop  }
0x90: {  	s18 =	sld [smem:$0x3FC9];
	(tm) =	ssettm $0x1  }
0x91: {  	s19 =	sld [smem:$0x3FFB];
	_ =	sdelay $0x3  }
0x92: {  	_ =	strace s19  }
0x93: {  	s2 =	sld [smem:$0x3FFC];
	_ =	sdelay $0x3  }
0x94: {  	_ =	strace s2  }
0x95: {  	s2 =	sld [smem:$0x3FFD];
	_ =	sdelay $0x3  }
0x96: {  	_ =	strace s2  }
0x97: {  	_ =	strace $0x8FFFFFFF  }
0x98: {  	s20 =	sld [smem:$0x3FDB];
	_ =	sdelay $0x1  }
0x99: {  	s4 =	simm.s32 $_scs_section_size  }
0x9a: {  	s5 =	simm.s32 $_size__tile_overlayer_lowered;
	s6 =	simm.s32 $_tile_overlayer_lowered  }
0x9b: {  	s7 =	simm.s32 $0x1BFF;
	s21 =	sshll.u32 s6, $0x1;
	s4 =	sadd.s32 s4, s20  }
0x9c: {  	s22 =	simm.s32 $0x0;
	s5 =	sshll.u32 s5, $0x1;
	s6 =	sadd.s32 s21, s4  }
0x9d: {  	[timem:s22], [sflag:s7] =	dma.local [hbm:s6], s5  }
0x9e: {  	_ =	swait.ge [sflag:s7], s5  }
0x9f: {  	s5 =	ssub.s32 $0x0, s5;
	[sflag:s7] =	ssyncset.done $0x0  }
0xa0: {  	[sflag:s7] =	ssyncadd.s32 s5;
	_ =	sdelay $0x1  }
0xa1: {  	s23 =	simm.s32 $0x1B8B  }
0xa2: {  	_ =	swait.ge [sflag:s23], $0x1  }
0xa3: {  	[sflag:s23] =	ssyncset.done $0x0  }
0xa4: {  	[sflag:s23] =	ssyncadd.s32 $0xFFFFFFFF  }
0xa5: {  	s5 =	sld [smem:$0x0]  }
0xa6: {  	s6 =	sand.u32 $0xFFFFFFFE, s1  }
0xa7: {  	p0 =	sne.s32 s1, s6  }
0xa8: {  	s6 =	sshll.u32 @p0 s6, $0xE  }
0xa9: {  	s6 =	sadd.s32 @p0 $0x11B8D, s6;
	s7 =	sshll.u32 @p0 s5, $0x11  }
0xaa: {  	s6 =	sor.u32 @p0 s7, s6  }
0xab: {  	[sflag:s6] =	ssyncadd.remote.s32 @p0 $0x1;
	_ =	sdelay $0x1  }
0xac: {  	s6 =	simm.s32 @p0 $0x1B8D  }
0xad: {  	_ =	swait.eq @p0 [sflag:s6], $0x1  }
0xae: {  	[sflag:s6] =	ssyncadd.s32 @p0 $0xFFFFFFFF  }
0xaf: {  	s7 =	sshll.u32 @!p0 s1, $0xE  }
0xb0: {  	s7 =	sor.u32 @!p0 $0x4000, s7;
	s6 =	simm.s32 @!p0 $0x1B8D  }
0xb1: {  	s5 =	sshll.u32 @!p0 s5, $0x11;
	s7 =	sadd.s32 @!p0 $0x11B8D, s7;
	_ =	swait.eq @!p0 [sflag:s6], $0x1  }
0xb2: {  	s5 =	sor.u32 @!p0 s5, s7;
	[sflag:s6] =	ssyncadd.s32 @!p0 $0xFFFFFFFF  }
0xb3: {  	s25 =	simm.s32 $0x1B8E;
	s24 =	sld [smem:$0x3FFE];
	[sflag:s5] =	ssyncadd.remote.s32 @!p0 $0x1  }
0xb4: {  	s26 =	simm.s32 $execute0_lowered;
	[smem:$0x3FD2] =	sst s25  }
0xb5: {  	s6 =	sshll.u32 s26, $0x1;
	_ =	strace $0x80000049;
	[dreg:$0x1] =	wrdreg $0xFFFFFFFF  }
0xb6: {  	s28 =	simm.s32 $_size_execute0_lowered;
	s4 =	sadd.s32 s4, s6;
	[dreg:$0x0] =	wrdreg $0x0  }
0xb7: {  	s6 =	sshll.u32 s28, $0x1;
	[dreg:$0x2] =	wrdreg s4  }
0xb8: {  	[dreg:$0x3] =	wrdreg s6  }
0xb9: {  	[dreg:$0x4] =	wrdreg $0xC0  }
0xba: {  	_ =	task [dreg:s22], $0x5FFFF  }
0xbb: {  	[dreg:$0x1] =	wrdreg $0xFFFFFFFF  }
0xbc: {  	[dreg:$0x0] =	wrdreg $0x60  }
0xbd: {  	[dreg:$0x2] =	wrdreg s18  }
0xbe: {  	[dreg:$0x3] =	wrdreg s24  }
0xbf: {  	[dreg:$0x4] =	wrdreg $0xC0000  }
0xc0: {  	[dreg:$0x5] =	wrdreg $0xA  }
0xc1: {  	_ =	task.clear_ibuf [dreg:s22], $0x6FFFF;
	_ =	strace $0x90000049  }
0xc2: {  	s29 =	simm.s32 $0xA;
	_ =	strace $0x8000004B  }
0xc3: {  	_ =	swait.ge [sflag:s29], $0x1  }
0xc4: {  	[sflag:s29] =	ssyncadd.s32 $0xFFFFFFFF  }
0xc5: {  	_ =	strace $0x9000004B  }
0xc6: {  	_ =	sfence  }
0xc7: {  	s30 =	sld [smem:$0x0];
	_ =	sdelay $0x2  }
0xc8: {  	s31 =	sshll.u32 s1, $0xD;
	s1 =	sshrl.u32 s1, $0x2  }
0xc9: {  	s4 =	sand.u32 $0x4000, s31;
	s1 =	sadd.s32 s1, s30  }
0xca: {  	s0 =	sor.u32 s4, s0;
	s1 =	sshll.u32 s1, $0x11  }
0xcb: {  	s0 =	sor.u32 s1, s0  }
0xcc: {  	s0 =	sadd.s32 $0x8F2B, s0  }
0xcd: {  	[sflag:s0] =	ssyncadd.remote.s32 $0x1  }
0xce: {  	_ =	sfence.sel $0xFFFF  }
0xcf: {  	[dreg:$0x0] =	wrdreg $0xFFFFFFFF;
	(pc) =	sbr.abs _section_cstart, $3  }
0xd0: {  	[dreg:$0x1] =	wrdreg $0xFFFFFFFF  }
0xd1: {  	_ =	task.clear_ibuf [dreg:s22], $0x2FFFF;
	_ =	strace $0x9FFFFFFF  }
0xd2: {  	(tm) =	ssettm $0x7FFFFFFF  }
0xd3: {  	_ =	shalt  }
tec
execute0_lowered:
.L_overlay_start_1:
0x0: {  	(tag) =	ssettag $0x1  }
0x1: {  	s0 =	srdreg.scid;
	s9 =	stileid.u32  }
0x2: {  	s0 =	sand.u32 $0x1, s0;
	s1 =	smul.u32 $0xA000, s9  }
0x3: {  	s2 =	rddreg [dreg:$0x0];
	s4 =	smul.u32 $0x5000, s0  }
0x4: {  	s5 =	rddreg [dreg:$0x1]  }
0x5: {  	s3 =	rddreg [dreg:$0x2];
	s1 =	sadd.s32 s4, s1;
	s4 =	simm.s32 $0x0  }
0x6: {  	s18 =	simm.s32 $0x80;
	[smem:$0x7FF] =	sst s4  }
0x7: {  	s19 =	simm.s32 $0x100;
	_ =	strace $0x8000004A;
	[dreg:$0x6] =	wrdreg s18  }
0x8: {  	s20 =	simm.s32 $0x180;
	[dreg:$0x7] =	wrdreg s19  }
0x9: {  	s21 =	simm.s32 $0x1080;
	[dreg:$0x8] =	wrdreg s20  }
0xa: {  	s22 =	simm.s32 $0x1100;
	[dreg:$0x9] =	wrdreg s21  }
0xb: {  	s23 =	simm.s32 $0x1180;
	[dreg:$0xa] =	wrdreg s22  }
0xc: {  	s24 =	simm.s32 $0x200;
	[dreg:$0xb] =	wrdreg s23  }
0xd: {  	s25 =	simm.s32 $0x280;
	[dreg:$0xc] =	wrdreg s24  }
0xe: {  	s10 =	simm.s32 $0x300;
	[dreg:$0xd] =	wrdreg s25  }
0xf: {  	s11 =	simm.s32 $0x380;
	s12 =	simm.s32 $0x1200;
	[dreg:$0xe] =	wrdreg s10  }
0x10: {  	s13 =	simm.s32 $0x1280;
	s14 =	simm.s32 $0x1300;
	[dreg:$0xf] =	wrdreg s11  }
0x11: {  	s15 =	simm.s32 $0x1380;
	s17 =	simm.s32 $0x400;
	[dreg:$0x10] =	wrdreg s12  }
0x12: {  	s7 =	smul.u32 $0x28000, s0;
	s0 =	ssub.s32 $0x2, s0;
	[dreg:$0x11] =	wrdreg s13  }
0x13: {  	s28 =	simm.s32 $0xB80;
	s16 =	sshrl.u32 s0, $0x1;
	[dreg:$0x12] =	wrdreg s14  }
0x14: {  	s29 =	simm.s32 $0x1A00;
	s0 =	ssub.s32 s0, s16;
	[dreg:$0x13] =	wrdreg s15  }
0x15: {  	s30 =	simm.s32 $0x1A80;
	s0 =	smax.u32 s0, $0x1;
	[dreg:$0x14] =	wrdreg s17  }
0x16: {  	s26 =	smul.u32 $0x2800, s9;
	s16 =	simm.s32 $0x1700;
	[smem:$0x7EE] =	sst s0  }
0x17: {  	s31 =	simm.s32 $0x1B00;
	s19 =	simm.s32 $0x480;
	[smem:$0x7F1] =	sst s16  }
0x18: {  	s8 =	sadd.s32 s26, s5;
	s20 =	simm.s32 $0x500;
	[dreg:$0x15] =	wrdreg s19  }
0x19: {  	s1 =	sshrl.u32 s1, $0x3;
	s22 =	simm.s32 $0x580;
	[dreg:$0x16] =	wrdreg s20  }
0x1a: {  	s1 =	sadd.s32 s1, s5;
	s24 =	sadd.s32 $0x13600, s8;
	[dreg:$0x17] =	wrdreg s22  }
0x1b: {  	s18 =	smul.u32 $0x50000, s9;
	s23 =	simm.s32 $0x1400;
	[smem:$0x7EC] =	sst s24  }
0x1c: {  	s25 =	simm.s32 $0x1480;
	s8 =	simm.s32 $0x1500;
	[dreg:$0x18] =	wrdreg s23  }
0x1d: {  	s10 =	simm.s32 $0x600;
	s11 =	simm.s32 $0x680;
	[dreg:$0x19] =	wrdreg s25  }
0x1e: {  	s12 =	simm.s32 $0x700;
	s13 =	simm.s32 $0x780;
	[dreg:$0x1a] =	wrdreg s8  }
0x1f: {  	s14 =	simm.s32 $0x1600;
	s15 =	simm.s32 $0x1680;
	[dreg:$0x1c] =	wrdreg s10  }
0x20: {  	s17 =	simm.s32 $0x1780;
	s16 =	simm.s32 $0x9800;
	[dreg:$0x1d] =	wrdreg s11  }
0x21: {  	s0 =	simm.s32 $0xC00;
	s6 =	sadd.s32 $0x8BC00, s1;
	[dreg:$0x1e] =	wrdreg s12  }
0x22: {  	s1 =	sadd.s32 $0x9FC00, s1;
	s10 =	simm.s32 $0x9;
	[dreg:$0x1f] =	wrdreg s13  }
0x23: {  	s11 =	simm.s32 $0x1000;
	s12 =	simm.s32 $0x50;
	[smem:$0x7EF] =	sst s14  }
0x24: {  	s13 =	simm.s32 $0x2000;
	[smem:$0x7F0] =	sst s15;
	s14 =	simm.s32 $0x4800  }
0x25: {  	s15 =	simm.s32 $0x7000;
	[smem:$0x7F2] =	sst s17;
	s19 =	simm.s32 $0x880  }
0x26: {  	s17 =	simm.s32 $0x1;
	s20 =	simm.s32 $0x900;
	[dreg:$0x4] =	wrdreg s6  }
0x27: {  	s22 =	simm.s32 $0x1800;
	s23 =	simm.s32 $0x1880;
	[dreg:$0x5] =	wrdreg s1  }
0x28: {  	s24 =	simm.s32 $0x1900;
	s25 =	simm.s32 $0x1980;
	[smem:$0x7F4] =	sst s19  }
0x29: {  	s6 =	sadd.s32 s26, s7;
	s21 =	sshrl.u32 s18, $0x2;
	[smem:$0x7F5] =	sst s20  }
0x2a: {  	s26 =	sshll.u32 s9, $0x6;
	s9 =	simm.s32 $0x1580;
	[smem:$0x7F7] =	sst s22  }
0x2b: {  	s18 =	simm.s32 $0x800;
	s19 =	simm.s32 $0x3;
	[smem:$0x7F8] =	sst s23  }
0x2c: {  	s20 =	simm.s32 $0x4;
	s22 =	simm.s32 $0x6;
	[smem:$0x7F9] =	sst s24  }
0x2d: {  	s23 =	simm.s32 $0x7;
	[smem:$0x7FA] =	sst s25;
	s24 =	simm.s32 $0x8  }
0x2e: {  	s25 =	simm.s32 $0xA80;
	s5 =	sadd.s32 s6, s5;
	[dreg:$0x1b] =	wrdreg s9  }
0x2f: {  	s6 =	sadd.s32 s21, s3;
	[smem:$0x7F3] =	sst s18;
	s21 =	simm.s32 $0x980  }
0x30: {  	s7 =	sor.u32 $0x1C09, s26;
	s26 =	simm.s32 $0xA00;
	[smem:$0x7F6] =	sst s21  }
0x31: {  	s1 =	simm.s32 $0x1B80;
	s18 =	simm.s32 $0x2;
	[smem:$0x7FB] =	sst s26  }
0x32: {  	s9 =	simm.s32 $0x0;
	s5 =	sadd.s32 $0xB3C00, s5;
	[smem:$0x7FC] =	sst s7  }
0x33: {  	s8 =	sshrl.u32 s6, $0x3;
	s21 =	simm.s32 $0x5;
	[smem:$0x7ED] =	sst s5  }
0x34: {  	s26 =	simm.s32 $0xB00;
	s5 =	simm.s32 $0x1C00;
	[smem:$0x7FD] =	sst s8  }
.LBB2_1:
0x35: {  	s6 =	sld [smem:$0x7EC];
	_ =	sdelay $0x1  }
0x36: {  	[smem:$0x7EB] =	sst s9  }
0x37: {  	[spmem:s8], [sflag:s7] =	dma.local [hbm:s6], $0x2800  }
0x38: {  	_ =	swait.ge [sflag:s10], $0x2800  }
0x39: {  	[sflag:s10] =	ssyncset.done $0x0  }
0x3a: {  	[sflag:s10] =	ssyncadd.s32 $0xFFFFD800  }
0x3b: {  	[bflag:$0x0] =	sbarrier.arrive $0xFFFF  }
0x3c: {  	s7 =	rddreg [dreg:$0x5]  }
0x3d: {  	s6 =	sadd.s32 $0x0, s7  }
0x3e: {  	[tilespmem:s4], [sflag:$0x9] =	stream.linear.gather [hbm4b:s6+s4], $0xC80, $0x38;
	v63 =	vld [tilespmem:$0x0]  }
0x3f: {  	_ =	swait.ge [sflag:s10], $0xC80  }
0x40: {  	s8 =	rddreg [dreg:$0x4];
	[sflag:s10] =	ssyncset.done $0x0  }
0x41: {  	[sflag:s10] =	ssyncadd.s32 $0xFFFFF380;
	s6 =	sadd.s32 $0x0, s8  }
0x42: {  	[tilespmem:s11], [sflag:$0x9] =	stream.linear.gather [hbm4b:s6+s4], $0xC80, $0x38;
	v63 =	vld [tilespmem:$0x0]  }
0x43: {  	_ =	swait.ge [sflag:s10], $0xC80  }
0x44: {  	[sflag:s10] =	ssyncset.done $0x0  }
0x45: {  	[sflag:s10] =	ssyncadd.s32 $0xFFFFF380  }
0x46: {  	[tilespmem:s13], [sflag:$0x1] =	stream.indirect.gather [hbm4b:s2+s12], $0x80, s4, s12, $0xb8;
	v63 =	vld [tilespmem:$0x0]  }
0x47: {  	s9 =	rddreg [dreg:$0x6]  }
0x48: {  	[tilespmem:s14], [sflag:$0x2] =	stream.indirect.gather [hbm4b:s2+s12], $0x80, s9, s12, $0xb8;
	v63 =	vld [tilespmem:$0x0]  }
0x49: {  	s7 =	rddreg [dreg:$0x7]  }
0x4a: {  	[tilespmem:s15], [sflag:$0x3] =	stream.indirect.gather [hbm4b:s2+s12], $0x80, s7, s12, $0xb8;
	v63 =	vld [tilespmem:$0x0]  }
0x4b: {  	s9 =	rddreg [dreg:$0x8]  }
0x4c: {  	[tilespmem:s16], [sflag:$0x4] =	stream.indirect.gather [hbm4b:s2+s12], $0x80, s9, s12, $0xb8;
	v63 =	vld [tilespmem:$0x0]  }
0x4d: {  	_ =	swait.ge [sflag:s17], $0x2800  }
0x4e: {  	[sflag:s17] =	ssyncset.done $0x0  }
0x4f: {  	[sflag:s17] =	ssyncadd.s32 $0xFFFFD800  }
0x50: {  	[spmem:s3] =	stream.indirect.scatter.add.f32 [tilespmem:s13], [sflag:$0x5], $0x80, s11, s12, $0xb8;
	v63 =	vld [tilespmem:$0x0]  }
0x51: {  	_ =	swait.ge [sflag:s18], $0x2800  }
0x52: {  	[sflag:s18] =	ssyncset.done $0x0  }
0x53: {  	s7 =	rddreg [dreg:$0x9];
	[sflag:s18] =	ssyncadd.s32 $0xFFFFD800  }
0x54: {  	[spmem:s3] =	stream.indirect.scatter.add.f32 [tilespmem:s14], [sflag:$0x6], $0x80, s7, s12, $0xb8;
	v63 =	vld [tilespmem:$0x0]  }
0x55: {  	_ =	swait.ge [sflag:s19], $0x2800  }
0x56: {  	[sflag:s19] =	ssyncset.done $0x0  }
0x57: {  	s8 =	rddreg [dreg:$0xa];
	[sflag:s19] =	ssyncadd.s32 $0xFFFFD800  }
0x58: {  	[spmem:s3] =	stream.indirect.scatter.add.f32 [tilespmem:s15], [sflag:$0x7], $0x80, s8, s12, $0xb8;
	v63 =	vld [tilespmem:$0x0]  }
0x59: {  	_ =	swait.ge [sflag:s20], $0x2800  }
0x5a: {  	[sflag:s20] =	ssyncset.done $0x0  }
0x5b: {  	s9 =	rddreg [dreg:$0xb];
	[sflag:s20] =	ssyncadd.s32 $0xFFFFD800  }
0x5c: {  	[spmem:s3] =	stream.indirect.scatter.add.f32 [tilespmem:s16], [sflag:$0x8], $0x80, s9, s12, $0xb8;
	v63 =	vld [tilespmem:$0x0]  }
0x5d: {  	_ =	swait.ge [sflag:s21], $0x2800  }
0x5e: {  	[sflag:s21] =	ssyncset.done $0x0  }
0x5f: {  	s7 =	rddreg [dreg:$0xc];
	[sflag:s21] =	ssyncadd.s32 $0xFFFFD800  }
0x60: {  	[tilespmem:s13], [sflag:$0x1] =	stream.indirect.gather [hbm4b:s2+s12], $0x80, s7, s12, $0xb8;
	v63 =	vld [tilespmem:$0x0]  }
0x61: {  	_ =	swait.ge [sflag:s22], $0x2800  }
0x62: {  	[sflag:s22] =	ssyncset.done $0x0  }
0x63: {  	s8 =	rddreg [dreg:$0xd];
	[sflag:s22] =	ssyncadd.s32 $0xFFFFD800  }
0x64: {  	[tilespmem:s14], [sflag:$0x2] =	stream.indirect.gather [hbm4b:s2+s12], $0x80, s8, s12, $0xb8;
	v63 =	vld [tilespmem:$0x0]  }
0x65: {  	_ =	swait.ge [sflag:s23], $0x2800  }
0x66: {  	[sflag:s23] =	ssyncset.done $0x0  }
0x67: {  	s9 =	rddreg [dreg:$0xe];
	[sflag:s23] =	ssyncadd.s32 $0xFFFFD800  }
0x68: {  	[tilespmem:s15], [sflag:$0x3] =	stream.indirect.gather [hbm4b:s2+s12], $0x80, s9, s12, $0xb8;
	v63 =	vld [tilespmem:$0x0]  }
0x69: {  	_ =	swait.ge [sflag:s24], $0x2800  }
0x6a: {  	[sflag:s24] =	ssyncset.done $0x0  }
0x6b: {  	s7 =	rddreg [dreg:$0xf];
	[sflag:s24] =	ssyncadd.s32 $0xFFFFD800  }
0x6c: {  	[tilespmem:s16], [sflag:$0x4] =	stream.indirect.gather [hbm4b:s2+s12], $0x80, s7, s12, $0xb8;
	v63 =	vld [tilespmem:$0x0]  }
0x6d: {  	_ =	swait.ge [sflag:s17], $0x2800  }
0x6e: {  	[sflag:s17] =	ssyncset.done $0x0  }
0x6f: {  	s8 =	rddreg [dreg:$0x10];
	[sflag:s17] =	ssyncadd.s32 $0xFFFFD800  }
0x70: {  	[spmem:s3] =	stream.indirect.scatter.add.f32 [tilespmem:s13], [sflag:$0x5], $0x80, s8, s12, $0xb8;
	v63 =	vld [tilespmem:$0x0]  }
0x71: {  	_ =	swait.ge [sflag:s18], $0x2800  }
0x72: {  	[sflag:s18] =	ssyncset.done $0x0  }
0x73: {  	s9 =	rddreg [dreg:$0x11];
	[sflag:s18] =	ssyncadd.s32 $0xFFFFD800  }
0x74: {  	[spmem:s3] =	stream.indirect.scatter.add.f32 [tilespmem:s14], [sflag:$0x6], $0x80, s9, s12, $0xb8;
	v63 =	vld [tilespmem:$0x0]  }
0x75: {  	_ =	swait.ge [sflag:s19], $0x2800  }
0x76: {  	[sflag:s19] =	ssyncset.done $0x0  }
0x77: {  	s7 =	rddreg [dreg:$0x12];
	[sflag:s19] =	ssyncadd.s32 $0xFFFFD800  }
0x78: {  	[spmem:s3] =	stream.indirect.scatter.add.f32 [tilespmem:s15], [sflag:$0x7], $0x80, s7, s12, $0xb8;
	v63 =	vld [tilespmem:$0x0]  }
0x79: {  	_ =	swait.ge [sflag:s20], $0x2800  }
0x7a: {  	[sflag:s20] =	ssyncset.done $0x0  }
0x7b: {  	s8 =	rddreg [dreg:$0x13];
	[sflag:s20] =	ssyncadd.s32 $0xFFFFD800  }
0x7c: {  	[spmem:s3] =	stream.indirect.scatter.add.f32 [tilespmem:s16], [sflag:$0x8], $0x80, s8, s12, $0xb8;
	v63 =	vld [tilespmem:$0x0]  }
0x7d: {  	_ =	swait.ge [sflag:s21], $0x2800  }
0x7e: {  	[sflag:s21] =	ssyncset.done $0x0  }
0x7f: {  	s9 =	rddreg [dreg:$0x14];
	[sflag:s21] =	ssyncadd.s32 $0xFFFFD800  }
0x80: {  	[tilespmem:s13], [sflag:$0x1] =	stream.indirect.gather [hbm4b:s2+s12], $0x80, s9, s12, $0xb8;
	v63 =	vld [tilespmem:$0x0]  }
0x81: {  	_ =	swait.ge [sflag:s22], $0x2800  }
0x82: {  	[sflag:s22] =	ssyncset.done $0x0  }
0x83: {  	s7 =	rddreg [dreg:$0x15];
	[sflag:s22] =	ssyncadd.s32 $0xFFFFD800  }
0x84: {  	[tilespmem:s14], [sflag:$0x2] =	stream.indirect.gather [hbm4b:s2+s12], $0x80, s7, s12, $0xb8;
	v63 =	vld [tilespmem:$0x0]  }
0x85: {  	_ =	swait.ge [sflag:s23], $0x2800  }
0x86: {  	[sflag:s23] =	ssyncset.done $0x0  }
0x87: {  	s8 =	rddreg [dreg:$0x16];
	[sflag:s23] =	ssyncadd.s32 $0xFFFFD800  }
0x88: {  	[tilespmem:s15], [sflag:$0x3] =	stream.indirect.gather [hbm4b:s2+s12], $0x80, s8, s12, $0xb8;
	v63 =	vld [tilespmem:$0x0]  }
0x89: {  	_ =	swait.ge [sflag:s24], $0x2800  }
0x8a: {  	[sflag:s24] =	ssyncset.done $0x0  }
0x8b: {  	s9 =	rddreg [dreg:$0x17];
	[sflag:s24] =	ssyncadd.s32 $0xFFFFD800  }
0x8c: {  	[tilespmem:s16], [sflag:$0x4] =	stream.indirect.gather [hbm4b:s2+s12], $0x80, s9, s12, $0xb8;
	v63 =	vld [tilespmem:$0x0]  }
0x8d: {  	_ =	swait.ge [sflag:s17], $0x2800  }
0x8e: {  	[sflag:s17] =	ssyncset.done $0x0  }
0x8f: {  	s7 =	rddreg [dreg:$0x18];
	[sflag:s17] =	ssyncadd.s32 $0xFFFFD800  }
0x90: {  	[spmem:s3] =	stream.indirect.scatter.add.f32 [tilespmem:s13], [sflag:$0x5], $0x80, s7, s12, $0xb8;
	v63 =	vld [tilespmem:$0x0]  }
0x91: {  	_ =	swait.ge [sflag:s18], $0x2800  }
0x92: {  	[sflag:s18] =	ssyncset.done $0x0  }
0x93: {  	s8 =	rddreg [dreg:$0x19];
	[sflag:s18] =	ssyncadd.s32 $0xFFFFD800  }
0x94: {  	[spmem:s3] =	stream.indirect.scatter.add.f32 [tilespmem:s14], [sflag:$0x6], $0x80, s8, s12, $0xb8;
	v63 =	vld [tilespmem:$0x0]  }
0x95: {  	_ =	swait.ge [sflag:s19], $0x2800  }
0x96: {  	[sflag:s19] =	ssyncset.done $0x0  }
0x97: {  	s9 =	rddreg [dreg:$0x1a];
	[sflag:s19] =	ssyncadd.s32 $0xFFFFD800  }
0x98: {  	[spmem:s3] =	stream.indirect.scatter.add.f32 [tilespmem:s15], [sflag:$0x7], $0x80, s9, s12, $0xb8;
	v63 =	vld [tilespmem:$0x0]  }
0x99: {  	_ =	swait.ge [sflag:s20], $0x2800  }
0x9a: {  	[sflag:s20] =	ssyncset.done $0x0  }
0x9b: {  	s7 =	rddreg [dreg:$0x1b];
	[sflag:s20] =	ssyncadd.s32 $0xFFFFD800  }
0x9c: {  	[spmem:s3] =	stream.indirect.scatter.add.f32 [tilespmem:s16], [sflag:$0x8], $0x80, s7, s12, $0xb8;
	v63 =	vld [tilespmem:$0x0]  }
0x9d: {  	_ =	swait.ge [sflag:s21], $0x2800  }
0x9e: {  	[sflag:s21] =	ssyncset.done $0x0  }
0x9f: {  	s8 =	rddreg [dreg:$0x1c];
	[sflag:s21] =	ssyncadd.s32 $0xFFFFD800  }
0xa0: {  	[tilespmem:s13], [sflag:$0x1] =	stream.indirect.gather [hbm4b:s2+s12], $0x80, s8, s12, $0xb8;
	v63 =	vld [tilespmem:$0x0]  }
0xa1: {  	_ =	swait.ge [sflag:s22], $0x2800  }
0xa2: {  	[sflag:s22] =	ssyncset.done $0x0  }
0xa3: {  	s9 =	rddreg [dreg:$0x1d];
	[sflag:s22] =	ssyncadd.s32 $0xFFFFD800  }
0xa4: {  	[tilespmem:s14], [sflag:$0x2] =	stream.indirect.gather [hbm4b:s2+s12], $0x80, s9, s12, $0xb8;
	v63 =	vld [tilespmem:$0x0]  }
0xa5: {  	_ =	swait.ge [sflag:s23], $0x2800  }
0xa6: {  	[sflag:s23] =	ssyncset.done $0x0  }
0xa7: {  	s7 =	rddreg [dreg:$0x1e];
	[sflag:s23] =	ssyncadd.s32 $0xFFFFD800  }
0xa8: {  	[tilespmem:s15], [sflag:$0x3] =	stream.indirect.gather [hbm4b:s2+s12], $0x80, s7, s12, $0xb8;
	v63 =	vld [tilespmem:$0x0]  }
0xa9: {  	_ =	swait.ge [sflag:s24], $0x2800  }
0xaa: {  	[sflag:s24] =	ssyncset.done $0x0  }
0xab: {  	s8 =	rddreg [dreg:$0x1f];
	[sflag:s24] =	ssyncadd.s32 $0xFFFFD800  }
0xac: {  	[tilespmem:s16], [sflag:$0x4] =	stream.indirect.gather [hbm4b:s2+s12], $0x80, s8, s12, $0xb8;
	v63 =	vld [tilespmem:$0x0]  }
0xad: {  	_ =	swait.ge [sflag:s17], $0x2800  }
0xae: {  	s9 =	sld [smem:$0x7EF]  }
0xaf: {  	[sflag:s17] =	ssyncset.done $0x0  }
0xb0: {  	[sflag:s17] =	ssyncadd.s32 $0xFFFFD800  }
0xb1: {  	[spmem:s3] =	stream.indirect.scatter.add.f32 [tilespmem:s13], [sflag:$0x5], $0x80, s9, s12, $0xb8;
	v63 =	vld [tilespmem:$0x0]  }
0xb2: {  	_ =	swait.ge [sflag:s18], $0x2800  }
0xb3: {  	s7 =	sld [smem:$0x7F0]  }
0xb4: {  	[sflag:s18] =	ssyncset.done $0x0  }
0xb5: {  	[sflag:s18] =	ssyncadd.s32 $0xFFFFD800  }
0xb6: {  	[spmem:s3] =	stream.indirect.scatter.add.f32 [tilespmem:s14], [sflag:$0x6], $0x80, s7, s12, $0xb8;
	v63 =	vld [tilespmem:$0x0]  }
0xb7: {  	_ =	swait.ge [sflag:s19], $0x2800  }
0xb8: {  	s8 =	sld [smem:$0x7F1]  }
0xb9: {  	[sflag:s19] =	ssyncset.done $0x0  }
0xba: {  	[sflag:s19] =	ssyncadd.s32 $0xFFFFD800  }
0xbb: {  	[spmem:s3] =	stream.indirect.scatter.add.f32 [tilespmem:s15], [sflag:$0x7], $0x80, s8, s12, $0xb8;
	v63 =	vld [tilespmem:$0x0]  }
0xbc: {  	_ =	swait.ge [sflag:s20], $0x2800  }
0xbd: {  	s9 =	sld [smem:$0x7F2]  }
0xbe: {  	[sflag:s20] =	ssyncset.done $0x0  }
0xbf: {  	[sflag:s20] =	ssyncadd.s32 $0xFFFFD800  }
0xc0: {  	[spmem:s3] =	stream.indirect.scatter.add.f32 [tilespmem:s16], [sflag:$0x8], $0x80, s9, s12, $0xb8;
	v63 =	vld [tilespmem:$0x0]  }
0xc1: {  	_ =	swait.ge [sflag:s21], $0x2800  }
0xc2: {  	s7 =	sld [smem:$0x7F3]  }
0xc3: {  	[sflag:s21] =	ssyncset.done $0x0  }
0xc4: {  	[sflag:s21] =	ssyncadd.s32 $0xFFFFD800  }
0xc5: {  	[tilespmem:s13], [sflag:$0x1] =	stream.indirect.gather [hbm4b:s2+s12], $0x80, s7, s12, $0xb8;
	v63 =	vld [tilespmem:$0x0]  }
0xc6: {  	_ =	swait.ge [sflag:s22], $0x2800  }
0xc7: {  	s8 =	sld [smem:$0x7F4]  }
0xc8: {  	[sflag:s22] =	ssyncset.done $0x0  }
0xc9: {  	[sflag:s22] =	ssyncadd.s32 $0xFFFFD800  }
0xca: {  	[tilespmem:s14], [sflag:$0x2] =	stream.indirect.gather [hbm4b:s2+s12], $0x80, s8, s12, $0xb8;
	v63 =	vld [tilespmem:$0x0]  }
0xcb: {  	_ =	swait.ge [sflag:s23], $0x2800  }
0xcc: {  	s9 =	sld [smem:$0x7F5]  }
0xcd: {  	[sflag:s23] =	ssyncset.done $0x0  }
0xce: {  	[sflag:s23] =	ssyncadd.s32 $0xFFFFD800  }
0xcf: {  	[tilespmem:s15], [sflag:$0x3] =	stream.indirect.gather [hbm4b:s2+s12], $0x80, s9, s12, $0xb8;
	v63 =	vld [tilespmem:$0x0]  }
0xd0: {  	_ =	swait.ge [sflag:s24], $0x2800  }
0xd1: {  	s7 =	sld [smem:$0x7F6]  }
0xd2: {  	[sflag:s24] =	ssyncset.done $0x0  }
0xd3: {  	[sflag:s24] =	ssyncadd.s32 $0xFFFFD800  }
0xd4: {  	[tilespmem:s16], [sflag:$0x4] =	stream.indirect.gather [hbm4b:s2+s12], $0x80, s7, s12, $0xb8;
	v63 =	vld [tilespmem:$0x0]  }
0xd5: {  	_ =	swait.ge [sflag:s17], $0x2800  }
0xd6: {  	s8 =	sld [smem:$0x7F7]  }
0xd7: {  	[sflag:s17] =	ssyncset.done $0x0  }
0xd8: {  	[sflag:s17] =	ssyncadd.s32 $0xFFFFD800  }
0xd9: {  	[spmem:s3] =	stream.indirect.scatter.add.f32 [tilespmem:s13], [sflag:$0x5], $0x80, s8, s12, $0xb8;
	v63 =	vld [tilespmem:$0x0]  }
0xda: {  	_ =	swait.ge [sflag:s18], $0x2800  }
0xdb: {  	s9 =	sld [smem:$0x7F8]  }
0xdc: {  	[sflag:s18] =	ssyncset.done $0x0  }
0xdd: {  	[sflag:s18] =	ssyncadd.s32 $0xFFFFD800  }
0xde: {  	[spmem:s3] =	stream.indirect.scatter.add.f32 [tilespmem:s14], [sflag:$0x6], $0x80, s9, s12, $0xb8;
	v63 =	vld [tilespmem:$0x0]  }
0xdf: {  	_ =	swait.ge [sflag:s19], $0x2800  }
0xe0: {  	s7 =	sld [smem:$0x7F9]  }
0xe1: {  	[sflag:s19] =	ssyncset.done $0x0  }
0xe2: {  	[sflag:s19] =	ssyncadd.s32 $0xFFFFD800  }
0xe3: {  	[spmem:s3] =	stream.indirect.scatter.add.f32 [tilespmem:s15], [sflag:$0x7], $0x80, s7, s12, $0xb8;
	v63 =	vld [tilespmem:$0x0]  }
0xe4: {  	_ =	swait.ge [sflag:s20], $0x2800  }
0xe5: {  	s8 =	sld [smem:$0x7FA]  }
0xe6: {  	[sflag:s20] =	ssyncset.done $0x0  }
0xe7: {  	[sflag:s20] =	ssyncadd.s32 $0xFFFFD800  }
0xe8: {  	[spmem:s3] =	stream.indirect.scatter.add.f32 [tilespmem:s16], [sflag:$0x8], $0x80, s8, s12, $0xb8;
	v63 =	vld [tilespmem:$0x0]  }
0xe9: {  	_ =	swait.ge [sflag:s21], $0x2800  }
0xea: {  	s9 =	sld [smem:$0x7FB]  }
0xeb: {  	[sflag:s21] =	ssyncset.done $0x0  }
0xec: {  	[sflag:s21] =	ssyncadd.s32 $0xFFFFD800  }
0xed: {  	[tilespmem:s13], [sflag:$0x1] =	stream.indirect.gather [hbm4b:s2+s12], $0x80, s9, s12, $0xb8;
	v63 =	vld [tilespmem:$0x0]  }
0xee: {  	_ =	swait.ge [sflag:s22], $0x2800  }
0xef: {  	[sflag:s22] =	ssyncset.done $0x0  }
0xf0: {  	[sflag:s22] =	ssyncadd.s32 $0xFFFFD800  }
0xf1: {  	[tilespmem:s14], [sflag:$0x2] =	stream.indirect.gather [hbm4b:s2+s12], $0x80, s25, s12, $0xb8;
	v63 =	vld [tilespmem:$0x0]  }
0xf2: {  	_ =	swait.ge [sflag:s23], $0x2800  }
0xf3: {  	[sflag:s23] =	ssyncset.done $0x0  }
0xf4: {  	[sflag:s23] =	ssyncadd.s32 $0xFFFFD800  }
0xf5: {  	[tilespmem:s15], [sflag:$0x3] =	stream.indirect.gather [hbm4b:s2+s12], $0x80, s26, s12, $0xb8;
	v63 =	vld [tilespmem:$0x0]  }
0xf6: {  	_ =	swait.ge [sflag:s24], $0x2800  }
0xf7: {  	[sflag:s24] =	ssyncset.done $0x0  }
0xf8: {  	[sflag:s24] =	ssyncadd.s32 $0xFFFFD800  }
0xf9: {  	[tilespmem:s16], [sflag:$0x4] =	stream.indirect.gather [hbm4b:s2+s12], $0x80, s28, s12, $0xb8;
	v63 =	vld [tilespmem:$0x0]  }
0xfa: {  	_ =	swait.ge [sflag:s17], $0x2800  }
0xfb: {  	[sflag:s17] =	ssyncset.done $0x0  }
0xfc: {  	[sflag:s17] =	ssyncadd.s32 $0xFFFFD800  }
0xfd: {  	[spmem:s3] =	stream.indirect.scatter.add.f32 [tilespmem:s13], [sflag:$0x5], $0x80, s29, s12, $0xb8;
	v63 =	vld [tilespmem:$0x0]  }
0xfe: {  	_ =	swait.ge [sflag:s18], $0x2800  }
0xff: {  	[sflag:s18] =	ssyncset.done $0x0  }
0x100: {  	[sflag:s18] =	ssyncadd.s32 $0xFFFFD800  }
0x101: {  	[spmem:s3] =	stream.indirect.scatter.add.f32 [tilespmem:s14], [sflag:$0x6], $0x80, s30, s12, $0xb8;
	v63 =	vld [tilespmem:$0x0]  }
0x102: {  	_ =	swait.ge [sflag:s19], $0x2800  }
0x103: {  	[sflag:s19] =	ssyncset.done $0x0  }
0x104: {  	[sflag:s19] =	ssyncadd.s32 $0xFFFFD800  }
0x105: {  	[spmem:s3] =	stream.indirect.scatter.add.f32 [tilespmem:s15], [sflag:$0x7], $0x80, s31, s12, $0xb8;
	v63 =	vld [tilespmem:$0x0]  }
0x106: {  	_ =	swait.ge [sflag:s20], $0x2800  }
0x107: {  	[sflag:s20] =	ssyncset.done $0x0  }
0x108: {  	[sflag:s20] =	ssyncadd.s32 $0xFFFFD800  }
0x109: {  	[spmem:s3] =	stream.indirect.scatter.add.f32 [tilespmem:s16], [sflag:$0x8], $0x80, s1, s12, $0xb8;
	v63 =	vld [tilespmem:$0x0]  }
0x10a: {  	_ =	swait.ge [sflag:s21], $0x2800  }
0x10b: {  	[sflag:s21] =	ssyncset.done $0x0  }
0x10c: {  	[sflag:s21] =	ssyncadd.s32 $0xFFFFD800  }
0x10d: {  	[tilespmem:s13], [sflag:$0x1] =	stream.indirect.gather [hbm4b:s2+s12], $0x80, s0, s12, $0xb8;
	v63 =	vld [tilespmem:$0x0]  }
0x10e: {  	_ =	swait.ge [sflag:s17], $0x2800  }
0x10f: {  	[sflag:s17] =	ssyncset.done $0x0  }
0x110: {  	[sflag:s17] =	ssyncadd.s32 $0xFFFFD800  }
0x111: {  	[spmem:s3] =	stream.indirect.scatter.add.f32 [tilespmem:s13], [sflag:$0x5], $0x80, s5, s12, $0xb8;
	v63 =	vld [tilespmem:$0x0]  }
0x112: {  	_ =	swait.ge [sflag:s21], $0x2800  }
0x113: {  	[sflag:s21] =	ssyncset.done $0x0  }
0x114: {  	[sflag:s21] =	ssyncadd.s32 $0xFFFFD800  }
0x115: {  	_ =	swait.ge [sflag:s22], $0x2800  }
0x116: {  	[sflag:s22] =	ssyncset.done $0x0  }
0x117: {  	[sflag:s22] =	ssyncadd.s32 $0xFFFFD800  }
0x118: {  	_ =	swait.ge [sflag:s23], $0x2800  }
0x119: {  	[sflag:s23] =	ssyncset.done $0x0  }
0x11a: {  	[sflag:s23] =	ssyncadd.s32 $0xFFFFD800  }
0x11b: {  	s6 =	simm.s32 $0x400;
	_ =	swait.ge [sflag:s24], $0x2800  }
0x11c: {  	s8 =	simm.s32 $0x200;
	s9 =	rddreg [dreg:$0x5];
	[sflag:s24] =	ssyncset.done $0x0  }
.LBB2_2:
0x11d: {  	[sflag:s24] =	ssyncadd.s32 $0xFFFFD800;
	s9 =	sadd.s32 s8, s9  }
0x11e: {  	[tilespmem:s4], [sflag:$0x9] =	stream.linear.gather [hbm4b:s9+s4], $0xC80, $0x38;
	v63 =	vld [tilespmem:$0x0]  }
0x11f: {  	_ =	swait.ge [sflag:s10], $0xC80  }
0x120: {  	s9 =	rddreg [dreg:$0x4];
	[sflag:s10] =	ssyncset.done $0x0  }
0x121: {  	[sflag:s10] =	ssyncadd.s32 $0xFFFFF380;
	s9 =	sadd.s32 s8, s9  }
0x122: {  	[tilespmem:s11], [sflag:$0x9] =	stream.linear.gather [hbm4b:s9+s4], $0xC80, $0x38;
	v63 =	vld [tilespmem:$0x0]  }
0x123: {  	_ =	swait.ge [sflag:s10], $0xC80  }
0x124: {  	[sflag:s10] =	ssyncset.done $0x0  }
0x125: {  	s7 =	smov.u32 s6;
	[sflag:s10] =	ssyncadd.s32 $0xFFFFF380  }
0x126: {  	[tilespmem:s13], [sflag:$0x1] =	stream.indirect.gather [hbm4b:s2+s12], $0x80, s4, s12, $0xb8;
	v63 =	vld [tilespmem:$0x0]  }
0x127: {  	s8 =	smov.u32 s7;
	s7 =	rddreg [dreg:$0x6]  }
0x128: {  	[tilespmem:s14], [sflag:$0x2] =	stream.indirect.gather [hbm4b:s2+s12], $0x80, s7, s12, $0xb8;
	v63 =	vld [tilespmem:$0x0]  }
0x129: {  	s9 =	rddreg [dreg:$0x7]  }
0x12a: {  	[tilespmem:s15], [sflag:$0x3] =	stream.indirect.gather [hbm4b:s2+s12], $0x80, s9, s12, $0xb8;
	v63 =	vld [tilespmem:$0x0]  }
0x12b: {  	s7 =	rddreg [dreg:$0x8]  }
0x12c: {  	[tilespmem:s16], [sflag:$0x4] =	stream.indirect.gather [hbm4b:s2+s12], $0x80, s7, s12, $0xb8;
	v63 =	vld [tilespmem:$0x0]  }
0x12d: {  	_ =	swait.ge [sflag:s17], $0x2800  }
0x12e: {  	[sflag:s17] =	ssyncset.done $0x0  }
0x12f: {  	[sflag:s17] =	ssyncadd.s32 $0xFFFFD800  }
0x130: {  	[spmem:s3] =	stream.indirect.scatter.add.f32 [tilespmem:s13], [sflag:$0x5], $0x80, s11, s12, $0xb8;
	v63 =	vld [tilespmem:$0x0]  }
0x131: {  	_ =	swait.ge [sflag:s18], $0x2800  }
0x132: {  	[sflag:s18] =	ssyncset.done $0x0  }
0x133: {  	s9 =	rddreg [dreg:$0x9];
	[sflag:s18] =	ssyncadd.s32 $0xFFFFD800  }
0x134: {  	[spmem:s3] =	stream.indirect.scatter.add.f32 [tilespmem:s14], [sflag:$0x6], $0x80, s9, s12, $0xb8;
	v63 =	vld [tilespmem:$0x0]  }
0x135: {  	_ =	swait.ge [sflag:s19], $0x2800  }
0x136: {  	[sflag:s19] =	ssyncset.done $0x0  }
0x137: {  	s9 =	rddreg [dreg:$0xa];
	[sflag:s19] =	ssyncadd.s32 $0xFFFFD800  }
0x138: {  	[spmem:s3] =	stream.indirect.scatter.add.f32 [tilespmem:s15], [sflag:$0x7], $0x80, s9, s12, $0xb8;
	v63 =	vld [tilespmem:$0x0]  }
0x139: {  	_ =	swait.ge [sflag:s20], $0x2800  }
0x13a: {  	[sflag:s20] =	ssyncset.done $0x0  }
0x13b: {  	s9 =	rddreg [dreg:$0xb];
	[sflag:s20] =	ssyncadd.s32 $0xFFFFD800  }
0x13c: {  	[spmem:s3] =	stream.indirect.scatter.add.f32 [tilespmem:s16], [sflag:$0x8], $0x80, s9, s12, $0xb8;
	v63 =	vld [tilespmem:$0x0]  }
0x13d: {  	_ =	swait.ge [sflag:s21], $0x2800  }
0x13e: {  	[sflag:s21] =	ssyncset.done $0x0  }
0x13f: {  	s9 =	rddreg [dreg:$0xc];
	[sflag:s21] =	ssyncadd.s32 $0xFFFFD800  }
0x140: {  	[tilespmem:s13], [sflag:$0x1] =	stream.indirect.gather [hbm4b:s2+s12], $0x80, s9, s12, $0xb8;
	v63 =	vld [tilespmem:$0x0]  }
0x141: {  	_ =	swait.ge [sflag:s22], $0x2800  }
0x142: {  	[sflag:s22] =	ssyncset.done $0x0  }
0x143: {  	s9 =	rddreg [dreg:$0xd];
	[sflag:s22] =	ssyncadd.s32 $0xFFFFD800  }
0x144: {  	[tilespmem:s14], [sflag:$0x2] =	stream.indirect.gather [hbm4b:s2+s12], $0x80, s9, s12, $0xb8;
	v63 =	vld [tilespmem:$0x0]  }
0x145: {  	_ =	swait.ge [sflag:s23], $0x2800  }
0x146: {  	[sflag:s23] =	ssyncset.done $0x0  }
0x147: {  	s9 =	rddreg [dreg:$0xe];
	[sflag:s23] =	ssyncadd.s32 $0xFFFFD800  }
0x148: {  	[tilespmem:s15], [sflag:$0x3] =	stream.indirect.gather [hbm4b:s2+s12], $0x80, s9, s12, $0xb8;
	v63 =	vld [tilespmem:$0x0]  }
0x149: {  	_ =	swait.ge [sflag:s24], $0x2800  }
0x14a: {  	[sflag:s24] =	ssyncset.done $0x0  }
0x14b: {  	s9 =	rddreg [dreg:$0xf];
	[sflag:s24] =	ssyncadd.s32 $0xFFFFD800  }
0x14c: {  	[tilespmem:s16], [sflag:$0x4] =	stream.indirect.gather [hbm4b:s2+s12], $0x80, s9, s12, $0xb8;
	v63 =	vld [tilespmem:$0x0]  }
0x14d: {  	_ =	swait.ge [sflag:s17], $0x2800  }
0x14e: {  	[sflag:s17] =	ssyncset.done $0x0  }
0x14f: {  	s9 =	rddreg [dreg:$0x10];
	[sflag:s17] =	ssyncadd.s32 $0xFFFFD800  }
0x150: {  	[spmem:s3] =	stream.indirect.scatter.add.f32 [tilespmem:s13], [sflag:$0x5], $0x80, s9, s12, $0xb8;
	v63 =	vld [tilespmem:$0x0]  }
0x151: {  	_ =	swait.ge [sflag:s18], $0x2800  }
0x152: {  	[sflag:s18] =	ssyncset.done $0x0  }
0x153: {  	s9 =	rddreg [dreg:$0x11];
	[sflag:s18] =	ssyncadd.s32 $0xFFFFD800  }
0x154: {  	[spmem:s3] =	stream.indirect.scatter.add.f32 [tilespmem:s14], [sflag:$0x6], $0x80, s9, s12, $0xb8;
	v63 =	vld [tilespmem:$0x0]  }
0x155: {  	_ =	swait.ge [sflag:s19], $0x2800  }
0x156: {  	[sflag:s19] =	ssyncset.done $0x0  }
0x157: {  	s9 =	rddreg [dreg:$0x12];
	[sflag:s19] =	ssyncadd.s32 $0xFFFFD800  }
0x158: {  	[spmem:s3] =	stream.indirect.scatter.add.f32 [tilespmem:s15], [sflag:$0x7], $0x80, s9, s12, $0xb8;
	v63 =	vld [tilespmem:$0x0]  }
0x159: {  	_ =	swait.ge [sflag:s20], $0x2800  }
0x15a: {  	[sflag:s20] =	ssyncset.done $0x0  }
0x15b: {  	s9 =	rddreg [dreg:$0x13];
	[sflag:s20] =	ssyncadd.s32 $0xFFFFD800  }
0x15c: {  	[spmem:s3] =	stream.indirect.scatter.add.f32 [tilespmem:s16], [sflag:$0x8], $0x80, s9, s12, $0xb8;
	v63 =	vld [tilespmem:$0x0]  }
0x15d: {  	_ =	swait.ge [sflag:s21], $0x2800  }
0x15e: {  	[sflag:s21] =	ssyncset.done $0x0  }
0x15f: {  	s9 =	rddreg [dreg:$0x14];
	[sflag:s21] =	ssyncadd.s32 $0xFFFFD800  }
0x160: {  	[tilespmem:s13], [sflag:$0x1] =	stream.indirect.gather [hbm4b:s2+s12], $0x80, s9, s12, $0xb8;
	v63 =	vld [tilespmem:$0x0]  }
0x161: {  	_ =	swait.ge [sflag:s22], $0x2800  }
0x162: {  	[sflag:s22] =	ssyncset.done $0x0  }
0x163: {  	s9 =	rddreg [dreg:$0x15];
	[sflag:s22] =	ssyncadd.s32 $0xFFFFD800  }
0x164: {  	[tilespmem:s14], [sflag:$0x2] =	stream.indirect.gather [hbm4b:s2+s12], $0x80, s9, s12, $0xb8;
	v63 =	vld [tilespmem:$0x0]  }
0x165: {  	_ =	swait.ge [sflag:s23], $0x2800  }
0x166: {  	[sflag:s23] =	ssyncset.done $0x0  }
0x167: {  	s9 =	rddreg [dreg:$0x16];
	[sflag:s23] =	ssyncadd.s32 $0xFFFFD800  }
0x168: {  	[tilespmem:s15], [sflag:$0x3] =	stream.indirect.gather [hbm4b:s2+s12], $0x80, s9, s12, $0xb8;
	v63 =	vld [tilespmem:$0x0]  }
0x169: {  	_ =	swait.ge [sflag:s24], $0x2800  }
0x16a: {  	[sflag:s24] =	ssyncset.done $0x0  }
0x16b: {  	s9 =	rddreg [dreg:$0x17];
	[sflag:s24] =	ssyncadd.s32 $0xFFFFD800  }
0x16c: {  	[tilespmem:s16], [sflag:$0x4] =	stream.indirect.gather [hbm4b:s2+s12], $0x80, s9, s12, $0xb8;
	v63 =	vld [tilespmem:$0x0]  }
0x16d: {  	_ =	swait.ge [sflag:s17], $0x2800  }
0x16e: {  	[sflag:s17] =	ssyncset.done $0x0  }
0x16f: {  	s9 =	rddreg [dreg:$0x18];
	[sflag:s17] =	ssyncadd.s32 $0xFFFFD800  }
0x170: {  	[spmem:s3] =	stream.indirect.scatter.add.f32 [tilespmem:s13], [sflag:$0x5], $0x80, s9, s12, $0xb8;
	v63 =	vld [tilespmem:$0x0]  }
0x171: {  	_ =	swait.ge [sflag:s18], $0x2800  }
0x172: {  	[sflag:s18] =	ssyncset.done $0x0  }
0x173: {  	s9 =	rddreg [dreg:$0x19];
	[sflag:s18] =	ssyncadd.s32 $0xFFFFD800  }
0x174: {  	[spmem:s3] =	stream.indirect.scatter.add.f32 [tilespmem:s14], [sflag:$0x6], $0x80, s9, s12, $0xb8;
	v63 =	vld [tilespmem:$0x0]  }
0x175: {  	_ =	swait.ge [sflag:s19], $0x2800  }
0x176: {  	[sflag:s19] =	ssyncset.done $0x0  }
0x177: {  	s9 =	rddreg [dreg:$0x1a];
	[sflag:s19] =	ssyncadd.s32 $0xFFFFD800  }
0x178: {  	[spmem:s3] =	stream.indirect.scatter.add.f32 [tilespmem:s15], [sflag:$0x7], $0x80, s9, s12, $0xb8;
	v63 =	vld [tilespmem:$0x0]  }
0x179: {  	_ =	swait.ge [sflag:s20], $0x2800  }
0x17a: {  	[sflag:s20] =	ssyncset.done $0x0  }
0x17b: {  	s9 =	rddreg [dreg:$0x1b];
	[sflag:s20] =	ssyncadd.s32 $0xFFFFD800  }
0x17c: {  	[spmem:s3] =	stream.indirect.scatter.add.f32 [tilespmem:s16], [sflag:$0x8], $0x80, s9, s12, $0xb8;
	v63 =	vld [tilespmem:$0x0]  }
0x17d: {  	_ =	swait.ge [sflag:s21], $0x2800  }
0x17e: {  	[sflag:s21] =	ssyncset.done $0x0  }
0x17f: {  	s9 =	rddreg [dreg:$0x1c];
	[sflag:s21] =	ssyncadd.s32 $0xFFFFD800  }
0x180: {  	[tilespmem:s13], [sflag:$0x1] =	stream.indirect.gather [hbm4b:s2+s12], $0x80, s9, s12, $0xb8;
	v63 =	vld [tilespmem:$0x0]  }
0x181: {  	_ =	swait.ge [sflag:s22], $0x2800  }
0x182: {  	[sflag:s22] =	ssyncset.done $0x0  }
0x183: {  	s9 =	rddreg [dreg:$0x1d];
	[sflag:s22] =	ssyncadd.s32 $0xFFFFD800  }
0x184: {  	[tilespmem:s14], [sflag:$0x2] =	stream.indirect.gather [hbm4b:s2+s12], $0x80, s9, s12, $0xb8;
	v63 =	vld [tilespmem:$0x0]  }
0x185: {  	_ =	swait.ge [sflag:s23], $0x2800  }
0x186: {  	[sflag:s23] =	ssyncset.done $0x0  }
0x187: {  	s9 =	rddreg [dreg:$0x1e];
	[sflag:s23] =	ssyncadd.s32 $0xFFFFD800  }
0x188: {  	[tilespmem:s15], [sflag:$0x3] =	stream.indirect.gather [hbm4b:s2+s12], $0x80, s9, s12, $0xb8;
	v63 =	vld [tilespmem:$0x0]  }
0x189: {  	_ =	swait.ge [sflag:s24], $0x2800  }
0x18a: {  	[sflag:s24] =	ssyncset.done $0x0  }
0x18b: {  	s9 =	rddreg [dreg:$0x1f];
	[sflag:s24] =	ssyncadd.s32 $0xFFFFD800  }
0x18c: {  	[tilespmem:s16], [sflag:$0x4] =	stream.indirect.gather [hbm4b:s2+s12], $0x80, s9, s12, $0xb8;
	v63 =	vld [tilespmem:$0x0]  }
0x18d: {  	_ =	swait.ge [sflag:s17], $0x2800  }
0x18e: {  	s9 =	sld [smem:$0x7EF]  }
0x18f: {  	[sflag:s17] =	ssyncset.done $0x0  }
0x190: {  	[sflag:s17] =	ssyncadd.s32 $0xFFFFD800  }
0x191: {  	[spmem:s3] =	stream.indirect.scatter.add.f32 [tilespmem:s13], [sflag:$0x5], $0x80, s9, s12, $0xb8;
	v63 =	vld [tilespmem:$0x0]  }
0x192: {  	_ =	swait.ge [sflag:s18], $0x2800  }
0x193: {  	s9 =	sld [smem:$0x7F0]  }
0x194: {  	[sflag:s18] =	ssyncset.done $0x0  }
0x195: {  	[sflag:s18] =	ssyncadd.s32 $0xFFFFD800  }
0x196: {  	[spmem:s3] =	stream.indirect.scatter.add.f32 [tilespmem:s14], [sflag:$0x6], $0x80, s9, s12, $0xb8;
	v63 =	vld [tilespmem:$0x0]  }
0x197: {  	_ =	swait.ge [sflag:s19], $0x2800  }
0x198: {  	s9 =	sld [smem:$0x7F1]  }
0x199: {  	[sflag:s19] =	ssyncset.done $0x0  }
0x19a: {  	[sflag:s19] =	ssyncadd.s32 $0xFFFFD800  }
0x19b: {  	[spmem:s3] =	stream.indirect.scatter.add.f32 [tilespmem:s15], [sflag:$0x7], $0x80, s9, s12, $0xb8;
	v63 =	vld [tilespmem:$0x0]  }
0x19c: {  	_ =	swait.ge [sflag:s20], $0x2800  }
0x19d: {  	s9 =	sld [smem:$0x7F2]  }
0x19e: {  	[sflag:s20] =	ssyncset.done $0x0  }
0x19f: {  	[sflag:s20] =	ssyncadd.s32 $0xFFFFD800  }
0x1a0: {  	[spmem:s3] =	stream.indirect.scatter.add.f32 [tilespmem:s16], [sflag:$0x8], $0x80, s9, s12, $0xb8;
	v63 =	vld [tilespmem:$0x0]  }
0x1a1: {  	_ =	swait.ge [sflag:s21], $0x2800  }
0x1a2: {  	s9 =	sld [smem:$0x7F3]  }
0x1a3: {  	[sflag:s21] =	ssyncset.done $0x0  }
0x1a4: {  	[sflag:s21] =	ssyncadd.s32 $0xFFFFD800  }
0x1a5: {  	[tilespmem:s13], [sflag:$0x1] =	stream.indirect.gather [hbm4b:s2+s12], $0x80, s9, s12, $0xb8;
	v63 =	vld [tilespmem:$0x0]  }
0x1a6: {  	_ =	swait.ge [sflag:s22], $0x2800  }
0x1a7: {  	s9 =	sld [smem:$0x7F4]  }
0x1a8: {  	[sflag:s22] =	ssyncset.done $0x0  }
0x1a9: {  	[sflag:s22] =	ssyncadd.s32 $0xFFFFD800  }
0x1aa: {  	[tilespmem:s14], [sflag:$0x2] =	stream.indirect.gather [hbm4b:s2+s12], $0x80, s9, s12, $0xb8;
	v63 =	vld [tilespmem:$0x0]  }
0x1ab: {  	_ =	swait.ge [sflag:s23], $0x2800  }
0x1ac: {  	s9 =	sld [smem:$0x7F5]  }
0x1ad: {  	[sflag:s23] =	ssyncset.done $0x0  }
0x1ae: {  	[sflag:s23] =	ssyncadd.s32 $0xFFFFD800  }
0x1af: {  	[tilespmem:s15], [sflag:$0x3] =	stream.indirect.gather [hbm4b:s2+s12], $0x80, s9, s12, $0xb8;
	v63 =	vld [tilespmem:$0x0]  }
0x1b0: {  	_ =	swait.ge [sflag:s24], $0x2800  }
0x1b1: {  	s9 =	sld [smem:$0x7F6]  }
0x1b2: {  	[sflag:s24] =	ssyncset.done $0x0  }
0x1b3: {  	[sflag:s24] =	ssyncadd.s32 $0xFFFFD800  }
0x1b4: {  	[tilespmem:s16], [sflag:$0x4] =	stream.indirect.gather [hbm4b:s2+s12], $0x80, s9, s12, $0xb8;
	v63 =	vld [tilespmem:$0x0]  }
0x1b5: {  	_ =	swait.ge [sflag:s17], $0x2800  }
0x1b6: {  	s9 =	sld [smem:$0x7F7]  }
0x1b7: {  	[sflag:s17] =	ssyncset.done $0x0  }
0x1b8: {  	[sflag:s17] =	ssyncadd.s32 $0xFFFFD800  }
0x1b9: {  	[spmem:s3] =	stream.indirect.scatter.add.f32 [tilespmem:s13], [sflag:$0x5], $0x80, s9, s12, $0xb8;
	v63 =	vld [tilespmem:$0x0]  }
0x1ba: {  	_ =	swait.ge [sflag:s18], $0x2800  }
0x1bb: {  	s9 =	sld [smem:$0x7F8]  }
0x1bc: {  	[sflag:s18] =	ssyncset.done $0x0  }
0x1bd: {  	[sflag:s18] =	ssyncadd.s32 $0xFFFFD800  }
0x1be: {  	[spmem:s3] =	stream.indirect.scatter.add.f32 [tilespmem:s14], [sflag:$0x6], $0x80, s9, s12, $0xb8;
	v63 =	vld [tilespmem:$0x0]  }
0x1bf: {  	_ =	swait.ge [sflag:s19], $0x2800  }
0x1c0: {  	s9 =	sld [smem:$0x7F9]  }
0x1c1: {  	[sflag:s19] =	ssyncset.done $0x0  }
0x1c2: {  	[sflag:s19] =	ssyncadd.s32 $0xFFFFD800  }
0x1c3: {  	[spmem:s3] =	stream.indirect.scatter.add.f32 [tilespmem:s15], [sflag:$0x7], $0x80, s9, s12, $0xb8;
	v63 =	vld [tilespmem:$0x0]  }
0x1c4: {  	_ =	swait.ge [sflag:s20], $0x2800  }
0x1c5: {  	s9 =	sld [smem:$0x7FA]  }
0x1c6: {  	[sflag:s20] =	ssyncset.done $0x0  }
0x1c7: {  	[sflag:s20] =	ssyncadd.s32 $0xFFFFD800  }
0x1c8: {  	[spmem:s3] =	stream.indirect.scatter.add.f32 [tilespmem:s16], [sflag:$0x8], $0x80, s9, s12, $0xb8;
	v63 =	vld [tilespmem:$0x0]  }
0x1c9: {  	_ =	swait.ge [sflag:s21], $0x2800  }
0x1ca: {  	s9 =	sld [smem:$0x7FB]  }
0x1cb: {  	[sflag:s21] =	ssyncset.done $0x0  }
0x1cc: {  	[sflag:s21] =	ssyncadd.s32 $0xFFFFD800  }
0x1cd: {  	[tilespmem:s13], [sflag:$0x1] =	stream.indirect.gather [hbm4b:s2+s12], $0x80, s9, s12, $0xb8;
	v63 =	vld [tilespmem:$0x0]  }
0x1ce: {  	_ =	swait.ge [sflag:s22], $0x2800  }
0x1cf: {  	[sflag:s22] =	ssyncset.done $0x0  }
0x1d0: {  	[sflag:s22] =	ssyncadd.s32 $0xFFFFD800  }
0x1d1: {  	[tilespmem:s14], [sflag:$0x2] =	stream.indirect.gather [hbm4b:s2+s12], $0x80, s25, s12, $0xb8;
	v63 =	vld [tilespmem:$0x0]  }
0x1d2: {  	_ =	swait.ge [sflag:s23], $0x2800  }
0x1d3: {  	[sflag:s23] =	ssyncset.done $0x0  }
0x1d4: {  	[sflag:s23] =	ssyncadd.s32 $0xFFFFD800  }
0x1d5: {  	[tilespmem:s15], [sflag:$0x3] =	stream.indirect.gather [hbm4b:s2+s12], $0x80, s26, s12, $0xb8;
	v63 =	vld [tilespmem:$0x0]  }
0x1d6: {  	_ =	swait.ge [sflag:s24], $0x2800  }
0x1d7: {  	[sflag:s24] =	ssyncset.done $0x0  }
0x1d8: {  	[sflag:s24] =	ssyncadd.s32 $0xFFFFD800  }
0x1d9: {  	[tilespmem:s16], [sflag:$0x4] =	stream.indirect.gather [hbm4b:s2+s12], $0x80, s28, s12, $0xb8;
	v63 =	vld [tilespmem:$0x0]  }
0x1da: {  	_ =	swait.ge [sflag:s17], $0x2800  }
0x1db: {  	[sflag:s17] =	ssyncset.done $0x0  }
0x1dc: {  	[sflag:s17] =	ssyncadd.s32 $0xFFFFD800  }
0x1dd: {  	[spmem:s3] =	stream.indirect.scatter.add.f32 [tilespmem:s13], [sflag:$0x5], $0x80, s29, s12, $0xb8;
	v63 =	vld [tilespmem:$0x0]  }
0x1de: {  	_ =	swait.ge [sflag:s18], $0x2800  }
0x1df: {  	[sflag:s18] =	ssyncset.done $0x0  }
0x1e0: {  	[sflag:s18] =	ssyncadd.s32 $0xFFFFD800  }
0x1e1: {  	[spmem:s3] =	stream.indirect.scatter.add.f32 [tilespmem:s14], [sflag:$0x6], $0x80, s30, s12, $0xb8;
	v63 =	vld [tilespmem:$0x0]  }
0x1e2: {  	_ =	swait.ge [sflag:s19], $0x2800  }
0x1e3: {  	[sflag:s19] =	ssyncset.done $0x0  }
0x1e4: {  	[sflag:s19] =	ssyncadd.s32 $0xFFFFD800  }
0x1e5: {  	[spmem:s3] =	stream.indirect.scatter.add.f32 [tilespmem:s15], [sflag:$0x7], $0x80, s31, s12, $0xb8;
	v63 =	vld [tilespmem:$0x0]  }
0x1e6: {  	_ =	swait.ge [sflag:s20], $0x2800  }
0x1e7: {  	[sflag:s20] =	ssyncset.done $0x0  }
0x1e8: {  	[sflag:s20] =	ssyncadd.s32 $0xFFFFD800  }
0x1e9: {  	[spmem:s3] =	stream.indirect.scatter.add.f32 [tilespmem:s16], [sflag:$0x8], $0x80, s1, s12, $0xb8;
	v63 =	vld [tilespmem:$0x0]  }
0x1ea: {  	_ =	swait.ge [sflag:s21], $0x2800  }
0x1eb: {  	[sflag:s21] =	ssyncset.done $0x0  }
0x1ec: {  	[sflag:s21] =	ssyncadd.s32 $0xFFFFD800  }
0x1ed: {  	[tilespmem:s13], [sflag:$0x1] =	stream.indirect.gather [hbm4b:s2+s12], $0x80, s0, s12, $0xb8;
	v63 =	vld [tilespmem:$0x0]  }
0x1ee: {  	_ =	swait.ge [sflag:s17], $0x2800  }
0x1ef: {  	[sflag:s17] =	ssyncset.done $0x0  }
0x1f0: {  	[sflag:s17] =	ssyncadd.s32 $0xFFFFD800  }
0x1f1: {  	[spmem:s3] =	stream.indirect.scatter.add.f32 [tilespmem:s13], [sflag:$0x5], $0x80, s5, s12, $0xb8;
	v63 =	vld [tilespmem:$0x0]  }
0x1f2: {  	_ =	swait.ge [sflag:s21], $0x2800  }
0x1f3: {  	[sflag:s21] =	ssyncset.done $0x0  }
0x1f4: {  	[sflag:s21] =	ssyncadd.s32 $0xFFFFD800  }
0x1f5: {  	_ =	swait.ge [sflag:s22], $0x2800  }
0x1f6: {  	[sflag:s22] =	ssyncset.done $0x0  }
0x1f7: {  	p0 =	sne.s32 s6, $0x800;
	[sflag:s22] =	ssyncadd.s32 $0xFFFFD800  }
.Ltmp0:
0x1f8: {  	_ =	swait.ge [sflag:s23], $0x2800;
	(pc) =	sbr.rel @p0 .LBB2_2-.Ltmp0, $4  }
0x1f9: {  	[sflag:s23] =	ssyncset.done $0x0  }
0x1fa: {  	[sflag:s23] =	ssyncadd.s32 $0xFFFFD800  }
0x1fb: {  	_ =	swait.ge [sflag:s24], $0x2800  }
0x1fc: {  	s6 =	sadd.s32 $0x200, s6;
	s9 =	rddreg [dreg:$0x5];
	[sflag:s24] =	ssyncset.done $0x0  }
0x1fd: {  	[sflag:s24] =	ssyncadd.s32 $0xFFFFD800;
	s6 =	sadd.s32 s8, s9  }
0x1fe: {  	[tilespmem:s4], [sflag:$0x9] =	stream.linear.gather [hbm4b:s6+s4], $0xC80, $0x38;
	v63 =	vld [tilespmem:$0x0]  }
0x1ff: {  	_ =	swait.ge [sflag:s10], $0xC80  }
0x200: {  	s7 =	rddreg [dreg:$0x4];
	[sflag:s10] =	ssyncset.done $0x0  }
0x201: {  	[sflag:s10] =	ssyncadd.s32 $0xFFFFF380;
	s6 =	sadd.s32 s8, s7  }
0x202: {  	[tilespmem:s11], [sflag:$0x9] =	stream.linear.gather [hbm4b:s6+s4], $0xC80, $0x38;
	v63 =	vld [tilespmem:$0x0]  }
0x203: {  	_ =	swait.ge [sflag:s10], $0xC80  }
0x204: {  	[sflag:s10] =	ssyncset.done $0x0  }
0x205: {  	[sflag:s10] =	ssyncadd.s32 $0xFFFFF380  }
0x206: {  	[tilespmem:s13], [sflag:$0x1] =	stream.indirect.gather [hbm4b:s2+s12], $0x80, s4, s12, $0xb8;
	v63 =	vld [tilespmem:$0x0]  }
0x207: {  	s9 =	rddreg [dreg:$0x6]  }
0x208: {  	[tilespmem:s14], [sflag:$0x2] =	stream.indirect.gather [hbm4b:s2+s12], $0x80, s9, s12, $0xb8;
	v63 =	vld [tilespmem:$0x0]  }
0x209: {  	s7 =	rddreg [dreg:$0x7]  }
0x20a: {  	[tilespmem:s15], [sflag:$0x3] =	stream.indirect.gather [hbm4b:s2+s12], $0x80, s7, s12, $0xb8;
	v63 =	vld [tilespmem:$0x0]  }
0x20b: {  	s8 =	rddreg [dreg:$0x8]  }
0x20c: {  	[tilespmem:s16], [sflag:$0x4] =	stream.indirect.gather [hbm4b:s2+s12], $0x80, s8, s12, $0xb8;
	v63 =	vld [tilespmem:$0x0]  }
0x20d: {  	_ =	swait.ge [sflag:s17], $0x2800  }
0x20e: {  	[sflag:s17] =	ssyncset.done $0x0  }
0x20f: {  	[sflag:s17] =	ssyncadd.s32 $0xFFFFD800  }
0x210: {  	[spmem:s3] =	stream.indirect.scatter.add.f32 [tilespmem:s13], [sflag:$0x5], $0x80, s11, s12, $0xb8;
	v63 =	vld [tilespmem:$0x0]  }
0x211: {  	_ =	swait.ge [sflag:s18], $0x2800  }
0x212: {  	[sflag:s18] =	ssyncset.done $0x0  }
0x213: {  	s9 =	rddreg [dreg:$0x9];
	[sflag:s18] =	ssyncadd.s32 $0xFFFFD800  }
0x214: {  	[spmem:s3] =	stream.indirect.scatter.add.f32 [tilespmem:s14], [sflag:$0x6], $0x80, s9, s12, $0xb8;
	v63 =	vld [tilespmem:$0x0]  }
0x215: {  	_ =	swait.ge [sflag:s19], $0x2800  }
0x216: {  	[sflag:s19] =	ssyncset.done $0x0  }
0x217: {  	s7 =	rddreg [dreg:$0xa];
	[sflag:s19] =	ssyncadd.s32 $0xFFFFD800  }
0x218: {  	[spmem:s3] =	stream.indirect.scatter.add.f32 [tilespmem:s15], [sflag:$0x7], $0x80, s7, s12, $0xb8;
	v63 =	vld [tilespmem:$0x0]  }
0x219: {  	_ =	swait.ge [sflag:s20], $0x2800  }
0x21a: {  	[sflag:s20] =	ssyncset.done $0x0  }
0x21b: {  	s8 =	rddreg [dreg:$0xb];
	[sflag:s20] =	ssyncadd.s32 $0xFFFFD800  }
0x21c: {  	[spmem:s3] =	stream.indirect.scatter.add.f32 [tilespmem:s16], [sflag:$0x8], $0x80, s8, s12, $0xb8;
	v63 =	vld [tilespmem:$0x0]  }
0x21d: {  	_ =	swait.ge [sflag:s21], $0x2800  }
0x21e: {  	[sflag:s21] =	ssyncset.done $0x0  }
0x21f: {  	s9 =	rddreg [dreg:$0xc];
	[sflag:s21] =	ssyncadd.s32 $0xFFFFD800  }
0x220: {  	[tilespmem:s13], [sflag:$0x1] =	stream.indirect.gather [hbm4b:s2+s12], $0x80, s9, s12, $0xb8;
	v63 =	vld [tilespmem:$0x0]  }
0x221: {  	_ =	swait.ge [sflag:s22], $0x2800  }
0x222: {  	[sflag:s22] =	ssyncset.done $0x0  }
0x223: {  	s7 =	rddreg [dreg:$0xd];
	[sflag:s22] =	ssyncadd.s32 $0xFFFFD800  }
0x224: {  	[tilespmem:s14], [sflag:$0x2] =	stream.indirect.gather [hbm4b:s2+s12], $0x80, s7, s12, $0xb8;
	v63 =	vld [tilespmem:$0x0]  }
0x225: {  	_ =	swait.ge [sflag:s23], $0x2800  }
0x226: {  	[sflag:s23] =	ssyncset.done $0x0  }
0x227: {  	s8 =	rddreg [dreg:$0xe];
	[sflag:s23] =	ssyncadd.s32 $0xFFFFD800  }
0x228: {  	[tilespmem:s15], [sflag:$0x3] =	stream.indirect.gather [hbm4b:s2+s12], $0x80, s8, s12, $0xb8;
	v63 =	vld [tilespmem:$0x0]  }
0x229: {  	_ =	swait.ge [sflag:s24], $0x2800  }
0x22a: {  	[sflag:s24] =	ssyncset.done $0x0  }
0x22b: {  	s9 =	rddreg [dreg:$0xf];
	[sflag:s24] =	ssyncadd.s32 $0xFFFFD800  }
0x22c: {  	[tilespmem:s16], [sflag:$0x4] =	stream.indirect.gather [hbm4b:s2+s12], $0x80, s9, s12, $0xb8;
	v63 =	vld [tilespmem:$0x0]  }
0x22d: {  	_ =	swait.ge [sflag:s17], $0x2800  }
0x22e: {  	[sflag:s17] =	ssyncset.done $0x0  }
0x22f: {  	s7 =	rddreg [dreg:$0x10];
	[sflag:s17] =	ssyncadd.s32 $0xFFFFD800  }
0x230: {  	[spmem:s3] =	stream.indirect.scatter.add.f32 [tilespmem:s13], [sflag:$0x5], $0x80, s7, s12, $0xb8;
	v63 =	vld [tilespmem:$0x0]  }
0x231: {  	_ =	swait.ge [sflag:s18], $0x2800  }
0x232: {  	[sflag:s18] =	ssyncset.done $0x0  }
0x233: {  	s8 =	rddreg [dreg:$0x11];
	[sflag:s18] =	ssyncadd.s32 $0xFFFFD800  }
0x234: {  	[spmem:s3] =	stream.indirect.scatter.add.f32 [tilespmem:s14], [sflag:$0x6], $0x80, s8, s12, $0xb8;
	v63 =	vld [tilespmem:$0x0]  }
0x235: {  	_ =	swait.ge [sflag:s19], $0x2800  }
0x236: {  	[sflag:s19] =	ssyncset.done $0x0  }
0x237: {  	s9 =	rddreg [dreg:$0x12];
	[sflag:s19] =	ssyncadd.s32 $0xFFFFD800  }
0x238: {  	[spmem:s3] =	stream.indirect.scatter.add.f32 [tilespmem:s15], [sflag:$0x7], $0x80, s9, s12, $0xb8;
	v63 =	vld [tilespmem:$0x0]  }
0x239: {  	_ =	swait.ge [sflag:s20], $0x2800  }
0x23a: {  	[sflag:s20] =	ssyncset.done $0x0  }
0x23b: {  	s7 =	rddreg [dreg:$0x13];
	[sflag:s20] =	ssyncadd.s32 $0xFFFFD800  }
0x23c: {  	[spmem:s3] =	stream.indirect.scatter.add.f32 [tilespmem:s16], [sflag:$0x8], $0x80, s7, s12, $0xb8;
	v63 =	vld [tilespmem:$0x0]  }
0x23d: {  	_ =	swait.ge [sflag:s21], $0x2800  }
0x23e: {  	[sflag:s21] =	ssyncset.done $0x0  }
0x23f: {  	s8 =	rddreg [dreg:$0x14];
	[sflag:s21] =	ssyncadd.s32 $0xFFFFD800  }
0x240: {  	[tilespmem:s13], [sflag:$0x1] =	stream.indirect.gather [hbm4b:s2+s12], $0x80, s8, s12, $0xb8;
	v63 =	vld [tilespmem:$0x0]  }
0x241: {  	_ =	swait.ge [sflag:s22], $0x2800  }
0x242: {  	[sflag:s22] =	ssyncset.done $0x0  }
0x243: {  	s9 =	rddreg [dreg:$0x15];
	[sflag:s22] =	ssyncadd.s32 $0xFFFFD800  }
0x244: {  	[tilespmem:s14], [sflag:$0x2] =	stream.indirect.gather [hbm4b:s2+s12], $0x80, s9, s12, $0xb8;
	v63 =	vld [tilespmem:$0x0]  }
0x245: {  	_ =	swait.ge [sflag:s23], $0x2800  }
0x246: {  	[sflag:s23] =	ssyncset.done $0x0  }
0x247: {  	s7 =	rddreg [dreg:$0x16];
	[sflag:s23] =	ssyncadd.s32 $0xFFFFD800  }
0x248: {  	[tilespmem:s15], [sflag:$0x3] =	stream.indirect.gather [hbm4b:s2+s12], $0x80, s7, s12, $0xb8;
	v63 =	vld [tilespmem:$0x0]  }
0x249: {  	_ =	swait.ge [sflag:s24], $0x2800  }
0x24a: {  	[sflag:s24] =	ssyncset.done $0x0  }
0x24b: {  	s8 =	rddreg [dreg:$0x17];
	[sflag:s24] =	ssyncadd.s32 $0xFFFFD800  }
0x24c: {  	[tilespmem:s16], [sflag:$0x4] =	stream.indirect.gather [hbm4b:s2+s12], $0x80, s8, s12, $0xb8;
	v63 =	vld [tilespmem:$0x0]  }
0x24d: {  	_ =	swait.ge [sflag:s17], $0x2800  }
0x24e: {  	[sflag:s17] =	ssyncset.done $0x0  }
0x24f: {  	s9 =	rddreg [dreg:$0x18];
	[sflag:s17] =	ssyncadd.s32 $0xFFFFD800  }
0x250: {  	[spmem:s3] =	stream.indirect.scatter.add.f32 [tilespmem:s13], [sflag:$0x5], $0x80, s9, s12, $0xb8;
	v63 =	vld [tilespmem:$0x0]  }
0x251: {  	_ =	swait.ge [sflag:s18], $0x2800  }
0x252: {  	[sflag:s18] =	ssyncset.done $0x0  }
0x253: {  	s7 =	rddreg [dreg:$0x19];
	[sflag:s18] =	ssyncadd.s32 $0xFFFFD800  }
0x254: {  	[spmem:s3] =	stream.indirect.scatter.add.f32 [tilespmem:s14], [sflag:$0x6], $0x80, s7, s12, $0xb8;
	v63 =	vld [tilespmem:$0x0]  }
0x255: {  	_ =	swait.ge [sflag:s19], $0x2800  }
0x256: {  	[sflag:s19] =	ssyncset.done $0x0  }
0x257: {  	s8 =	rddreg [dreg:$0x1a];
	[sflag:s19] =	ssyncadd.s32 $0xFFFFD800  }
0x258: {  	[spmem:s3] =	stream.indirect.scatter.add.f32 [tilespmem:s15], [sflag:$0x7], $0x80, s8, s12, $0xb8;
	v63 =	vld [tilespmem:$0x0]  }
0x259: {  	_ =	swait.ge [sflag:s20], $0x2800  }
0x25a: {  	[sflag:s20] =	ssyncset.done $0x0  }
0x25b: {  	s9 =	rddreg [dreg:$0x1b];
	[sflag:s20] =	ssyncadd.s32 $0xFFFFD800  }
0x25c: {  	[spmem:s3] =	stream.indirect.scatter.add.f32 [tilespmem:s16], [sflag:$0x8], $0x80, s9, s12, $0xb8;
	v63 =	vld [tilespmem:$0x0]  }
0x25d: {  	_ =	swait.ge [sflag:s21], $0x2800  }
0x25e: {  	[sflag:s21] =	ssyncset.done $0x0  }
0x25f: {  	s7 =	rddreg [dreg:$0x1c];
	[sflag:s21] =	ssyncadd.s32 $0xFFFFD800  }
0x260: {  	[tilespmem:s13], [sflag:$0x1] =	stream.indirect.gather [hbm4b:s2+s12], $0x80, s7, s12, $0xb8;
	v63 =	vld [tilespmem:$0x0]  }
0x261: {  	_ =	swait.ge [sflag:s22], $0x2800  }
0x262: {  	[sflag:s22] =	ssyncset.done $0x0  }
0x263: {  	s8 =	rddreg [dreg:$0x1d];
	[sflag:s22] =	ssyncadd.s32 $0xFFFFD800  }
0x264: {  	[tilespmem:s14], [sflag:$0x2] =	stream.indirect.gather [hbm4b:s2+s12], $0x80, s8, s12, $0xb8;
	v63 =	vld [tilespmem:$0x0]  }
0x265: {  	_ =	swait.ge [sflag:s23], $0x2800  }
0x266: {  	[sflag:s23] =	ssyncset.done $0x0  }
0x267: {  	s9 =	rddreg [dreg:$0x1e];
	[sflag:s23] =	ssyncadd.s32 $0xFFFFD800  }
0x268: {  	[tilespmem:s15], [sflag:$0x3] =	stream.indirect.gather [hbm4b:s2+s12], $0x80, s9, s12, $0xb8;
	v63 =	vld [tilespmem:$0x0]  }
0x269: {  	_ =	swait.ge [sflag:s24], $0x2800  }
0x26a: {  	[sflag:s24] =	ssyncset.done $0x0  }
0x26b: {  	s7 =	rddreg [dreg:$0x1f];
	[sflag:s24] =	ssyncadd.s32 $0xFFFFD800  }
0x26c: {  	[tilespmem:s16], [sflag:$0x4] =	stream.indirect.gather [hbm4b:s2+s12], $0x80, s7, s12, $0xb8;
	v63 =	vld [tilespmem:$0x0]  }
0x26d: {  	_ =	swait.ge [sflag:s17], $0x2800  }
0x26e: {  	s8 =	sld [smem:$0x7EF]  }
0x26f: {  	[sflag:s17] =	ssyncset.done $0x0  }
0x270: {  	[sflag:s17] =	ssyncadd.s32 $0xFFFFD800  }
0x271: {  	[spmem:s3] =	stream.indirect.scatter.add.f32 [tilespmem:s13], [sflag:$0x5], $0x80, s8, s12, $0xb8;
	v63 =	vld [tilespmem:$0x0]  }
0x272: {  	_ =	swait.ge [sflag:s18], $0x2800  }
0x273: {  	s9 =	sld [smem:$0x7F0]  }
0x274: {  	[sflag:s18] =	ssyncset.done $0x0  }
0x275: {  	[sflag:s18] =	ssyncadd.s32 $0xFFFFD800  }
0x276: {  	[spmem:s3] =	stream.indirect.scatter.add.f32 [tilespmem:s14], [sflag:$0x6], $0x80, s9, s12, $0xb8;
	v63 =	vld [tilespmem:$0x0]  }
0x277: {  	_ =	swait.ge [sflag:s19], $0x2800  }
0x278: {  	s7 =	sld [smem:$0x7F1]  }
0x279: {  	[sflag:s19] =	ssyncset.done $0x0  }
0x27a: {  	[sflag:s19] =	ssyncadd.s32 $0xFFFFD800  }
0x27b: {  	[spmem:s3] =	stream.indirect.scatter.add.f32 [tilespmem:s15], [sflag:$0x7], $0x80, s7, s12, $0xb8;
	v63 =	vld [tilespmem:$0x0]  }
0x27c: {  	_ =	swait.ge [sflag:s20], $0x2800  }
0x27d: {  	s8 =	sld [smem:$0x7F2]  }
0x27e: {  	[sflag:s20] =	ssyncset.done $0x0  }
0x27f: {  	[sflag:s20] =	ssyncadd.s32 $0xFFFFD800  }
0x280: {  	[spmem:s3] =	stream.indirect.scatter.add.f32 [tilespmem:s16], [sflag:$0x8], $0x80, s8, s12, $0xb8;
	v63 =	vld [tilespmem:$0x0]  }
0x281: {  	_ =	swait.ge [sflag:s21], $0x2800  }
0x282: {  	s9 =	sld [smem:$0x7F3]  }
0x283: {  	[sflag:s21] =	ssyncset.done $0x0  }
0x284: {  	[sflag:s21] =	ssyncadd.s32 $0xFFFFD800  }
0x285: {  	[tilespmem:s13], [sflag:$0x1] =	stream.indirect.gather [hbm4b:s2+s12], $0x80, s9, s12, $0xb8;
	v63 =	vld [tilespmem:$0x0]  }
0x286: {  	_ =	swait.ge [sflag:s22], $0x2800  }
0x287: {  	s7 =	sld [smem:$0x7F4]  }
0x288: {  	[sflag:s22] =	ssyncset.done $0x0  }
0x289: {  	[sflag:s22] =	ssyncadd.s32 $0xFFFFD800  }
0x28a: {  	[tilespmem:s14], [sflag:$0x2] =	stream.indirect.gather [hbm4b:s2+s12], $0x80, s7, s12, $0xb8;
	v63 =	vld [tilespmem:$0x0]  }
0x28b: {  	_ =	swait.ge [sflag:s23], $0x2800  }
0x28c: {  	s8 =	sld [smem:$0x7F5]  }
0x28d: {  	[sflag:s23] =	ssyncset.done $0x0  }
0x28e: {  	[sflag:s23] =	ssyncadd.s32 $0xFFFFD800  }
0x28f: {  	[tilespmem:s15], [sflag:$0x3] =	stream.indirect.gather [hbm4b:s2+s12], $0x80, s8, s12, $0xb8;
	v63 =	vld [tilespmem:$0x0]  }
0x290: {  	_ =	swait.ge [sflag:s24], $0x2800  }
0x291: {  	s9 =	sld [smem:$0x7F6]  }
0x292: {  	[sflag:s24] =	ssyncset.done $0x0  }
0x293: {  	[sflag:s24] =	ssyncadd.s32 $0xFFFFD800  }
0x294: {  	[tilespmem:s16], [sflag:$0x4] =	stream.indirect.gather [hbm4b:s2+s12], $0x80, s9, s12, $0xb8;
	v63 =	vld [tilespmem:$0x0]  }
0x295: {  	_ =	swait.ge [sflag:s17], $0x2800  }
0x296: {  	s7 =	sld [smem:$0x7F7]  }
0x297: {  	[sflag:s17] =	ssyncset.done $0x0  }
0x298: {  	[sflag:s17] =	ssyncadd.s32 $0xFFFFD800  }
0x299: {  	[spmem:s3] =	stream.indirect.scatter.add.f32 [tilespmem:s13], [sflag:$0x5], $0x80, s7, s12, $0xb8;
	v63 =	vld [tilespmem:$0x0]  }
0x29a: {  	_ =	swait.ge [sflag:s18], $0x2800  }
0x29b: {  	s8 =	sld [smem:$0x7F8]  }
0x29c: {  	[sflag:s18] =	ssyncset.done $0x0  }
0x29d: {  	[sflag:s18] =	ssyncadd.s32 $0xFFFFD800  }
0x29e: {  	[spmem:s3] =	stream.indirect.scatter.add.f32 [tilespmem:s14], [sflag:$0x6], $0x80, s8, s12, $0xb8;
	v63 =	vld [tilespmem:$0x0]  }
0x29f: {  	_ =	swait.ge [sflag:s19], $0x2800  }
0x2a0: {  	s9 =	sld [smem:$0x7F9]  }
0x2a1: {  	[sflag:s19] =	ssyncset.done $0x0  }
0x2a2: {  	[sflag:s19] =	ssyncadd.s32 $0xFFFFD800  }
0x2a3: {  	[spmem:s3] =	stream.indirect.scatter.add.f32 [tilespmem:s15], [sflag:$0x7], $0x80, s9, s12, $0xb8;
	v63 =	vld [tilespmem:$0x0]  }
0x2a4: {  	_ =	swait.ge [sflag:s20], $0x2800  }
0x2a5: {  	s7 =	sld [smem:$0x7FA]  }
0x2a6: {  	[sflag:s20] =	ssyncset.done $0x0  }
0x2a7: {  	[sflag:s20] =	ssyncadd.s32 $0xFFFFD800  }
0x2a8: {  	[spmem:s3] =	stream.indirect.scatter.add.f32 [tilespmem:s16], [sflag:$0x8], $0x80, s7, s12, $0xb8;
	v63 =	vld [tilespmem:$0x0]  }
0x2a9: {  	_ =	swait.ge [sflag:s21], $0x2800  }
0x2aa: {  	s8 =	sld [smem:$0x7FB]  }
0x2ab: {  	[sflag:s21] =	ssyncset.done $0x0  }
0x2ac: {  	[sflag:s21] =	ssyncadd.s32 $0xFFFFD800  }
0x2ad: {  	[tilespmem:s13], [sflag:$0x1] =	stream.indirect.gather [hbm4b:s2+s12], $0x80, s8, s12, $0xb8;
	v63 =	vld [tilespmem:$0x0]  }
0x2ae: {  	_ =	swait.ge [sflag:s22], $0x2800  }
0x2af: {  	[sflag:s22] =	ssyncset.done $0x0  }
0x2b0: {  	[sflag:s22] =	ssyncadd.s32 $0xFFFFD800  }
0x2b1: {  	[tilespmem:s14], [sflag:$0x2] =	stream.indirect.gather [hbm4b:s2+s12], $0x80, s25, s12, $0xb8;
	v63 =	vld [tilespmem:$0x0]  }
0x2b2: {  	_ =	swait.ge [sflag:s23], $0x2800  }
0x2b3: {  	[sflag:s23] =	ssyncset.done $0x0  }
0x2b4: {  	[sflag:s23] =	ssyncadd.s32 $0xFFFFD800  }
0x2b5: {  	[tilespmem:s15], [sflag:$0x3] =	stream.indirect.gather [hbm4b:s2+s12], $0x80, s26, s12, $0xb8;
	v63 =	vld [tilespmem:$0x0]  }
0x2b6: {  	_ =	swait.ge [sflag:s24], $0x2800  }
0x2b7: {  	[sflag:s24] =	ssyncset.done $0x0  }
0x2b8: {  	[sflag:s24] =	ssyncadd.s32 $0xFFFFD800  }
0x2b9: {  	[tilespmem:s16], [sflag:$0x4] =	stream.indirect.gather [hbm4b:s2+s12], $0x80, s28, s12, $0xb8;
	v63 =	vld [tilespmem:$0x0]  }
0x2ba: {  	_ =	swait.ge [sflag:s17], $0x2800  }
0x2bb: {  	[sflag:s17] =	ssyncset.done $0x0  }
0x2bc: {  	[sflag:s17] =	ssyncadd.s32 $0xFFFFD800  }
0x2bd: {  	[spmem:s3] =	stream.indirect.scatter.add.f32 [tilespmem:s13], [sflag:$0x5], $0x80, s29, s12, $0xb8;
	v63 =	vld [tilespmem:$0x0]  }
0x2be: {  	_ =	swait.ge [sflag:s18], $0x2800  }
0x2bf: {  	[sflag:s18] =	ssyncset.done $0x0  }
0x2c0: {  	[sflag:s18] =	ssyncadd.s32 $0xFFFFD800  }
0x2c1: {  	[spmem:s3] =	stream.indirect.scatter.add.f32 [tilespmem:s14], [sflag:$0x6], $0x80, s30, s12, $0xb8;
	v63 =	vld [tilespmem:$0x0]  }
0x2c2: {  	_ =	swait.ge [sflag:s19], $0x2800  }
0x2c3: {  	[sflag:s19] =	ssyncset.done $0x0  }
0x2c4: {  	[sflag:s19] =	ssyncadd.s32 $0xFFFFD800  }
0x2c5: {  	[spmem:s3] =	stream.indirect.scatter.add.f32 [tilespmem:s15], [sflag:$0x7], $0x80, s31, s12, $0xb8;
	v63 =	vld [tilespmem:$0x0]  }
0x2c6: {  	_ =	swait.ge [sflag:s20], $0x2800  }
0x2c7: {  	[sflag:s20] =	ssyncset.done $0x0  }
0x2c8: {  	[sflag:s20] =	ssyncadd.s32 $0xFFFFD800  }
0x2c9: {  	[spmem:s3] =	stream.indirect.scatter.add.f32 [tilespmem:s16], [sflag:$0x8], $0x80, s1, s12, $0xb8;
	v63 =	vld [tilespmem:$0x0]  }
0x2ca: {  	_ =	swait.ge [sflag:s21], $0x2800  }
0x2cb: {  	[sflag:s21] =	ssyncset.done $0x0  }
0x2cc: {  	[sflag:s21] =	ssyncadd.s32 $0xFFFFD800  }
0x2cd: {  	[tilespmem:s13], [sflag:$0x1] =	stream.indirect.gather [hbm4b:s2+s12], $0x80, s0, s12, $0xb8;
	v63 =	vld [tilespmem:$0x0]  }
0x2ce: {  	_ =	swait.ge [sflag:s17], $0x2800  }
0x2cf: {  	[sflag:s17] =	ssyncset.done $0x0  }
0x2d0: {  	[sflag:s17] =	ssyncadd.s32 $0xFFFFD800  }
0x2d1: {  	[spmem:s3] =	stream.indirect.scatter.add.f32 [tilespmem:s13], [sflag:$0x5], $0x80, s5, s12, $0xb8;
	v63 =	vld [tilespmem:$0x0]  }
0x2d2: {  	_ =	swait.ge [sflag:s21], $0x2800  }
0x2d3: {  	[sflag:s21] =	ssyncset.done $0x0  }
0x2d4: {  	[sflag:s21] =	ssyncadd.s32 $0xFFFFD800  }
0x2d5: {  	_ =	swait.ge [sflag:s22], $0x2800  }
0x2d6: {  	[sflag:s22] =	ssyncset.done $0x0  }
0x2d7: {  	[sflag:s22] =	ssyncadd.s32 $0xFFFFD800  }
0x2d8: {  	_ =	swait.ge [sflag:s23], $0x2800  }
0x2d9: {  	[sflag:s23] =	ssyncset.done $0x0  }
0x2da: {  	[sflag:s23] =	ssyncadd.s32 $0xFFFFD800  }
0x2db: {  	_ =	swait.ge [sflag:s24], $0x2800  }
0x2dc: {  	[sflag:s24] =	ssyncset.done $0x0  }
0x2dd: {  	[sflag:s24] =	ssyncadd.s32 $0xFFFFD800  }
0x2de: {  	[bflag:$0x0] =	sbarrier.arrive $0xFFFF  }
0x2df: {  	s7 =	sld [smem:$0x7FC]  }
0x2e0: {  	s9 =	sld [smem:$0x7ED]  }
0x2e1: {  	s8 =	sld [smem:$0x7FD];
	_ =	sdelay $0x2  }
0x2e2: {  	[hbm:s9], [sflag:s7] =	dma.local [spmem:s8], $0x2800  }
0x2e3: {  	_ =	swait.ge [sflag:s10], $0x2800  }
0x2e4: {  	s6 =	sld [smem:$0x7EB];
	_ =	sdelay $0x2  }
0x2e5: {  	s9 =	sadd.s32 $0x1, s6;
	s6 =	sld [smem:$0x7EE];
	_ =	sdelay $0x2  }
0x2e6: {  	p0 =	sne.s32 s9, s6  }
.Ltmp1:
0x2e7: {  	_ = 	snop;
	(pc) =	sbr.rel @p0 .LBB2_1-.Ltmp1, $3  }
0x2e8: {  	_ =	sdelay $0x1  }
0x2e9: {  	[sflag:s10] =	ssyncset.done $0x0  }
0x2ea: {  	[sflag:s10] =	ssyncadd.s32 $0xFFFFD800  }
0x2eb: {  	_ =	sfence.sel $0x180000  }
0x2ec: {  	[bflag:$0x0] =	sbarrier.arrive $0xFFFF  }
0x2ed: {  	_ =	strace $0x9000004A  }
0x2ee: {  	s0 =	stileid.u32;
	[bflag:$0x2] =	sbarrier.arrive $0xFFFF  }
0x2ef: {  	p0 =	sne.s32 s0, $0x0;
	s0 =	rddreg [dreg:$0x3]  }
0x2f0: {  	s0 =	sadd.s32 @!p0 $0x100000, s0  }
0x2f1: {  	[sflag:s0] =	ssyncadd.tile.s32 @!p0 $0x1;
	_ =	shalt  }
.Lfunc_end2:
_tile_overlayer_lowered:
.L_overlay_start_2:
0x2f2: {  	(tag) =	ssettag $0x2  }
0x2f3: {  	s0 =	rddreg [dreg:$0x0];
	s2 =	stileid.u32  }
0x2f4: {  	s1 =	rddreg [dreg:$0x1];
	p0 =	sne.s32 s2, $0x0  }
0x2f5: {  	s3 =	rddreg [dreg:$0x2];
	[bflag:$0x3] =	sbarrier.arrive $0xFFFF;
	s2 =	simm.s32 @!p0 $0x1C09  }
0x2f6: {  	[timem:s3], [sflag:s2] =	dma.local @!p0 [hbm:s0], s1  }
0x2f7: {  	s0 =	simm.s32 @!p0 $0x9  }
0x2f8: {  	_ =	swait.ge @!p0 [sflag:s0], s1  }
0x2f9: {  	s1 =	ssub.s32 @!p0 $0x0, s1;
	[sflag:s0] =	ssyncset.done @!p0 $0x0  }
0x2fa: {  	[sflag:s0] =	ssyncadd.s32 @!p0 s1  }
0x2fb: {  	[bflag:$0x3] =	sbarrier.arrive $0xFFFF  }
0x2fc: {  	_ =	shalt  }

// kernel: kernel.19.cloned.1.call-start
scs
__scs_entry_jumppad:
0x0: {  	(pc) =	sbr.rel $0x88, $3  }
0x1: {  	(tag) =	ssettag $0x0;
	lr =	simm.s32 $0x1  }
0x2: {  	[smem:$0x3F95] =	sst lr;
	_ =	strace $0xD0000000  }
0x3: {  	_ = 	snop  }
0x4: {  	_ = 	snop  }
0x5: {  	_ = 	snop  }
0x6: {  	_ = 	snop  }
0x7: {  	_ = 	snop  }
__scs_overlays_trampoline_lowered:
0x8: {  	[smem:$0x3FA4] =	sst s0  }
0x9: {  	[smem:$0x3FA5] =	sst s1  }
0xa: {  	[smem:$0x3FA6] =	sst s2  }
0xb: {  	[smem:$0x3FA7] =	sst s3  }
0xc: {  	[smem:$0x3FA8] =	sst s4  }
0xd: {  	[smem:$0x3FA9] =	sst s5  }
0xe: {  	[smem:$0x3FAA] =	sst s6  }
0xf: {  	[smem:$0x3FAB] =	sst s7  }
0x10: {  	[smem:$0x3FAC] =	sst s8  }
0x11: {  	[smem:$0x3FAD] =	sst s9;
	s0 =	simm.s32 @!p0 $0x0  }
0x12: {  	s1 =	sld [smem:$0x3F93];
	s0 =	simm.s32 @p0 $0x1  }
0x13: {  	[smem:$0x3FAE] =	sst s0;
	s0 =	simm.s32 @!p1 $0x0  }
0x14: {  	s2 =	sld [smem:$0x3F92];
	s0 =	simm.s32 @p1 $0x1  }
0x15: {  	[smem:$0x3FAF] =	sst s0;
	s0 =	simm.s32 @!p2 $0x0  }
0x16: {  	s3 =	sld [smem:$0x3FDB];
	s0 =	simm.s32 @p2 $0x1  }
0x17: {  	s4 =	simm.s32 $0x1BF5;
	[smem:$0x3FB1] =	sst s0  }
0x18: {  	s0 =	sld [smem:$0x3F94];
	_ =	swait.ge [sflag:s4], $0x0  }
0x19: {  	s7 =	sld [smem:$0x3F95]  }
0x1a: {  	s8 =	sadd.s32 $0xFFFFE003, lr  }
0x1b: {  	s9 =	sadd.s32 $0xFFFFFEF7, lr;
	s5 =	simm.s32 $0xFFFFFFFF;
	p2 =	slt.u32 s8, $0xFFFFF086  }
0x1c: {  	p1 =	slt.u32 s9, $0xF7A;
	s5 =	simm.s32 @!p2 $0x0  }
0x1d: {  	s5 =	simm.s32 @p1 $0x1;
	p0 =	seq.s32 s7, s2  }
0x1e: {  	s7 =	smul.u32 @!p0 $0xF7A, s2;
	p2 =	seq.s32 @!p0 s5, $0x0  }
0x1f: {  	s9 =	smul.u32 $0xF7A, s1;
	s8 =	simm.s32 @!p0 $0x1BF5;
	p2 =	por !p2, p0  }
0x20: {  	[sflag:s8] =	ssyncset.s32 @!p0 $0xFFFFF086;
	s6 =	sadd.s32 @!p0 s3, s7;
	s7 =	simm.s32 @!p0 $0x108  }
0x21: {  	s3 =	sadd.s32 s3, s9;
	s6 =	sadd.s32 @!p0 $0x88, s6;
	s7 =	simm.s32 @p2 $0x1082  }
0x22: {  	[simem:s7], [sflag:s8] =	dma.local @!p0 [hbm:s6], $0xF7A  }
0x23: {  	s9 =	sor.u32 $0xD0000000, s2;
	s6 =	simm.s32 $0x108;
	_ =	swait.ge @!p0 [sflag:s8], $0x0  }
0x24: {  	s3 =	sadd.s32 $0x88, s3;
	s6 =	simm.s32 @!p1 $0x1082;
	[sflag:s4] =	ssyncset.s32 $0xFFFFF086  }
0x25: {  	[simem:s6], [sflag:s4] =	dma.local [hbm:s3], $0xF7A  }
0x26: {  	[smem:$0x3F95] =	sst s1;
	(tag) =	ssettag s2;
	_ =	strace s9  }
0x27: {  	s1 =	sld [smem:$0x3FA5]  }
0x28: {  	s2 =	sld [smem:$0x3FA6]  }
0x29: {  	s4 =	sld [smem:$0x3FA8]  }
0x2a: {  	p0 =	seq.s32 s5, $0x0;
	s5 =	sld [smem:$0x3FA9]  }
0x2b: {  	s6 =	sld [smem:$0x3FAA]  }
0x2c: {  	s7 =	sld [smem:$0x3FAB]  }
0x2d: {  	s3 =	simm.s32 $0x108;
	s8 =	sld [smem:$0x3FAC]  }
0x2e: {  	s3 =	simm.s32 @!p0 $0x1082;
	s9 =	sld [smem:$0x3FAD]  }
0x2f: {  	lr =	sadd.s32 s0, s3;
	s0 =	sld [smem:$0x3FA4]  }
0x30: {  	s3 =	sld [smem:$0x3FA7]  }
0x31: {  	[smem:$0x3FB0] =	sst s10  }
0x32: {  	s10 =	sld [smem:$0x3FAE];
	_ =	sdelay $0x3  }
0x33: {  	p0 =	seq.s32 s10, $0x1;
	s10 =	sld [smem:$0x3FB0];
	_ =	sdelay $0x3  }
0x34: {  	[smem:$0x3FB0] =	sst s10  }
0x35: {  	s10 =	sld [smem:$0x3FAF];
	_ =	sdelay $0x3  }
0x36: {  	p1 =	seq.s32 s10, $0x1;
	s10 =	sld [smem:$0x3FB0];
	_ =	sdelay $0x3  }
0x37: {  	[smem:$0x3FB0] =	sst s10  }
0x38: {  	s10 =	sld [smem:$0x3FB1]  }
0x39: {  	_ = 	snop;
	(pc) =	sbr.ind lr, $3  }
0x3a: {  	_ = 	snop  }
0x3b: {  	_ = 	snop  }
0x3c: {  	p2 =	seq.s32 s10, $0x1;
	s10 =	sld [smem:$0x3FB0]  }
0x3d: {  	_ =	shalt  }
0x3e: {  	_ =	shalt  }
0x3f: {  	_ =	shalt  }
0x40: {  	_ =	shalt  }
0x41: {  	_ =	shalt  }
0x42: {  	_ =	shalt  }
0x43: {  	_ =	shalt  }
0x44: {  	_ =	shalt  }
0x45: {  	_ =	shalt  }
0x46: {  	_ =	shalt  }
0x47: {  	_ =	shalt  }
0x48: {  	_ =	shalt  }
0x49: {  	_ =	shalt  }
0x4a: {  	_ =	shalt  }
0x4b: {  	_ =	shalt  }
0x4c: {  	_ =	shalt  }
0x4d: {  	_ =	shalt  }
0x4e: {  	_ =	shalt  }
0x4f: {  	_ =	shalt  }
0x50: {  	_ =	shalt  }
0x51: {  	_ =	shalt  }
0x52: {  	_ =	shalt  }
0x53: {  	_ =	shalt  }
0x54: {  	_ =	shalt  }
0x55: {  	_ =	shalt  }
0x56: {  	_ =	shalt  }
0x57: {  	_ =	shalt  }
0x58: {  	_ =	shalt  }
0x59: {  	_ =	shalt  }
0x5a: {  	_ =	shalt  }
0x5b: {  	_ =	shalt  }
0x5c: {  	_ =	shalt  }
0x5d: {  	_ =	shalt  }
0x5e: {  	_ =	shalt  }
0x5f: {  	_ =	shalt  }
0x60: {  	_ =	shalt  }
0x61: {  	_ =	shalt  }
0x62: {  	_ =	shalt  }
0x63: {  	_ =	shalt  }
0x64: {  	_ =	shalt  }
0x65: {  	_ =	shalt  }
0x66: {  	_ =	shalt  }
0x67: {  	_ =	shalt  }
0x68: {  	_ =	shalt  }
0x69: {  	_ =	shalt  }
0x6a: {  	_ =	shalt  }
0x6b: {  	_ =	shalt  }
0x6c: {  	_ =	shalt  }
0x6d: {  	_ =	shalt  }
0x6e: {  	_ =	shalt  }
0x6f: {  	_ =	shalt  }
0x70: {  	_ =	shalt  }
0x71: {  	_ =	shalt  }
0x72: {  	_ =	shalt  }
0x73: {  	_ =	shalt  }
0x74: {  	_ =	shalt  }
0x75: {  	_ =	shalt  }
0x76: {  	_ =	shalt  }
0x77: {  	_ =	shalt  }
0x78: {  	_ =	shalt  }
0x79: {  	_ =	shalt  }
0x7a: {  	_ =	shalt  }
0x7b: {  	_ =	shalt  }
0x7c: {  	_ =	shalt  }
0x7d: {  	_ =	shalt  }
0x7e: {  	_ =	shalt  }
0x7f: {  	_ =	shalt  }
0x80: {  	_ =	shalt  }
0x81: {  	_ =	shalt  }
0x82: {  	_ =	shalt  }
0x83: {  	_ =	shalt  }
0x84: {  	_ =	shalt  }
0x85: {  	_ =	shalt  }
0x86: {  	_ =	shalt  }
0x87: {  	_ =	shalt  }
.Lfunc_end0:
.L_simem_size_0:
called_computation.2_lowered:
.L_overlay_start_0:
0x88: {  	s2 =	sld [smem:$0x3FD9]  }
0x89: {  	s3 =	sld [smem:$0x3FFE];
	_ =	sdelay $0x1  }
0x8a: {  	s1 =	srdreg.scid  }
0x8b: {  	s0 =	sand.u32 $0x1, s1  }
0x8c: {  	s16 =	sshll.u32 s0, $0xA;
	s2 =	sadd.s32 s3, s2  }
0x8d: {  	s2 =	sadd.s32 s2, s16  }
0x8e: {  	[smem:$0x3FBC] =	sst s2  }
0x8f: {  	_ = 	snop  }
0x90: {  	(tm) =	ssettm $0x1  }
0x91: {  	s17 =	sld [smem:$0x3FFB];
	_ =	sdelay $0x3  }
0x92: {  	_ =	strace s17  }
0x93: {  	s2 =	sld [smem:$0x3FFC];
	_ =	sdelay $0x3  }
0x94: {  	_ =	strace s2  }
0x95: {  	s2 =	sld [smem:$0x3FFD];
	_ =	sdelay $0x3  }
0x96: {  	_ =	strace s2  }
0x97: {  	_ =	strace $0x8FFFFFFF  }
0x98: {  	s18 =	sld [smem:$0x3FDB];
	_ =	sdelay $0x1  }
0x99: {  	s19 =	simm.s32 $_scs_section_size  }
0x9a: {  	s4 =	simm.s32 $_size__tile_overlayer_lowered;
	s5 =	simm.s32 $_tile_overlayer_lowered  }
0x9b: {  	s22 =	simm.s32 $0x1BFF;
	s21 =	sshll.u32 s5, $0x1;
	s2 =	sadd.s32 s19, s18  }
0x9c: {  	s6 =	simm.s32 $0x0;
	s20 =	sshll.u32 s4, $0x1;
	s4 =	sadd.s32 s21, s2  }
0x9d: {  	[timem:s6], [sflag:s22] =	dma.local [hbm:s4], s20  }
0x9e: {  	_ =	swait.ge [sflag:s22], s20  }
0x9f: {  	s3 =	ssub.s32 $0x0, s20;
	[sflag:s22] =	ssyncset.done $0x0  }
0xa0: {  	[sflag:s22] =	ssyncadd.s32 s3;
	_ =	sdelay $0x1  }
0xa1: {  	s23 =	simm.s32 $0x1B8B  }
0xa2: {  	_ =	swait.ge [sflag:s23], $0x1  }
0xa3: {  	[sflag:s23] =	ssyncset.done $0x0  }
0xa4: {  	s25 =	simm.s32 $0x1B8E;
	s24 =	sld [smem:$0x3FFE];
	[sflag:s23] =	ssyncadd.s32 $0xFFFFFFFF  }
0xa5: {  	s26 =	simm.s32 $execute0_lowered;
	[smem:$0x3FD2] =	sst s25  }
0xa6: {  	s4 =	sshll.u32 s26, $0x1;
	_ =	strace $0x8000004C;
	[dreg:$0x1] =	wrdreg $0xFFFFFFFF  }
0xa7: {  	s28 =	simm.s32 $_size_execute0_lowered;
	s2 =	sadd.s32 s2, s4;
	[dreg:$0x0] =	wrdreg $0x0  }
0xa8: {  	s4 =	sshll.u32 s28, $0x1;
	[dreg:$0x2] =	wrdreg s2  }
0xa9: {  	[dreg:$0x3] =	wrdreg s4  }
0xaa: {  	[dreg:$0x4] =	wrdreg $0xC0  }
0xab: {  	_ =	task [dreg:s6], $0x5FFFF  }
0xac: {  	[dreg:$0x1] =	wrdreg $0xFFFFFFFF  }
0xad: {  	[dreg:$0x0] =	wrdreg $0x60  }
0xae: {  	[dreg:$0x2] =	wrdreg s24  }
0xaf: {  	[dreg:$0x3] =	wrdreg $0xC0000  }
0xb0: {  	[dreg:$0x4] =	wrdreg $0x9  }
0xb1: {  	_ =	task.clear_ibuf [dreg:s6], $0x5FFFF;
	_ =	strace $0x9000004C  }
0xb2: {  	s29 =	simm.s32 $0x9;
	_ =	strace $0x8000004E  }
0xb3: {  	_ =	swait.ge [sflag:s29], $0x1  }
0xb4: {  	[sflag:s29] =	ssyncadd.s32 $0xFFFFFFFF  }
0xb5: {  	_ =	strace $0x9000004E  }
0xb6: {  	_ =	sfence  }
0xb7: {  	s30 =	sld [smem:$0x0];
	_ =	sdelay $0x2  }
0xb8: {  	s31 =	sshll.u32 s1, $0xD;
	s1 =	sshrl.u32 s1, $0x2  }
0xb9: {  	s3 =	sand.u32 $0x4000, s31;
	s1 =	sadd.s32 s1, s30  }
0xba: {  	s0 =	sor.u32 s3, s0;
	s1 =	sshll.u32 s1, $0x11  }
0xbb: {  	s0 =	sor.u32 s1, s0  }
0xbc: {  	s0 =	sadd.s32 $0x8F2B, s0  }
0xbd: {  	[sflag:s0] =	ssyncadd.remote.s32 $0x1  }
0xbe: {  	_ =	sfence.sel $0xFFFF  }
0xbf: {  	[dreg:$0x0] =	wrdreg $0xFFFFFFFF;
	(pc) =	sbr.abs _section_cstart, $3  }
0xc0: {  	[dreg:$0x1] =	wrdreg $0xFFFFFFFF  }
0xc1: {  	_ =	task.clear_ibuf [dreg:s6], $0x2FFFF;
	_ =	strace $0x9FFFFFFF  }
0xc2: {  	(tm) =	ssettm $0x7FFFFFFF  }
0xc3: {  	_ =	shalt  }
tec
execute0_lowered:
.L_overlay_start_1:
0x0: {  	(tag) =	ssettag $0x1  }
0x1: {  	s0 =	srdreg.scid;
	s9 =	stileid.u32  }
0x2: {  	s0 =	sand.u32 $0x1, s0;
	s1 =	smul.u32 $0xA000, s9  }
0x3: {  	s3 =	smul.u32 $0x5000, s0  }
0x4: {  	s5 =	rddreg [dreg:$0x0]  }
0x5: {  	s2 =	rddreg [dreg:$0x1];
	s1 =	sadd.s32 s3, s1;
	s3 =	simm.s32 $0x0  }
0x6: {  	s23 =	simm.s32 $0x80;
	[smem:$0x7FF] =	sst s3  }
0x7: {  	s24 =	simm.s32 $0x100;
	_ =	strace $0x8000004D;
	[dreg:$0x5] =	wrdreg s23  }
0x8: {  	s25 =	simm.s32 $0x180;
	[dreg:$0x6] =	wrdreg s24  }
0x9: {  	s26 =	simm.s32 $0x1080;
	[dreg:$0x7] =	wrdreg s25  }
0xa: {  	s6 =	simm.s32 $0x1180;
	[dreg:$0x8] =	wrdreg s26  }
0xb: {  	s7 =	simm.s32 $0x200;
	[dreg:$0xa] =	wrdreg s6  }
0xc: {  	s8 =	simm.s32 $0x280;
	[dreg:$0xb] =	wrdreg s7  }
0xd: {  	s10 =	simm.s32 $0x300;
	[dreg:$0xc] =	wrdreg s8  }
0xe: {  	s11 =	simm.s32 $0x380;
	s12 =	simm.s32 $0x1200;
	[dreg:$0xd] =	wrdreg s10  }
0xf: {  	s13 =	simm.s32 $0x1280;
	s14 =	simm.s32 $0x1300;
	[dreg:$0xe] =	wrdreg s11  }
0x10: {  	s15 =	simm.s32 $0x1380;
	s17 =	simm.s32 $0x400;
	[dreg:$0xf] =	wrdreg s12  }
0x11: {  	s19 =	simm.s32 $0x480;
	s20 =	simm.s32 $0x500;
	[dreg:$0x10] =	wrdreg s13  }
0x12: {  	s22 =	simm.s32 $0x580;
	s28 =	simm.s32 $0xB80;
	[dreg:$0x11] =	wrdreg s14  }
0x13: {  	s29 =	simm.s32 $0x1A00;
	s18 =	smul.u32 $0x50000, s9;
	[dreg:$0x12] =	wrdreg s15  }
0x14: {  	s30 =	simm.s32 $0x1A80;
	s31 =	simm.s32 $0x1B00;
	[dreg:$0x13] =	wrdreg s17  }
0x15: {  	s21 =	sshrl.u32 s18, $0x2;
	s18 =	simm.s32 $0x800;
	[dreg:$0x14] =	wrdreg s19  }
0x16: {  	s1 =	sshrl.u32 s1, $0x3;
	s6 =	smul.u32 $0x2800, s9;
	[dreg:$0x15] =	wrdreg s20  }
0x17: {  	s1 =	sadd.s32 s1, s5;
	s7 =	smul.u32 $0x28000, s0;
	[dreg:$0x16] =	wrdreg s22  }
0x18: {  	s0 =	ssub.s32 $0x2, s0;
	s23 =	simm.s32 $0x1400;
	[smem:$0x7F3] =	sst s18  }
0x19: {  	s25 =	simm.s32 $0x1480;
	s26 =	sshll.u32 s9, $0x6;
	[dreg:$0x17] =	wrdreg s23  }
0x1a: {  	s9 =	simm.s32 $0x1580;
	s10 =	simm.s32 $0x600;
	[dreg:$0x18] =	wrdreg s25  }
0x1b: {  	s11 =	simm.s32 $0x680;
	s12 =	simm.s32 $0x700;
	[dreg:$0x1a] =	wrdreg s9  }
0x1c: {  	s13 =	simm.s32 $0x780;
	s14 =	simm.s32 $0x1600;
	[dreg:$0x1b] =	wrdreg s10  }
0x1d: {  	s15 =	simm.s32 $0x1680;
	s17 =	simm.s32 $0x1780;
	[dreg:$0x1c] =	wrdreg s11  }
0x1e: {  	s19 =	simm.s32 $0x880;
	s20 =	simm.s32 $0x900;
	[dreg:$0x1d] =	wrdreg s12  }
0x1f: {  	s18 =	simm.s32 $0x2;
	s22 =	simm.s32 $0x1800;
	[dreg:$0x1e] =	wrdreg s13  }
0x20: {  	s4 =	sadd.s32 $0x8BC00, s1;
	s1 =	sadd.s32 $0x9FC00, s1;
	[dreg:$0x1f] =	wrdreg s14  }
0x21: {  	s16 =	sshrl.u32 s0, $0x1;
	s10 =	simm.s32 $0x9;
	[smem:$0x7F0] =	sst s15  }
0x22: {  	s11 =	simm.s32 $0x1000;
	s12 =	simm.s32 $0x50;
	[smem:$0x7F2] =	sst s17  }
0x23: {  	s13 =	simm.s32 $0x2000;
	s14 =	simm.s32 $0x4800;
	[smem:$0x7F4] =	sst s19  }
0x24: {  	s15 =	simm.s32 $0x7000;
	s17 =	simm.s32 $0x1;
	[smem:$0x7F5] =	sst s20  }
0x25: {  	s19 =	simm.s32 $0x3;
	s20 =	simm.s32 $0x4;
	[smem:$0x7F7] =	sst s22  }
0x26: {  	s23 =	simm.s32 $0x1880;
	s22 =	simm.s32 $0x6;
	[dreg:$0x3] =	wrdreg s4  }
0x27: {  	s25 =	simm.s32 $0x1980;
	s9 =	simm.s32 $0x0;
	[dreg:$0x4] =	wrdreg s1  }
0x28: {  	s4 =	simm.s32 $0x1100;
	s8 =	sadd.s32 s6, s5;
	[smem:$0x7F8] =	sst s23  }
0x29: {  	s6 =	sadd.s32 s6, s7;
	s0 =	ssub.s32 s0, s16;
	[smem:$0x7FA] =	sst s25  }
0x2a: {  	s7 =	sor.u32 $0x1C09, s26;
	s16 =	simm.s32 $0x1700;
	[dreg:$0x9] =	wrdreg s4  }
0x2b: {  	s23 =	simm.s32 $0x7;
	s26 =	simm.s32 $0xA00;
	[smem:$0x7F1] =	sst s16  }
0x2c: {  	s25 =	simm.s32 $0xA80;
	s1 =	simm.s32 $0x1B80;
	[smem:$0x7FB] =	sst s26  }
0x2d: {  	s4 =	sadd.s32 $0x3B600, s5;
	s24 =	sadd.s32 $0x13600, s8;
	[smem:$0x7FC] =	sst s7  }
0x2e: {  	s5 =	sadd.s32 s6, s5;
	s8 =	simm.s32 $0x1500;
	[smem:$0x7ED] =	sst s24  }
0x2f: {  	s6 =	sadd.s32 s21, s2;
	s0 =	smax.u32 s0, $0x1;
	[dreg:$0x19] =	wrdreg s8  }
0x30: {  	s16 =	simm.s32 $0x9800;
	s21 =	simm.s32 $0x980;
	[smem:$0x7EF] =	sst s0  }
0x31: {  	s26 =	simm.s32 $0xB00;
	s5 =	sadd.s32 $0xB3C00, s5;
	[smem:$0x7F6] =	sst s21  }
0x32: {  	s8 =	sshrl.u32 s6, $0x3;
	s24 =	simm.s32 $0x1900;
	[smem:$0x7EE] =	sst s5  }
0x33: {  	s21 =	simm.s32 $0x5;
	s0 =	simm.s32 $0xC00;
	[smem:$0x7F9] =	sst s24  }
0x34: {  	s24 =	simm.s32 $0x8;
	s5 =	simm.s32 $0x1C00;
	[smem:$0x7FD] =	sst s8  }
.LBB2_1:
0x35: {  	s6 =	sld [smem:$0x7ED];
	_ =	sdelay $0x1  }
0x36: {  	[smem:$0x7EC] =	sst s9  }
0x37: {  	[spmem:s8], [sflag:s7] =	dma.local [hbm:s6], $0x2800  }
0x38: {  	_ =	swait.ge [sflag:s10], $0x2800  }
0x39: {  	[sflag:s10] =	ssyncset.done $0x0  }
0x3a: {  	[sflag:s10] =	ssyncadd.s32 $0xFFFFD800  }
0x3b: {  	[bflag:$0x0] =	sbarrier.arrive $0xFFFF  }
0x3c: {  	s7 =	rddreg [dreg:$0x4]  }
0x3d: {  	s6 =	sadd.s32 $0x0, s7  }
0x3e: {  	[tilespmem:s3], [sflag:$0x9] =	stream.linear.gather [hbm4b:s6+s3], $0xC80, $0x38;
	v63 =	vld [tilespmem:$0x0]  }
0x3f: {  	_ =	swait.ge [sflag:s10], $0xC80  }
0x40: {  	s8 =	rddreg [dreg:$0x3];
	[sflag:s10] =	ssyncset.done $0x0  }
0x41: {  	[sflag:s10] =	ssyncadd.s32 $0xFFFFF380;
	s6 =	sadd.s32 $0x0, s8  }
0x42: {  	[tilespmem:s11], [sflag:$0x9] =	stream.linear.gather [hbm4b:s6+s3], $0xC80, $0x38;
	v63 =	vld [tilespmem:$0x0]  }
0x43: {  	_ =	swait.ge [sflag:s10], $0xC80  }
0x44: {  	[sflag:s10] =	ssyncset.done $0x0  }
0x45: {  	[sflag:s10] =	ssyncadd.s32 $0xFFFFF380  }
0x46: {  	[tilespmem:s13], [sflag:$0x1] =	stream.indirect.gather [hbm4b:s4+s12], $0x80, s3, s12, $0xb8;
	v63 =	vld [tilespmem:$0x0]  }
0x47: {  	s9 =	rddreg [dreg:$0x5]  }
0x48: {  	[tilespmem:s14], [sflag:$0x2] =	stream.indirect.gather [hbm4b:s4+s12], $0x80, s9, s12, $0xb8;
	v63 =	vld [tilespmem:$0x0]  }
0x49: {  	s7 =	rddreg [dreg:$0x6]  }
0x4a: {  	[tilespmem:s15], [sflag:$0x3] =	stream.indirect.gather [hbm4b:s4+s12], $0x80, s7, s12, $0xb8;
	v63 =	vld [tilespmem:$0x0]  }
0x4b: {  	s9 =	rddreg [dreg:$0x7]  }
0x4c: {  	[tilespmem:s16], [sflag:$0x4] =	stream.indirect.gather [hbm4b:s4+s12], $0x80, s9, s12, $0xb8;
	v63 =	vld [tilespmem:$0x0]  }
0x4d: {  	_ =	swait.ge [sflag:s17], $0x2800  }
0x4e: {  	[sflag:s17] =	ssyncset.done $0x0  }
0x4f: {  	[sflag:s17] =	ssyncadd.s32 $0xFFFFD800  }
0x50: {  	[spmem:s2] =	stream.indirect.scatter.add.f32 [tilespmem:s13], [sflag:$0x5], $0x80, s11, s12, $0xb8;
	v63 =	vld [tilespmem:$0x0]  }
0x51: {  	_ =	swait.ge [sflag:s18], $0x2800  }
0x52: {  	[sflag:s18] =	ssyncset.done $0x0  }
0x53: {  	s7 =	rddreg [dreg:$0x8];
	[sflag:s18] =	ssyncadd.s32 $0xFFFFD800  }
0x54: {  	[spmem:s2] =	stream.indirect.scatter.add.f32 [tilespmem:s14], [sflag:$0x6], $0x80, s7, s12, $0xb8;
	v63 =	vld [tilespmem:$0x0]  }
0x55: {  	_ =	swait.ge [sflag:s19], $0x2800  }
0x56: {  	[sflag:s19] =	ssyncset.done $0x0  }
0x57: {  	s8 =	rddreg [dreg:$0x9];
	[sflag:s19] =	ssyncadd.s32 $0xFFFFD800  }
0x58: {  	[spmem:s2] =	stream.indirect.scatter.add.f32 [tilespmem:s15], [sflag:$0x7], $0x80, s8, s12, $0xb8;
	v63 =	vld [tilespmem:$0x0]  }
0x59: {  	_ =	swait.ge [sflag:s20], $0x2800  }
0x5a: {  	[sflag:s20] =	ssyncset.done $0x0  }
0x5b: {  	s9 =	rddreg [dreg:$0xa];
	[sflag:s20] =	ssyncadd.s32 $0xFFFFD800  }
0x5c: {  	[spmem:s2] =	stream.indirect.scatter.add.f32 [tilespmem:s16], [sflag:$0x8], $0x80, s9, s12, $0xb8;
	v63 =	vld [tilespmem:$0x0]  }
0x5d: {  	_ =	swait.ge [sflag:s21], $0x2800  }
0x5e: {  	[sflag:s21] =	ssyncset.done $0x0  }
0x5f: {  	s7 =	rddreg [dreg:$0xb];
	[sflag:s21] =	ssyncadd.s32 $0xFFFFD800  }
0x60: {  	[tilespmem:s13], [sflag:$0x1] =	stream.indirect.gather [hbm4b:s4+s12], $0x80, s7, s12, $0xb8;
	v63 =	vld [tilespmem:$0x0]  }
0x61: {  	_ =	swait.ge [sflag:s22], $0x2800  }
0x62: {  	[sflag:s22] =	ssyncset.done $0x0  }
0x63: {  	s8 =	rddreg [dreg:$0xc];
	[sflag:s22] =	ssyncadd.s32 $0xFFFFD800  }
0x64: {  	[tilespmem:s14], [sflag:$0x2] =	stream.indirect.gather [hbm4b:s4+s12], $0x80, s8, s12, $0xb8;
	v63 =	vld [tilespmem:$0x0]  }
0x65: {  	_ =	swait.ge [sflag:s23], $0x2800  }
0x66: {  	[sflag:s23] =	ssyncset.done $0x0  }
0x67: {  	s9 =	rddreg [dreg:$0xd];
	[sflag:s23] =	ssyncadd.s32 $0xFFFFD800  }
0x68: {  	[tilespmem:s15], [sflag:$0x3] =	stream.indirect.gather [hbm4b:s4+s12], $0x80, s9, s12, $0xb8;
	v63 =	vld [tilespmem:$0x0]  }
0x69: {  	_ =	swait.ge [sflag:s24], $0x2800  }
0x6a: {  	[sflag:s24] =	ssyncset.done $0x0  }
0x6b: {  	s7 =	rddreg [dreg:$0xe];
	[sflag:s24] =	ssyncadd.s32 $0xFFFFD800  }
0x6c: {  	[tilespmem:s16], [sflag:$0x4] =	stream.indirect.gather [hbm4b:s4+s12], $0x80, s7, s12, $0xb8;
	v63 =	vld [tilespmem:$0x0]  }
0x6d: {  	_ =	swait.ge [sflag:s17], $0x2800  }
0x6e: {  	[sflag:s17] =	ssyncset.done $0x0  }
0x6f: {  	s8 =	rddreg [dreg:$0xf];
	[sflag:s17] =	ssyncadd.s32 $0xFFFFD800  }
0x70: {  	[spmem:s2] =	stream.indirect.scatter.add.f32 [tilespmem:s13], [sflag:$0x5], $0x80, s8, s12, $0xb8;
	v63 =	vld [tilespmem:$0x0]  }
0x71: {  	_ =	swait.ge [sflag:s18], $0x2800  }
0x72: {  	[sflag:s18] =	ssyncset.done $0x0  }
0x73: {  	s9 =	rddreg [dreg:$0x10];
	[sflag:s18] =	ssyncadd.s32 $0xFFFFD800  }
0x74: {  	[spmem:s2] =	stream.indirect.scatter.add.f32 [tilespmem:s14], [sflag:$0x6], $0x80, s9, s12, $0xb8;
	v63 =	vld [tilespmem:$0x0]  }
0x75: {  	_ =	swait.ge [sflag:s19], $0x2800  }
0x76: {  	[sflag:s19] =	ssyncset.done $0x0  }
0x77: {  	s7 =	rddreg [dreg:$0x11];
	[sflag:s19] =	ssyncadd.s32 $0xFFFFD800  }
0x78: {  	[spmem:s2] =	stream.indirect.scatter.add.f32 [tilespmem:s15], [sflag:$0x7], $0x80, s7, s12, $0xb8;
	v63 =	vld [tilespmem:$0x0]  }
0x79: {  	_ =	swait.ge [sflag:s20], $0x2800  }
0x7a: {  	[sflag:s20] =	ssyncset.done $0x0  }
0x7b: {  	s8 =	rddreg [dreg:$0x12];
	[sflag:s20] =	ssyncadd.s32 $0xFFFFD800  }
0x7c: {  	[spmem:s2] =	stream.indirect.scatter.add.f32 [tilespmem:s16], [sflag:$0x8], $0x80, s8, s12, $0xb8;
	v63 =	vld [tilespmem:$0x0]  }
0x7d: {  	_ =	swait.ge [sflag:s21], $0x2800  }
0x7e: {  	[sflag:s21] =	ssyncset.done $0x0  }
0x7f: {  	s9 =	rddreg [dreg:$0x13];
	[sflag:s21] =	ssyncadd.s32 $0xFFFFD800  }
0x80: {  	[tilespmem:s13], [sflag:$0x1] =	stream.indirect.gather [hbm4b:s4+s12], $0x80, s9, s12, $0xb8;
	v63 =	vld [tilespmem:$0x0]  }
0x81: {  	_ =	swait.ge [sflag:s22], $0x2800  }
0x82: {  	[sflag:s22] =	ssyncset.done $0x0  }
0x83: {  	s7 =	rddreg [dreg:$0x14];
	[sflag:s22] =	ssyncadd.s32 $0xFFFFD800  }
0x84: {  	[tilespmem:s14], [sflag:$0x2] =	stream.indirect.gather [hbm4b:s4+s12], $0x80, s7, s12, $0xb8;
	v63 =	vld [tilespmem:$0x0]  }
0x85: {  	_ =	swait.ge [sflag:s23], $0x2800  }
0x86: {  	[sflag:s23] =	ssyncset.done $0x0  }
0x87: {  	s8 =	rddreg [dreg:$0x15];
	[sflag:s23] =	ssyncadd.s32 $0xFFFFD800  }
0x88: {  	[tilespmem:s15], [sflag:$0x3] =	stream.indirect.gather [hbm4b:s4+s12], $0x80, s8, s12, $0xb8;
	v63 =	vld [tilespmem:$0x0]  }
0x89: {  	_ =	swait.ge [sflag:s24], $0x2800  }
0x8a: {  	[sflag:s24] =	ssyncset.done $0x0  }
0x8b: {  	s9 =	rddreg [dreg:$0x16];
	[sflag:s24] =	ssyncadd.s32 $0xFFFFD800  }
0x8c: {  	[tilespmem:s16], [sflag:$0x4] =	stream.indirect.gather [hbm4b:s4+s12], $0x80, s9, s12, $0xb8;
	v63 =	vld [tilespmem:$0x0]  }
0x8d: {  	_ =	swait.ge [sflag:s17], $0x2800  }
0x8e: {  	[sflag:s17] =	ssyncset.done $0x0  }
0x8f: {  	s7 =	rddreg [dreg:$0x17];
	[sflag:s17] =	ssyncadd.s32 $0xFFFFD800  }
0x90: {  	[spmem:s2] =	stream.indirect.scatter.add.f32 [tilespmem:s13], [sflag:$0x5], $0x80, s7, s12, $0xb8;
	v63 =	vld [tilespmem:$0x0]  }
0x91: {  	_ =	swait.ge [sflag:s18], $0x2800  }
0x92: {  	[sflag:s18] =	ssyncset.done $0x0  }
0x93: {  	s8 =	rddreg [dreg:$0x18];
	[sflag:s18] =	ssyncadd.s32 $0xFFFFD800  }
0x94: {  	[spmem:s2] =	stream.indirect.scatter.add.f32 [tilespmem:s14], [sflag:$0x6], $0x80, s8, s12, $0xb8;
	v63 =	vld [tilespmem:$0x0]  }
0x95: {  	_ =	swait.ge [sflag:s19], $0x2800  }
0x96: {  	[sflag:s19] =	ssyncset.done $0x0  }
0x97: {  	s9 =	rddreg [dreg:$0x19];
	[sflag:s19] =	ssyncadd.s32 $0xFFFFD800  }
0x98: {  	[spmem:s2] =	stream.indirect.scatter.add.f32 [tilespmem:s15], [sflag:$0x7], $0x80, s9, s12, $0xb8;
	v63 =	vld [tilespmem:$0x0]  }
0x99: {  	_ =	swait.ge [sflag:s20], $0x2800  }
0x9a: {  	[sflag:s20] =	ssyncset.done $0x0  }
0x9b: {  	s7 =	rddreg [dreg:$0x1a];
	[sflag:s20] =	ssyncadd.s32 $0xFFFFD800  }
0x9c: {  	[spmem:s2] =	stream.indirect.scatter.add.f32 [tilespmem:s16], [sflag:$0x8], $0x80, s7, s12, $0xb8;
	v63 =	vld [tilespmem:$0x0]  }
0x9d: {  	_ =	swait.ge [sflag:s21], $0x2800  }
0x9e: {  	[sflag:s21] =	ssyncset.done $0x0  }
0x9f: {  	s8 =	rddreg [dreg:$0x1b];
	[sflag:s21] =	ssyncadd.s32 $0xFFFFD800  }
0xa0: {  	[tilespmem:s13], [sflag:$0x1] =	stream.indirect.gather [hbm4b:s4+s12], $0x80, s8, s12, $0xb8;
	v63 =	vld [tilespmem:$0x0]  }
0xa1: {  	_ =	swait.ge [sflag:s22], $0x2800  }
0xa2: {  	[sflag:s22] =	ssyncset.done $0x0  }
0xa3: {  	s9 =	rddreg [dreg:$0x1c];
	[sflag:s22] =	ssyncadd.s32 $0xFFFFD800  }
0xa4: {  	[tilespmem:s14], [sflag:$0x2] =	stream.indirect.gather [hbm4b:s4+s12], $0x80, s9, s12, $0xb8;
	v63 =	vld [tilespmem:$0x0]  }
0xa5: {  	_ =	swait.ge [sflag:s23], $0x2800  }
0xa6: {  	[sflag:s23] =	ssyncset.done $0x0  }
0xa7: {  	s7 =	rddreg [dreg:$0x1d];
	[sflag:s23] =	ssyncadd.s32 $0xFFFFD800  }
0xa8: {  	[tilespmem:s15], [sflag:$0x3] =	stream.indirect.gather [hbm4b:s4+s12], $0x80, s7, s12, $0xb8;
	v63 =	vld [tilespmem:$0x0]  }
0xa9: {  	_ =	swait.ge [sflag:s24], $0x2800  }
0xaa: {  	[sflag:s24] =	ssyncset.done $0x0  }
0xab: {  	s8 =	rddreg [dreg:$0x1e];
	[sflag:s24] =	ssyncadd.s32 $0xFFFFD800  }
0xac: {  	[tilespmem:s16], [sflag:$0x4] =	stream.indirect.gather [hbm4b:s4+s12], $0x80, s8, s12, $0xb8;
	v63 =	vld [tilespmem:$0x0]  }
0xad: {  	_ =	swait.ge [sflag:s17], $0x2800  }
0xae: {  	[sflag:s17] =	ssyncset.done $0x0  }
0xaf: {  	s9 =	rddreg [dreg:$0x1f];
	[sflag:s17] =	ssyncadd.s32 $0xFFFFD800  }
0xb0: {  	[spmem:s2] =	stream.indirect.scatter.add.f32 [tilespmem:s13], [sflag:$0x5], $0x80, s9, s12, $0xb8;
	v63 =	vld [tilespmem:$0x0]  }
0xb1: {  	_ =	swait.ge [sflag:s18], $0x2800  }
0xb2: {  	s7 =	sld [smem:$0x7F0]  }
0xb3: {  	[sflag:s18] =	ssyncset.done $0x0  }
0xb4: {  	[sflag:s18] =	ssyncadd.s32 $0xFFFFD800  }
0xb5: {  	[spmem:s2] =	stream.indirect.scatter.add.f32 [tilespmem:s14], [sflag:$0x6], $0x80, s7, s12, $0xb8;
	v63 =	vld [tilespmem:$0x0]  }
0xb6: {  	_ =	swait.ge [sflag:s19], $0x2800  }
0xb7: {  	s8 =	sld [smem:$0x7F1]  }
0xb8: {  	[sflag:s19] =	ssyncset.done $0x0  }
0xb9: {  	[sflag:s19] =	ssyncadd.s32 $0xFFFFD800  }
0xba: {  	[spmem:s2] =	stream.indirect.scatter.add.f32 [tilespmem:s15], [sflag:$0x7], $0x80, s8, s12, $0xb8;
	v63 =	vld [tilespmem:$0x0]  }
0xbb: {  	_ =	swait.ge [sflag:s20], $0x2800  }
0xbc: {  	s9 =	sld [smem:$0x7F2]  }
0xbd: {  	[sflag:s20] =	ssyncset.done $0x0  }
0xbe: {  	[sflag:s20] =	ssyncadd.s32 $0xFFFFD800  }
0xbf: {  	[spmem:s2] =	stream.indirect.scatter.add.f32 [tilespmem:s16], [sflag:$0x8], $0x80, s9, s12, $0xb8;
	v63 =	vld [tilespmem:$0x0]  }
0xc0: {  	_ =	swait.ge [sflag:s21], $0x2800  }
0xc1: {  	s7 =	sld [smem:$0x7F3]  }
0xc2: {  	[sflag:s21] =	ssyncset.done $0x0  }
0xc3: {  	[sflag:s21] =	ssyncadd.s32 $0xFFFFD800  }
0xc4: {  	[tilespmem:s13], [sflag:$0x1] =	stream.indirect.gather [hbm4b:s4+s12], $0x80, s7, s12, $0xb8;
	v63 =	vld [tilespmem:$0x0]  }
0xc5: {  	_ =	swait.ge [sflag:s22], $0x2800  }
0xc6: {  	s8 =	sld [smem:$0x7F4]  }
0xc7: {  	[sflag:s22] =	ssyncset.done $0x0  }
0xc8: {  	[sflag:s22] =	ssyncadd.s32 $0xFFFFD800  }
0xc9: {  	[tilespmem:s14], [sflag:$0x2] =	stream.indirect.gather [hbm4b:s4+s12], $0x80, s8, s12, $0xb8;
	v63 =	vld [tilespmem:$0x0]  }
0xca: {  	_ =	swait.ge [sflag:s23], $0x2800  }
0xcb: {  	s9 =	sld [smem:$0x7F5]  }
0xcc: {  	[sflag:s23] =	ssyncset.done $0x0  }
0xcd: {  	[sflag:s23] =	ssyncadd.s32 $0xFFFFD800  }
0xce: {  	[tilespmem:s15], [sflag:$0x3] =	stream.indirect.gather [hbm4b:s4+s12], $0x80, s9, s12, $0xb8;
	v63 =	vld [tilespmem:$0x0]  }
0xcf: {  	_ =	swait.ge [sflag:s24], $0x2800  }
0xd0: {  	s7 =	sld [smem:$0x7F6]  }
0xd1: {  	[sflag:s24] =	ssyncset.done $0x0  }
0xd2: {  	[sflag:s24] =	ssyncadd.s32 $0xFFFFD800  }
0xd3: {  	[tilespmem:s16], [sflag:$0x4] =	stream.indirect.gather [hbm4b:s4+s12], $0x80, s7, s12, $0xb8;
	v63 =	vld [tilespmem:$0x0]  }
0xd4: {  	_ =	swait.ge [sflag:s17], $0x2800  }
0xd5: {  	s8 =	sld [smem:$0x7F7]  }
0xd6: {  	[sflag:s17] =	ssyncset.done $0x0  }
0xd7: {  	[sflag:s17] =	ssyncadd.s32 $0xFFFFD800  }
0xd8: {  	[spmem:s2] =	stream.indirect.scatter.add.f32 [tilespmem:s13], [sflag:$0x5], $0x80, s8, s12, $0xb8;
	v63 =	vld [tilespmem:$0x0]  }
0xd9: {  	_ =	swait.ge [sflag:s18], $0x2800  }
0xda: {  	s9 =	sld [smem:$0x7F8]  }
0xdb: {  	[sflag:s18] =	ssyncset.done $0x0  }
0xdc: {  	[sflag:s18] =	ssyncadd.s32 $0xFFFFD800  }
0xdd: {  	[spmem:s2] =	stream.indirect.scatter.add.f32 [tilespmem:s14], [sflag:$0x6], $0x80, s9, s12, $0xb8;
	v63 =	vld [tilespmem:$0x0]  }
0xde: {  	_ =	swait.ge [sflag:s19], $0x2800  }
0xdf: {  	s7 =	sld [smem:$0x7F9]  }
0xe0: {  	[sflag:s19] =	ssyncset.done $0x0  }
0xe1: {  	[sflag:s19] =	ssyncadd.s32 $0xFFFFD800  }
0xe2: {  	[spmem:s2] =	stream.indirect.scatter.add.f32 [tilespmem:s15], [sflag:$0x7], $0x80, s7, s12, $0xb8;
	v63 =	vld [tilespmem:$0x0]  }
0xe3: {  	_ =	swait.ge [sflag:s20], $0x2800  }
0xe4: {  	s8 =	sld [smem:$0x7FA]  }
0xe5: {  	[sflag:s20] =	ssyncset.done $0x0  }
0xe6: {  	[sflag:s20] =	ssyncadd.s32 $0xFFFFD800  }
0xe7: {  	[spmem:s2] =	stream.indirect.scatter.add.f32 [tilespmem:s16], [sflag:$0x8], $0x80, s8, s12, $0xb8;
	v63 =	vld [tilespmem:$0x0]  }
0xe8: {  	_ =	swait.ge [sflag:s21], $0x2800  }
0xe9: {  	s9 =	sld [smem:$0x7FB]  }
0xea: {  	[sflag:s21] =	ssyncset.done $0x0  }
0xeb: {  	[sflag:s21] =	ssyncadd.s32 $0xFFFFD800  }
0xec: {  	[tilespmem:s13], [sflag:$0x1] =	stream.indirect.gather [hbm4b:s4+s12], $0x80, s9, s12, $0xb8;
	v63 =	vld [tilespmem:$0x0]  }
0xed: {  	_ =	swait.ge [sflag:s22], $0x2800  }
0xee: {  	[sflag:s22] =	ssyncset.done $0x0  }
0xef: {  	[sflag:s22] =	ssyncadd.s32 $0xFFFFD800  }
0xf0: {  	[tilespmem:s14], [sflag:$0x2] =	stream.indirect.gather [hbm4b:s4+s12], $0x80, s25, s12, $0xb8;
	v63 =	vld [tilespmem:$0x0]  }
0xf1: {  	_ =	swait.ge [sflag:s23], $0x2800  }
0xf2: {  	[sflag:s23] =	ssyncset.done $0x0  }
0xf3: {  	[sflag:s23] =	ssyncadd.s32 $0xFFFFD800  }
0xf4: {  	[tilespmem:s15], [sflag:$0x3] =	stream.indirect.gather [hbm4b:s4+s12], $0x80, s26, s12, $0xb8;
	v63 =	vld [tilespmem:$0x0]  }
0xf5: {  	_ =	swait.ge [sflag:s24], $0x2800  }
0xf6: {  	[sflag:s24] =	ssyncset.done $0x0  }
0xf7: {  	[sflag:s24] =	ssyncadd.s32 $0xFFFFD800  }
0xf8: {  	[tilespmem:s16], [sflag:$0x4] =	stream.indirect.gather [hbm4b:s4+s12], $0x80, s28, s12, $0xb8;
	v63 =	vld [tilespmem:$0x0]  }
0xf9: {  	_ =	swait.ge [sflag:s17], $0x2800  }
0xfa: {  	[sflag:s17] =	ssyncset.done $0x0  }
0xfb: {  	[sflag:s17] =	ssyncadd.s32 $0xFFFFD800  }
0xfc: {  	[spmem:s2] =	stream.indirect.scatter.add.f32 [tilespmem:s13], [sflag:$0x5], $0x80, s29, s12, $0xb8;
	v63 =	vld [tilespmem:$0x0]  }
0xfd: {  	_ =	swait.ge [sflag:s18], $0x2800  }
0xfe: {  	[sflag:s18] =	ssyncset.done $0x0  }
0xff: {  	[sflag:s18] =	ssyncadd.s32 $0xFFFFD800  }
0x100: {  	[spmem:s2] =	stream.indirect.scatter.add.f32 [tilespmem:s14], [sflag:$0x6], $0x80, s30, s12, $0xb8;
	v63 =	vld [tilespmem:$0x0]  }
0x101: {  	_ =	swait.ge [sflag:s19], $0x2800  }
0x102: {  	[sflag:s19] =	ssyncset.done $0x0  }
0x103: {  	[sflag:s19] =	ssyncadd.s32 $0xFFFFD800  }
0x104: {  	[spmem:s2] =	stream.indirect.scatter.add.f32 [tilespmem:s15], [sflag:$0x7], $0x80, s31, s12, $0xb8;
	v63 =	vld [tilespmem:$0x0]  }
0x105: {  	_ =	swait.ge [sflag:s20], $0x2800  }
0x106: {  	[sflag:s20] =	ssyncset.done $0x0  }
0x107: {  	[sflag:s20] =	ssyncadd.s32 $0xFFFFD800  }
0x108: {  	[spmem:s2] =	stream.indirect.scatter.add.f32 [tilespmem:s16], [sflag:$0x8], $0x80, s1, s12, $0xb8;
	v63 =	vld [tilespmem:$0x0]  }
0x109: {  	_ =	swait.ge [sflag:s21], $0x2800  }
0x10a: {  	[sflag:s21] =	ssyncset.done $0x0  }
0x10b: {  	[sflag:s21] =	ssyncadd.s32 $0xFFFFD800  }
0x10c: {  	[tilespmem:s13], [sflag:$0x1] =	stream.indirect.gather [hbm4b:s4+s12], $0x80, s0, s12, $0xb8;
	v63 =	vld [tilespmem:$0x0]  }
0x10d: {  	_ =	swait.ge [sflag:s17], $0x2800  }
0x10e: {  	[sflag:s17] =	ssyncset.done $0x0  }
0x10f: {  	[sflag:s17] =	ssyncadd.s32 $0xFFFFD800  }
0x110: {  	[spmem:s2] =	stream.indirect.scatter.add.f32 [tilespmem:s13], [sflag:$0x5], $0x80, s5, s12, $0xb8;
	v63 =	vld [tilespmem:$0x0]  }
0x111: {  	_ =	swait.ge [sflag:s21], $0x2800  }
0x112: {  	[sflag:s21] =	ssyncset.done $0x0  }
0x113: {  	[sflag:s21] =	ssyncadd.s32 $0xFFFFD800  }
0x114: {  	_ =	swait.ge [sflag:s22], $0x2800  }
0x115: {  	[sflag:s22] =	ssyncset.done $0x0  }
0x116: {  	[sflag:s22] =	ssyncadd.s32 $0xFFFFD800  }
0x117: {  	_ =	swait.ge [sflag:s23], $0x2800  }
0x118: {  	[sflag:s23] =	ssyncset.done $0x0  }
0x119: {  	[sflag:s23] =	ssyncadd.s32 $0xFFFFD800  }
0x11a: {  	s6 =	simm.s32 $0x400;
	_ =	swait.ge [sflag:s24], $0x2800  }
0x11b: {  	s8 =	simm.s32 $0x200;
	s9 =	rddreg [dreg:$0x4];
	[sflag:s24] =	ssyncset.done $0x0  }
.LBB2_2:
0x11c: {  	[sflag:s24] =	ssyncadd.s32 $0xFFFFD800;
	s9 =	sadd.s32 s8, s9  }
0x11d: {  	[tilespmem:s3], [sflag:$0x9] =	stream.linear.gather [hbm4b:s9+s3], $0xC80, $0x38;
	v63 =	vld [tilespmem:$0x0]  }
0x11e: {  	_ =	swait.ge [sflag:s10], $0xC80  }
0x11f: {  	s9 =	rddreg [dreg:$0x3];
	[sflag:s10] =	ssyncset.done $0x0  }
0x120: {  	[sflag:s10] =	ssyncadd.s32 $0xFFFFF380;
	s9 =	sadd.s32 s8, s9  }
0x121: {  	[tilespmem:s11], [sflag:$0x9] =	stream.linear.gather [hbm4b:s9+s3], $0xC80, $0x38;
	v63 =	vld [tilespmem:$0x0]  }
0x122: {  	_ =	swait.ge [sflag:s10], $0xC80  }
0x123: {  	[sflag:s10] =	ssyncset.done $0x0  }
0x124: {  	s7 =	smov.u32 s6;
	[sflag:s10] =	ssyncadd.s32 $0xFFFFF380  }
0x125: {  	[tilespmem:s13], [sflag:$0x1] =	stream.indirect.gather [hbm4b:s4+s12], $0x80, s3, s12, $0xb8;
	v63 =	vld [tilespmem:$0x0]  }
0x126: {  	s8 =	smov.u32 s7;
	s7 =	rddreg [dreg:$0x5]  }
0x127: {  	[tilespmem:s14], [sflag:$0x2] =	stream.indirect.gather [hbm4b:s4+s12], $0x80, s7, s12, $0xb8;
	v63 =	vld [tilespmem:$0x0]  }
0x128: {  	s9 =	rddreg [dreg:$0x6]  }
0x129: {  	[tilespmem:s15], [sflag:$0x3] =	stream.indirect.gather [hbm4b:s4+s12], $0x80, s9, s12, $0xb8;
	v63 =	vld [tilespmem:$0x0]  }
0x12a: {  	s7 =	rddreg [dreg:$0x7]  }
0x12b: {  	[tilespmem:s16], [sflag:$0x4] =	stream.indirect.gather [hbm4b:s4+s12], $0x80, s7, s12, $0xb8;
	v63 =	vld [tilespmem:$0x0]  }
0x12c: {  	_ =	swait.ge [sflag:s17], $0x2800  }
0x12d: {  	[sflag:s17] =	ssyncset.done $0x0  }
0x12e: {  	[sflag:s17] =	ssyncadd.s32 $0xFFFFD800  }
0x12f: {  	[spmem:s2] =	stream.indirect.scatter.add.f32 [tilespmem:s13], [sflag:$0x5], $0x80, s11, s12, $0xb8;
	v63 =	vld [tilespmem:$0x0]  }
0x130: {  	_ =	swait.ge [sflag:s18], $0x2800  }
0x131: {  	[sflag:s18] =	ssyncset.done $0x0  }
0x132: {  	s9 =	rddreg [dreg:$0x8];
	[sflag:s18] =	ssyncadd.s32 $0xFFFFD800  }
0x133: {  	[spmem:s2] =	stream.indirect.scatter.add.f32 [tilespmem:s14], [sflag:$0x6], $0x80, s9, s12, $0xb8;
	v63 =	vld [tilespmem:$0x0]  }
0x134: {  	_ =	swait.ge [sflag:s19], $0x2800  }
0x135: {  	[sflag:s19] =	ssyncset.done $0x0  }
0x136: {  	s9 =	rddreg [dreg:$0x9];
	[sflag:s19] =	ssyncadd.s32 $0xFFFFD800  }
0x137: {  	[spmem:s2] =	stream.indirect.scatter.add.f32 [tilespmem:s15], [sflag:$0x7], $0x80, s9, s12, $0xb8;
	v63 =	vld [tilespmem:$0x0]  }
0x138: {  	_ =	swait.ge [sflag:s20], $0x2800  }
0x139: {  	[sflag:s20] =	ssyncset.done $0x0  }
0x13a: {  	s9 =	rddreg [dreg:$0xa];
	[sflag:s20] =	ssyncadd.s32 $0xFFFFD800  }
0x13b: {  	[spmem:s2] =	stream.indirect.scatter.add.f32 [tilespmem:s16], [sflag:$0x8], $0x80, s9, s12, $0xb8;
	v63 =	vld [tilespmem:$0x0]  }
0x13c: {  	_ =	swait.ge [sflag:s21], $0x2800  }
0x13d: {  	[sflag:s21] =	ssyncset.done $0x0  }
0x13e: {  	s9 =	rddreg [dreg:$0xb];
	[sflag:s21] =	ssyncadd.s32 $0xFFFFD800  }
0x13f: {  	[tilespmem:s13], [sflag:$0x1] =	stream.indirect.gather [hbm4b:s4+s12], $0x80, s9, s12, $0xb8;
	v63 =	vld [tilespmem:$0x0]  }
0x140: {  	_ =	swait.ge [sflag:s22], $0x2800  }
0x141: {  	[sflag:s22] =	ssyncset.done $0x0  }
0x142: {  	s9 =	rddreg [dreg:$0xc];
	[sflag:s22] =	ssyncadd.s32 $0xFFFFD800  }
0x143: {  	[tilespmem:s14], [sflag:$0x2] =	stream.indirect.gather [hbm4b:s4+s12], $0x80, s9, s12, $0xb8;
	v63 =	vld [tilespmem:$0x0]  }
0x144: {  	_ =	swait.ge [sflag:s23], $0x2800  }
0x145: {  	[sflag:s23] =	ssyncset.done $0x0  }
0x146: {  	s9 =	rddreg [dreg:$0xd];
	[sflag:s23] =	ssyncadd.s32 $0xFFFFD800  }
0x147: {  	[tilespmem:s15], [sflag:$0x3] =	stream.indirect.gather [hbm4b:s4+s12], $0x80, s9, s12, $0xb8;
	v63 =	vld [tilespmem:$0x0]  }
0x148: {  	_ =	swait.ge [sflag:s24], $0x2800  }
0x149: {  	[sflag:s24] =	ssyncset.done $0x0  }
0x14a: {  	s9 =	rddreg [dreg:$0xe];
	[sflag:s24] =	ssyncadd.s32 $0xFFFFD800  }
0x14b: {  	[tilespmem:s16], [sflag:$0x4] =	stream.indirect.gather [hbm4b:s4+s12], $0x80, s9, s12, $0xb8;
	v63 =	vld [tilespmem:$0x0]  }
0x14c: {  	_ =	swait.ge [sflag:s17], $0x2800  }
0x14d: {  	[sflag:s17] =	ssyncset.done $0x0  }
0x14e: {  	s9 =	rddreg [dreg:$0xf];
	[sflag:s17] =	ssyncadd.s32 $0xFFFFD800  }
0x14f: {  	[spmem:s2] =	stream.indirect.scatter.add.f32 [tilespmem:s13], [sflag:$0x5], $0x80, s9, s12, $0xb8;
	v63 =	vld [tilespmem:$0x0]  }
0x150: {  	_ =	swait.ge [sflag:s18], $0x2800  }
0x151: {  	[sflag:s18] =	ssyncset.done $0x0  }
0x152: {  	s9 =	rddreg [dreg:$0x10];
	[sflag:s18] =	ssyncadd.s32 $0xFFFFD800  }
0x153: {  	[spmem:s2] =	stream.indirect.scatter.add.f32 [tilespmem:s14], [sflag:$0x6], $0x80, s9, s12, $0xb8;
	v63 =	vld [tilespmem:$0x0]  }
0x154: {  	_ =	swait.ge [sflag:s19], $0x2800  }
0x155: {  	[sflag:s19] =	ssyncset.done $0x0  }
0x156: {  	s9 =	rddreg [dreg:$0x11];
	[sflag:s19] =	ssyncadd.s32 $0xFFFFD800  }
0x157: {  	[spmem:s2] =	stream.indirect.scatter.add.f32 [tilespmem:s15], [sflag:$0x7], $0x80, s9, s12, $0xb8;
	v63 =	vld [tilespmem:$0x0]  }
0x158: {  	_ =	swait.ge [sflag:s20], $0x2800  }
0x159: {  	[sflag:s20] =	ssyncset.done $0x0  }
0x15a: {  	s9 =	rddreg [dreg:$0x12];
	[sflag:s20] =	ssyncadd.s32 $0xFFFFD800  }
0x15b: {  	[spmem:s2] =	stream.indirect.scatter.add.f32 [tilespmem:s16], [sflag:$0x8], $0x80, s9, s12, $0xb8;
	v63 =	vld [tilespmem:$0x0]  }
0x15c: {  	_ =	swait.ge [sflag:s21], $0x2800  }
0x15d: {  	[sflag:s21] =	ssyncset.done $0x0  }
0x15e: {  	s9 =	rddreg [dreg:$0x13];
	[sflag:s21] =	ssyncadd.s32 $0xFFFFD800  }
0x15f: {  	[tilespmem:s13], [sflag:$0x1] =	stream.indirect.gather [hbm4b:s4+s12], $0x80, s9, s12, $0xb8;
	v63 =	vld [tilespmem:$0x0]  }
0x160: {  	_ =	swait.ge [sflag:s22], $0x2800  }
0x161: {  	[sflag:s22] =	ssyncset.done $0x0  }
0x162: {  	s9 =	rddreg [dreg:$0x14];
	[sflag:s22] =	ssyncadd.s32 $0xFFFFD800  }
0x163: {  	[tilespmem:s14], [sflag:$0x2] =	stream.indirect.gather [hbm4b:s4+s12], $0x80, s9, s12, $0xb8;
	v63 =	vld [tilespmem:$0x0]  }
0x164: {  	_ =	swait.ge [sflag:s23], $0x2800  }
0x165: {  	[sflag:s23] =	ssyncset.done $0x0  }
0x166: {  	s9 =	rddreg [dreg:$0x15];
	[sflag:s23] =	ssyncadd.s32 $0xFFFFD800  }
0x167: {  	[tilespmem:s15], [sflag:$0x3] =	stream.indirect.gather [hbm4b:s4+s12], $0x80, s9, s12, $0xb8;
	v63 =	vld [tilespmem:$0x0]  }
0x168: {  	_ =	swait.ge [sflag:s24], $0x2800  }
0x169: {  	[sflag:s24] =	ssyncset.done $0x0  }
0x16a: {  	s9 =	rddreg [dreg:$0x16];
	[sflag:s24] =	ssyncadd.s32 $0xFFFFD800  }
0x16b: {  	[tilespmem:s16], [sflag:$0x4] =	stream.indirect.gather [hbm4b:s4+s12], $0x80, s9, s12, $0xb8;
	v63 =	vld [tilespmem:$0x0]  }
0x16c: {  	_ =	swait.ge [sflag:s17], $0x2800  }
0x16d: {  	[sflag:s17] =	ssyncset.done $0x0  }
0x16e: {  	s9 =	rddreg [dreg:$0x17];
	[sflag:s17] =	ssyncadd.s32 $0xFFFFD800  }
0x16f: {  	[spmem:s2] =	stream.indirect.scatter.add.f32 [tilespmem:s13], [sflag:$0x5], $0x80, s9, s12, $0xb8;
	v63 =	vld [tilespmem:$0x0]  }
0x170: {  	_ =	swait.ge [sflag:s18], $0x2800  }
0x171: {  	[sflag:s18] =	ssyncset.done $0x0  }
0x172: {  	s9 =	rddreg [dreg:$0x18];
	[sflag:s18] =	ssyncadd.s32 $0xFFFFD800  }
0x173: {  	[spmem:s2] =	stream.indirect.scatter.add.f32 [tilespmem:s14], [sflag:$0x6], $0x80, s9, s12, $0xb8;
	v63 =	vld [tilespmem:$0x0]  }
0x174: {  	_ =	swait.ge [sflag:s19], $0x2800  }
0x175: {  	[sflag:s19] =	ssyncset.done $0x0  }
0x176: {  	s9 =	rddreg [dreg:$0x19];
	[sflag:s19] =	ssyncadd.s32 $0xFFFFD800  }
0x177: {  	[spmem:s2] =	stream.indirect.scatter.add.f32 [tilespmem:s15], [sflag:$0x7], $0x80, s9, s12, $0xb8;
	v63 =	vld [tilespmem:$0x0]  }
0x178: {  	_ =	swait.ge [sflag:s20], $0x2800  }
0x179: {  	[sflag:s20] =	ssyncset.done $0x0  }
0x17a: {  	s9 =	rddreg [dreg:$0x1a];
	[sflag:s20] =	ssyncadd.s32 $0xFFFFD800  }
0x17b: {  	[spmem:s2] =	stream.indirect.scatter.add.f32 [tilespmem:s16], [sflag:$0x8], $0x80, s9, s12, $0xb8;
	v63 =	vld [tilespmem:$0x0]  }
0x17c: {  	_ =	swait.ge [sflag:s21], $0x2800  }
0x17d: {  	[sflag:s21] =	ssyncset.done $0x0  }
0x17e: {  	s9 =	rddreg [dreg:$0x1b];
	[sflag:s21] =	ssyncadd.s32 $0xFFFFD800  }
0x17f: {  	[tilespmem:s13], [sflag:$0x1] =	stream.indirect.gather [hbm4b:s4+s12], $0x80, s9, s12, $0xb8;
	v63 =	vld [tilespmem:$0x0]  }
0x180: {  	_ =	swait.ge [sflag:s22], $0x2800  }
0x181: {  	[sflag:s22] =	ssyncset.done $0x0  }
0x182: {  	s9 =	rddreg [dreg:$0x1c];
	[sflag:s22] =	ssyncadd.s32 $0xFFFFD800  }
0x183: {  	[tilespmem:s14], [sflag:$0x2] =	stream.indirect.gather [hbm4b:s4+s12], $0x80, s9, s12, $0xb8;
	v63 =	vld [tilespmem:$0x0]  }
0x184: {  	_ =	swait.ge [sflag:s23], $0x2800  }
0x185: {  	[sflag:s23] =	ssyncset.done $0x0  }
0x186: {  	s9 =	rddreg [dreg:$0x1d];
	[sflag:s23] =	ssyncadd.s32 $0xFFFFD800  }
0x187: {  	[tilespmem:s15], [sflag:$0x3] =	stream.indirect.gather [hbm4b:s4+s12], $0x80, s9, s12, $0xb8;
	v63 =	vld [tilespmem:$0x0]  }
0x188: {  	_ =	swait.ge [sflag:s24], $0x2800  }
0x189: {  	[sflag:s24] =	ssyncset.done $0x0  }
0x18a: {  	s9 =	rddreg [dreg:$0x1e];
	[sflag:s24] =	ssyncadd.s32 $0xFFFFD800  }
0x18b: {  	[tilespmem:s16], [sflag:$0x4] =	stream.indirect.gather [hbm4b:s4+s12], $0x80, s9, s12, $0xb8;
	v63 =	vld [tilespmem:$0x0]  }
0x18c: {  	_ =	swait.ge [sflag:s17], $0x2800  }
0x18d: {  	[sflag:s17] =	ssyncset.done $0x0  }
0x18e: {  	s9 =	rddreg [dreg:$0x1f];
	[sflag:s17] =	ssyncadd.s32 $0xFFFFD800  }
0x18f: {  	[spmem:s2] =	stream.indirect.scatter.add.f32 [tilespmem:s13], [sflag:$0x5], $0x80, s9, s12, $0xb8;
	v63 =	vld [tilespmem:$0x0]  }
0x190: {  	_ =	swait.ge [sflag:s18], $0x2800  }
0x191: {  	s9 =	sld [smem:$0x7F0]  }
0x192: {  	[sflag:s18] =	ssyncset.done $0x0  }
0x193: {  	[sflag:s18] =	ssyncadd.s32 $0xFFFFD800  }
0x194: {  	[spmem:s2] =	stream.indirect.scatter.add.f32 [tilespmem:s14], [sflag:$0x6], $0x80, s9, s12, $0xb8;
	v63 =	vld [tilespmem:$0x0]  }
0x195: {  	_ =	swait.ge [sflag:s19], $0x2800  }
0x196: {  	s9 =	sld [smem:$0x7F1]  }
0x197: {  	[sflag:s19] =	ssyncset.done $0x0  }
0x198: {  	[sflag:s19] =	ssyncadd.s32 $0xFFFFD800  }
0x199: {  	[spmem:s2] =	stream.indirect.scatter.add.f32 [tilespmem:s15], [sflag:$0x7], $0x80, s9, s12, $0xb8;
	v63 =	vld [tilespmem:$0x0]  }
0x19a: {  	_ =	swait.ge [sflag:s20], $0x2800  }
0x19b: {  	s9 =	sld [smem:$0x7F2]  }
0x19c: {  	[sflag:s20] =	ssyncset.done $0x0  }
0x19d: {  	[sflag:s20] =	ssyncadd.s32 $0xFFFFD800  }
0x19e: {  	[spmem:s2] =	stream.indirect.scatter.add.f32 [tilespmem:s16], [sflag:$0x8], $0x80, s9, s12, $0xb8;
	v63 =	vld [tilespmem:$0x0]  }
0x19f: {  	_ =	swait.ge [sflag:s21], $0x2800  }
0x1a0: {  	s9 =	sld [smem:$0x7F3]  }
0x1a1: {  	[sflag:s21] =	ssyncset.done $0x0  }
0x1a2: {  	[sflag:s21] =	ssyncadd.s32 $0xFFFFD800  }
0x1a3: {  	[tilespmem:s13], [sflag:$0x1] =	stream.indirect.gather [hbm4b:s4+s12], $0x80, s9, s12, $0xb8;
	v63 =	vld [tilespmem:$0x0]  }
0x1a4: {  	_ =	swait.ge [sflag:s22], $0x2800  }
0x1a5: {  	s9 =	sld [smem:$0x7F4]  }
0x1a6: {  	[sflag:s22] =	ssyncset.done $0x0  }
0x1a7: {  	[sflag:s22] =	ssyncadd.s32 $0xFFFFD800  }
0x1a8: {  	[tilespmem:s14], [sflag:$0x2] =	stream.indirect.gather [hbm4b:s4+s12], $0x80, s9, s12, $0xb8;
	v63 =	vld [tilespmem:$0x0]  }
0x1a9: {  	_ =	swait.ge [sflag:s23], $0x2800  }
0x1aa: {  	s9 =	sld [smem:$0x7F5]  }
0x1ab: {  	[sflag:s23] =	ssyncset.done $0x0  }
0x1ac: {  	[sflag:s23] =	ssyncadd.s32 $0xFFFFD800  }
0x1ad: {  	[tilespmem:s15], [sflag:$0x3] =	stream.indirect.gather [hbm4b:s4+s12], $0x80, s9, s12, $0xb8;
	v63 =	vld [tilespmem:$0x0]  }
0x1ae: {  	_ =	swait.ge [sflag:s24], $0x2800  }
0x1af: {  	s9 =	sld [smem:$0x7F6]  }
0x1b0: {  	[sflag:s24] =	ssyncset.done $0x0  }
0x1b1: {  	[sflag:s24] =	ssyncadd.s32 $0xFFFFD800  }
0x1b2: {  	[tilespmem:s16], [sflag:$0x4] =	stream.indirect.gather [hbm4b:s4+s12], $0x80, s9, s12, $0xb8;
	v63 =	vld [tilespmem:$0x0]  }
0x1b3: {  	_ =	swait.ge [sflag:s17], $0x2800  }
0x1b4: {  	s9 =	sld [smem:$0x7F7]  }
0x1b5: {  	[sflag:s17] =	ssyncset.done $0x0  }
0x1b6: {  	[sflag:s17] =	ssyncadd.s32 $0xFFFFD800  }
0x1b7: {  	[spmem:s2] =	stream.indirect.scatter.add.f32 [tilespmem:s13], [sflag:$0x5], $0x80, s9, s12, $0xb8;
	v63 =	vld [tilespmem:$0x0]  }
0x1b8: {  	_ =	swait.ge [sflag:s18], $0x2800  }
0x1b9: {  	s9 =	sld [smem:$0x7F8]  }
0x1ba: {  	[sflag:s18] =	ssyncset.done $0x0  }
0x1bb: {  	[sflag:s18] =	ssyncadd.s32 $0xFFFFD800  }
0x1bc: {  	[spmem:s2] =	stream.indirect.scatter.add.f32 [tilespmem:s14], [sflag:$0x6], $0x80, s9, s12, $0xb8;
	v63 =	vld [tilespmem:$0x0]  }
0x1bd: {  	_ =	swait.ge [sflag:s19], $0x2800  }
0x1be: {  	s9 =	sld [smem:$0x7F9]  }
0x1bf: {  	[sflag:s19] =	ssyncset.done $0x0  }
0x1c0: {  	[sflag:s19] =	ssyncadd.s32 $0xFFFFD800  }
0x1c1: {  	[spmem:s2] =	stream.indirect.scatter.add.f32 [tilespmem:s15], [sflag:$0x7], $0x80, s9, s12, $0xb8;
	v63 =	vld [tilespmem:$0x0]  }
0x1c2: {  	_ =	swait.ge [sflag:s20], $0x2800  }
0x1c3: {  	s9 =	sld [smem:$0x7FA]  }
0x1c4: {  	[sflag:s20] =	ssyncset.done $0x0  }
0x1c5: {  	[sflag:s20] =	ssyncadd.s32 $0xFFFFD800  }
0x1c6: {  	[spmem:s2] =	stream.indirect.scatter.add.f32 [tilespmem:s16], [sflag:$0x8], $0x80, s9, s12, $0xb8;
	v63 =	vld [tilespmem:$0x0]  }
0x1c7: {  	_ =	swait.ge [sflag:s21], $0x2800  }
0x1c8: {  	s9 =	sld [smem:$0x7FB]  }
0x1c9: {  	[sflag:s21] =	ssyncset.done $0x0  }
0x1ca: {  	[sflag:s21] =	ssyncadd.s32 $0xFFFFD800  }
0x1cb: {  	[tilespmem:s13], [sflag:$0x1] =	stream.indirect.gather [hbm4b:s4+s12], $0x80, s9, s12, $0xb8;
	v63 =	vld [tilespmem:$0x0]  }
0x1cc: {  	_ =	swait.ge [sflag:s22], $0x2800  }
0x1cd: {  	[sflag:s22] =	ssyncset.done $0x0  }
0x1ce: {  	[sflag:s22] =	ssyncadd.s32 $0xFFFFD800  }
0x1cf: {  	[tilespmem:s14], [sflag:$0x2] =	stream.indirect.gather [hbm4b:s4+s12], $0x80, s25, s12, $0xb8;
	v63 =	vld [tilespmem:$0x0]  }
0x1d0: {  	_ =	swait.ge [sflag:s23], $0x2800  }
0x1d1: {  	[sflag:s23] =	ssyncset.done $0x0  }
0x1d2: {  	[sflag:s23] =	ssyncadd.s32 $0xFFFFD800  }
0x1d3: {  	[tilespmem:s15], [sflag:$0x3] =	stream.indirect.gather [hbm4b:s4+s12], $0x80, s26, s12, $0xb8;
	v63 =	vld [tilespmem:$0x0]  }
0x1d4: {  	_ =	swait.ge [sflag:s24], $0x2800  }
0x1d5: {  	[sflag:s24] =	ssyncset.done $0x0  }
0x1d6: {  	[sflag:s24] =	ssyncadd.s32 $0xFFFFD800  }
0x1d7: {  	[tilespmem:s16], [sflag:$0x4] =	stream.indirect.gather [hbm4b:s4+s12], $0x80, s28, s12, $0xb8;
	v63 =	vld [tilespmem:$0x0]  }
0x1d8: {  	_ =	swait.ge [sflag:s17], $0x2800  }
0x1d9: {  	[sflag:s17] =	ssyncset.done $0x0  }
0x1da: {  	[sflag:s17] =	ssyncadd.s32 $0xFFFFD800  }
0x1db: {  	[spmem:s2] =	stream.indirect.scatter.add.f32 [tilespmem:s13], [sflag:$0x5], $0x80, s29, s12, $0xb8;
	v63 =	vld [tilespmem:$0x0]  }
0x1dc: {  	_ =	swait.ge [sflag:s18], $0x2800  }
0x1dd: {  	[sflag:s18] =	ssyncset.done $0x0  }
0x1de: {  	[sflag:s18] =	ssyncadd.s32 $0xFFFFD800  }
0x1df: {  	[spmem:s2] =	stream.indirect.scatter.add.f32 [tilespmem:s14], [sflag:$0x6], $0x80, s30, s12, $0xb8;
	v63 =	vld [tilespmem:$0x0]  }
0x1e0: {  	_ =	swait.ge [sflag:s19], $0x2800  }
0x1e1: {  	[sflag:s19] =	ssyncset.done $0x0  }
0x1e2: {  	[sflag:s19] =	ssyncadd.s32 $0xFFFFD800  }
0x1e3: {  	[spmem:s2] =	stream.indirect.scatter.add.f32 [tilespmem:s15], [sflag:$0x7], $0x80, s31, s12, $0xb8;
	v63 =	vld [tilespmem:$0x0]  }
0x1e4: {  	_ =	swait.ge [sflag:s20], $0x2800  }
0x1e5: {  	[sflag:s20] =	ssyncset.done $0x0  }
0x1e6: {  	[sflag:s20] =	ssyncadd.s32 $0xFFFFD800  }
0x1e7: {  	[spmem:s2] =	stream.indirect.scatter.add.f32 [tilespmem:s16], [sflag:$0x8], $0x80, s1, s12, $0xb8;
	v63 =	vld [tilespmem:$0x0]  }
0x1e8: {  	_ =	swait.ge [sflag:s21], $0x2800  }
0x1e9: {  	[sflag:s21] =	ssyncset.done $0x0  }
0x1ea: {  	[sflag:s21] =	ssyncadd.s32 $0xFFFFD800  }
0x1eb: {  	[tilespmem:s13], [sflag:$0x1] =	stream.indirect.gather [hbm4b:s4+s12], $0x80, s0, s12, $0xb8;
	v63 =	vld [tilespmem:$0x0]  }
0x1ec: {  	_ =	swait.ge [sflag:s17], $0x2800  }
0x1ed: {  	[sflag:s17] =	ssyncset.done $0x0  }
0x1ee: {  	[sflag:s17] =	ssyncadd.s32 $0xFFFFD800  }
0x1ef: {  	[spmem:s2] =	stream.indirect.scatter.add.f32 [tilespmem:s13], [sflag:$0x5], $0x80, s5, s12, $0xb8;
	v63 =	vld [tilespmem:$0x0]  }
0x1f0: {  	_ =	swait.ge [sflag:s21], $0x2800  }
0x1f1: {  	[sflag:s21] =	ssyncset.done $0x0  }
0x1f2: {  	[sflag:s21] =	ssyncadd.s32 $0xFFFFD800  }
0x1f3: {  	_ =	swait.ge [sflag:s22], $0x2800  }
0x1f4: {  	[sflag:s22] =	ssyncset.done $0x0  }
0x1f5: {  	p0 =	sne.s32 s6, $0x800;
	[sflag:s22] =	ssyncadd.s32 $0xFFFFD800  }
.Ltmp0:
0x1f6: {  	_ =	swait.ge [sflag:s23], $0x2800;
	(pc) =	sbr.rel @p0 .LBB2_2-.Ltmp0, $4  }
0x1f7: {  	[sflag:s23] =	ssyncset.done $0x0  }
0x1f8: {  	[sflag:s23] =	ssyncadd.s32 $0xFFFFD800  }
0x1f9: {  	_ =	swait.ge [sflag:s24], $0x2800  }
0x1fa: {  	s6 =	sadd.s32 $0x200, s6;
	s9 =	rddreg [dreg:$0x4];
	[sflag:s24] =	ssyncset.done $0x0  }
0x1fb: {  	[sflag:s24] =	ssyncadd.s32 $0xFFFFD800;
	s6 =	sadd.s32 s8, s9  }
0x1fc: {  	[tilespmem:s3], [sflag:$0x9] =	stream.linear.gather [hbm4b:s6+s3], $0xC80, $0x38;
	v63 =	vld [tilespmem:$0x0]  }
0x1fd: {  	_ =	swait.ge [sflag:s10], $0xC80  }
0x1fe: {  	s7 =	rddreg [dreg:$0x3];
	[sflag:s10] =	ssyncset.done $0x0  }
0x1ff: {  	[sflag:s10] =	ssyncadd.s32 $0xFFFFF380;
	s6 =	sadd.s32 s8, s7  }
0x200: {  	[tilespmem:s11], [sflag:$0x9] =	stream.linear.gather [hbm4b:s6+s3], $0xC80, $0x38;
	v63 =	vld [tilespmem:$0x0]  }
0x201: {  	_ =	swait.ge [sflag:s10], $0xC80  }
0x202: {  	[sflag:s10] =	ssyncset.done $0x0  }
0x203: {  	[sflag:s10] =	ssyncadd.s32 $0xFFFFF380  }
0x204: {  	[tilespmem:s13], [sflag:$0x1] =	stream.indirect.gather [hbm4b:s4+s12], $0x80, s3, s12, $0xb8;
	v63 =	vld [tilespmem:$0x0]  }
0x205: {  	s9 =	rddreg [dreg:$0x5]  }
0x206: {  	[tilespmem:s14], [sflag:$0x2] =	stream.indirect.gather [hbm4b:s4+s12], $0x80, s9, s12, $0xb8;
	v63 =	vld [tilespmem:$0x0]  }
0x207: {  	s7 =	rddreg [dreg:$0x6]  }
0x208: {  	[tilespmem:s15], [sflag:$0x3] =	stream.indirect.gather [hbm4b:s4+s12], $0x80, s7, s12, $0xb8;
	v63 =	vld [tilespmem:$0x0]  }
0x209: {  	s8 =	rddreg [dreg:$0x7]  }
0x20a: {  	[tilespmem:s16], [sflag:$0x4] =	stream.indirect.gather [hbm4b:s4+s12], $0x80, s8, s12, $0xb8;
	v63 =	vld [tilespmem:$0x0]  }
0x20b: {  	_ =	swait.ge [sflag:s17], $0x2800  }
0x20c: {  	[sflag:s17] =	ssyncset.done $0x0  }
0x20d: {  	[sflag:s17] =	ssyncadd.s32 $0xFFFFD800  }
0x20e: {  	[spmem:s2] =	stream.indirect.scatter.add.f32 [tilespmem:s13], [sflag:$0x5], $0x80, s11, s12, $0xb8;
	v63 =	vld [tilespmem:$0x0]  }
0x20f: {  	_ =	swait.ge [sflag:s18], $0x2800  }
0x210: {  	[sflag:s18] =	ssyncset.done $0x0  }
0x211: {  	s9 =	rddreg [dreg:$0x8];
	[sflag:s18] =	ssyncadd.s32 $0xFFFFD800  }
0x212: {  	[spmem:s2] =	stream.indirect.scatter.add.f32 [tilespmem:s14], [sflag:$0x6], $0x80, s9, s12, $0xb8;
	v63 =	vld [tilespmem:$0x0]  }
0x213: {  	_ =	swait.ge [sflag:s19], $0x2800  }
0x214: {  	[sflag:s19] =	ssyncset.done $0x0  }
0x215: {  	s7 =	rddreg [dreg:$0x9];
	[sflag:s19] =	ssyncadd.s32 $0xFFFFD800  }
0x216: {  	[spmem:s2] =	stream.indirect.scatter.add.f32 [tilespmem:s15], [sflag:$0x7], $0x80, s7, s12, $0xb8;
	v63 =	vld [tilespmem:$0x0]  }
0x217: {  	_ =	swait.ge [sflag:s20], $0x2800  }
0x218: {  	[sflag:s20] =	ssyncset.done $0x0  }
0x219: {  	s8 =	rddreg [dreg:$0xa];
	[sflag:s20] =	ssyncadd.s32 $0xFFFFD800  }
0x21a: {  	[spmem:s2] =	stream.indirect.scatter.add.f32 [tilespmem:s16], [sflag:$0x8], $0x80, s8, s12, $0xb8;
	v63 =	vld [tilespmem:$0x0]  }
0x21b: {  	_ =	swait.ge [sflag:s21], $0x2800  }
0x21c: {  	[sflag:s21] =	ssyncset.done $0x0  }
0x21d: {  	s9 =	rddreg [dreg:$0xb];
	[sflag:s21] =	ssyncadd.s32 $0xFFFFD800  }
0x21e: {  	[tilespmem:s13], [sflag:$0x1] =	stream.indirect.gather [hbm4b:s4+s12], $0x80, s9, s12, $0xb8;
	v63 =	vld [tilespmem:$0x0]  }
0x21f: {  	_ =	swait.ge [sflag:s22], $0x2800  }
0x220: {  	[sflag:s22] =	ssyncset.done $0x0  }
0x221: {  	s7 =	rddreg [dreg:$0xc];
	[sflag:s22] =	ssyncadd.s32 $0xFFFFD800  }
0x222: {  	[tilespmem:s14], [sflag:$0x2] =	stream.indirect.gather [hbm4b:s4+s12], $0x80, s7, s12, $0xb8;
	v63 =	vld [tilespmem:$0x0]  }
0x223: {  	_ =	swait.ge [sflag:s23], $0x2800  }
0x224: {  	[sflag:s23] =	ssyncset.done $0x0  }
0x225: {  	s8 =	rddreg [dreg:$0xd];
	[sflag:s23] =	ssyncadd.s32 $0xFFFFD800  }
0x226: {  	[tilespmem:s15], [sflag:$0x3] =	stream.indirect.gather [hbm4b:s4+s12], $0x80, s8, s12, $0xb8;
	v63 =	vld [tilespmem:$0x0]  }
0x227: {  	_ =	swait.ge [sflag:s24], $0x2800  }
0x228: {  	[sflag:s24] =	ssyncset.done $0x0  }
0x229: {  	s9 =	rddreg [dreg:$0xe];
	[sflag:s24] =	ssyncadd.s32 $0xFFFFD800  }
0x22a: {  	[tilespmem:s16], [sflag:$0x4] =	stream.indirect.gather [hbm4b:s4+s12], $0x80, s9, s12, $0xb8;
	v63 =	vld [tilespmem:$0x0]  }
0x22b: {  	_ =	swait.ge [sflag:s17], $0x2800  }
0x22c: {  	[sflag:s17] =	ssyncset.done $0x0  }
0x22d: {  	s7 =	rddreg [dreg:$0xf];
	[sflag:s17] =	ssyncadd.s32 $0xFFFFD800  }
0x22e: {  	[spmem:s2] =	stream.indirect.scatter.add.f32 [tilespmem:s13], [sflag:$0x5], $0x80, s7, s12, $0xb8;
	v63 =	vld [tilespmem:$0x0]  }
0x22f: {  	_ =	swait.ge [sflag:s18], $0x2800  }
0x230: {  	[sflag:s18] =	ssyncset.done $0x0  }
0x231: {  	s8 =	rddreg [dreg:$0x10];
	[sflag:s18] =	ssyncadd.s32 $0xFFFFD800  }
0x232: {  	[spmem:s2] =	stream.indirect.scatter.add.f32 [tilespmem:s14], [sflag:$0x6], $0x80, s8, s12, $0xb8;
	v63 =	vld [tilespmem:$0x0]  }
0x233: {  	_ =	swait.ge [sflag:s19], $0x2800  }
0x234: {  	[sflag:s19] =	ssyncset.done $0x0  }
0x235: {  	s9 =	rddreg [dreg:$0x11];
	[sflag:s19] =	ssyncadd.s32 $0xFFFFD800  }
0x236: {  	[spmem:s2] =	stream.indirect.scatter.add.f32 [tilespmem:s15], [sflag:$0x7], $0x80, s9, s12, $0xb8;
	v63 =	vld [tilespmem:$0x0]  }
0x237: {  	_ =	swait.ge [sflag:s20], $0x2800  }
0x238: {  	[sflag:s20] =	ssyncset.done $0x0  }
0x239: {  	s7 =	rddreg [dreg:$0x12];
	[sflag:s20] =	ssyncadd.s32 $0xFFFFD800  }
0x23a: {  	[spmem:s2] =	stream.indirect.scatter.add.f32 [tilespmem:s16], [sflag:$0x8], $0x80, s7, s12, $0xb8;
	v63 =	vld [tilespmem:$0x0]  }
0x23b: {  	_ =	swait.ge [sflag:s21], $0x2800  }
0x23c: {  	[sflag:s21] =	ssyncset.done $0x0  }
0x23d: {  	s8 =	rddreg [dreg:$0x13];
	[sflag:s21] =	ssyncadd.s32 $0xFFFFD800  }
0x23e: {  	[tilespmem:s13], [sflag:$0x1] =	stream.indirect.gather [hbm4b:s4+s12], $0x80, s8, s12, $0xb8;
	v63 =	vld [tilespmem:$0x0]  }
0x23f: {  	_ =	swait.ge [sflag:s22], $0x2800  }
0x240: {  	[sflag:s22] =	ssyncset.done $0x0  }
0x241: {  	s9 =	rddreg [dreg:$0x14];
	[sflag:s22] =	ssyncadd.s32 $0xFFFFD800  }
0x242: {  	[tilespmem:s14], [sflag:$0x2] =	stream.indirect.gather [hbm4b:s4+s12], $0x80, s9, s12, $0xb8;
	v63 =	vld [tilespmem:$0x0]  }
0x243: {  	_ =	swait.ge [sflag:s23], $0x2800  }
0x244: {  	[sflag:s23] =	ssyncset.done $0x0  }
0x245: {  	s7 =	rddreg [dreg:$0x15];
	[sflag:s23] =	ssyncadd.s32 $0xFFFFD800  }
0x246: {  	[tilespmem:s15], [sflag:$0x3] =	stream.indirect.gather [hbm4b:s4+s12], $0x80, s7, s12, $0xb8;
	v63 =	vld [tilespmem:$0x0]  }
0x247: {  	_ =	swait.ge [sflag:s24], $0x2800  }
0x248: {  	[sflag:s24] =	ssyncset.done $0x0  }
0x249: {  	s8 =	rddreg [dreg:$0x16];
	[sflag:s24] =	ssyncadd.s32 $0xFFFFD800  }
0x24a: {  	[tilespmem:s16], [sflag:$0x4] =	stream.indirect.gather [hbm4b:s4+s12], $0x80, s8, s12, $0xb8;
	v63 =	vld [tilespmem:$0x0]  }
0x24b: {  	_ =	swait.ge [sflag:s17], $0x2800  }
0x24c: {  	[sflag:s17] =	ssyncset.done $0x0  }
0x24d: {  	s9 =	rddreg [dreg:$0x17];
	[sflag:s17] =	ssyncadd.s32 $0xFFFFD800  }
0x24e: {  	[spmem:s2] =	stream.indirect.scatter.add.f32 [tilespmem:s13], [sflag:$0x5], $0x80, s9, s12, $0xb8;
	v63 =	vld [tilespmem:$0x0]  }
0x24f: {  	_ =	swait.ge [sflag:s18], $0x2800  }
0x250: {  	[sflag:s18] =	ssyncset.done $0x0  }
0x251: {  	s7 =	rddreg [dreg:$0x18];
	[sflag:s18] =	ssyncadd.s32 $0xFFFFD800  }
0x252: {  	[spmem:s2] =	stream.indirect.scatter.add.f32 [tilespmem:s14], [sflag:$0x6], $0x80, s7, s12, $0xb8;
	v63 =	vld [tilespmem:$0x0]  }
0x253: {  	_ =	swait.ge [sflag:s19], $0x2800  }
0x254: {  	[sflag:s19] =	ssyncset.done $0x0  }
0x255: {  	s8 =	rddreg [dreg:$0x19];
	[sflag:s19] =	ssyncadd.s32 $0xFFFFD800  }
0x256: {  	[spmem:s2] =	stream.indirect.scatter.add.f32 [tilespmem:s15], [sflag:$0x7], $0x80, s8, s12, $0xb8;
	v63 =	vld [tilespmem:$0x0]  }
0x257: {  	_ =	swait.ge [sflag:s20], $0x2800  }
0x258: {  	[sflag:s20] =	ssyncset.done $0x0  }
0x259: {  	s9 =	rddreg [dreg:$0x1a];
	[sflag:s20] =	ssyncadd.s32 $0xFFFFD800  }
0x25a: {  	[spmem:s2] =	stream.indirect.scatter.add.f32 [tilespmem:s16], [sflag:$0x8], $0x80, s9, s12, $0xb8;
	v63 =	vld [tilespmem:$0x0]  }
0x25b: {  	_ =	swait.ge [sflag:s21], $0x2800  }
0x25c: {  	[sflag:s21] =	ssyncset.done $0x0  }
0x25d: {  	s7 =	rddreg [dreg:$0x1b];
	[sflag:s21] =	ssyncadd.s32 $0xFFFFD800  }
0x25e: {  	[tilespmem:s13], [sflag:$0x1] =	stream.indirect.gather [hbm4b:s4+s12], $0x80, s7, s12, $0xb8;
	v63 =	vld [tilespmem:$0x0]  }
0x25f: {  	_ =	swait.ge [sflag:s22], $0x2800  }
0x260: {  	[sflag:s22] =	ssyncset.done $0x0  }
0x261: {  	s8 =	rddreg [dreg:$0x1c];
	[sflag:s22] =	ssyncadd.s32 $0xFFFFD800  }
0x262: {  	[tilespmem:s14], [sflag:$0x2] =	stream.indirect.gather [hbm4b:s4+s12], $0x80, s8, s12, $0xb8;
	v63 =	vld [tilespmem:$0x0]  }
0x263: {  	_ =	swait.ge [sflag:s23], $0x2800  }
0x264: {  	[sflag:s23] =	ssyncset.done $0x0  }
0x265: {  	s9 =	rddreg [dreg:$0x1d];
	[sflag:s23] =	ssyncadd.s32 $0xFFFFD800  }
0x266: {  	[tilespmem:s15], [sflag:$0x3] =	stream.indirect.gather [hbm4b:s4+s12], $0x80, s9, s12, $0xb8;
	v63 =	vld [tilespmem:$0x0]  }
0x267: {  	_ =	swait.ge [sflag:s24], $0x2800  }
0x268: {  	[sflag:s24] =	ssyncset.done $0x0  }
0x269: {  	s7 =	rddreg [dreg:$0x1e];
	[sflag:s24] =	ssyncadd.s32 $0xFFFFD800  }
0x26a: {  	[tilespmem:s16], [sflag:$0x4] =	stream.indirect.gather [hbm4b:s4+s12], $0x80, s7, s12, $0xb8;
	v63 =	vld [tilespmem:$0x0]  }
0x26b: {  	_ =	swait.ge [sflag:s17], $0x2800  }
0x26c: {  	[sflag:s17] =	ssyncset.done $0x0  }
0x26d: {  	s8 =	rddreg [dreg:$0x1f];
	[sflag:s17] =	ssyncadd.s32 $0xFFFFD800  }
0x26e: {  	[spmem:s2] =	stream.indirect.scatter.add.f32 [tilespmem:s13], [sflag:$0x5], $0x80, s8, s12, $0xb8;
	v63 =	vld [tilespmem:$0x0]  }
0x26f: {  	_ =	swait.ge [sflag:s18], $0x2800  }
0x270: {  	s9 =	sld [smem:$0x7F0]  }
0x271: {  	[sflag:s18] =	ssyncset.done $0x0  }
0x272: {  	[sflag:s18] =	ssyncadd.s32 $0xFFFFD800  }
0x273: {  	[spmem:s2] =	stream.indirect.scatter.add.f32 [tilespmem:s14], [sflag:$0x6], $0x80, s9, s12, $0xb8;
	v63 =	vld [tilespmem:$0x0]  }
0x274: {  	_ =	swait.ge [sflag:s19], $0x2800  }
0x275: {  	s7 =	sld [smem:$0x7F1]  }
0x276: {  	[sflag:s19] =	ssyncset.done $0x0  }
0x277: {  	[sflag:s19] =	ssyncadd.s32 $0xFFFFD800  }
0x278: {  	[spmem:s2] =	stream.indirect.scatter.add.f32 [tilespmem:s15], [sflag:$0x7], $0x80, s7, s12, $0xb8;
	v63 =	vld [tilespmem:$0x0]  }
0x279: {  	_ =	swait.ge [sflag:s20], $0x2800  }
0x27a: {  	s8 =	sld [smem:$0x7F2]  }
0x27b: {  	[sflag:s20] =	ssyncset.done $0x0  }
0x27c: {  	[sflag:s20] =	ssyncadd.s32 $0xFFFFD800  }
0x27d: {  	[spmem:s2] =	stream.indirect.scatter.add.f32 [tilespmem:s16], [sflag:$0x8], $0x80, s8, s12, $0xb8;
	v63 =	vld [tilespmem:$0x0]  }
0x27e: {  	_ =	swait.ge [sflag:s21], $0x2800  }
0x27f: {  	s9 =	sld [smem:$0x7F3]  }
0x280: {  	[sflag:s21] =	ssyncset.done $0x0  }
0x281: {  	[sflag:s21] =	ssyncadd.s32 $0xFFFFD800  }
0x282: {  	[tilespmem:s13], [sflag:$0x1] =	stream.indirect.gather [hbm4b:s4+s12], $0x80, s9, s12, $0xb8;
	v63 =	vld [tilespmem:$0x0]  }
0x283: {  	_ =	swait.ge [sflag:s22], $0x2800  }
0x284: {  	s7 =	sld [smem:$0x7F4]  }
0x285: {  	[sflag:s22] =	ssyncset.done $0x0  }
0x286: {  	[sflag:s22] =	ssyncadd.s32 $0xFFFFD800  }
0x287: {  	[tilespmem:s14], [sflag:$0x2] =	stream.indirect.gather [hbm4b:s4+s12], $0x80, s7, s12, $0xb8;
	v63 =	vld [tilespmem:$0x0]  }
0x288: {  	_ =	swait.ge [sflag:s23], $0x2800  }
0x289: {  	s8 =	sld [smem:$0x7F5]  }
0x28a: {  	[sflag:s23] =	ssyncset.done $0x0  }
0x28b: {  	[sflag:s23] =	ssyncadd.s32 $0xFFFFD800  }
0x28c: {  	[tilespmem:s15], [sflag:$0x3] =	stream.indirect.gather [hbm4b:s4+s12], $0x80, s8, s12, $0xb8;
	v63 =	vld [tilespmem:$0x0]  }
0x28d: {  	_ =	swait.ge [sflag:s24], $0x2800  }
0x28e: {  	s9 =	sld [smem:$0x7F6]  }
0x28f: {  	[sflag:s24] =	ssyncset.done $0x0  }
0x290: {  	[sflag:s24] =	ssyncadd.s32 $0xFFFFD800  }
0x291: {  	[tilespmem:s16], [sflag:$0x4] =	stream.indirect.gather [hbm4b:s4+s12], $0x80, s9, s12, $0xb8;
	v63 =	vld [tilespmem:$0x0]  }
0x292: {  	_ =	swait.ge [sflag:s17], $0x2800  }
0x293: {  	s7 =	sld [smem:$0x7F7]  }
0x294: {  	[sflag:s17] =	ssyncset.done $0x0  }
0x295: {  	[sflag:s17] =	ssyncadd.s32 $0xFFFFD800  }
0x296: {  	[spmem:s2] =	stream.indirect.scatter.add.f32 [tilespmem:s13], [sflag:$0x5], $0x80, s7, s12, $0xb8;
	v63 =	vld [tilespmem:$0x0]  }
0x297: {  	_ =	swait.ge [sflag:s18], $0x2800  }
0x298: {  	s8 =	sld [smem:$0x7F8]  }
0x299: {  	[sflag:s18] =	ssyncset.done $0x0  }
0x29a: {  	[sflag:s18] =	ssyncadd.s32 $0xFFFFD800  }
0x29b: {  	[spmem:s2] =	stream.indirect.scatter.add.f32 [tilespmem:s14], [sflag:$0x6], $0x80, s8, s12, $0xb8;
	v63 =	vld [tilespmem:$0x0]  }
0x29c: {  	_ =	swait.ge [sflag:s19], $0x2800  }
0x29d: {  	s9 =	sld [smem:$0x7F9]  }
0x29e: {  	[sflag:s19] =	ssyncset.done $0x0  }
0x29f: {  	[sflag:s19] =	ssyncadd.s32 $0xFFFFD800  }
0x2a0: {  	[spmem:s2] =	stream.indirect.scatter.add.f32 [tilespmem:s15], [sflag:$0x7], $0x80, s9, s12, $0xb8;
	v63 =	vld [tilespmem:$0x0]  }
0x2a1: {  	_ =	swait.ge [sflag:s20], $0x2800  }
0x2a2: {  	s7 =	sld [smem:$0x7FA]  }
0x2a3: {  	[sflag:s20] =	ssyncset.done $0x0  }
0x2a4: {  	[sflag:s20] =	ssyncadd.s32 $0xFFFFD800  }
0x2a5: {  	[spmem:s2] =	stream.indirect.scatter.add.f32 [tilespmem:s16], [sflag:$0x8], $0x80, s7, s12, $0xb8;
	v63 =	vld [tilespmem:$0x0]  }
0x2a6: {  	_ =	swait.ge [sflag:s21], $0x2800  }
0x2a7: {  	s8 =	sld [smem:$0x7FB]  }
0x2a8: {  	[sflag:s21] =	ssyncset.done $0x0  }
0x2a9: {  	[sflag:s21] =	ssyncadd.s32 $0xFFFFD800  }
0x2aa: {  	[tilespmem:s13], [sflag:$0x1] =	stream.indirect.gather [hbm4b:s4+s12], $0x80, s8, s12, $0xb8;
	v63 =	vld [tilespmem:$0x0]  }
0x2ab: {  	_ =	swait.ge [sflag:s22], $0x2800  }
0x2ac: {  	[sflag:s22] =	ssyncset.done $0x0  }
0x2ad: {  	[sflag:s22] =	ssyncadd.s32 $0xFFFFD800  }
0x2ae: {  	[tilespmem:s14], [sflag:$0x2] =	stream.indirect.gather [hbm4b:s4+s12], $0x80, s25, s12, $0xb8;
	v63 =	vld [tilespmem:$0x0]  }
0x2af: {  	_ =	swait.ge [sflag:s23], $0x2800  }
0x2b0: {  	[sflag:s23] =	ssyncset.done $0x0  }
0x2b1: {  	[sflag:s23] =	ssyncadd.s32 $0xFFFFD800  }
0x2b2: {  	[tilespmem:s15], [sflag:$0x3] =	stream.indirect.gather [hbm4b:s4+s12], $0x80, s26, s12, $0xb8;
	v63 =	vld [tilespmem:$0x0]  }
0x2b3: {  	_ =	swait.ge [sflag:s24], $0x2800  }
0x2b4: {  	[sflag:s24] =	ssyncset.done $0x0  }
0x2b5: {  	[sflag:s24] =	ssyncadd.s32 $0xFFFFD800  }
0x2b6: {  	[tilespmem:s16], [sflag:$0x4] =	stream.indirect.gather [hbm4b:s4+s12], $0x80, s28, s12, $0xb8;
	v63 =	vld [tilespmem:$0x0]  }
0x2b7: {  	_ =	swait.ge [sflag:s17], $0x2800  }
0x2b8: {  	[sflag:s17] =	ssyncset.done $0x0  }
0x2b9: {  	[sflag:s17] =	ssyncadd.s32 $0xFFFFD800  }
0x2ba: {  	[spmem:s2] =	stream.indirect.scatter.add.f32 [tilespmem:s13], [sflag:$0x5], $0x80, s29, s12, $0xb8;
	v63 =	vld [tilespmem:$0x0]  }
0x2bb: {  	_ =	swait.ge [sflag:s18], $0x2800  }
0x2bc: {  	[sflag:s18] =	ssyncset.done $0x0  }
0x2bd: {  	[sflag:s18] =	ssyncadd.s32 $0xFFFFD800  }
0x2be: {  	[spmem:s2] =	stream.indirect.scatter.add.f32 [tilespmem:s14], [sflag:$0x6], $0x80, s30, s12, $0xb8;
	v63 =	vld [tilespmem:$0x0]  }
0x2bf: {  	_ =	swait.ge [sflag:s19], $0x2800  }
0x2c0: {  	[sflag:s19] =	ssyncset.done $0x0  }
0x2c1: {  	[sflag:s19] =	ssyncadd.s32 $0xFFFFD800  }
0x2c2: {  	[spmem:s2] =	stream.indirect.scatter.add.f32 [tilespmem:s15], [sflag:$0x7], $0x80, s31, s12, $0xb8;
	v63 =	vld [tilespmem:$0x0]  }
0x2c3: {  	_ =	swait.ge [sflag:s20], $0x2800  }
0x2c4: {  	[sflag:s20] =	ssyncset.done $0x0  }
0x2c5: {  	[sflag:s20] =	ssyncadd.s32 $0xFFFFD800  }
0x2c6: {  	[spmem:s2] =	stream.indirect.scatter.add.f32 [tilespmem:s16], [sflag:$0x8], $0x80, s1, s12, $0xb8;
	v63 =	vld [tilespmem:$0x0]  }
0x2c7: {  	_ =	swait.ge [sflag:s21], $0x2800  }
0x2c8: {  	[sflag:s21] =	ssyncset.done $0x0  }
0x2c9: {  	[sflag:s21] =	ssyncadd.s32 $0xFFFFD800  }
0x2ca: {  	[tilespmem:s13], [sflag:$0x1] =	stream.indirect.gather [hbm4b:s4+s12], $0x80, s0, s12, $0xb8;
	v63 =	vld [tilespmem:$0x0]  }
0x2cb: {  	_ =	swait.ge [sflag:s17], $0x2800  }
0x2cc: {  	[sflag:s17] =	ssyncset.done $0x0  }
0x2cd: {  	[sflag:s17] =	ssyncadd.s32 $0xFFFFD800  }
0x2ce: {  	[spmem:s2] =	stream.indirect.scatter.add.f32 [tilespmem:s13], [sflag:$0x5], $0x80, s5, s12, $0xb8;
	v63 =	vld [tilespmem:$0x0]  }
0x2cf: {  	_ =	swait.ge [sflag:s21], $0x2800  }
0x2d0: {  	[sflag:s21] =	ssyncset.done $0x0  }
0x2d1: {  	[sflag:s21] =	ssyncadd.s32 $0xFFFFD800  }
0x2d2: {  	_ =	swait.ge [sflag:s22], $0x2800  }
0x2d3: {  	[sflag:s22] =	ssyncset.done $0x0  }
0x2d4: {  	[sflag:s22] =	ssyncadd.s32 $0xFFFFD800  }
0x2d5: {  	_ =	swait.ge [sflag:s23], $0x2800  }
0x2d6: {  	[sflag:s23] =	ssyncset.done $0x0  }
0x2d7: {  	[sflag:s23] =	ssyncadd.s32 $0xFFFFD800  }
0x2d8: {  	_ =	swait.ge [sflag:s24], $0x2800  }
0x2d9: {  	[sflag:s24] =	ssyncset.done $0x0  }
0x2da: {  	[sflag:s24] =	ssyncadd.s32 $0xFFFFD800  }
0x2db: {  	[bflag:$0x0] =	sbarrier.arrive $0xFFFF  }
0x2dc: {  	s7 =	sld [smem:$0x7FC]  }
0x2dd: {  	s9 =	sld [smem:$0x7EE]  }
0x2de: {  	s8 =	sld [smem:$0x7FD];
	_ =	sdelay $0x2  }
0x2df: {  	[hbm:s9], [sflag:s7] =	dma.local [spmem:s8], $0x2800  }
0x2e0: {  	_ =	swait.ge [sflag:s10], $0x2800  }
0x2e1: {  	s6 =	sld [smem:$0x7EC];
	_ =	sdelay $0x2  }
0x2e2: {  	s9 =	sadd.s32 $0x1, s6;
	s6 =	sld [smem:$0x7EF];
	_ =	sdelay $0x2  }
0x2e3: {  	p0 =	sne.s32 s9, s6  }
.Ltmp1:
0x2e4: {  	_ = 	snop;
	(pc) =	sbr.rel @p0 .LBB2_1-.Ltmp1, $3  }
0x2e5: {  	_ =	sdelay $0x1  }
0x2e6: {  	[sflag:s10] =	ssyncset.done $0x0  }
0x2e7: {  	[sflag:s10] =	ssyncadd.s32 $0xFFFFD800  }
0x2e8: {  	_ =	sfence.sel $0x180000  }
0x2e9: {  	[bflag:$0x0] =	sbarrier.arrive $0xFFFF  }
0x2ea: {  	_ =	strace $0x9000004D  }
0x2eb: {  	s0 =	stileid.u32;
	[bflag:$0x2] =	sbarrier.arrive $0xFFFF  }
0x2ec: {  	p0 =	sne.s32 s0, $0x0;
	s0 =	rddreg [dreg:$0x2]  }
0x2ed: {  	s0 =	sadd.s32 @!p0 $0x100000, s0  }
0x2ee: {  	[sflag:s0] =	ssyncadd.tile.s32 @!p0 $0x1;
	_ =	shalt  }
.Lfunc_end2:
_tile_overlayer_lowered:
.L_overlay_start_2:
0x2ef: {  	(tag) =	ssettag $0x2  }
0x2f0: {  	s0 =	rddreg [dreg:$0x0];
	s2 =	stileid.u32  }
0x2f1: {  	s1 =	rddreg [dreg:$0x1];
	p0 =	sne.s32 s2, $0x0  }
0x2f2: {  	s3 =	rddreg [dreg:$0x2];
	[bflag:$0x3] =	sbarrier.arrive $0xFFFF;
	s2 =	simm.s32 @!p0 $0x1C09  }
0x2f3: {  	[timem:s3], [sflag:s2] =	dma.local @!p0 [hbm:s0], s1  }
0x2f4: {  	s0 =	simm.s32 @!p0 $0x9  }
0x2f5: {  	_ =	swait.ge @!p0 [sflag:s0], s1  }
0x2f6: {  	s1 =	ssub.s32 @!p0 $0x0, s1;
	[sflag:s0] =	ssyncset.done @!p0 $0x0  }
0x2f7: {  	[sflag:s0] =	ssyncadd.s32 @!p0 s1  }
0x2f8: {  	[bflag:$0x3] =	sbarrier.arrive $0xFFFF  }
0x2f9: {  	_ =	shalt  }

// kernel: kernel.22.cloned.1.call-start
scs
__scs_entry_jumppad:
0x0: {  	(pc) =	sbr.rel $0x88, $3  }
0x1: {  	(tag) =	ssettag $0x0;
	lr =	simm.s32 $0x1  }
0x2: {  	[smem:$0x3F95] =	sst lr;
	_ =	strace $0xD0000000  }
0x3: {  	_ = 	snop  }
0x4: {  	_ = 	snop  }
0x5: {  	_ = 	snop  }
0x6: {  	_ = 	snop  }
0x7: {  	_ = 	snop  }
__scs_overlays_trampoline_lowered:
0x8: {  	[smem:$0x3FA4] =	sst s0  }
0x9: {  	[smem:$0x3FA5] =	sst s1  }
0xa: {  	[smem:$0x3FA6] =	sst s2  }
0xb: {  	[smem:$0x3FA7] =	sst s3  }
0xc: {  	[smem:$0x3FA8] =	sst s4  }
0xd: {  	[smem:$0x3FA9] =	sst s5  }
0xe: {  	[smem:$0x3FAA] =	sst s6  }
0xf: {  	[smem:$0x3FAB] =	sst s7  }
0x10: {  	[smem:$0x3FAC] =	sst s8  }
0x11: {  	[smem:$0x3FAD] =	sst s9;
	s0 =	simm.s32 @!p0 $0x0  }
0x12: {  	s1 =	sld [smem:$0x3F93];
	s0 =	simm.s32 @p0 $0x1  }
0x13: {  	[smem:$0x3FAE] =	sst s0;
	s0 =	simm.s32 @!p1 $0x0  }
0x14: {  	s2 =	sld [smem:$0x3F92];
	s0 =	simm.s32 @p1 $0x1  }
0x15: {  	[smem:$0x3FAF] =	sst s0;
	s0 =	simm.s32 @!p2 $0x0  }
0x16: {  	s3 =	sld [smem:$0x3FDB];
	s0 =	simm.s32 @p2 $0x1  }
0x17: {  	s4 =	simm.s32 $0x1BF5;
	[smem:$0x3FB1] =	sst s0  }
0x18: {  	s0 =	sld [smem:$0x3F94];
	_ =	swait.ge [sflag:s4], $0x0  }
0x19: {  	s7 =	sld [smem:$0x3F95]  }
0x1a: {  	s8 =	sadd.s32 $0xFFFFE003, lr  }
0x1b: {  	s9 =	sadd.s32 $0xFFFFFEF7, lr;
	s5 =	simm.s32 $0xFFFFFFFF;
	p2 =	slt.u32 s8, $0xFFFFF086  }
0x1c: {  	p1 =	slt.u32 s9, $0xF7A;
	s5 =	simm.s32 @!p2 $0x0  }
0x1d: {  	s5 =	simm.s32 @p1 $0x1;
	p0 =	seq.s32 s7, s2  }
0x1e: {  	s7 =	smul.u32 @!p0 $0xF7A, s2;
	p2 =	seq.s32 @!p0 s5, $0x0  }
0x1f: {  	s9 =	smul.u32 $0xF7A, s1;
	s8 =	simm.s32 @!p0 $0x1BF5;
	p2 =	por !p2, p0  }
0x20: {  	[sflag:s8] =	ssyncset.s32 @!p0 $0xFFFFF086;
	s6 =	sadd.s32 @!p0 s3, s7;
	s7 =	simm.s32 @!p0 $0x108  }
0x21: {  	s3 =	sadd.s32 s3, s9;
	s6 =	sadd.s32 @!p0 $0x88, s6;
	s7 =	simm.s32 @p2 $0x1082  }
0x22: {  	[simem:s7], [sflag:s8] =	dma.local @!p0 [hbm:s6], $0xF7A  }
0x23: {  	s9 =	sor.u32 $0xD0000000, s2;
	s6 =	simm.s32 $0x108;
	_ =	swait.ge @!p0 [sflag:s8], $0x0  }
0x24: {  	s3 =	sadd.s32 $0x88, s3;
	s6 =	simm.s32 @!p1 $0x1082;
	[sflag:s4] =	ssyncset.s32 $0xFFFFF086  }
0x25: {  	[simem:s6], [sflag:s4] =	dma.local [hbm:s3], $0xF7A  }
0x26: {  	[smem:$0x3F95] =	sst s1;
	(tag) =	ssettag s2;
	_ =	strace s9  }
0x27: {  	s1 =	sld [smem:$0x3FA5]  }
0x28: {  	s2 =	sld [smem:$0x3FA6]  }
0x29: {  	s4 =	sld [smem:$0x3FA8]  }
0x2a: {  	p0 =	seq.s32 s5, $0x0;
	s5 =	sld [smem:$0x3FA9]  }
0x2b: {  	s6 =	sld [smem:$0x3FAA]  }
0x2c: {  	s7 =	sld [smem:$0x3FAB]  }
0x2d: {  	s3 =	simm.s32 $0x108;
	s8 =	sld [smem:$0x3FAC]  }
0x2e: {  	s3 =	simm.s32 @!p0 $0x1082;
	s9 =	sld [smem:$0x3FAD]  }
0x2f: {  	lr =	sadd.s32 s0, s3;
	s0 =	sld [smem:$0x3FA4]  }
0x30: {  	s3 =	sld [smem:$0x3FA7]  }
0x31: {  	[smem:$0x3FB0] =	sst s10  }
0x32: {  	s10 =	sld [smem:$0x3FAE];
	_ =	sdelay $0x3  }
0x33: {  	p0 =	seq.s32 s10, $0x1;
	s10 =	sld [smem:$0x3FB0];
	_ =	sdelay $0x3  }
0x34: {  	[smem:$0x3FB0] =	sst s10  }
0x35: {  	s10 =	sld [smem:$0x3FAF];
	_ =	sdelay $0x3  }
0x36: {  	p1 =	seq.s32 s10, $0x1;
	s10 =	sld [smem:$0x3FB0];
	_ =	sdelay $0x3  }
0x37: {  	[smem:$0x3FB0] =	sst s10  }
0x38: {  	s10 =	sld [smem:$0x3FB1]  }
0x39: {  	_ = 	snop;
	(pc) =	sbr.ind lr, $3  }
0x3a: {  	_ = 	snop  }
0x3b: {  	_ = 	snop  }
0x3c: {  	p2 =	seq.s32 s10, $0x1;
	s10 =	sld [smem:$0x3FB0]  }
0x3d: {  	_ =	shalt  }
0x3e: {  	_ =	shalt  }
0x3f: {  	_ =	shalt  }
0x40: {  	_ =	shalt  }
0x41: {  	_ =	shalt  }
0x42: {  	_ =	shalt  }
0x43: {  	_ =	shalt  }
0x44: {  	_ =	shalt  }
0x45: {  	_ =	shalt  }
0x46: {  	_ =	shalt  }
0x47: {  	_ =	shalt  }
0x48: {  	_ =	shalt  }
0x49: {  	_ =	shalt  }
0x4a: {  	_ =	shalt  }
0x4b: {  	_ =	shalt  }
0x4c: {  	_ =	shalt  }
0x4d: {  	_ =	shalt  }
0x4e: {  	_ =	shalt  }
0x4f: {  	_ =	shalt  }
0x50: {  	_ =	shalt  }
0x51: {  	_ =	shalt  }
0x52: {  	_ =	shalt  }
0x53: {  	_ =	shalt  }
0x54: {  	_ =	shalt  }
0x55: {  	_ =	shalt  }
0x56: {  	_ =	shalt  }
0x57: {  	_ =	shalt  }
0x58: {  	_ =	shalt  }
0x59: {  	_ =	shalt  }
0x5a: {  	_ =	shalt  }
0x5b: {  	_ =	shalt  }
0x5c: {  	_ =	shalt  }
0x5d: {  	_ =	shalt  }
0x5e: {  	_ =	shalt  }
0x5f: {  	_ =	shalt  }
0x60: {  	_ =	shalt  }
0x61: {  	_ =	shalt  }
0x62: {  	_ =	shalt  }
0x63: {  	_ =	shalt  }
0x64: {  	_ =	shalt  }
0x65: {  	_ =	shalt  }
0x66: {  	_ =	shalt  }
0x67: {  	_ =	shalt  }
0x68: {  	_ =	shalt  }
0x69: {  	_ =	shalt  }
0x6a: {  	_ =	shalt  }
0x6b: {  	_ =	shalt  }
0x6c: {  	_ =	shalt  }
0x6d: {  	_ =	shalt  }
0x6e: {  	_ =	shalt  }
0x6f: {  	_ =	shalt  }
0x70: {  	_ =	shalt  }
0x71: {  	_ =	shalt  }
0x72: {  	_ =	shalt  }
0x73: {  	_ =	shalt  }
0x74: {  	_ =	shalt  }
0x75: {  	_ =	shalt  }
0x76: {  	_ =	shalt  }
0x77: {  	_ =	shalt  }
0x78: {  	_ =	shalt  }
0x79: {  	_ =	shalt  }
0x7a: {  	_ =	shalt  }
0x7b: {  	_ =	shalt  }
0x7c: {  	_ =	shalt  }
0x7d: {  	_ =	shalt  }
0x7e: {  	_ =	shalt  }
0x7f: {  	_ =	shalt  }
0x80: {  	_ =	shalt  }
0x81: {  	_ =	shalt  }
0x82: {  	_ =	shalt  }
0x83: {  	_ =	shalt  }
0x84: {  	_ =	shalt  }
0x85: {  	_ =	shalt  }
0x86: {  	_ =	shalt  }
0x87: {  	_ =	shalt  }
.Lfunc_end0:
.L_simem_size_0:
called_computation.3_lowered:
.L_overlay_start_0:
0x88: {  	s2 =	sld [smem:$0x3FD9]  }
0x89: {  	s3 =	sld [smem:$0x3FFE];
	_ =	sdelay $0x1  }
0x8a: {  	s1 =	srdreg.scid  }
0x8b: {  	s0 =	sand.u32 $0x1, s1  }
0x8c: {  	s16 =	sshll.u32 s0, $0xA;
	s2 =	sadd.s32 s3, s2  }
0x8d: {  	s2 =	sadd.s32 s2, s16  }
0x8e: {  	[smem:$0x3FBC] =	sst s2  }
0x8f: {  	_ = 	snop  }
0x90: {  	(tm) =	ssettm $0x1  }
0x91: {  	s17 =	sld [smem:$0x3FFB];
	_ =	sdelay $0x3  }
0x92: {  	_ =	strace s17  }
0x93: {  	s2 =	sld [smem:$0x3FFC];
	_ =	sdelay $0x3  }
0x94: {  	_ =	strace s2  }
0x95: {  	s2 =	sld [smem:$0x3FFD];
	_ =	sdelay $0x3  }
0x96: {  	_ =	strace s2  }
0x97: {  	_ =	strace $0x8FFFFFFF  }
0x98: {  	s18 =	sld [smem:$0x3FDB];
	_ =	sdelay $0x1  }
0x99: {  	s19 =	simm.s32 $_scs_section_size  }
0x9a: {  	s4 =	simm.s32 $_size__tile_overlayer_lowered;
	s5 =	simm.s32 $_tile_overlayer_lowered  }
0x9b: {  	s22 =	simm.s32 $0x1BFF;
	s21 =	sshll.u32 s5, $0x1;
	s2 =	sadd.s32 s19, s18  }
0x9c: {  	s6 =	simm.s32 $0x0;
	s20 =	sshll.u32 s4, $0x1;
	s4 =	sadd.s32 s21, s2  }
0x9d: {  	[timem:s6], [sflag:s22] =	dma.local [hbm:s4], s20  }
0x9e: {  	_ =	swait.ge [sflag:s22], s20  }
0x9f: {  	s3 =	ssub.s32 $0x0, s20;
	[sflag:s22] =	ssyncset.done $0x0  }
0xa0: {  	[sflag:s22] =	ssyncadd.s32 s3;
	_ =	sdelay $0x1  }
0xa1: {  	s23 =	simm.s32 $0x1B8B  }
0xa2: {  	_ =	swait.ge [sflag:s23], $0x1  }
0xa3: {  	[sflag:s23] =	ssyncset.done $0x0  }
0xa4: {  	s25 =	simm.s32 $0x1B8E;
	s24 =	sld [smem:$0x3FFE];
	[sflag:s23] =	ssyncadd.s32 $0xFFFFFFFF  }
0xa5: {  	s26 =	simm.s32 $execute0_lowered;
	[smem:$0x3FD2] =	sst s25  }
0xa6: {  	s4 =	sshll.u32 s26, $0x1;
	_ =	strace $0x8000004F;
	[dreg:$0x1] =	wrdreg $0xFFFFFFFF  }
0xa7: {  	s28 =	simm.s32 $_size_execute0_lowered;
	s2 =	sadd.s32 s2, s4;
	[dreg:$0x0] =	wrdreg $0x0  }
0xa8: {  	s4 =	sshll.u32 s28, $0x1;
	[dreg:$0x2] =	wrdreg s2  }
0xa9: {  	[dreg:$0x3] =	wrdreg s4  }
0xaa: {  	[dreg:$0x4] =	wrdreg $0xC0  }
0xab: {  	_ =	task [dreg:s6], $0x5FFFF  }
0xac: {  	[dreg:$0x1] =	wrdreg $0xFFFFFFFF  }
0xad: {  	[dreg:$0x0] =	wrdreg $0x60  }
0xae: {  	[dreg:$0x2] =	wrdreg s24  }
0xaf: {  	[dreg:$0x3] =	wrdreg $0xC0000  }
0xb0: {  	[dreg:$0x4] =	wrdreg $0x9  }
0xb1: {  	_ =	task.clear_ibuf [dreg:s6], $0x5FFFF;
	_ =	strace $0x9000004F  }
0xb2: {  	s29 =	simm.s32 $0x9;
	_ =	strace $0x80000051  }
0xb3: {  	_ =	swait.ge [sflag:s29], $0x1  }
0xb4: {  	[sflag:s29] =	ssyncadd.s32 $0xFFFFFFFF  }
0xb5: {  	_ =	strace $0x90000051  }
0xb6: {  	_ =	sfence  }
0xb7: {  	s30 =	sld [smem:$0x0];
	_ =	sdelay $0x2  }
0xb8: {  	s31 =	sshll.u32 s1, $0xD;
	s1 =	sshrl.u32 s1, $0x2  }
0xb9: {  	s3 =	sand.u32 $0x4000, s31;
	s1 =	sadd.s32 s1, s30  }
0xba: {  	s0 =	sor.u32 s3, s0;
	s1 =	sshll.u32 s1, $0x11  }
0xbb: {  	s0 =	sor.u32 s1, s0  }
0xbc: {  	s0 =	sadd.s32 $0x8F2B, s0  }
0xbd: {  	[sflag:s0] =	ssyncadd.remote.s32 $0x1  }
0xbe: {  	_ =	sfence.sel $0xFFFF  }
0xbf: {  	[dreg:$0x0] =	wrdreg $0xFFFFFFFF;
	(pc) =	sbr.abs _section_cstart, $3  }
0xc0: {  	[dreg:$0x1] =	wrdreg $0xFFFFFFFF  }
0xc1: {  	_ =	task.clear_ibuf [dreg:s6], $0x2FFFF;
	_ =	strace $0x9FFFFFFF  }
0xc2: {  	(tm) =	ssettm $0x7FFFFFFF  }
0xc3: {  	_ =	shalt  }
tec
execute0_lowered:
.L_overlay_start_1:
0x0: {  	(tag) =	ssettag $0x1  }
0x1: {  	s0 =	srdreg.scid;
	s9 =	stileid.u32  }
0x2: {  	s0 =	sand.u32 $0x1, s0;
	s1 =	smul.u32 $0xA000, s9  }
0x3: {  	s3 =	smul.u32 $0x5000, s0  }
0x4: {  	s5 =	rddreg [dreg:$0x0]  }
0x5: {  	s2 =	rddreg [dreg:$0x1];
	s1 =	sadd.s32 s3, s1;
	s3 =	simm.s32 $0x0  }
0x6: {  	s23 =	simm.s32 $0x80;
	[smem:$0x7FF] =	sst s3  }
0x7: {  	s24 =	simm.s32 $0x100;
	_ =	strace $0x80000050;
	[dreg:$0x5] =	wrdreg s23  }
0x8: {  	s25 =	simm.s32 $0x180;
	[dreg:$0x6] =	wrdreg s24  }
0x9: {  	s26 =	simm.s32 $0x1080;
	[dreg:$0x7] =	wrdreg s25  }
0xa: {  	s6 =	simm.s32 $0x1180;
	[dreg:$0x8] =	wrdreg s26  }
0xb: {  	s7 =	simm.s32 $0x200;
	[dreg:$0xa] =	wrdreg s6  }
0xc: {  	s8 =	simm.s32 $0x280;
	[dreg:$0xb] =	wrdreg s7  }
0xd: {  	s10 =	simm.s32 $0x300;
	[dreg:$0xc] =	wrdreg s8  }
0xe: {  	s11 =	simm.s32 $0x380;
	s12 =	simm.s32 $0x1200;
	[dreg:$0xd] =	wrdreg s10  }
0xf: {  	s13 =	simm.s32 $0x1280;
	s14 =	simm.s32 $0x1300;
	[dreg:$0xe] =	wrdreg s11  }
0x10: {  	s15 =	simm.s32 $0x1380;
	s17 =	simm.s32 $0x400;
	[dreg:$0xf] =	wrdreg s12  }
0x11: {  	s19 =	simm.s32 $0x480;
	s20 =	simm.s32 $0x500;
	[dreg:$0x10] =	wrdreg s13  }
0x12: {  	s22 =	simm.s32 $0x580;
	s28 =	simm.s32 $0xB80;
	[dreg:$0x11] =	wrdreg s14  }
0x13: {  	s29 =	simm.s32 $0x1A00;
	s18 =	smul.u32 $0x50000, s9;
	[dreg:$0x12] =	wrdreg s15  }
0x14: {  	s30 =	simm.s32 $0x1A80;
	s31 =	simm.s32 $0x1B00;
	[dreg:$0x13] =	wrdreg s17  }
0x15: {  	s21 =	sshrl.u32 s18, $0x2;
	s18 =	simm.s32 $0x800;
	[dreg:$0x14] =	wrdreg s19  }
0x16: {  	s1 =	sshrl.u32 s1, $0x3;
	s6 =	smul.u32 $0x2800, s9;
	[dreg:$0x15] =	wrdreg s20  }
0x17: {  	s1 =	sadd.s32 s1, s5;
	s7 =	smul.u32 $0x28000, s0;
	[dreg:$0x16] =	wrdreg s22  }
0x18: {  	s0 =	ssub.s32 $0x2, s0;
	s23 =	simm.s32 $0x1400;
	[smem:$0x7F3] =	sst s18  }
0x19: {  	s25 =	simm.s32 $0x1480;
	s26 =	sshll.u32 s9, $0x6;
	[dreg:$0x17] =	wrdreg s23  }
0x1a: {  	s9 =	simm.s32 $0x1580;
	s10 =	simm.s32 $0x600;
	[dreg:$0x18] =	wrdreg s25  }
0x1b: {  	s11 =	simm.s32 $0x680;
	s12 =	simm.s32 $0x700;
	[dreg:$0x1a] =	wrdreg s9  }
0x1c: {  	s13 =	simm.s32 $0x780;
	s14 =	simm.s32 $0x1600;
	[dreg:$0x1b] =	wrdreg s10  }
0x1d: {  	s15 =	simm.s32 $0x1680;
	s17 =	simm.s32 $0x1780;
	[dreg:$0x1c] =	wrdreg s11  }
0x1e: {  	s19 =	simm.s32 $0x880;
	s20 =	simm.s32 $0x900;
	[dreg:$0x1d] =	wrdreg s12  }
0x1f: {  	s18 =	simm.s32 $0x2;
	s22 =	simm.s32 $0x1800;
	[dreg:$0x1e] =	wrdreg s13  }
0x20: {  	s4 =	sadd.s32 $0x8BC00, s1;
	s1 =	sadd.s32 $0x9FC00, s1;
	[dreg:$0x1f] =	wrdreg s14  }
0x21: {  	s16 =	sshrl.u32 s0, $0x1;
	s10 =	simm.s32 $0x9;
	[smem:$0x7F0] =	sst s15  }
0x22: {  	s11 =	simm.s32 $0x1000;
	s12 =	simm.s32 $0x50;
	[smem:$0x7F2] =	sst s17  }
0x23: {  	s13 =	simm.s32 $0x2000;
	s14 =	simm.s32 $0x4800;
	[smem:$0x7F4] =	sst s19  }
0x24: {  	s15 =	simm.s32 $0x7000;
	s17 =	simm.s32 $0x1;
	[smem:$0x7F5] =	sst s20  }
0x25: {  	s19 =	simm.s32 $0x3;
	s20 =	simm.s32 $0x4;
	[smem:$0x7F7] =	sst s22  }
0x26: {  	s23 =	simm.s32 $0x1880;
	s22 =	simm.s32 $0x6;
	[dreg:$0x3] =	wrdreg s4  }
0x27: {  	s25 =	simm.s32 $0x1980;
	s9 =	simm.s32 $0x0;
	[dreg:$0x4] =	wrdreg s1  }
0x28: {  	s4 =	simm.s32 $0x1100;
	s8 =	sadd.s32 s6, s5;
	[smem:$0x7F8] =	sst s23  }
0x29: {  	s6 =	sadd.s32 s6, s7;
	s0 =	ssub.s32 s0, s16;
	[smem:$0x7FA] =	sst s25  }
0x2a: {  	s7 =	sor.u32 $0x1C09, s26;
	s16 =	simm.s32 $0x1700;
	[dreg:$0x9] =	wrdreg s4  }
0x2b: {  	s23 =	simm.s32 $0x7;
	s26 =	simm.s32 $0xA00;
	[smem:$0x7F1] =	sst s16  }
0x2c: {  	s25 =	simm.s32 $0xA80;
	s1 =	simm.s32 $0x1B80;
	[smem:$0x7FB] =	sst s26  }
0x2d: {  	s4 =	sadd.s32 $0x3B600, s5;
	s24 =	sadd.s32 $0x13600, s8;
	[smem:$0x7FC] =	sst s7  }
0x2e: {  	s5 =	sadd.s32 s6, s5;
	s8 =	simm.s32 $0x1500;
	[smem:$0x7ED] =	sst s24  }
0x2f: {  	s6 =	sadd.s32 s21, s2;
	s0 =	smax.u32 s0, $0x1;
	[dreg:$0x19] =	wrdreg s8  }
0x30: {  	s16 =	simm.s32 $0x9800;
	s21 =	simm.s32 $0x980;
	[smem:$0x7EF] =	sst s0  }
0x31: {  	s26 =	simm.s32 $0xB00;
	s5 =	sadd.s32 $0xB3C00, s5;
	[smem:$0x7F6] =	sst s21  }
0x32: {  	s8 =	sshrl.u32 s6, $0x3;
	s24 =	simm.s32 $0x1900;
	[smem:$0x7EE] =	sst s5  }
0x33: {  	s21 =	simm.s32 $0x5;
	s0 =	simm.s32 $0xC00;
	[smem:$0x7F9] =	sst s24  }
0x34: {  	s24 =	simm.s32 $0x8;
	s5 =	simm.s32 $0x1C00;
	[smem:$0x7FD] =	sst s8  }
.LBB2_1:
0x35: {  	s6 =	sld [smem:$0x7ED];
	_ =	sdelay $0x1  }
0x36: {  	[smem:$0x7EC] =	sst s9  }
0x37: {  	[spmem:s8], [sflag:s7] =	dma.local [hbm:s6], $0x2800  }
0x38: {  	_ =	swait.ge [sflag:s10], $0x2800  }
0x39: {  	[sflag:s10] =	ssyncset.done $0x0  }
0x3a: {  	[sflag:s10] =	ssyncadd.s32 $0xFFFFD800  }
0x3b: {  	[bflag:$0x0] =	sbarrier.arrive $0xFFFF  }
0x3c: {  	s7 =	rddreg [dreg:$0x4]  }
0x3d: {  	s6 =	sadd.s32 $0x0, s7  }
0x3e: {  	[tilespmem:s3], [sflag:$0x9] =	stream.linear.gather [hbm4b:s6+s3], $0xC80, $0x38;
	v63 =	vld [tilespmem:$0x0]  }
0x3f: {  	_ =	swait.ge [sflag:s10], $0xC80  }
0x40: {  	s8 =	rddreg [dreg:$0x3];
	[sflag:s10] =	ssyncset.done $0x0  }
0x41: {  	[sflag:s10] =	ssyncadd.s32 $0xFFFFF380;
	s6 =	sadd.s32 $0x0, s8  }
0x42: {  	[tilespmem:s11], [sflag:$0x9] =	stream.linear.gather [hbm4b:s6+s3], $0xC80, $0x38;
	v63 =	vld [tilespmem:$0x0]  }
0x43: {  	_ =	swait.ge [sflag:s10], $0xC80  }
0x44: {  	[sflag:s10] =	ssyncset.done $0x0  }
0x45: {  	[sflag:s10] =	ssyncadd.s32 $0xFFFFF380  }
0x46: {  	[tilespmem:s13], [sflag:$0x1] =	stream.indirect.gather [hbm4b:s4+s12], $0x80, s3, s12, $0xb8;
	v63 =	vld [tilespmem:$0x0]  }
0x47: {  	s9 =	rddreg [dreg:$0x5]  }
0x48: {  	[tilespmem:s14], [sflag:$0x2] =	stream.indirect.gather [hbm4b:s4+s12], $0x80, s9, s12, $0xb8;
	v63 =	vld [tilespmem:$0x0]  }
0x49: {  	s7 =	rddreg [dreg:$0x6]  }
0x4a: {  	[tilespmem:s15], [sflag:$0x3] =	stream.indirect.gather [hbm4b:s4+s12], $0x80, s7, s12, $0xb8;
	v63 =	vld [tilespmem:$0x0]  }
0x4b: {  	s9 =	rddreg [dreg:$0x7]  }
0x4c: {  	[tilespmem:s16], [sflag:$0x4] =	stream.indirect.gather [hbm4b:s4+s12], $0x80, s9, s12, $0xb8;
	v63 =	vld [tilespmem:$0x0]  }
0x4d: {  	_ =	swait.ge [sflag:s17], $0x2800  }
0x4e: {  	[sflag:s17] =	ssyncset.done $0x0  }
0x4f: {  	[sflag:s17] =	ssyncadd.s32 $0xFFFFD800  }
0x50: {  	[spmem:s2] =	stream.indirect.scatter.add.f32 [tilespmem:s13], [sflag:$0x5], $0x80, s11, s12, $0xb8;
	v63 =	vld [tilespmem:$0x0]  }
0x51: {  	_ =	swait.ge [sflag:s18], $0x2800  }
0x52: {  	[sflag:s18] =	ssyncset.done $0x0  }
0x53: {  	s7 =	rddreg [dreg:$0x8];
	[sflag:s18] =	ssyncadd.s32 $0xFFFFD800  }
0x54: {  	[spmem:s2] =	stream.indirect.scatter.add.f32 [tilespmem:s14], [sflag:$0x6], $0x80, s7, s12, $0xb8;
	v63 =	vld [tilespmem:$0x0]  }
0x55: {  	_ =	swait.ge [sflag:s19], $0x2800  }
0x56: {  	[sflag:s19] =	ssyncset.done $0x0  }
0x57: {  	s8 =	rddreg [dreg:$0x9];
	[sflag:s19] =	ssyncadd.s32 $0xFFFFD800  }
0x58: {  	[spmem:s2] =	stream.indirect.scatter.add.f32 [tilespmem:s15], [sflag:$0x7], $0x80, s8, s12, $0xb8;
	v63 =	vld [tilespmem:$0x0]  }
0x59: {  	_ =	swait.ge [sflag:s20], $0x2800  }
0x5a: {  	[sflag:s20] =	ssyncset.done $0x0  }
0x5b: {  	s9 =	rddreg [dreg:$0xa];
	[sflag:s20] =	ssyncadd.s32 $0xFFFFD800  }
0x5c: {  	[spmem:s2] =	stream.indirect.scatter.add.f32 [tilespmem:s16], [sflag:$0x8], $0x80, s9, s12, $0xb8;
	v63 =	vld [tilespmem:$0x0]  }
0x5d: {  	_ =	swait.ge [sflag:s21], $0x2800  }
0x5e: {  	[sflag:s21] =	ssyncset.done $0x0  }
0x5f: {  	s7 =	rddreg [dreg:$0xb];
	[sflag:s21] =	ssyncadd.s32 $0xFFFFD800  }
0x60: {  	[tilespmem:s13], [sflag:$0x1] =	stream.indirect.gather [hbm4b:s4+s12], $0x80, s7, s12, $0xb8;
	v63 =	vld [tilespmem:$0x0]  }
0x61: {  	_ =	swait.ge [sflag:s22], $0x2800  }
0x62: {  	[sflag:s22] =	ssyncset.done $0x0  }
0x63: {  	s8 =	rddreg [dreg:$0xc];
	[sflag:s22] =	ssyncadd.s32 $0xFFFFD800  }
0x64: {  	[tilespmem:s14], [sflag:$0x2] =	stream.indirect.gather [hbm4b:s4+s12], $0x80, s8, s12, $0xb8;
	v63 =	vld [tilespmem:$0x0]  }
0x65: {  	_ =	swait.ge [sflag:s23], $0x2800  }
0x66: {  	[sflag:s23] =	ssyncset.done $0x0  }
0x67: {  	s9 =	rddreg [dreg:$0xd];
	[sflag:s23] =	ssyncadd.s32 $0xFFFFD800  }
0x68: {  	[tilespmem:s15], [sflag:$0x3] =	stream.indirect.gather [hbm4b:s4+s12], $0x80, s9, s12, $0xb8;
	v63 =	vld [tilespmem:$0x0]  }
0x69: {  	_ =	swait.ge [sflag:s24], $0x2800  }
0x6a: {  	[sflag:s24] =	ssyncset.done $0x0  }
0x6b: {  	s7 =	rddreg [dreg:$0xe];
	[sflag:s24] =	ssyncadd.s32 $0xFFFFD800  }
0x6c: {  	[tilespmem:s16], [sflag:$0x4] =	stream.indirect.gather [hbm4b:s4+s12], $0x80, s7, s12, $0xb8;
	v63 =	vld [tilespmem:$0x0]  }
0x6d: {  	_ =	swait.ge [sflag:s17], $0x2800  }
0x6e: {  	[sflag:s17] =	ssyncset.done $0x0  }
0x6f: {  	s8 =	rddreg [dreg:$0xf];
	[sflag:s17] =	ssyncadd.s32 $0xFFFFD800  }
0x70: {  	[spmem:s2] =	stream.indirect.scatter.add.f32 [tilespmem:s13], [sflag:$0x5], $0x80, s8, s12, $0xb8;
	v63 =	vld [tilespmem:$0x0]  }
0x71: {  	_ =	swait.ge [sflag:s18], $0x2800  }
0x72: {  	[sflag:s18] =	ssyncset.done $0x0  }
0x73: {  	s9 =	rddreg [dreg:$0x10];
	[sflag:s18] =	ssyncadd.s32 $0xFFFFD800  }
0x74: {  	[spmem:s2] =	stream.indirect.scatter.add.f32 [tilespmem:s14], [sflag:$0x6], $0x80, s9, s12, $0xb8;
	v63 =	vld [tilespmem:$0x0]  }
0x75: {  	_ =	swait.ge [sflag:s19], $0x2800  }
0x76: {  	[sflag:s19] =	ssyncset.done $0x0  }
0x77: {  	s7 =	rddreg [dreg:$0x11];
	[sflag:s19] =	ssyncadd.s32 $0xFFFFD800  }
0x78: {  	[spmem:s2] =	stream.indirect.scatter.add.f32 [tilespmem:s15], [sflag:$0x7], $0x80, s7, s12, $0xb8;
	v63 =	vld [tilespmem:$0x0]  }
0x79: {  	_ =	swait.ge [sflag:s20], $0x2800  }
0x7a: {  	[sflag:s20] =	ssyncset.done $0x0  }
0x7b: {  	s8 =	rddreg [dreg:$0x12];
	[sflag:s20] =	ssyncadd.s32 $0xFFFFD800  }
0x7c: {  	[spmem:s2] =	stream.indirect.scatter.add.f32 [tilespmem:s16], [sflag:$0x8], $0x80, s8, s12, $0xb8;
	v63 =	vld [tilespmem:$0x0]  }
0x7d: {  	_ =	swait.ge [sflag:s21], $0x2800  }
0x7e: {  	[sflag:s21] =	ssyncset.done $0x0  }
0x7f: {  	s9 =	rddreg [dreg:$0x13];
	[sflag:s21] =	ssyncadd.s32 $0xFFFFD800  }
0x80: {  	[tilespmem:s13], [sflag:$0x1] =	stream.indirect.gather [hbm4b:s4+s12], $0x80, s9, s12, $0xb8;
	v63 =	vld [tilespmem:$0x0]  }
0x81: {  	_ =	swait.ge [sflag:s22], $0x2800  }
0x82: {  	[sflag:s22] =	ssyncset.done $0x0  }
0x83: {  	s7 =	rddreg [dreg:$0x14];
	[sflag:s22] =	ssyncadd.s32 $0xFFFFD800  }
0x84: {  	[tilespmem:s14], [sflag:$0x2] =	stream.indirect.gather [hbm4b:s4+s12], $0x80, s7, s12, $0xb8;
	v63 =	vld [tilespmem:$0x0]  }
0x85: {  	_ =	swait.ge [sflag:s23], $0x2800  }
0x86: {  	[sflag:s23] =	ssyncset.done $0x0  }
0x87: {  	s8 =	rddreg [dreg:$0x15];
	[sflag:s23] =	ssyncadd.s32 $0xFFFFD800  }
0x88: {  	[tilespmem:s15], [sflag:$0x3] =	stream.indirect.gather [hbm4b:s4+s12], $0x80, s8, s12, $0xb8;
	v63 =	vld [tilespmem:$0x0]  }
0x89: {  	_ =	swait.ge [sflag:s24], $0x2800  }
0x8a: {  	[sflag:s24] =	ssyncset.done $0x0  }
0x8b: {  	s9 =	rddreg [dreg:$0x16];
	[sflag:s24] =	ssyncadd.s32 $0xFFFFD800  }
0x8c: {  	[tilespmem:s16], [sflag:$0x4] =	stream.indirect.gather [hbm4b:s4+s12], $0x80, s9, s12, $0xb8;
	v63 =	vld [tilespmem:$0x0]  }
0x8d: {  	_ =	swait.ge [sflag:s17], $0x2800  }
0x8e: {  	[sflag:s17] =	ssyncset.done $0x0  }
0x8f: {  	s7 =	rddreg [dreg:$0x17];
	[sflag:s17] =	ssyncadd.s32 $0xFFFFD800  }
0x90: {  	[spmem:s2] =	stream.indirect.scatter.add.f32 [tilespmem:s13], [sflag:$0x5], $0x80, s7, s12, $0xb8;
	v63 =	vld [tilespmem:$0x0]  }
0x91: {  	_ =	swait.ge [sflag:s18], $0x2800  }
0x92: {  	[sflag:s18] =	ssyncset.done $0x0  }
0x93: {  	s8 =	rddreg [dreg:$0x18];
	[sflag:s18] =	ssyncadd.s32 $0xFFFFD800  }
0x94: {  	[spmem:s2] =	stream.indirect.scatter.add.f32 [tilespmem:s14], [sflag:$0x6], $0x80, s8, s12, $0xb8;
	v63 =	vld [tilespmem:$0x0]  }
0x95: {  	_ =	swait.ge [sflag:s19], $0x2800  }
0x96: {  	[sflag:s19] =	ssyncset.done $0x0  }
0x97: {  	s9 =	rddreg [dreg:$0x19];
	[sflag:s19] =	ssyncadd.s32 $0xFFFFD800  }
0x98: {  	[spmem:s2] =	stream.indirect.scatter.add.f32 [tilespmem:s15], [sflag:$0x7], $0x80, s9, s12, $0xb8;
	v63 =	vld [tilespmem:$0x0]  }
0x99: {  	_ =	swait.ge [sflag:s20], $0x2800  }
0x9a: {  	[sflag:s20] =	ssyncset.done $0x0  }
0x9b: {  	s7 =	rddreg [dreg:$0x1a];
	[sflag:s20] =	ssyncadd.s32 $0xFFFFD800  }
0x9c: {  	[spmem:s2] =	stream.indirect.scatter.add.f32 [tilespmem:s16], [sflag:$0x8], $0x80, s7, s12, $0xb8;
	v63 =	vld [tilespmem:$0x0]  }
0x9d: {  	_ =	swait.ge [sflag:s21], $0x2800  }
0x9e: {  	[sflag:s21] =	ssyncset.done $0x0  }
0x9f: {  	s8 =	rddreg [dreg:$0x1b];
	[sflag:s21] =	ssyncadd.s32 $0xFFFFD800  }
0xa0: {  	[tilespmem:s13], [sflag:$0x1] =	stream.indirect.gather [hbm4b:s4+s12], $0x80, s8, s12, $0xb8;
	v63 =	vld [tilespmem:$0x0]  }
0xa1: {  	_ =	swait.ge [sflag:s22], $0x2800  }
0xa2: {  	[sflag:s22] =	ssyncset.done $0x0  }
0xa3: {  	s9 =	rddreg [dreg:$0x1c];
	[sflag:s22] =	ssyncadd.s32 $0xFFFFD800  }
0xa4: {  	[tilespmem:s14], [sflag:$0x2] =	stream.indirect.gather [hbm4b:s4+s12], $0x80, s9, s12, $0xb8;
	v63 =	vld [tilespmem:$0x0]  }
0xa5: {  	_ =	swait.ge [sflag:s23], $0x2800  }
0xa6: {  	[sflag:s23] =	ssyncset.done $0x0  }
0xa7: {  	s7 =	rddreg [dreg:$0x1d];
	[sflag:s23] =	ssyncadd.s32 $0xFFFFD800  }
0xa8: {  	[tilespmem:s15], [sflag:$0x3] =	stream.indirect.gather [hbm4b:s4+s12], $0x80, s7, s12, $0xb8;
	v63 =	vld [tilespmem:$0x0]  }
0xa9: {  	_ =	swait.ge [sflag:s24], $0x2800  }
0xaa: {  	[sflag:s24] =	ssyncset.done $0x0  }
0xab: {  	s8 =	rddreg [dreg:$0x1e];
	[sflag:s24] =	ssyncadd.s32 $0xFFFFD800  }
0xac: {  	[tilespmem:s16], [sflag:$0x4] =	stream.indirect.gather [hbm4b:s4+s12], $0x80, s8, s12, $0xb8;
	v63 =	vld [tilespmem:$0x0]  }
0xad: {  	_ =	swait.ge [sflag:s17], $0x2800  }
0xae: {  	[sflag:s17] =	ssyncset.done $0x0  }
0xaf: {  	s9 =	rddreg [dreg:$0x1f];
	[sflag:s17] =	ssyncadd.s32 $0xFFFFD800  }
0xb0: {  	[spmem:s2] =	stream.indirect.scatter.add.f32 [tilespmem:s13], [sflag:$0x5], $0x80, s9, s12, $0xb8;
	v63 =	vld [tilespmem:$0x0]  }
0xb1: {  	_ =	swait.ge [sflag:s18], $0x2800  }
0xb2: {  	s7 =	sld [smem:$0x7F0]  }
0xb3: {  	[sflag:s18] =	ssyncset.done $0x0  }
0xb4: {  	[sflag:s18] =	ssyncadd.s32 $0xFFFFD800  }
0xb5: {  	[spmem:s2] =	stream.indirect.scatter.add.f32 [tilespmem:s14], [sflag:$0x6], $0x80, s7, s12, $0xb8;
	v63 =	vld [tilespmem:$0x0]  }
0xb6: {  	_ =	swait.ge [sflag:s19], $0x2800  }
0xb7: {  	s8 =	sld [smem:$0x7F1]  }
0xb8: {  	[sflag:s19] =	ssyncset.done $0x0  }
0xb9: {  	[sflag:s19] =	ssyncadd.s32 $0xFFFFD800  }
0xba: {  	[spmem:s2] =	stream.indirect.scatter.add.f32 [tilespmem:s15], [sflag:$0x7], $0x80, s8, s12, $0xb8;
	v63 =	vld [tilespmem:$0x0]  }
0xbb: {  	_ =	swait.ge [sflag:s20], $0x2800  }
0xbc: {  	s9 =	sld [smem:$0x7F2]  }
0xbd: {  	[sflag:s20] =	ssyncset.done $0x0  }
0xbe: {  	[sflag:s20] =	ssyncadd.s32 $0xFFFFD800  }
0xbf: {  	[spmem:s2] =	stream.indirect.scatter.add.f32 [tilespmem:s16], [sflag:$0x8], $0x80, s9, s12, $0xb8;
	v63 =	vld [tilespmem:$0x0]  }
0xc0: {  	_ =	swait.ge [sflag:s21], $0x2800  }
0xc1: {  	s7 =	sld [smem:$0x7F3]  }
0xc2: {  	[sflag:s21] =	ssyncset.done $0x0  }
0xc3: {  	[sflag:s21] =	ssyncadd.s32 $0xFFFFD800  }
0xc4: {  	[tilespmem:s13], [sflag:$0x1] =	stream.indirect.gather [hbm4b:s4+s12], $0x80, s7, s12, $0xb8;
	v63 =	vld [tilespmem:$0x0]  }
0xc5: {  	_ =	swait.ge [sflag:s22], $0x2800  }
0xc6: {  	s8 =	sld [smem:$0x7F4]  }
0xc7: {  	[sflag:s22] =	ssyncset.done $0x0  }
0xc8: {  	[sflag:s22] =	ssyncadd.s32 $0xFFFFD800  }
0xc9: {  	[tilespmem:s14], [sflag:$0x2] =	stream.indirect.gather [hbm4b:s4+s12], $0x80, s8, s12, $0xb8;
	v63 =	vld [tilespmem:$0x0]  }
0xca: {  	_ =	swait.ge [sflag:s23], $0x2800  }
0xcb: {  	s9 =	sld [smem:$0x7F5]  }
0xcc: {  	[sflag:s23] =	ssyncset.done $0x0  }
0xcd: {  	[sflag:s23] =	ssyncadd.s32 $0xFFFFD800  }
0xce: {  	[tilespmem:s15], [sflag:$0x3] =	stream.indirect.gather [hbm4b:s4+s12], $0x80, s9, s12, $0xb8;
	v63 =	vld [tilespmem:$0x0]  }
0xcf: {  	_ =	swait.ge [sflag:s24], $0x2800  }
0xd0: {  	s7 =	sld [smem:$0x7F6]  }
0xd1: {  	[sflag:s24] =	ssyncset.done $0x0  }
0xd2: {  	[sflag:s24] =	ssyncadd.s32 $0xFFFFD800  }
0xd3: {  	[tilespmem:s16], [sflag:$0x4] =	stream.indirect.gather [hbm4b:s4+s12], $0x80, s7, s12, $0xb8;
	v63 =	vld [tilespmem:$0x0]  }
0xd4: {  	_ =	swait.ge [sflag:s17], $0x2800  }
0xd5: {  	s8 =	sld [smem:$0x7F7]  }
0xd6: {  	[sflag:s17] =	ssyncset.done $0x0  }
0xd7: {  	[sflag:s17] =	ssyncadd.s32 $0xFFFFD800  }
0xd8: {  	[spmem:s2] =	stream.indirect.scatter.add.f32 [tilespmem:s13], [sflag:$0x5], $0x80, s8, s12, $0xb8;
	v63 =	vld [tilespmem:$0x0]  }
0xd9: {  	_ =	swait.ge [sflag:s18], $0x2800  }
0xda: {  	s9 =	sld [smem:$0x7F8]  }
0xdb: {  	[sflag:s18] =	ssyncset.done $0x0  }
0xdc: {  	[sflag:s18] =	ssyncadd.s32 $0xFFFFD800  }
0xdd: {  	[spmem:s2] =	stream.indirect.scatter.add.f32 [tilespmem:s14], [sflag:$0x6], $0x80, s9, s12, $0xb8;
	v63 =	vld [tilespmem:$0x0]  }
0xde: {  	_ =	swait.ge [sflag:s19], $0x2800  }
0xdf: {  	s7 =	sld [smem:$0x7F9]  }
0xe0: {  	[sflag:s19] =	ssyncset.done $0x0  }
0xe1: {  	[sflag:s19] =	ssyncadd.s32 $0xFFFFD800  }
0xe2: {  	[spmem:s2] =	stream.indirect.scatter.add.f32 [tilespmem:s15], [sflag:$0x7], $0x80, s7, s12, $0xb8;
	v63 =	vld [tilespmem:$0x0]  }
0xe3: {  	_ =	swait.ge [sflag:s20], $0x2800  }
0xe4: {  	s8 =	sld [smem:$0x7FA]  }
0xe5: {  	[sflag:s20] =	ssyncset.done $0x0  }
0xe6: {  	[sflag:s20] =	ssyncadd.s32 $0xFFFFD800  }
0xe7: {  	[spmem:s2] =	stream.indirect.scatter.add.f32 [tilespmem:s16], [sflag:$0x8], $0x80, s8, s12, $0xb8;
	v63 =	vld [tilespmem:$0x0]  }
0xe8: {  	_ =	swait.ge [sflag:s21], $0x2800  }
0xe9: {  	s9 =	sld [smem:$0x7FB]  }
0xea: {  	[sflag:s21] =	ssyncset.done $0x0  }
0xeb: {  	[sflag:s21] =	ssyncadd.s32 $0xFFFFD800  }
0xec: {  	[tilespmem:s13], [sflag:$0x1] =	stream.indirect.gather [hbm4b:s4+s12], $0x80, s9, s12, $0xb8;
	v63 =	vld [tilespmem:$0x0]  }
0xed: {  	_ =	swait.ge [sflag:s22], $0x2800  }
0xee: {  	[sflag:s22] =	ssyncset.done $0x0  }
0xef: {  	[sflag:s22] =	ssyncadd.s32 $0xFFFFD800  }
0xf0: {  	[tilespmem:s14], [sflag:$0x2] =	stream.indirect.gather [hbm4b:s4+s12], $0x80, s25, s12, $0xb8;
	v63 =	vld [tilespmem:$0x0]  }
0xf1: {  	_ =	swait.ge [sflag:s23], $0x2800  }
0xf2: {  	[sflag:s23] =	ssyncset.done $0x0  }
0xf3: {  	[sflag:s23] =	ssyncadd.s32 $0xFFFFD800  }
0xf4: {  	[tilespmem:s15], [sflag:$0x3] =	stream.indirect.gather [hbm4b:s4+s12], $0x80, s26, s12, $0xb8;
	v63 =	vld [tilespmem:$0x0]  }
0xf5: {  	_ =	swait.ge [sflag:s24], $0x2800  }
0xf6: {  	[sflag:s24] =	ssyncset.done $0x0  }
0xf7: {  	[sflag:s24] =	ssyncadd.s32 $0xFFFFD800  }
0xf8: {  	[tilespmem:s16], [sflag:$0x4] =	stream.indirect.gather [hbm4b:s4+s12], $0x80, s28, s12, $0xb8;
	v63 =	vld [tilespmem:$0x0]  }
0xf9: {  	_ =	swait.ge [sflag:s17], $0x2800  }
0xfa: {  	[sflag:s17] =	ssyncset.done $0x0  }
0xfb: {  	[sflag:s17] =	ssyncadd.s32 $0xFFFFD800  }
0xfc: {  	[spmem:s2] =	stream.indirect.scatter.add.f32 [tilespmem:s13], [sflag:$0x5], $0x80, s29, s12, $0xb8;
	v63 =	vld [tilespmem:$0x0]  }
0xfd: {  	_ =	swait.ge [sflag:s18], $0x2800  }
0xfe: {  	[sflag:s18] =	ssyncset.done $0x0  }
0xff: {  	[sflag:s18] =	ssyncadd.s32 $0xFFFFD800  }
0x100: {  	[spmem:s2] =	stream.indirect.scatter.add.f32 [tilespmem:s14], [sflag:$0x6], $0x80, s30, s12, $0xb8;
	v63 =	vld [tilespmem:$0x0]  }
0x101: {  	_ =	swait.ge [sflag:s19], $0x2800  }
0x102: {  	[sflag:s19] =	ssyncset.done $0x0  }
0x103: {  	[sflag:s19] =	ssyncadd.s32 $0xFFFFD800  }
0x104: {  	[spmem:s2] =	stream.indirect.scatter.add.f32 [tilespmem:s15], [sflag:$0x7], $0x80, s31, s12, $0xb8;
	v63 =	vld [tilespmem:$0x0]  }
0x105: {  	_ =	swait.ge [sflag:s20], $0x2800  }
0x106: {  	[sflag:s20] =	ssyncset.done $0x0  }
0x107: {  	[sflag:s20] =	ssyncadd.s32 $0xFFFFD800  }
0x108: {  	[spmem:s2] =	stream.indirect.scatter.add.f32 [tilespmem:s16], [sflag:$0x8], $0x80, s1, s12, $0xb8;
	v63 =	vld [tilespmem:$0x0]  }
0x109: {  	_ =	swait.ge [sflag:s21], $0x2800  }
0x10a: {  	[sflag:s21] =	ssyncset.done $0x0  }
0x10b: {  	[sflag:s21] =	ssyncadd.s32 $0xFFFFD800  }
0x10c: {  	[tilespmem:s13], [sflag:$0x1] =	stream.indirect.gather [hbm4b:s4+s12], $0x80, s0, s12, $0xb8;
	v63 =	vld [tilespmem:$0x0]  }
0x10d: {  	_ =	swait.ge [sflag:s17], $0x2800  }
0x10e: {  	[sflag:s17] =	ssyncset.done $0x0  }
0x10f: {  	[sflag:s17] =	ssyncadd.s32 $0xFFFFD800  }
0x110: {  	[spmem:s2] =	stream.indirect.scatter.add.f32 [tilespmem:s13], [sflag:$0x5], $0x80, s5, s12, $0xb8;
	v63 =	vld [tilespmem:$0x0]  }
0x111: {  	_ =	swait.ge [sflag:s21], $0x2800  }
0x112: {  	[sflag:s21] =	ssyncset.done $0x0  }
0x113: {  	[sflag:s21] =	ssyncadd.s32 $0xFFFFD800  }
0x114: {  	_ =	swait.ge [sflag:s22], $0x2800  }
0x115: {  	[sflag:s22] =	ssyncset.done $0x0  }
0x116: {  	[sflag:s22] =	ssyncadd.s32 $0xFFFFD800  }
0x117: {  	_ =	swait.ge [sflag:s23], $0x2800  }
0x118: {  	[sflag:s23] =	ssyncset.done $0x0  }
0x119: {  	[sflag:s23] =	ssyncadd.s32 $0xFFFFD800  }
0x11a: {  	s6 =	simm.s32 $0x400;
	_ =	swait.ge [sflag:s24], $0x2800  }
0x11b: {  	s8 =	simm.s32 $0x200;
	s9 =	rddreg [dreg:$0x4];
	[sflag:s24] =	ssyncset.done $0x0  }
.LBB2_2:
0x11c: {  	[sflag:s24] =	ssyncadd.s32 $0xFFFFD800;
	s9 =	sadd.s32 s8, s9  }
0x11d: {  	[tilespmem:s3], [sflag:$0x9] =	stream.linear.gather [hbm4b:s9+s3], $0xC80, $0x38;
	v63 =	vld [tilespmem:$0x0]  }
0x11e: {  	_ =	swait.ge [sflag:s10], $0xC80  }
0x11f: {  	s9 =	rddreg [dreg:$0x3];
	[sflag:s10] =	ssyncset.done $0x0  }
0x120: {  	[sflag:s10] =	ssyncadd.s32 $0xFFFFF380;
	s9 =	sadd.s32 s8, s9  }
0x121: {  	[tilespmem:s11], [sflag:$0x9] =	stream.linear.gather [hbm4b:s9+s3], $0xC80, $0x38;
	v63 =	vld [tilespmem:$0x0]  }
0x122: {  	_ =	swait.ge [sflag:s10], $0xC80  }
0x123: {  	[sflag:s10] =	ssyncset.done $0x0  }
0x124: {  	s7 =	smov.u32 s6;
	[sflag:s10] =	ssyncadd.s32 $0xFFFFF380  }
0x125: {  	[tilespmem:s13], [sflag:$0x1] =	stream.indirect.gather [hbm4b:s4+s12], $0x80, s3, s12, $0xb8;
	v63 =	vld [tilespmem:$0x0]  }
0x126: {  	s8 =	smov.u32 s7;
	s7 =	rddreg [dreg:$0x5]  }
0x127: {  	[tilespmem:s14], [sflag:$0x2] =	stream.indirect.gather [hbm4b:s4+s12], $0x80, s7, s12, $0xb8;
	v63 =	vld [tilespmem:$0x0]  }
0x128: {  	s9 =	rddreg [dreg:$0x6]  }
0x129: {  	[tilespmem:s15], [sflag:$0x3] =	stream.indirect.gather [hbm4b:s4+s12], $0x80, s9, s12, $0xb8;
	v63 =	vld [tilespmem:$0x0]  }
0x12a: {  	s7 =	rddreg [dreg:$0x7]  }
0x12b: {  	[tilespmem:s16], [sflag:$0x4] =	stream.indirect.gather [hbm4b:s4+s12], $0x80, s7, s12, $0xb8;
	v63 =	vld [tilespmem:$0x0]  }
0x12c: {  	_ =	swait.ge [sflag:s17], $0x2800  }
0x12d: {  	[sflag:s17] =	ssyncset.done $0x0  }
0x12e: {  	[sflag:s17] =	ssyncadd.s32 $0xFFFFD800  }
0x12f: {  	[spmem:s2] =	stream.indirect.scatter.add.f32 [tilespmem:s13], [sflag:$0x5], $0x80, s11, s12, $0xb8;
	v63 =	vld [tilespmem:$0x0]  }
0x130: {  	_ =	swait.ge [sflag:s18], $0x2800  }
0x131: {  	[sflag:s18] =	ssyncset.done $0x0  }
0x132: {  	s9 =	rddreg [dreg:$0x8];
	[sflag:s18] =	ssyncadd.s32 $0xFFFFD800  }
0x133: {  	[spmem:s2] =	stream.indirect.scatter.add.f32 [tilespmem:s14], [sflag:$0x6], $0x80, s9, s12, $0xb8;
	v63 =	vld [tilespmem:$0x0]  }
0x134: {  	_ =	swait.ge [sflag:s19], $0x2800  }
0x135: {  	[sflag:s19] =	ssyncset.done $0x0  }
0x136: {  	s9 =	rddreg [dreg:$0x9];
	[sflag:s19] =	ssyncadd.s32 $0xFFFFD800  }
0x137: {  	[spmem:s2] =	stream.indirect.scatter.add.f32 [tilespmem:s15], [sflag:$0x7], $0x80, s9, s12, $0xb8;
	v63 =	vld [tilespmem:$0x0]  }
0x138: {  	_ =	swait.ge [sflag:s20], $0x2800  }
0x139: {  	[sflag:s20] =	ssyncset.done $0x0  }
0x13a: {  	s9 =	rddreg [dreg:$0xa];
	[sflag:s20] =	ssyncadd.s32 $0xFFFFD800  }
0x13b: {  	[spmem:s2] =	stream.indirect.scatter.add.f32 [tilespmem:s16], [sflag:$0x8], $0x80, s9, s12, $0xb8;
	v63 =	vld [tilespmem:$0x0]  }
0x13c: {  	_ =	swait.ge [sflag:s21], $0x2800  }
0x13d: {  	[sflag:s21] =	ssyncset.done $0x0  }
0x13e: {  	s9 =	rddreg [dreg:$0xb];
	[sflag:s21] =	ssyncadd.s32 $0xFFFFD800  }
0x13f: {  	[tilespmem:s13], [sflag:$0x1] =	stream.indirect.gather [hbm4b:s4+s12], $0x80, s9, s12, $0xb8;
	v63 =	vld [tilespmem:$0x0]  }
0x140: {  	_ =	swait.ge [sflag:s22], $0x2800  }
0x141: {  	[sflag:s22] =	ssyncset.done $0x0  }
0x142: {  	s9 =	rddreg [dreg:$0xc];
	[sflag:s22] =	ssyncadd.s32 $0xFFFFD800  }
0x143: {  	[tilespmem:s14], [sflag:$0x2] =	stream.indirect.gather [hbm4b:s4+s12], $0x80, s9, s12, $0xb8;
	v63 =	vld [tilespmem:$0x0]  }
0x144: {  	_ =	swait.ge [sflag:s23], $0x2800  }
0x145: {  	[sflag:s23] =	ssyncset.done $0x0  }
0x146: {  	s9 =	rddreg [dreg:$0xd];
	[sflag:s23] =	ssyncadd.s32 $0xFFFFD800  }
0x147: {  	[tilespmem:s15], [sflag:$0x3] =	stream.indirect.gather [hbm4b:s4+s12], $0x80, s9, s12, $0xb8;
	v63 =	vld [tilespmem:$0x0]  }
0x148: {  	_ =	swait.ge [sflag:s24], $0x2800  }
0x149: {  	[sflag:s24] =	ssyncset.done $0x0  }
0x14a: {  	s9 =	rddreg [dreg:$0xe];
	[sflag:s24] =	ssyncadd.s32 $0xFFFFD800  }
0x14b: {  	[tilespmem:s16], [sflag:$0x4] =	stream.indirect.gather [hbm4b:s4+s12], $0x80, s9, s12, $0xb8;
	v63 =	vld [tilespmem:$0x0]  }
0x14c: {  	_ =	swait.ge [sflag:s17], $0x2800  }
0x14d: {  	[sflag:s17] =	ssyncset.done $0x0  }
0x14e: {  	s9 =	rddreg [dreg:$0xf];
	[sflag:s17] =	ssyncadd.s32 $0xFFFFD800  }
0x14f: {  	[spmem:s2] =	stream.indirect.scatter.add.f32 [tilespmem:s13], [sflag:$0x5], $0x80, s9, s12, $0xb8;
	v63 =	vld [tilespmem:$0x0]  }
0x150: {  	_ =	swait.ge [sflag:s18], $0x2800  }
0x151: {  	[sflag:s18] =	ssyncset.done $0x0  }
0x152: {  	s9 =	rddreg [dreg:$0x10];
	[sflag:s18] =	ssyncadd.s32 $0xFFFFD800  }
0x153: {  	[spmem:s2] =	stream.indirect.scatter.add.f32 [tilespmem:s14], [sflag:$0x6], $0x80, s9, s12, $0xb8;
	v63 =	vld [tilespmem:$0x0]  }
0x154: {  	_ =	swait.ge [sflag:s19], $0x2800  }
0x155: {  	[sflag:s19] =	ssyncset.done $0x0  }
0x156: {  	s9 =	rddreg [dreg:$0x11];
	[sflag:s19] =	ssyncadd.s32 $0xFFFFD800  }
0x157: {  	[spmem:s2] =	stream.indirect.scatter.add.f32 [tilespmem:s15], [sflag:$0x7], $0x80, s9, s12, $0xb8;
	v63 =	vld [tilespmem:$0x0]  }
0x158: {  	_ =	swait.ge [sflag:s20], $0x2800  }
0x159: {  	[sflag:s20] =	ssyncset.done $0x0  }
0x15a: {  	s9 =	rddreg [dreg:$0x12];
	[sflag:s20] =	ssyncadd.s32 $0xFFFFD800  }
0x15b: {  	[spmem:s2] =	stream.indirect.scatter.add.f32 [tilespmem:s16], [sflag:$0x8], $0x80, s9, s12, $0xb8;
	v63 =	vld [tilespmem:$0x0]  }
0x15c: {  	_ =	swait.ge [sflag:s21], $0x2800  }
0x15d: {  	[sflag:s21] =	ssyncset.done $0x0  }
0x15e: {  	s9 =	rddreg [dreg:$0x13];
	[sflag:s21] =	ssyncadd.s32 $0xFFFFD800  }
0x15f: {  	[tilespmem:s13], [sflag:$0x1] =	stream.indirect.gather [hbm4b:s4+s12], $0x80, s9, s12, $0xb8;
	v63 =	vld [tilespmem:$0x0]  }
0x160: {  	_ =	swait.ge [sflag:s22], $0x2800  }
0x161: {  	[sflag:s22] =	ssyncset.done $0x0  }
0x162: {  	s9 =	rddreg [dreg:$0x14];
	[sflag:s22] =	ssyncadd.s32 $0xFFFFD800  }
0x163: {  	[tilespmem:s14], [sflag:$0x2] =	stream.indirect.gather [hbm4b:s4+s12], $0x80, s9, s12, $0xb8;
	v63 =	vld [tilespmem:$0x0]  }
0x164: {  	_ =	swait.ge [sflag:s23], $0x2800  }
0x165: {  	[sflag:s23] =	ssyncset.done $0x0  }
0x166: {  	s9 =	rddreg [dreg:$0x15];
	[sflag:s23] =	ssyncadd.s32 $0xFFFFD800  }
0x167: {  	[tilespmem:s15], [sflag:$0x3] =	stream.indirect.gather [hbm4b:s4+s12], $0x80, s9, s12, $0xb8;
	v63 =	vld [tilespmem:$0x0]  }
0x168: {  	_ =	swait.ge [sflag:s24], $0x2800  }
0x169: {  	[sflag:s24] =	ssyncset.done $0x0  }
0x16a: {  	s9 =	rddreg [dreg:$0x16];
	[sflag:s24] =	ssyncadd.s32 $0xFFFFD800  }
0x16b: {  	[tilespmem:s16], [sflag:$0x4] =	stream.indirect.gather [hbm4b:s4+s12], $0x80, s9, s12, $0xb8;
	v63 =	vld [tilespmem:$0x0]  }
0x16c: {  	_ =	swait.ge [sflag:s17], $0x2800  }
0x16d: {  	[sflag:s17] =	ssyncset.done $0x0  }
0x16e: {  	s9 =	rddreg [dreg:$0x17];
	[sflag:s17] =	ssyncadd.s32 $0xFFFFD800  }
0x16f: {  	[spmem:s2] =	stream.indirect.scatter.add.f32 [tilespmem:s13], [sflag:$0x5], $0x80, s9, s12, $0xb8;
	v63 =	vld [tilespmem:$0x0]  }
0x170: {  	_ =	swait.ge [sflag:s18], $0x2800  }
0x171: {  	[sflag:s18] =	ssyncset.done $0x0  }
0x172: {  	s9 =	rddreg [dreg:$0x18];
	[sflag:s18] =	ssyncadd.s32 $0xFFFFD800  }
0x173: {  	[spmem:s2] =	stream.indirect.scatter.add.f32 [tilespmem:s14], [sflag:$0x6], $0x80, s9, s12, $0xb8;
	v63 =	vld [tilespmem:$0x0]  }
0x174: {  	_ =	swait.ge [sflag:s19], $0x2800  }
0x175: {  	[sflag:s19] =	ssyncset.done $0x0  }
0x176: {  	s9 =	rddreg [dreg:$0x19];
	[sflag:s19] =	ssyncadd.s32 $0xFFFFD800  }
0x177: {  	[spmem:s2] =	stream.indirect.scatter.add.f32 [tilespmem:s15], [sflag:$0x7], $0x80, s9, s12, $0xb8;
	v63 =	vld [tilespmem:$0x0]  }
0x178: {  	_ =	swait.ge [sflag:s20], $0x2800  }
0x179: {  	[sflag:s20] =	ssyncset.done $0x0  }
0x17a: {  	s9 =	rddreg [dreg:$0x1a];
	[sflag:s20] =	ssyncadd.s32 $0xFFFFD800  }
0x17b: {  	[spmem:s2] =	stream.indirect.scatter.add.f32 [tilespmem:s16], [sflag:$0x8], $0x80, s9, s12, $0xb8;
	v63 =	vld [tilespmem:$0x0]  }
0x17c: {  	_ =	swait.ge [sflag:s21], $0x2800  }
0x17d: {  	[sflag:s21] =	ssyncset.done $0x0  }
0x17e: {  	s9 =	rddreg [dreg:$0x1b];
	[sflag:s21] =	ssyncadd.s32 $0xFFFFD800  }
0x17f: {  	[tilespmem:s13], [sflag:$0x1] =	stream.indirect.gather [hbm4b:s4+s12], $0x80, s9, s12, $0xb8;
	v63 =	vld [tilespmem:$0x0]  }
0x180: {  	_ =	swait.ge [sflag:s22], $0x2800  }
0x181: {  	[sflag:s22] =	ssyncset.done $0x0  }
0x182: {  	s9 =	rddreg [dreg:$0x1c];
	[sflag:s22] =	ssyncadd.s32 $0xFFFFD800  }
0x183: {  	[tilespmem:s14], [sflag:$0x2] =	stream.indirect.gather [hbm4b:s4+s12], $0x80, s9, s12, $0xb8;
	v63 =	vld [tilespmem:$0x0]  }
0x184: {  	_ =	swait.ge [sflag:s23], $0x2800  }
0x185: {  	[sflag:s23] =	ssyncset.done $0x0  }
0x186: {  	s9 =	rddreg [dreg:$0x1d];
	[sflag:s23] =	ssyncadd.s32 $0xFFFFD800  }
0x187: {  	[tilespmem:s15], [sflag:$0x3] =	stream.indirect.gather [hbm4b:s4+s12], $0x80, s9, s12, $0xb8;
	v63 =	vld [tilespmem:$0x0]  }
0x188: {  	_ =	swait.ge [sflag:s24], $0x2800  }
0x189: {  	[sflag:s24] =	ssyncset.done $0x0  }
0x18a: {  	s9 =	rddreg [dreg:$0x1e];
	[sflag:s24] =	ssyncadd.s32 $0xFFFFD800  }
0x18b: {  	[tilespmem:s16], [sflag:$0x4] =	stream.indirect.gather [hbm4b:s4+s12], $0x80, s9, s12, $0xb8;
	v63 =	vld [tilespmem:$0x0]  }
0x18c: {  	_ =	swait.ge [sflag:s17], $0x2800  }
0x18d: {  	[sflag:s17] =	ssyncset.done $0x0  }
0x18e: {  	s9 =	rddreg [dreg:$0x1f];
	[sflag:s17] =	ssyncadd.s32 $0xFFFFD800  }
0x18f: {  	[spmem:s2] =	stream.indirect.scatter.add.f32 [tilespmem:s13], [sflag:$0x5], $0x80, s9, s12, $0xb8;
	v63 =	vld [tilespmem:$0x0]  }
0x190: {  	_ =	swait.ge [sflag:s18], $0x2800  }
0x191: {  	s9 =	sld [smem:$0x7F0]  }
0x192: {  	[sflag:s18] =	ssyncset.done $0x0  }
0x193: {  	[sflag:s18] =	ssyncadd.s32 $0xFFFFD800  }
0x194: {  	[spmem:s2] =	stream.indirect.scatter.add.f32 [tilespmem:s14], [sflag:$0x6], $0x80, s9, s12, $0xb8;
	v63 =	vld [tilespmem:$0x0]  }
0x195: {  	_ =	swait.ge [sflag:s19], $0x2800  }
0x196: {  	s9 =	sld [smem:$0x7F1]  }
0x197: {  	[sflag:s19] =	ssyncset.done $0x0  }
0x198: {  	[sflag:s19] =	ssyncadd.s32 $0xFFFFD800  }
0x199: {  	[spmem:s2] =	stream.indirect.scatter.add.f32 [tilespmem:s15], [sflag:$0x7], $0x80, s9, s12, $0xb8;
	v63 =	vld [tilespmem:$0x0]  }
0x19a: {  	_ =	swait.ge [sflag:s20], $0x2800  }
0x19b: {  	s9 =	sld [smem:$0x7F2]  }
0x19c: {  	[sflag:s20] =	ssyncset.done $0x0  }
0x19d: {  	[sflag:s20] =	ssyncadd.s32 $0xFFFFD800  }
0x19e: {  	[spmem:s2] =	stream.indirect.scatter.add.f32 [tilespmem:s16], [sflag:$0x8], $0x80, s9, s12, $0xb8;
	v63 =	vld [tilespmem:$0x0]  }
0x19f: {  	_ =	swait.ge [sflag:s21], $0x2800  }
0x1a0: {  	s9 =	sld [smem:$0x7F3]  }
0x1a1: {  	[sflag:s21] =	ssyncset.done $0x0  }
0x1a2: {  	[sflag:s21] =	ssyncadd.s32 $0xFFFFD800  }
0x1a3: {  	[tilespmem:s13], [sflag:$0x1] =	stream.indirect.gather [hbm4b:s4+s12], $0x80, s9, s12, $0xb8;
	v63 =	vld [tilespmem:$0x0]  }
0x1a4: {  	_ =	swait.ge [sflag:s22], $0x2800  }
0x1a5: {  	s9 =	sld [smem:$0x7F4]  }
0x1a6: {  	[sflag:s22] =	ssyncset.done $0x0  }
0x1a7: {  	[sflag:s22] =	ssyncadd.s32 $0xFFFFD800  }
0x1a8: {  	[tilespmem:s14], [sflag:$0x2] =	stream.indirect.gather [hbm4b:s4+s12], $0x80, s9, s12, $0xb8;
	v63 =	vld [tilespmem:$0x0]  }
0x1a9: {  	_ =	swait.ge [sflag:s23], $0x2800  }
0x1aa: {  	s9 =	sld [smem:$0x7F5]  }
0x1ab: {  	[sflag:s23] =	ssyncset.done $0x0  }
0x1ac: {  	[sflag:s23] =	ssyncadd.s32 $0xFFFFD800  }
0x1ad: {  	[tilespmem:s15], [sflag:$0x3] =	stream.indirect.gather [hbm4b:s4+s12], $0x80, s9, s12, $0xb8;
	v63 =	vld [tilespmem:$0x0]  }
0x1ae: {  	_ =	swait.ge [sflag:s24], $0x2800  }
0x1af: {  	s9 =	sld [smem:$0x7F6]  }
0x1b0: {  	[sflag:s24] =	ssyncset.done $0x0  }
0x1b1: {  	[sflag:s24] =	ssyncadd.s32 $0xFFFFD800  }
0x1b2: {  	[tilespmem:s16], [sflag:$0x4] =	stream.indirect.gather [hbm4b:s4+s12], $0x80, s9, s12, $0xb8;
	v63 =	vld [tilespmem:$0x0]  }
0x1b3: {  	_ =	swait.ge [sflag:s17], $0x2800  }
0x1b4: {  	s9 =	sld [smem:$0x7F7]  }
0x1b5: {  	[sflag:s17] =	ssyncset.done $0x0  }
0x1b6: {  	[sflag:s17] =	ssyncadd.s32 $0xFFFFD800  }
0x1b7: {  	[spmem:s2] =	stream.indirect.scatter.add.f32 [tilespmem:s13], [sflag:$0x5], $0x80, s9, s12, $0xb8;
	v63 =	vld [tilespmem:$0x0]  }
0x1b8: {  	_ =	swait.ge [sflag:s18], $0x2800  }
0x1b9: {  	s9 =	sld [smem:$0x7F8]  }
0x1ba: {  	[sflag:s18] =	ssyncset.done $0x0  }
0x1bb: {  	[sflag:s18] =	ssyncadd.s32 $0xFFFFD800  }
0x1bc: {  	[spmem:s2] =	stream.indirect.scatter.add.f32 [tilespmem:s14], [sflag:$0x6], $0x80, s9, s12, $0xb8;
	v63 =	vld [tilespmem:$0x0]  }
0x1bd: {  	_ =	swait.ge [sflag:s19], $0x2800  }
0x1be: {  	s9 =	sld [smem:$0x7F9]  }
0x1bf: {  	[sflag:s19] =	ssyncset.done $0x0  }
0x1c0: {  	[sflag:s19] =	ssyncadd.s32 $0xFFFFD800  }
0x1c1: {  	[spmem:s2] =	stream.indirect.scatter.add.f32 [tilespmem:s15], [sflag:$0x7], $0x80, s9, s12, $0xb8;
	v63 =	vld [tilespmem:$0x0]  }
0x1c2: {  	_ =	swait.ge [sflag:s20], $0x2800  }
0x1c3: {  	s9 =	sld [smem:$0x7FA]  }
0x1c4: {  	[sflag:s20] =	ssyncset.done $0x0  }
0x1c5: {  	[sflag:s20] =	ssyncadd.s32 $0xFFFFD800  }
0x1c6: {  	[spmem:s2] =	stream.indirect.scatter.add.f32 [tilespmem:s16], [sflag:$0x8], $0x80, s9, s12, $0xb8;
	v63 =	vld [tilespmem:$0x0]  }
0x1c7: {  	_ =	swait.ge [sflag:s21], $0x2800  }
0x1c8: {  	s9 =	sld [smem:$0x7FB]  }
0x1c9: {  	[sflag:s21] =	ssyncset.done $0x0  }
0x1ca: {  	[sflag:s21] =	ssyncadd.s32 $0xFFFFD800  }
0x1cb: {  	[tilespmem:s13], [sflag:$0x1] =	stream.indirect.gather [hbm4b:s4+s12], $0x80, s9, s12, $0xb8;
	v63 =	vld [tilespmem:$0x0]  }
0x1cc: {  	_ =	swait.ge [sflag:s22], $0x2800  }
0x1cd: {  	[sflag:s22] =	ssyncset.done $0x0  }
0x1ce: {  	[sflag:s22] =	ssyncadd.s32 $0xFFFFD800  }
0x1cf: {  	[tilespmem:s14], [sflag:$0x2] =	stream.indirect.gather [hbm4b:s4+s12], $0x80, s25, s12, $0xb8;
	v63 =	vld [tilespmem:$0x0]  }
0x1d0: {  	_ =	swait.ge [sflag:s23], $0x2800  }
0x1d1: {  	[sflag:s23] =	ssyncset.done $0x0  }
0x1d2: {  	[sflag:s23] =	ssyncadd.s32 $0xFFFFD800  }
0x1d3: {  	[tilespmem:s15], [sflag:$0x3] =	stream.indirect.gather [hbm4b:s4+s12], $0x80, s26, s12, $0xb8;
	v63 =	vld [tilespmem:$0x0]  }
0x1d4: {  	_ =	swait.ge [sflag:s24], $0x2800  }
0x1d5: {  	[sflag:s24] =	ssyncset.done $0x0  }
0x1d6: {  	[sflag:s24] =	ssyncadd.s32 $0xFFFFD800  }
0x1d7: {  	[tilespmem:s16], [sflag:$0x4] =	stream.indirect.gather [hbm4b:s4+s12], $0x80, s28, s12, $0xb8;
	v63 =	vld [tilespmem:$0x0]  }
0x1d8: {  	_ =	swait.ge [sflag:s17], $0x2800  }
0x1d9: {  	[sflag:s17] =	ssyncset.done $0x0  }
0x1da: {  	[sflag:s17] =	ssyncadd.s32 $0xFFFFD800  }
0x1db: {  	[spmem:s2] =	stream.indirect.scatter.add.f32 [tilespmem:s13], [sflag:$0x5], $0x80, s29, s12, $0xb8;
	v63 =	vld [tilespmem:$0x0]  }
0x1dc: {  	_ =	swait.ge [sflag:s18], $0x2800  }
0x1dd: {  	[sflag:s18] =	ssyncset.done $0x0  }
0x1de: {  	[sflag:s18] =	ssyncadd.s32 $0xFFFFD800  }
0x1df: {  	[spmem:s2] =	stream.indirect.scatter.add.f32 [tilespmem:s14], [sflag:$0x6], $0x80, s30, s12, $0xb8;
	v63 =	vld [tilespmem:$0x0]  }
0x1e0: {  	_ =	swait.ge [sflag:s19], $0x2800  }
0x1e1: {  	[sflag:s19] =	ssyncset.done $0x0  }
0x1e2: {  	[sflag:s19] =	ssyncadd.s32 $0xFFFFD800  }
0x1e3: {  	[spmem:s2] =	stream.indirect.scatter.add.f32 [tilespmem:s15], [sflag:$0x7], $0x80, s31, s12, $0xb8;
	v63 =	vld [tilespmem:$0x0]  }
0x1e4: {  	_ =	swait.ge [sflag:s20], $0x2800  }
0x1e5: {  	[sflag:s20] =	ssyncset.done $0x0  }
0x1e6: {  	[sflag:s20] =	ssyncadd.s32 $0xFFFFD800  }
0x1e7: {  	[spmem:s2] =	stream.indirect.scatter.add.f32 [tilespmem:s16], [sflag:$0x8], $0x80, s1, s12, $0xb8;
	v63 =	vld [tilespmem:$0x0]  }
0x1e8: {  	_ =	swait.ge [sflag:s21], $0x2800  }
0x1e9: {  	[sflag:s21] =	ssyncset.done $0x0  }
0x1ea: {  	[sflag:s21] =	ssyncadd.s32 $0xFFFFD800  }
0x1eb: {  	[tilespmem:s13], [sflag:$0x1] =	stream.indirect.gather [hbm4b:s4+s12], $0x80, s0, s12, $0xb8;
	v63 =	vld [tilespmem:$0x0]  }
0x1ec: {  	_ =	swait.ge [sflag:s17], $0x2800  }
0x1ed: {  	[sflag:s17] =	ssyncset.done $0x0  }
0x1ee: {  	[sflag:s17] =	ssyncadd.s32 $0xFFFFD800  }
0x1ef: {  	[spmem:s2] =	stream.indirect.scatter.add.f32 [tilespmem:s13], [sflag:$0x5], $0x80, s5, s12, $0xb8;
	v63 =	vld [tilespmem:$0x0]  }
0x1f0: {  	_ =	swait.ge [sflag:s21], $0x2800  }
0x1f1: {  	[sflag:s21] =	ssyncset.done $0x0  }
0x1f2: {  	[sflag:s21] =	ssyncadd.s32 $0xFFFFD800  }
0x1f3: {  	_ =	swait.ge [sflag:s22], $0x2800  }
0x1f4: {  	[sflag:s22] =	ssyncset.done $0x0  }
0x1f5: {  	p0 =	sne.s32 s6, $0x800;
	[sflag:s22] =	ssyncadd.s32 $0xFFFFD800  }
.Ltmp0:
0x1f6: {  	_ =	swait.ge [sflag:s23], $0x2800;
	(pc) =	sbr.rel @p0 .LBB2_2-.Ltmp0, $4  }
0x1f7: {  	[sflag:s23] =	ssyncset.done $0x0  }
0x1f8: {  	[sflag:s23] =	ssyncadd.s32 $0xFFFFD800  }
0x1f9: {  	_ =	swait.ge [sflag:s24], $0x2800  }
0x1fa: {  	s6 =	sadd.s32 $0x200, s6;
	s9 =	rddreg [dreg:$0x4];
	[sflag:s24] =	ssyncset.done $0x0  }
0x1fb: {  	[sflag:s24] =	ssyncadd.s32 $0xFFFFD800;
	s6 =	sadd.s32 s8, s9  }
0x1fc: {  	[tilespmem:s3], [sflag:$0x9] =	stream.linear.gather [hbm4b:s6+s3], $0xC80, $0x38;
	v63 =	vld [tilespmem:$0x0]  }
0x1fd: {  	_ =	swait.ge [sflag:s10], $0xC80  }
0x1fe: {  	s7 =	rddreg [dreg:$0x3];
	[sflag:s10] =	ssyncset.done $0x0  }
0x1ff: {  	[sflag:s10] =	ssyncadd.s32 $0xFFFFF380;
	s6 =	sadd.s32 s8, s7  }
0x200: {  	[tilespmem:s11], [sflag:$0x9] =	stream.linear.gather [hbm4b:s6+s3], $0xC80, $0x38;
	v63 =	vld [tilespmem:$0x0]  }
0x201: {  	_ =	swait.ge [sflag:s10], $0xC80  }
0x202: {  	[sflag:s10] =	ssyncset.done $0x0  }
0x203: {  	[sflag:s10] =	ssyncadd.s32 $0xFFFFF380  }
0x204: {  	[tilespmem:s13], [sflag:$0x1] =	stream.indirect.gather [hbm4b:s4+s12], $0x80, s3, s12, $0xb8;
	v63 =	vld [tilespmem:$0x0]  }
0x205: {  	s9 =	rddreg [dreg:$0x5]  }
0x206: {  	[tilespmem:s14], [sflag:$0x2] =	stream.indirect.gather [hbm4b:s4+s12], $0x80, s9, s12, $0xb8;
	v63 =	vld [tilespmem:$0x0]  }
0x207: {  	s7 =	rddreg [dreg:$0x6]  }
0x208: {  	[tilespmem:s15], [sflag:$0x3] =	stream.indirect.gather [hbm4b:s4+s12], $0x80, s7, s12, $0xb8;
	v63 =	vld [tilespmem:$0x0]  }
0x209: {  	s8 =	rddreg [dreg:$0x7]  }
0x20a: {  	[tilespmem:s16], [sflag:$0x4] =	stream.indirect.gather [hbm4b:s4+s12], $0x80, s8, s12, $0xb8;
	v63 =	vld [tilespmem:$0x0]  }
0x20b: {  	_ =	swait.ge [sflag:s17], $0x2800  }
0x20c: {  	[sflag:s17] =	ssyncset.done $0x0  }
0x20d: {  	[sflag:s17] =	ssyncadd.s32 $0xFFFFD800  }
0x20e: {  	[spmem:s2] =	stream.indirect.scatter.add.f32 [tilespmem:s13], [sflag:$0x5], $0x80, s11, s12, $0xb8;
	v63 =	vld [tilespmem:$0x0]  }
0x20f: {  	_ =	swait.ge [sflag:s18], $0x2800  }
0x210: {  	[sflag:s18] =	ssyncset.done $0x0  }
0x211: {  	s9 =	rddreg [dreg:$0x8];
	[sflag:s18] =	ssyncadd.s32 $0xFFFFD800  }
0x212: {  	[spmem:s2] =	stream.indirect.scatter.add.f32 [tilespmem:s14], [sflag:$0x6], $0x80, s9, s12, $0xb8;
	v63 =	vld [tilespmem:$0x0]  }
0x213: {  	_ =	swait.ge [sflag:s19], $0x2800  }
0x214: {  	[sflag:s19] =	ssyncset.done $0x0  }
0x215: {  	s7 =	rddreg [dreg:$0x9];
	[sflag:s19] =	ssyncadd.s32 $0xFFFFD800  }
0x216: {  	[spmem:s2] =	stream.indirect.scatter.add.f32 [tilespmem:s15], [sflag:$0x7], $0x80, s7, s12, $0xb8;
	v63 =	vld [tilespmem:$0x0]  }
0x217: {  	_ =	swait.ge [sflag:s20], $0x2800  }
0x218: {  	[sflag:s20] =	ssyncset.done $0x0  }
0x219: {  	s8 =	rddreg [dreg:$0xa];
	[sflag:s20] =	ssyncadd.s32 $0xFFFFD800  }
0x21a: {  	[spmem:s2] =	stream.indirect.scatter.add.f32 [tilespmem:s16], [sflag:$0x8], $0x80, s8, s12, $0xb8;
	v63 =	vld [tilespmem:$0x0]  }
0x21b: {  	_ =	swait.ge [sflag:s21], $0x2800  }
0x21c: {  	[sflag:s21] =	ssyncset.done $0x0  }
0x21d: {  	s9 =	rddreg [dreg:$0xb];
	[sflag:s21] =	ssyncadd.s32 $0xFFFFD800  }
0x21e: {  	[tilespmem:s13], [sflag:$0x1] =	stream.indirect.gather [hbm4b:s4+s12], $0x80, s9, s12, $0xb8;
	v63 =	vld [tilespmem:$0x0]  }
0x21f: {  	_ =	swait.ge [sflag:s22], $0x2800  }
0x220: {  	[sflag:s22] =	ssyncset.done $0x0  }
0x221: {  	s7 =	rddreg [dreg:$0xc];
	[sflag:s22] =	ssyncadd.s32 $0xFFFFD800  }
0x222: {  	[tilespmem:s14], [sflag:$0x2] =	stream.indirect.gather [hbm4b:s4+s12], $0x80, s7, s12, $0xb8;
	v63 =	vld [tilespmem:$0x0]  }
0x223: {  	_ =	swait.ge [sflag:s23], $0x2800  }
0x224: {  	[sflag:s23] =	ssyncset.done $0x0  }
0x225: {  	s8 =	rddreg [dreg:$0xd];
	[sflag:s23] =	ssyncadd.s32 $0xFFFFD800  }
0x226: {  	[tilespmem:s15], [sflag:$0x3] =	stream.indirect.gather [hbm4b:s4+s12], $0x80, s8, s12, $0xb8;
	v63 =	vld [tilespmem:$0x0]  }
0x227: {  	_ =	swait.ge [sflag:s24], $0x2800  }
0x228: {  	[sflag:s24] =	ssyncset.done $0x0  }
0x229: {  	s9 =	rddreg [dreg:$0xe];
	[sflag:s24] =	ssyncadd.s32 $0xFFFFD800  }
0x22a: {  	[tilespmem:s16], [sflag:$0x4] =	stream.indirect.gather [hbm4b:s4+s12], $0x80, s9, s12, $0xb8;
	v63 =	vld [tilespmem:$0x0]  }
0x22b: {  	_ =	swait.ge [sflag:s17], $0x2800  }
0x22c: {  	[sflag:s17] =	ssyncset.done $0x0  }
0x22d: {  	s7 =	rddreg [dreg:$0xf];
	[sflag:s17] =	ssyncadd.s32 $0xFFFFD800  }
0x22e: {  	[spmem:s2] =	stream.indirect.scatter.add.f32 [tilespmem:s13], [sflag:$0x5], $0x80, s7, s12, $0xb8;
	v63 =	vld [tilespmem:$0x0]  }
0x22f: {  	_ =	swait.ge [sflag:s18], $0x2800  }
0x230: {  	[sflag:s18] =	ssyncset.done $0x0  }
0x231: {  	s8 =	rddreg [dreg:$0x10];
	[sflag:s18] =	ssyncadd.s32 $0xFFFFD800  }
0x232: {  	[spmem:s2] =	stream.indirect.scatter.add.f32 [tilespmem:s14], [sflag:$0x6], $0x80, s8, s12, $0xb8;
	v63 =	vld [tilespmem:$0x0]  }
0x233: {  	_ =	swait.ge [sflag:s19], $0x2800  }
0x234: {  	[sflag:s19] =	ssyncset.done $0x0  }
0x235: {  	s9 =	rddreg [dreg:$0x11];
	[sflag:s19] =	ssyncadd.s32 $0xFFFFD800  }
0x236: {  	[spmem:s2] =	stream.indirect.scatter.add.f32 [tilespmem:s15], [sflag:$0x7], $0x80, s9, s12, $0xb8;
	v63 =	vld [tilespmem:$0x0]  }
0x237: {  	_ =	swait.ge [sflag:s20], $0x2800  }
0x238: {  	[sflag:s20] =	ssyncset.done $0x0  }
0x239: {  	s7 =	rddreg [dreg:$0x12];
	[sflag:s20] =	ssyncadd.s32 $0xFFFFD800  }
0x23a: {  	[spmem:s2] =	stream.indirect.scatter.add.f32 [tilespmem:s16], [sflag:$0x8], $0x80, s7, s12, $0xb8;
	v63 =	vld [tilespmem:$0x0]  }
0x23b: {  	_ =	swait.ge [sflag:s21], $0x2800  }
0x23c: {  	[sflag:s21] =	ssyncset.done $0x0  }
0x23d: {  	s8 =	rddreg [dreg:$0x13];
	[sflag:s21] =	ssyncadd.s32 $0xFFFFD800  }
0x23e: {  	[tilespmem:s13], [sflag:$0x1] =	stream.indirect.gather [hbm4b:s4+s12], $0x80, s8, s12, $0xb8;
	v63 =	vld [tilespmem:$0x0]  }
0x23f: {  	_ =	swait.ge [sflag:s22], $0x2800  }
0x240: {  	[sflag:s22] =	ssyncset.done $0x0  }
0x241: {  	s9 =	rddreg [dreg:$0x14];
	[sflag:s22] =	ssyncadd.s32 $0xFFFFD800  }
0x242: {  	[tilespmem:s14], [sflag:$0x2] =	stream.indirect.gather [hbm4b:s4+s12], $0x80, s9, s12, $0xb8;
	v63 =	vld [tilespmem:$0x0]  }
0x243: {  	_ =	swait.ge [sflag:s23], $0x2800  }
0x244: {  	[sflag:s23] =	ssyncset.done $0x0  }
0x245: {  	s7 =	rddreg [dreg:$0x15];
	[sflag:s23] =	ssyncadd.s32 $0xFFFFD800  }
0x246: {  	[tilespmem:s15], [sflag:$0x3] =	stream.indirect.gather [hbm4b:s4+s12], $0x80, s7, s12, $0xb8;
	v63 =	vld [tilespmem:$0x0]  }
0x247: {  	_ =	swait.ge [sflag:s24], $0x2800  }
0x248: {  	[sflag:s24] =	ssyncset.done $0x0  }
0x249: {  	s8 =	rddreg [dreg:$0x16];
	[sflag:s24] =	ssyncadd.s32 $0xFFFFD800  }
0x24a: {  	[tilespmem:s16], [sflag:$0x4] =	stream.indirect.gather [hbm4b:s4+s12], $0x80, s8, s12, $0xb8;
	v63 =	vld [tilespmem:$0x0]  }
0x24b: {  	_ =	swait.ge [sflag:s17], $0x2800  }
0x24c: {  	[sflag:s17] =	ssyncset.done $0x0  }
0x24d: {  	s9 =	rddreg [dreg:$0x17];
	[sflag:s17] =	ssyncadd.s32 $0xFFFFD800  }
0x24e: {  	[spmem:s2] =	stream.indirect.scatter.add.f32 [tilespmem:s13], [sflag:$0x5], $0x80, s9, s12, $0xb8;
	v63 =	vld [tilespmem:$0x0]  }
0x24f: {  	_ =	swait.ge [sflag:s18], $0x2800  }
0x250: {  	[sflag:s18] =	ssyncset.done $0x0  }
0x251: {  	s7 =	rddreg [dreg:$0x18];
	[sflag:s18] =	ssyncadd.s32 $0xFFFFD800  }
0x252: {  	[spmem:s2] =	stream.indirect.scatter.add.f32 [tilespmem:s14], [sflag:$0x6], $0x80, s7, s12, $0xb8;
	v63 =	vld [tilespmem:$0x0]  }
0x253: {  	_ =	swait.ge [sflag:s19], $0x2800  }
0x254: {  	[sflag:s19] =	ssyncset.done $0x0  }
0x255: {  	s8 =	rddreg [dreg:$0x19];
	[sflag:s19] =	ssyncadd.s32 $0xFFFFD800  }
0x256: {  	[spmem:s2] =	stream.indirect.scatter.add.f32 [tilespmem:s15], [sflag:$0x7], $0x80, s8, s12, $0xb8;
	v63 =	vld [tilespmem:$0x0]  }
0x257: {  	_ =	swait.ge [sflag:s20], $0x2800  }
0x258: {  	[sflag:s20] =	ssyncset.done $0x0  }
0x259: {  	s9 =	rddreg [dreg:$0x1a];
	[sflag:s20] =	ssyncadd.s32 $0xFFFFD800  }
0x25a: {  	[spmem:s2] =	stream.indirect.scatter.add.f32 [tilespmem:s16], [sflag:$0x8], $0x80, s9, s12, $0xb8;
	v63 =	vld [tilespmem:$0x0]  }
0x25b: {  	_ =	swait.ge [sflag:s21], $0x2800  }
0x25c: {  	[sflag:s21] =	ssyncset.done $0x0  }
0x25d: {  	s7 =	rddreg [dreg:$0x1b];
	[sflag:s21] =	ssyncadd.s32 $0xFFFFD800  }
0x25e: {  	[tilespmem:s13], [sflag:$0x1] =	stream.indirect.gather [hbm4b:s4+s12], $0x80, s7, s12, $0xb8;
	v63 =	vld [tilespmem:$0x0]  }
0x25f: {  	_ =	swait.ge [sflag:s22], $0x2800  }
0x260: {  	[sflag:s22] =	ssyncset.done $0x0  }
0x261: {  	s8 =	rddreg [dreg:$0x1c];
	[sflag:s22] =	ssyncadd.s32 $0xFFFFD800  }
0x262: {  	[tilespmem:s14], [sflag:$0x2] =	stream.indirect.gather [hbm4b:s4+s12], $0x80, s8, s12, $0xb8;
	v63 =	vld [tilespmem:$0x0]  }
0x263: {  	_ =	swait.ge [sflag:s23], $0x2800  }
0x264: {  	[sflag:s23] =	ssyncset.done $0x0  }
0x265: {  	s9 =	rddreg [dreg:$0x1d];
	[sflag:s23] =	ssyncadd.s32 $0xFFFFD800  }
0x266: {  	[tilespmem:s15], [sflag:$0x3] =	stream.indirect.gather [hbm4b:s4+s12], $0x80, s9, s12, $0xb8;
	v63 =	vld [tilespmem:$0x0]  }
0x267: {  	_ =	swait.ge [sflag:s24], $0x2800  }
0x268: {  	[sflag:s24] =	ssyncset.done $0x0  }
0x269: {  	s7 =	rddreg [dreg:$0x1e];
	[sflag:s24] =	ssyncadd.s32 $0xFFFFD800  }
0x26a: {  	[tilespmem:s16], [sflag:$0x4] =	stream.indirect.gather [hbm4b:s4+s12], $0x80, s7, s12, $0xb8;
	v63 =	vld [tilespmem:$0x0]  }
0x26b: {  	_ =	swait.ge [sflag:s17], $0x2800  }
0x26c: {  	[sflag:s17] =	ssyncset.done $0x0  }
0x26d: {  	s8 =	rddreg [dreg:$0x1f];
	[sflag:s17] =	ssyncadd.s32 $0xFFFFD800  }
0x26e: {  	[spmem:s2] =	stream.indirect.scatter.add.f32 [tilespmem:s13], [sflag:$0x5], $0x80, s8, s12, $0xb8;
	v63 =	vld [tilespmem:$0x0]  }
0x26f: {  	_ =	swait.ge [sflag:s18], $0x2800  }
0x270: {  	s9 =	sld [smem:$0x7F0]  }
0x271: {  	[sflag:s18] =	ssyncset.done $0x0  }
0x272: {  	[sflag:s18] =	ssyncadd.s32 $0xFFFFD800  }
0x273: {  	[spmem:s2] =	stream.indirect.scatter.add.f32 [tilespmem:s14], [sflag:$0x6], $0x80, s9, s12, $0xb8;
	v63 =	vld [tilespmem:$0x0]  }
0x274: {  	_ =	swait.ge [sflag:s19], $0x2800  }
0x275: {  	s7 =	sld [smem:$0x7F1]  }
0x276: {  	[sflag:s19] =	ssyncset.done $0x0  }
0x277: {  	[sflag:s19] =	ssyncadd.s32 $0xFFFFD800  }
0x278: {  	[spmem:s2] =	stream.indirect.scatter.add.f32 [tilespmem:s15], [sflag:$0x7], $0x80, s7, s12, $0xb8;
	v63 =	vld [tilespmem:$0x0]  }
0x279: {  	_ =	swait.ge [sflag:s20], $0x2800  }
0x27a: {  	s8 =	sld [smem:$0x7F2]  }
0x27b: {  	[sflag:s20] =	ssyncset.done $0x0  }
0x27c: {  	[sflag:s20] =	ssyncadd.s32 $0xFFFFD800  }
0x27d: {  	[spmem:s2] =	stream.indirect.scatter.add.f32 [tilespmem:s16], [sflag:$0x8], $0x80, s8, s12, $0xb8;
	v63 =	vld [tilespmem:$0x0]  }
0x27e: {  	_ =	swait.ge [sflag:s21], $0x2800  }
0x27f: {  	s9 =	sld [smem:$0x7F3]  }
0x280: {  	[sflag:s21] =	ssyncset.done $0x0  }
0x281: {  	[sflag:s21] =	ssyncadd.s32 $0xFFFFD800  }
0x282: {  	[tilespmem:s13], [sflag:$0x1] =	stream.indirect.gather [hbm4b:s4+s12], $0x80, s9, s12, $0xb8;
	v63 =	vld [tilespmem:$0x0]  }
0x283: {  	_ =	swait.ge [sflag:s22], $0x2800  }
0x284: {  	s7 =	sld [smem:$0x7F4]  }
0x285: {  	[sflag:s22] =	ssyncset.done $0x0  }
0x286: {  	[sflag:s22] =	ssyncadd.s32 $0xFFFFD800  }
0x287: {  	[tilespmem:s14], [sflag:$0x2] =	stream.indirect.gather [hbm4b:s4+s12], $0x80, s7, s12, $0xb8;
	v63 =	vld [tilespmem:$0x0]  }
0x288: {  	_ =	swait.ge [sflag:s23], $0x2800  }
0x289: {  	s8 =	sld [smem:$0x7F5]  }
0x28a: {  	[sflag:s23] =	ssyncset.done $0x0  }
0x28b: {  	[sflag:s23] =	ssyncadd.s32 $0xFFFFD800  }
0x28c: {  	[tilespmem:s15], [sflag:$0x3] =	stream.indirect.gather [hbm4b:s4+s12], $0x80, s8, s12, $0xb8;
	v63 =	vld [tilespmem:$0x0]  }
0x28d: {  	_ =	swait.ge [sflag:s24], $0x2800  }
0x28e: {  	s9 =	sld [smem:$0x7F6]  }
0x28f: {  	[sflag:s24] =	ssyncset.done $0x0  }
0x290: {  	[sflag:s24] =	ssyncadd.s32 $0xFFFFD800  }
0x291: {  	[tilespmem:s16], [sflag:$0x4] =	stream.indirect.gather [hbm4b:s4+s12], $0x80, s9, s12, $0xb8;
	v63 =	vld [tilespmem:$0x0]  }
0x292: {  	_ =	swait.ge [sflag:s17], $0x2800  }
0x293: {  	s7 =	sld [smem:$0x7F7]  }
0x294: {  	[sflag:s17] =	ssyncset.done $0x0  }
0x295: {  	[sflag:s17] =	ssyncadd.s32 $0xFFFFD800  }
0x296: {  	[spmem:s2] =	stream.indirect.scatter.add.f32 [tilespmem:s13], [sflag:$0x5], $0x80, s7, s12, $0xb8;
	v63 =	vld [tilespmem:$0x0]  }
0x297: {  	_ =	swait.ge [sflag:s18], $0x2800  }
0x298: {  	s8 =	sld [smem:$0x7F8]  }
0x299: {  	[sflag:s18] =	ssyncset.done $0x0  }
0x29a: {  	[sflag:s18] =	ssyncadd.s32 $0xFFFFD800  }
0x29b: {  	[spmem:s2] =	stream.indirect.scatter.add.f32 [tilespmem:s14], [sflag:$0x6], $0x80, s8, s12, $0xb8;
	v63 =	vld [tilespmem:$0x0]  }
0x29c: {  	_ =	swait.ge [sflag:s19], $0x2800  }
0x29d: {  	s9 =	sld [smem:$0x7F9]  }
0x29e: {  	[sflag:s19] =	ssyncset.done $0x0  }
0x29f: {  	[sflag:s19] =	ssyncadd.s32 $0xFFFFD800  }
0x2a0: {  	[spmem:s2] =	stream.indirect.scatter.add.f32 [tilespmem:s15], [sflag:$0x7], $0x80, s9, s12, $0xb8;
	v63 =	vld [tilespmem:$0x0]  }
0x2a1: {  	_ =	swait.ge [sflag:s20], $0x2800  }
0x2a2: {  	s7 =	sld [smem:$0x7FA]  }
0x2a3: {  	[sflag:s20] =	ssyncset.done $0x0  }
0x2a4: {  	[sflag:s20] =	ssyncadd.s32 $0xFFFFD800  }
0x2a5: {  	[spmem:s2] =	stream.indirect.scatter.add.f32 [tilespmem:s16], [sflag:$0x8], $0x80, s7, s12, $0xb8;
	v63 =	vld [tilespmem:$0x0]  }
0x2a6: {  	_ =	swait.ge [sflag:s21], $0x2800  }
0x2a7: {  	s8 =	sld [smem:$0x7FB]  }
0x2a8: {  	[sflag:s21] =	ssyncset.done $0x0  }
0x2a9: {  	[sflag:s21] =	ssyncadd.s32 $0xFFFFD800  }
0x2aa: {  	[tilespmem:s13], [sflag:$0x1] =	stream.indirect.gather [hbm4b:s4+s12], $0x80, s8, s12, $0xb8;
	v63 =	vld [tilespmem:$0x0]  }
0x2ab: {  	_ =	swait.ge [sflag:s22], $0x2800  }
0x2ac: {  	[sflag:s22] =	ssyncset.done $0x0  }
0x2ad: {  	[sflag:s22] =	ssyncadd.s32 $0xFFFFD800  }
0x2ae: {  	[tilespmem:s14], [sflag:$0x2] =	stream.indirect.gather [hbm4b:s4+s12], $0x80, s25, s12, $0xb8;
	v63 =	vld [tilespmem:$0x0]  }
0x2af: {  	_ =	swait.ge [sflag:s23], $0x2800  }
0x2b0: {  	[sflag:s23] =	ssyncset.done $0x0  }
0x2b1: {  	[sflag:s23] =	ssyncadd.s32 $0xFFFFD800  }
0x2b2: {  	[tilespmem:s15], [sflag:$0x3] =	stream.indirect.gather [hbm4b:s4+s12], $0x80, s26, s12, $0xb8;
	v63 =	vld [tilespmem:$0x0]  }
0x2b3: {  	_ =	swait.ge [sflag:s24], $0x2800  }
0x2b4: {  	[sflag:s24] =	ssyncset.done $0x0  }
0x2b5: {  	[sflag:s24] =	ssyncadd.s32 $0xFFFFD800  }
0x2b6: {  	[tilespmem:s16], [sflag:$0x4] =	stream.indirect.gather [hbm4b:s4+s12], $0x80, s28, s12, $0xb8;
	v63 =	vld [tilespmem:$0x0]  }
0x2b7: {  	_ =	swait.ge [sflag:s17], $0x2800  }
0x2b8: {  	[sflag:s17] =	ssyncset.done $0x0  }
0x2b9: {  	[sflag:s17] =	ssyncadd.s32 $0xFFFFD800  }
0x2ba: {  	[spmem:s2] =	stream.indirect.scatter.add.f32 [tilespmem:s13], [sflag:$0x5], $0x80, s29, s12, $0xb8;
	v63 =	vld [tilespmem:$0x0]  }
0x2bb: {  	_ =	swait.ge [sflag:s18], $0x2800  }
0x2bc: {  	[sflag:s18] =	ssyncset.done $0x0  }
0x2bd: {  	[sflag:s18] =	ssyncadd.s32 $0xFFFFD800  }
0x2be: {  	[spmem:s2] =	stream.indirect.scatter.add.f32 [tilespmem:s14], [sflag:$0x6], $0x80, s30, s12, $0xb8;
	v63 =	vld [tilespmem:$0x0]  }
0x2bf: {  	_ =	swait.ge [sflag:s19], $0x2800  }
0x2c0: {  	[sflag:s19] =	ssyncset.done $0x0  }
0x2c1: {  	[sflag:s19] =	ssyncadd.s32 $0xFFFFD800  }
0x2c2: {  	[spmem:s2] =	stream.indirect.scatter.add.f32 [tilespmem:s15], [sflag:$0x7], $0x80, s31, s12, $0xb8;
	v63 =	vld [tilespmem:$0x0]  }
0x2c3: {  	_ =	swait.ge [sflag:s20], $0x2800  }
0x2c4: {  	[sflag:s20] =	ssyncset.done $0x0  }
0x2c5: {  	[sflag:s20] =	ssyncadd.s32 $0xFFFFD800  }
0x2c6: {  	[spmem:s2] =	stream.indirect.scatter.add.f32 [tilespmem:s16], [sflag:$0x8], $0x80, s1, s12, $0xb8;
	v63 =	vld [tilespmem:$0x0]  }
0x2c7: {  	_ =	swait.ge [sflag:s21], $0x2800  }
0x2c8: {  	[sflag:s21] =	ssyncset.done $0x0  }
0x2c9: {  	[sflag:s21] =	ssyncadd.s32 $0xFFFFD800  }
0x2ca: {  	[tilespmem:s13], [sflag:$0x1] =	stream.indirect.gather [hbm4b:s4+s12], $0x80, s0, s12, $0xb8;
	v63 =	vld [tilespmem:$0x0]  }
0x2cb: {  	_ =	swait.ge [sflag:s17], $0x2800  }
0x2cc: {  	[sflag:s17] =	ssyncset.done $0x0  }
0x2cd: {  	[sflag:s17] =	ssyncadd.s32 $0xFFFFD800  }
0x2ce: {  	[spmem:s2] =	stream.indirect.scatter.add.f32 [tilespmem:s13], [sflag:$0x5], $0x80, s5, s12, $0xb8;
	v63 =	vld [tilespmem:$0x0]  }
0x2cf: {  	_ =	swait.ge [sflag:s21], $0x2800  }
0x2d0: {  	[sflag:s21] =	ssyncset.done $0x0  }
0x2d1: {  	[sflag:s21] =	ssyncadd.s32 $0xFFFFD800  }
0x2d2: {  	_ =	swait.ge [sflag:s22], $0x2800  }
0x2d3: {  	[sflag:s22] =	ssyncset.done $0x0  }
0x2d4: {  	[sflag:s22] =	ssyncadd.s32 $0xFFFFD800  }
0x2d5: {  	_ =	swait.ge [sflag:s23], $0x2800  }
0x2d6: {  	[sflag:s23] =	ssyncset.done $0x0  }
0x2d7: {  	[sflag:s23] =	ssyncadd.s32 $0xFFFFD800  }
0x2d8: {  	_ =	swait.ge [sflag:s24], $0x2800  }
0x2d9: {  	[sflag:s24] =	ssyncset.done $0x0  }
0x2da: {  	[sflag:s24] =	ssyncadd.s32 $0xFFFFD800  }
0x2db: {  	[bflag:$0x0] =	sbarrier.arrive $0xFFFF  }
0x2dc: {  	s7 =	sld [smem:$0x7FC]  }
0x2dd: {  	s9 =	sld [smem:$0x7EE]  }
0x2de: {  	s8 =	sld [smem:$0x7FD];
	_ =	sdelay $0x2  }
0x2df: {  	[hbm:s9], [sflag:s7] =	dma.local [spmem:s8], $0x2800  }
0x2e0: {  	_ =	swait.ge [sflag:s10], $0x2800  }
0x2e1: {  	s6 =	sld [smem:$0x7EC];
	_ =	sdelay $0x2  }
0x2e2: {  	s9 =	sadd.s32 $0x1, s6;
	s6 =	sld [smem:$0x7EF];
	_ =	sdelay $0x2  }
0x2e3: {  	p0 =	sne.s32 s9, s6  }
.Ltmp1:
0x2e4: {  	_ = 	snop;
	(pc) =	sbr.rel @p0 .LBB2_1-.Ltmp1, $3  }
0x2e5: {  	_ =	sdelay $0x1  }
0x2e6: {  	[sflag:s10] =	ssyncset.done $0x0  }
0x2e7: {  	[sflag:s10] =	ssyncadd.s32 $0xFFFFD800  }
0x2e8: {  	_ =	sfence.sel $0x180000  }
0x2e9: {  	[bflag:$0x0] =	sbarrier.arrive $0xFFFF  }
0x2ea: {  	_ =	strace $0x90000050  }
0x2eb: {  	s0 =	stileid.u32;
	[bflag:$0x2] =	sbarrier.arrive $0xFFFF  }
0x2ec: {  	p0 =	sne.s32 s0, $0x0;
	s0 =	rddreg [dreg:$0x2]  }
0x2ed: {  	s0 =	sadd.s32 @!p0 $0x100000, s0  }
0x2ee: {  	[sflag:s0] =	ssyncadd.tile.s32 @!p0 $0x1;
	_ =	shalt  }
.Lfunc_end2:
_tile_overlayer_lowered:
.L_overlay_start_2:
0x2ef: {  	(tag) =	ssettag $0x2  }
0x2f0: {  	s0 =	rddreg [dreg:$0x0];
	s2 =	stileid.u32  }
0x2f1: {  	s1 =	rddreg [dreg:$0x1];
	p0 =	sne.s32 s2, $0x0  }
0x2f2: {  	s3 =	rddreg [dreg:$0x2];
	[bflag:$0x3] =	sbarrier.arrive $0xFFFF;
	s2 =	simm.s32 @!p0 $0x1C09  }
0x2f3: {  	[timem:s3], [sflag:s2] =	dma.local @!p0 [hbm:s0], s1  }
0x2f4: {  	s0 =	simm.s32 @!p0 $0x9  }
0x2f5: {  	_ =	swait.ge @!p0 [sflag:s0], s1  }
0x2f6: {  	s1 =	ssub.s32 @!p0 $0x0, s1;
	[sflag:s0] =	ssyncset.done @!p0 $0x0  }
0x2f7: {  	[sflag:s0] =	ssyncadd.s32 @!p0 s1  }
0x2f8: {  	[bflag:$0x3] =	sbarrier.arrive $0xFFFF  }
0x2f9: {  	_ =	shalt  }

</sc_bundles>
